<compile_context>
chip_gen: v7x
topology: tpu7x:2x2x1
jax: 0.10.2.dev20260603
libtpu: 0.0.44.dev20260713+nightly
codegen_flags: <defaults>
</compile_context>

<pallas_src>
import functools

import jax
import jax.numpy as jnp
from jax import lax
from jax.experimental import pallas as pl
from jax.experimental.pallas import tpu as pltpu
from jax.experimental.pallas import tpu_sc as plsc

N_ROWS = 1000000
EMBED_DIM = 64
BATCH = 16384
NUM_CORES = 2
NUM_SUBCORES = 16
NUM_WORKERS = NUM_CORES * NUM_SUBCORES
B_PER_W = BATCH // NUM_WORKERS
LANE = 16
CHUNK = 128
N_CHUNKS = B_PER_W // CHUNK
FIRE = 16
RING = 10


@functools.partial(
    pl.kernel,
    out_type=jax.ShapeDtypeStruct((BATCH, EMBED_DIM), jnp.float32),
    mesh=plsc.VectorSubcoreMesh(core_axis_name="c", subcore_axis_name="s"),
    compiler_params=pltpu.CompilerParams(needs_layout_passes=False),
    scratch_types=[
        pltpu.VMEM((N_CHUNKS, CHUNK), jnp.int32),
        pltpu.VMEM((EMBED_DIM, CHUNK), jnp.float32),
        pltpu.VMEM((EMBED_DIM, CHUNK), jnp.float32),
        pltpu.VMEM((EMBED_DIM, CHUNK), jnp.float32),
        pltpu.VMEM((EMBED_DIM, CHUNK), jnp.float32),
        pltpu.VMEM((EMBED_DIM, CHUNK), jnp.float32),
        pltpu.VMEM((EMBED_DIM, CHUNK), jnp.float32),
        pltpu.VMEM((EMBED_DIM, CHUNK), jnp.float32),
        pltpu.VMEM((EMBED_DIM, CHUNK), jnp.float32),
        pltpu.VMEM((EMBED_DIM, CHUNK), jnp.float32),
        pltpu.VMEM((EMBED_DIM, CHUNK), jnp.float32),
        pltpu.VMEM((CHUNK, EMBED_DIM), jnp.float32),
        pltpu.SemaphoreType.DMA,
        pltpu.SemaphoreType.DMA,
    ],
)
def _sc_gather(idx_hbm, table_t_hbm, out_hbm, idx_v, col0, col1, col2, col3,
               col4, col5, col6, col7, col8, col9, rows_v, sem_i, sem):
    cols = (col0, col1, col2, col3, col4, col5, col6, col7, col8, col9)
    wid = lax.axis_index("s") * NUM_CORES + lax.axis_index("c")
    base = wid * B_PER_W

    pltpu.async_copy(idx_hbm.at[wid], idx_v, sem_i).wait()

    def fire(jv, i, sem):
        j = jv[i]
        col = pl.multiple_of((j >> 7) * CHUNK, CHUNK)
        return pltpu.async_copy(
            table_t_hbm.at[:, pl.ds(col, CHUNK)], cols[i % RING], sem
        )

    def body(step, c):
        p = step * FIRE
        jv = idx_v[c, pl.ds(p, FIRE)]
        cps = [fire(jv, i, sem) for i in range(RING)]
        for i in range(FIRE):
            cps[i].wait()
            j = jv[i]
            jl = jnp.full((LANE,), j & 127, jnp.int32)
            for k in range(EMBED_DIM // LANE):
                ev = lax.iota(jnp.int32, LANE) + (k * LANE)
                rows_v[p + i, pl.ds(k * LANE, LANE)] = plsc.load_gather(
                    cols[i % RING], [ev, jl]
                )
            if i + RING < FIRE:
                cps.append(fire(jv, i + RING, sem))
    for c in range(N_CHUNKS):
        pl.loop(0, CHUNK // FIRE)(functools.partial(body, c=c))
        pltpu.async_copy(
            rows_v, out_hbm.at[pl.ds(base + c * CHUNK, CHUNK)], sem_i
        ).wait()


def kernel(action_idx, embedding_weight):
    idx = action_idx.astype(jnp.int32).reshape(NUM_WORKERS, N_CHUNKS, CHUNK)
    return _sc_gather(idx, embedding_weight.T)

# --- scband reference (transcript-rebuilt; emitter-appended) ---
"""Pipeline reference for scband-action-encoder-21217138442502 (READ-ONLY COPY).

The authoritative reference and input builder live on the scoring server;
editing this copy changes nothing except your own understanding.
"""

import jax, jax.numpy as jnp
import numpy as np

N_ACTIONS = 1000000
EMBED_DIM = 64
BATCH = 16384

def setup_inputs(seed: int = 0) -> dict:
    key = jax.random.key(seed)
    k_idx, k_tab = jax.random.split(key)
    action_idx = jax.random.randint(k_idx, (BATCH,), 0, N_ACTIONS, dtype=jnp.int64 if jax.config.jax_enable_x64 else jnp.int32)
    # nn.Embedding default init: N(0, 1)
    embedding_weight = jax.random.normal(k_tab, (N_ACTIONS, EMBED_DIM), dtype=jnp.float32)
    return {"action_idx": action_idx, "embedding_weight": embedding_weight}

def reference(action_idx, embedding_weight):
    # ActionEncoder.forward: self.embedding(action_idx)
    return jnp.take(embedding_weight, action_idx, axis=0)

if __name__ == "__main__":
    import jax
    _d = setup_inputs()
    print(jax.jit(kernel)(*tuple(_d.values())))

</pallas_src>

<mosaic_0001>
#map = affine_map<(d0, d1) -> (0, 0, 0)>
#map1 = affine_map<(d0, d1) -> (0, 0)>
module attributes {stable_mosaic.version = 14 : i64} {
  func.func @_sc_gather(%arg0: i32, %arg1: i32, %arg2: memref<32x4x128xi32, #tpu.memory_space<hbm>>, %arg3: memref<64x1000000xf32, #tpu.memory_space<hbm>>, %arg4: memref<16384x64xf32, #tpu.memory_space<hbm>>, %arg5: memref<4x128xi32, #tpu.memory_space<vmem>>, %arg6: memref<64x128xf32, #tpu.memory_space<vmem>>, %arg7: memref<64x128xf32, #tpu.memory_space<vmem>>, %arg8: memref<64x128xf32, #tpu.memory_space<vmem>>, %arg9: memref<64x128xf32, #tpu.memory_space<vmem>>, %arg10: memref<64x128xf32, #tpu.memory_space<vmem>>, %arg11: memref<64x128xf32, #tpu.memory_space<vmem>>, %arg12: memref<64x128xf32, #tpu.memory_space<vmem>>, %arg13: memref<64x128xf32, #tpu.memory_space<vmem>>, %arg14: memref<64x128xf32, #tpu.memory_space<vmem>>, %arg15: memref<64x128xf32, #tpu.memory_space<vmem>>, %arg16: memref<128x64xf32, #tpu.memory_space<vmem>>, %arg17: memref<!tpu.dma_semaphore, #tpu.memory_space<semaphore_mem>>, %arg18: memref<!tpu.dma_semaphore, #tpu.memory_space<semaphore_mem>>) attributes {dimension_semantics = [#tpu.dimension_semantics<core_parallel>, #tpu.dimension_semantics<subcore_parallel>], iteration_bounds = array<i64: 2, 16>, scalar_prefetch = 0 : i64, scratch_operands = 14 : i64, tpu.core_type = #tpu.core_type<sc_vector_subcore>, window_params = [{transform_indices = #map}, {transform_indices = #map1}, {transform_indices = #map1}]} {
    %mul3A = arith.constant 2 : i32
    %mul3A_0 = arith.muli %arg1, %mul3A : i32
    %add3A = arith.addi %mul3A_0, %arg0 : i32
    %mul3A_1 = arith.constant 512 : i32
    %mul3A_2 = arith.muli %add3A, %mul3A_1 : i32
    %dma_start3A = arith.constant 0 : i32
    %dma_start3A_3 = arith.constant 0 : i32
    %dma_start3A_4 = tpu.memref_slice %arg2[%add3A, %dma_start3A, %dma_start3A_3] : memref<32x4x128xi32, #tpu.memory_space<hbm>> -> memref<1x4x128xi32, #tpu.memory_space<hbm>>
    %dma_start3A_5 = tpu.memref_squeeze %dma_start3A_4 : memref<1x4x128xi32, #tpu.memory_space<hbm>> -> memref<4x128xi32, #tpu.memory_space<hbm>>
    %dma_start3A_6 = arith.constant 0 : i32
    %dma_start3A_7 = arith.constant 0 : i32
    %dma_start3A_8 = tpu.memref_slice %arg2[%add3A, %dma_start3A_6, %dma_start3A_7] : memref<32x4x128xi32, #tpu.memory_space<hbm>> -> memref<1x4x128xi32, #tpu.memory_space<hbm>>
    %dma_start3A_9 = tpu.memref_squeeze %dma_start3A_8 : memref<1x4x128xi32, #tpu.memory_space<hbm>> -> memref<4x128xi32, #tpu.memory_space<hbm>>
    tpu.enqueue_dma source(%dma_start3A_9 : memref<4x128xi32, #tpu.memory_space<hbm>>) target(%arg5 : memref<4x128xi32, #tpu.memory_space<vmem>>) target_semaphore(%arg17 : memref<!tpu.dma_semaphore, #tpu.memory_space<semaphore_mem>>)
    %dma_wait3A = arith.constant 0 : i32
    %dma_wait3A_10 = arith.constant 0 : i32
    %dma_wait3A_11 = tpu.memref_slice %arg2[%add3A, %dma_wait3A, %dma_wait3A_10] : memref<32x4x128xi32, #tpu.memory_space<hbm>> -> memref<1x4x128xi32, #tpu.memory_space<hbm>>
    %dma_wait3A_12 = tpu.memref_squeeze %dma_wait3A_11 : memref<1x4x128xi32, #tpu.memory_space<hbm>> -> memref<4x128xi32, #tpu.memory_space<hbm>>
    %dma_wait3A_13 = arith.constant 0 : i32
    %dma_wait3A_14 = arith.constant 0 : i32
    %dma_wait3A_15 = tpu.memref_slice %arg2[%add3A, %dma_wait3A_13, %dma_wait3A_14] : memref<32x4x128xi32, #tpu.memory_space<hbm>> -> memref<1x4x128xi32, #tpu.memory_space<hbm>>
    %dma_wait3A_16 = tpu.memref_squeeze %dma_wait3A_15 : memref<1x4x128xi32, #tpu.memory_space<hbm>> -> memref<4x128xi32, #tpu.memory_space<hbm>>
    tpu.wait_dma2 semaphore(%arg17 : memref<!tpu.dma_semaphore, #tpu.memory_space<semaphore_mem>>) src(%dma_wait3A_16 : memref<4x128xi32, #tpu.memory_space<hbm>>) dst(%arg5 : memref<4x128xi32, #tpu.memory_space<vmem>>)
    %scan3A = arith.constant 0 : i32
    %scan3A_17 = arith.constant 8 : i32
    %scan3A_18 = arith.addi %scan3A, %scan3A_17 : i32
    %scan3A_19 = arith.constant 1 : i32
    scf.for %scan3A_76 = %scan3A to %scan3A_18 step %scan3A_19  : i32 {
      %mul3A_77 = arith.constant 1 : i32
      %mul3A_78 = arith.muli %scan3A_76, %mul3A_77 : i32
      %add3A_79 = arith.constant 0 : i32
      %add3A_80 = arith.addi %add3A_79, %mul3A_78 : i32
      %mul3A_81 = arith.constant 16 : i32
      %mul3A_82 = arith.muli %add3A_80, %mul3A_81 : i32
      %get3A = arith.constant 0 : i32
      %get3A_83 = arith.index_cast %get3A : i32 to index
      %get3A_84 = arith.index_cast %mul3A_82 : i32 to index
      %get3A_85 = tpu.vector_load %arg5[%get3A_83, %get3A_84] {strides = array<i32>} : memref<4x128xi32, #tpu.memory_space<vmem>>, vector<16xi32>,
      %slice3A = vector.extract_strided_slice %get3A_85 {offsets = [0], sizes = [1], strides = [1]} : vector<16xi32> to vector<1xi32>
      %squeeze3A = vector.extract %slice3A[0] : i32 from vector<1xi32>
      %shift_right_arithmetic3A = arith.constant 7 : i32
      %shift_right_arithmetic3A_86 = arith.shrsi %squeeze3A, %shift_right_arithmetic3A : i32
      %mul3A_87 = arith.constant 128 : i32
      %mul3A_88 = arith.muli %shift_right_arithmetic3A_86, %mul3A_87 : i32
      %multiple_of3A = tpu.assume_multiple %mul3A_88, 128 : i32
      %dma_start3A_89 = arith.constant 0 : i32
      %dma_start3A_90 = tpu.memref_slice %arg3[%dma_start3A_89, %multiple_of3A] : memref<64x1000000xf32, #tpu.memory_space<hbm>> -> memref<64x128xf32, #tpu.memory_space<hbm>>
      %dma_start3A_91 = arith.constant 0 : i32
      %dma_start3A_92 = tpu.memref_slice %arg3[%dma_start3A_91, %multiple_of3A] : memref<64x1000000xf32, #tpu.memory_space<hbm>> -> memref<64x128xf32, #tpu.memory_space<hbm>>
      tpu.enqueue_dma source(%dma_start3A_92 : memref<64x128xf32, #tpu.memory_space<hbm>>) target(%arg6 : memref<64x128xf32, #tpu.memory_space<vmem>>) target_semaphore(%arg18 : memref<!tpu.dma_semaphore, #tpu.memory_space<semaphore_mem>>)
      %slice3A_93 = vector.extract_strided_slice %get3A_85 {offsets = [1], sizes = [1], strides = [1]} : vector<16xi32> to vector<1xi32>
      %squeeze3A_94 = vector.extract %slice3A_93[0] : i32 from vector<1xi32>
      %shift_right_arithmetic3A_95 = arith.constant 7 : i32
      %shift_right_arithmetic3A_96 = arith.shrsi %squeeze3A_94, %shift_right_arithmetic3A_95 : i32
      %mul3A_97 = arith.constant 128 : i32
      %mul3A_98 = arith.muli %shift_right_arithmetic3A_96, %mul3A_97 : i32
      %multiple_of3A_99 = tpu.assume_multiple %mul3A_98, 128 : i32
      %dma_start3A_100 = arith.constant 0 : i32
      %dma_start3A_101 = tpu.memref_slice %arg3[%dma_start3A_100, %multiple_of3A_99] : memref<64x1000000xf32, #tpu.memory_space<hbm>> -> memref<64x128xf32, #tpu.memory_space<hbm>>
      %dma_start3A_102 = arith.constant 0 : i32
      %dma_start3A_103 = tpu.memref_slice %arg3[%dma_start3A_102, %multiple_of3A_99] : memref<64x1000000xf32, #tpu.memory_space<hbm>> -> memref<64x128xf32, #tpu.memory_space<hbm>>
      tpu.enqueue_dma source(%dma_start3A_103 : memref<64x128xf32, #tpu.memory_space<hbm>>) target(%arg7 : memref<64x128xf32, #tpu.memory_space<vmem>>) target_semaphore(%arg18 : memref<!tpu.dma_semaphore, #tpu.memory_space<semaphore_mem>>)
      %slice3A_104 = vector.extract_strided_slice %get3A_85 {offsets = [2], sizes = [1], strides = [1]} : vector<16xi32> to vector<1xi32>
      %squeeze3A_105 = vector.extract %slice3A_104[0] : i32 from vector<1xi32>
      %shift_right_arithmetic3A_106 = arith.constant 7 : i32
      %shift_right_arithmetic3A_107 = arith.shrsi %squeeze3A_105, %shift_right_arithmetic3A_106 : i32
      %mul3A_108 = arith.constant 128 : i32
      %mul3A_109 = arith.muli %shift_right_arithmetic3A_107, %mul3A_108 : i32
      %multiple_of3A_110 = tpu.assume_multiple %mul3A_109, 128 : i32
      %dma_start3A_111 = arith.constant 0 : i32
      %dma_start3A_112 = tpu.memref_slice %arg3[%dma_start3A_111, %multiple_of3A_110] : memref<64x1000000xf32, #tpu.memory_space<hbm>> -> memref<64x128xf32, #tpu.memory_space<hbm>>
      %dma_start3A_113 = arith.constant 0 : i32
      %dma_start3A_114 = tpu.memref_slice %arg3[%dma_start3A_113, %multiple_of3A_110] : memref<64x1000000xf32, #tpu.memory_space<hbm>> -> memref<64x128xf32, #tpu.memory_space<hbm>>
      tpu.enqueue_dma source(%dma_start3A_114 : memref<64x128xf32, #tpu.memory_space<hbm>>) target(%arg8 : memref<64x128xf32, #tpu.memory_space<vmem>>) target_semaphore(%arg18 : memref<!tpu.dma_semaphore, #tpu.memory_space<semaphore_mem>>)
      %slice3A_115 = vector.extract_strided_slice %get3A_85 {offsets = [3], sizes = [1], strides = [1]} : vector<16xi32> to vector<1xi32>
      %squeeze3A_116 = vector.extract %slice3A_115[0] : i32 from vector<1xi32>
      %shift_right_arithmetic3A_117 = arith.constant 7 : i32
      %shift_right_arithmetic3A_118 = arith.shrsi %squeeze3A_116, %shift_right_arithmetic3A_117 : i32
      %mul3A_119 = arith.constant 128 : i32
      %mul3A_120 = arith.muli %shift_right_arithmetic3A_118, %mul3A_119 : i32
      %multiple_of3A_121 = tpu.assume_multiple %mul3A_120, 128 : i32
      %dma_start3A_122 = arith.constant 0 : i32
      %dma_start3A_123 = tpu.memref_slice %arg3[%dma_start3A_122, %multiple_of3A_121] : memref<64x1000000xf32, #tpu.memory_space<hbm>> -> memref<64x128xf32, #tpu.memory_space<hbm>>
      %dma_start3A_124 = arith.constant 0 : i32
      %dma_start3A_125 = tpu.memref_slice %arg3[%dma_start3A_124, %multiple_of3A_121] : memref<64x1000000xf32, #tpu.memory_space<hbm>> -> memref<64x128xf32, #tpu.memory_space<hbm>>
      tpu.enqueue_dma source(%dma_start3A_125 : memref<64x128xf32, #tpu.memory_space<hbm>>) target(%arg9 : memref<64x128xf32, #tpu.memory_space<vmem>>) target_semaphore(%arg18 : memref<!tpu.dma_semaphore, #tpu.memory_space<semaphore_mem>>)
      %slice3A_126 = vector.extract_strided_slice %get3A_85 {offsets = [4], sizes = [1], strides = [1]} : vector<16xi32> to vector<1xi32>
      %squeeze3A_127 = vector.extract %slice3A_126[0] : i32 from vector<1xi32>
      %shift_right_arithmetic3A_128 = arith.constant 7 : i32
      %shift_right_arithmetic3A_129 = arith.shrsi %squeeze3A_127, %shift_right_arithmetic3A_128 : i32
      %mul3A_130 = arith.constant 128 : i32
      %mul3A_131 = arith.muli %shift_right_arithmetic3A_129, %mul3A_130 : i32
      %multiple_of3A_132 = tpu.assume_multiple %mul3A_131, 128 : i32
      %dma_start3A_133 = arith.constant 0 : i32
      %dma_start3A_134 = tpu.memref_slice %arg3[%dma_start3A_133, %multiple_of3A_132] : memref<64x1000000xf32, #tpu.memory_space<hbm>> -> memref<64x128xf32, #tpu.memory_space<hbm>>
      %dma_start3A_135 = arith.constant 0 : i32
      %dma_start3A_136 = tpu.memref_slice %arg3[%dma_start3A_135, %multiple_of3A_132] : memref<64x1000000xf32, #tpu.memory_space<hbm>> -> memref<64x128xf32, #tpu.memory_space<hbm>>
      tpu.enqueue_dma source(%dma_start3A_136 : memref<64x128xf32, #tpu.memory_space<hbm>>) target(%arg10 : memref<64x128xf32, #tpu.memory_space<vmem>>) target_semaphore(%arg18 : memref<!tpu.dma_semaphore, #tpu.memory_space<semaphore_mem>>)
      %slice3A_137 = vector.extract_strided_slice %get3A_85 {offsets = [5], sizes = [1], strides = [1]} : vector<16xi32> to vector<1xi32>
      %squeeze3A_138 = vector.extract %slice3A_137[0] : i32 from vector<1xi32>
      %shift_right_arithmetic3A_139 = arith.constant 7 : i32
      %shift_right_arithmetic3A_140 = arith.shrsi %squeeze3A_138, %shift_right_arithmetic3A_139 : i32
      %mul3A_141 = arith.constant 128 : i32
      %mul3A_142 = arith.muli %shift_right_arithmetic3A_140, %mul3A_141 : i32
      %multiple_of3A_143 = tpu.assume_multiple %mul3A_142, 128 : i32
      %dma_start3A_144 = arith.constant 0 : i32
      %dma_start3A_145 = tpu.memref_slice %arg3[%dma_start3A_144, %multiple_of3A_143] : memref<64x1000000xf32, #tpu.memory_space<hbm>> -> memref<64x128xf32, #tpu.memory_space<hbm>>
      %dma_start3A_146 = arith.constant 0 : i32
      %dma_start3A_147 = tpu.memref_slice %arg3[%dma_start3A_146, %multiple_of3A_143] : memref<64x1000000xf32, #tpu.memory_space<hbm>> -> memref<64x128xf32, #tpu.memory_space<hbm>>
      tpu.enqueue_dma source(%dma_start3A_147 : memref<64x128xf32, #tpu.memory_space<hbm>>) target(%arg11 : memref<64x128xf32, #tpu.memory_space<vmem>>) target_semaphore(%arg18 : memref<!tpu.dma_semaphore, #tpu.memory_space<semaphore_mem>>)
      %slice3A_148 = vector.extract_strided_slice %get3A_85 {offsets = [6], sizes = [1], strides = [1]} : vector<16xi32> to vector<1xi32>
      %squeeze3A_149 = vector.extract %slice3A_148[0] : i32 from vector<1xi32>
      %shift_right_arithmetic3A_150 = arith.constant 7 : i32
      %shift_right_arithmetic3A_151 = arith.shrsi %squeeze3A_149, %shift_right_arithmetic3A_150 : i32
      %mul3A_152 = arith.constant 128 : i32
      %mul3A_153 = arith.muli %shift_right_arithmetic3A_151, %mul3A_152 : i32
      %multiple_of3A_154 = tpu.assume_multiple %mul3A_153, 128 : i32
      %dma_start3A_155 = arith.constant 0 : i32
      %dma_start3A_156 = tpu.memref_slice %arg3[%dma_start3A_155, %multiple_of3A_154] : memref<64x1000000xf32, #tpu.memory_space<hbm>> -> memref<64x128xf32, #tpu.memory_space<hbm>>
      %dma_start3A_157 = arith.constant 0 : i32
      %dma_start3A_158 = tpu.memref_slice %arg3[%dma_start3A_157, %multiple_of3A_154] : memref<64x1000000xf32, #tpu.memory_space<hbm>> -> memref<64x128xf32, #tpu.memory_space<hbm>>
      tpu.enqueue_dma source(%dma_start3A_158 : memref<64x128xf32, #tpu.memory_space<hbm>>) target(%arg12 : memref<64x128xf32, #tpu.memory_space<vmem>>) target_semaphore(%arg18 : memref<!tpu.dma_semaphore, #tpu.memory_space<semaphore_mem>>)
      %slice3A_159 = vector.extract_strided_slice %get3A_85 {offsets = [7], sizes = [1], strides = [1]} : vector<16xi32> to vector<1xi32>
      %squeeze3A_160 = vector.extract %slice3A_159[0] : i32 from vector<1xi32>
      %shift_right_arithmetic3A_161 = arith.constant 7 : i32
      %shift_right_arithmetic3A_162 = arith.shrsi %squeeze3A_160, %shift_right_arithmetic3A_161 : i32
      %mul3A_163 = arith.constant 128 : i32
      %mul3A_164 = arith.muli %shift_right_arithmetic3A_162, %mul3A_163 : i32
      %multiple_of3A_165 = tpu.assume_multiple %mul3A_164, 128 : i32
      %dma_start3A_166 = arith.constant 0 : i32
      %dma_start3A_167 = tpu.memref_slice %arg3[%dma_start3A_166, %multiple_of3A_165] : memref<64x1000000xf32, #tpu.memory_space<hbm>> -> memref<64x128xf32, #tpu.memory_space<hbm>>
      %dma_start3A_168 = arith.constant 0 : i32
      %dma_start3A_169 = tpu.memref_slice %arg3[%dma_start3A_168, %multiple_of3A_165] : memref<64x1000000xf32, #tpu.memory_space<hbm>> -> memref<64x128xf32, #tpu.memory_space<hbm>>
      tpu.enqueue_dma source(%dma_start3A_169 : memref<64x128xf32, #tpu.memory_space<hbm>>) target(%arg13 : memref<64x128xf32, #tpu.memory_space<vmem>>) target_semaphore(%arg18 : memref<!tpu.dma_semaphore, #tpu.memory_space<semaphore_mem>>)
      %slice3A_170 = vector.extract_strided_slice %get3A_85 {offsets = [8], sizes = [1], strides = [1]} : vector<16xi32> to vector<1xi32>
      %squeeze3A_171 = vector.extract %slice3A_170[0] : i32 from vector<1xi32>
      %shift_right_arithmetic3A_172 = arith.constant 7 : i32
      %shift_right_arithmetic3A_173 = arith.shrsi %squeeze3A_171, %shift_right_arithmetic3A_172 : i32
      %mul3A_174 = arith.constant 128 : i32
      %mul3A_175 = arith.muli %shift_right_arithmetic3A_173, %mul3A_174 : i32
      %multiple_of3A_176 = tpu.assume_multiple %mul3A_175, 128 : i32
      %dma_start3A_177 = arith.constant 0 : i32
      %dma_start3A_178 = tpu.memref_slice %arg3[%dma_start3A_177, %multiple_of3A_176] : memref<64x1000000xf32, #tpu.memory_space<hbm>> -> memref<64x128xf32, #tpu.memory_space<hbm>>
      %dma_start3A_179 = arith.constant 0 : i32
      %dma_start3A_180 = tpu.memref_slice %arg3[%dma_start3A_179, %multiple_of3A_176] : memref<64x1000000xf32, #tpu.memory_space<hbm>> -> memref<64x128xf32, #tpu.memory_space<hbm>>
      tpu.enqueue_dma source(%dma_start3A_180 : memref<64x128xf32, #tpu.memory_space<hbm>>) target(%arg14 : memref<64x128xf32, #tpu.memory_space<vmem>>) target_semaphore(%arg18 : memref<!tpu.dma_semaphore, #tpu.memory_space<semaphore_mem>>)
      %slice3A_181 = vector.extract_strided_slice %get3A_85 {offsets = [9], sizes = [1], strides = [1]} : vector<16xi32> to vector<1xi32>
      %squeeze3A_182 = vector.extract %slice3A_181[0] : i32 from vector<1xi32>
      %shift_right_arithmetic3A_183 = arith.constant 7 : i32
      %shift_right_arithmetic3A_184 = arith.shrsi %squeeze3A_182, %shift_right_arithmetic3A_183 : i32
      %mul3A_185 = arith.constant 128 : i32
      %mul3A_186 = arith.muli %shift_right_arithmetic3A_184, %mul3A_185 : i32
      %multiple_of3A_187 = tpu.assume_multiple %mul3A_186, 128 : i32
      %dma_start3A_188 = arith.constant 0 : i32
      %dma_start3A_189 = tpu.memref_slice %arg3[%dma_start3A_188, %multiple_of3A_187] : memref<64x1000000xf32, #tpu.memory_space<hbm>> -> memref<64x128xf32, #tpu.memory_space<hbm>>
      %dma_start3A_190 = arith.constant 0 : i32
      %dma_start3A_191 = tpu.memref_slice %arg3[%dma_start3A_190, %multiple_of3A_187] : memref<64x1000000xf32, #tpu.memory_space<hbm>> -> memref<64x128xf32, #tpu.memory_space<hbm>>
      tpu.enqueue_dma source(%dma_start3A_191 : memref<64x128xf32, #tpu.memory_space<hbm>>) target(%arg15 : memref<64x128xf32, #tpu.memory_space<vmem>>) target_semaphore(%arg18 : memref<!tpu.dma_semaphore, #tpu.memory_space<semaphore_mem>>)
      %dma_wait3A_192 = arith.constant 0 : i32
      %dma_wait3A_193 = tpu.memref_slice %arg3[%dma_wait3A_192, %multiple_of3A] : memref<64x1000000xf32, #tpu.memory_space<hbm>> -> memref<64x128xf32, #tpu.memory_space<hbm>>
      %dma_wait3A_194 = arith.constant 0 : i32
      %dma_wait3A_195 = tpu.memref_slice %arg3[%dma_wait3A_194, %multiple_of3A] : memref<64x1000000xf32, #tpu.memory_space<hbm>> -> memref<64x128xf32, #tpu.memory_space<hbm>>
      tpu.wait_dma2 semaphore(%arg18 : memref<!tpu.dma_semaphore, #tpu.memory_space<semaphore_mem>>) src(%dma_wait3A_195 : memref<64x128xf32, #tpu.memory_space<hbm>>) dst(%arg6 : memref<64x128xf32, #tpu.memory_space<vmem>>)
      %slice3A_196 = vector.extract_strided_slice %get3A_85 {offsets = [0], sizes = [1], strides = [1]} : vector<16xi32> to vector<1xi32>
      %squeeze3A_197 = vector.extract %slice3A_196[0] : i32 from vector<1xi32>
      %and3A = arith.constant 127 : i32
      %and3A_198 = arith.andi %squeeze3A_197, %and3A : i32
      %broadcast_in_dim3A = vector.broadcast %and3A_198 : i32 to vector<16xi32>
      %iota3A = tpu.iota {dimensions = array<i32: 0>} : vector<16xi32>
      %add3A_199 = arith.constant 0 : i32
      %add3A_200 = vector.broadcast %add3A_199 : i32 to vector<16xi32>
      %add3A_201 = arith.addi %iota3A, %add3A_200 : vector<16xi32>
      %gather3A = tpu.vector_load_idx %arg6[%add3A_201, %broadcast_in_dim3A] : memref<64x128xf32, #tpu.memory_space<vmem>>[vector<16xi32>, vector<16xi32>], vector<16xf32>,
      %add3A_202 = arith.constant 0 : i32
      %add3A_203 = arith.addi %mul3A_82, %add3A_202 : i32
      %swap3A = arith.index_cast %add3A_203 : i32 to index
      %swap3A_204 = arith.constant 0 : index
      %swap3A_205 = tpu.vector_load %arg16[%swap3A, %swap3A_204] {strides = array<i32>} : memref<128x64xf32, #tpu.memory_space<vmem>>, vector<16xf32>,
      tpu.vector_store %arg16[%swap3A, %swap3A_204], %gather3A {strides = array<i32>} : memref<128x64xf32, #tpu.memory_space<vmem>>, vector<16xf32>,
      %iota3A_206 = tpu.iota {dimensions = array<i32: 0>} : vector<16xi32>
      %add3A_207 = arith.constant 16 : i32
      %add3A_208 = vector.broadcast %add3A_207 : i32 to vector<16xi32>
      %add3A_209 = arith.addi %iota3A_206, %add3A_208 : vector<16xi32>
      %gather3A_210 = tpu.vector_load_idx %arg6[%add3A_209, %broadcast_in_dim3A] : memref<64x128xf32, #tpu.memory_space<vmem>>[vector<16xi32>, vector<16xi32>], vector<16xf32>,
      %add3A_211 = arith.constant 0 : i32
      %add3A_212 = arith.addi %mul3A_82, %add3A_211 : i32
      %swap3A_213 = arith.index_cast %add3A_212 : i32 to index
      %swap3A_214 = arith.constant 16 : index
      %swap3A_215 = tpu.vector_load %arg16[%swap3A_213, %swap3A_214] {strides = array<i32>} : memref<128x64xf32, #tpu.memory_space<vmem>>, vector<16xf32>,
      tpu.vector_store %arg16[%swap3A_213, %swap3A_214], %gather3A_210 {strides = array<i32>} : memref<128x64xf32, #tpu.memory_space<vmem>>, vector<16xf32>,
      %iota3A_216 = tpu.iota {dimensions = array<i32: 0>} : vector<16xi32>
      %add3A_217 = arith.constant 32 : i32
      %add3A_218 = vector.broadcast %add3A_217 : i32 to vector<16xi32>
      %add3A_219 = arith.addi %iota3A_216, %add3A_218 : vector<16xi32>
      %gather3A_220 = tpu.vector_load_idx %arg6[%add3A_219, %broadcast_in_dim3A] : memref<64x128xf32, #tpu.memory_space<vmem>>[vector<16xi32>, vector<16xi32>], vector<16xf32>,
      %add3A_221 = arith.constant 0 : i32
      %add3A_222 = arith.addi %mul3A_82, %add3A_221 : i32
      %swap3A_223 = arith.index_cast %add3A_222 : i32 to index
      %swap3A_224 = arith.constant 32 : index
      %swap3A_225 = tpu.vector_load %arg16[%swap3A_223, %swap3A_224] {strides = array<i32>} : memref<128x64xf32, #tpu.memory_space<vmem>>, vector<16xf32>,
      tpu.vector_store %arg16[%swap3A_223, %swap3A_224], %gather3A_220 {strides = array<i32>} : memref<128x64xf32, #tpu.memory_space<vmem>>, vector<16xf32>,
      %iota3A_226 = tpu.iota {dimensions = array<i32: 0>} : vector<16xi32>
      %add3A_227 = arith.constant 48 : i32
      %add3A_228 = vector.broadcast %add3A_227 : i32 to vector<16xi32>
      %add3A_229 = arith.addi %iota3A_226, %add3A_228 : vector<16xi32>
      %gather3A_230 = tpu.vector_load_idx %arg6[%add3A_229, %broadcast_in_dim3A] : memref<64x128xf32, #tpu.memory_space<vmem>>[vector<16xi32>, vector<16xi32>], vector<16xf32>,
      %add3A_231 = arith.constant 0 : i32
      %add3A_232 = arith.addi %mul3A_82, %add3A_231 : i32
      %swap3A_233 = arith.index_cast %add3A_232 : i32 to index
      %swap3A_234 = arith.constant 48 : index
      %swap3A_235 = tpu.vector_load %arg16[%swap3A_233, %swap3A_234] {strides = array<i32>} : memref<128x64xf32, #tpu.memory_space<vmem>>, vector<16xf32>,
      tpu.vector_store %arg16[%swap3A_233, %swap3A_234], %gather3A_230 {strides = array<i32>} : memref<128x64xf32, #tpu.memory_space<vmem>>, vector<16xf32>,
      %slice3A_236 = vector.extract_strided_slice %get3A_85 {offsets = [10], sizes = [1], strides = [1]} : vector<16xi32> to vector<1xi32>
      %squeeze3A_237 = vector.extract %slice3A_236[0] : i32 from vector<1xi32>
      %shift_right_arithmetic3A_238 = arith.constant 7 : i32
      %shift_right_arithmetic3A_239 = arith.shrsi %squeeze3A_237, %shift_right_arithmetic3A_238 : i32
      %mul3A_240 = arith.constant 128 : i32
      %mul3A_241 = arith.muli %shift_right_arithmetic3A_239, %mul3A_240 : i32
      %multiple_of3A_242 = tpu.assume_multiple %mul3A_241, 128 : i32
      %dma_start3A_243 = arith.constant 0 : i32
      %dma_start3A_244 = tpu.memref_slice %arg3[%dma_start3A_243, %multiple_of3A_242] : memref<64x1000000xf32, #tpu.memory_space<hbm>> -> memref<64x128xf32, #tpu.memory_space<hbm>>
      %dma_start3A_245 = arith.constant 0 : i32
      %dma_start3A_246 = tpu.memref_slice %arg3[%dma_start3A_245, %multiple_of3A_242] : memref<64x1000000xf32, #tpu.memory_space<hbm>> -> memref<64x128xf32, #tpu.memory_space<hbm>>
      tpu.enqueue_dma source(%dma_start3A_246 : memref<64x128xf32, #tpu.memory_space<hbm>>) target(%arg6 : memref<64x128xf32, #tpu.memory_space<vmem>>) target_semaphore(%arg18 : memref<!tpu.dma_semaphore, #tpu.memory_space<semaphore_mem>>)
      %dma_wait3A_247 = arith.constant 0 : i32
      %dma_wait3A_248 = tpu.memref_slice %arg3[%dma_wait3A_247, %multiple_of3A_99] : memref<64x1000000xf32, #tpu.memory_space<hbm>> -> memref<64x128xf32, #tpu.memory_space<hbm>>
      %dma_wait3A_249 = arith.constant 0 : i32
      %dma_wait3A_250 = tpu.memref_slice %arg3[%dma_wait3A_249, %multiple_of3A_99] : memref<64x1000000xf32, #tpu.memory_space<hbm>> -> memref<64x128xf32, #tpu.memory_space<hbm>>
      tpu.wait_dma2 semaphore(%arg18 : memref<!tpu.dma_semaphore, #tpu.memory_space<semaphore_mem>>) src(%dma_wait3A_250 : memref<64x128xf32, #tpu.memory_space<hbm>>) dst(%arg7 : memref<64x128xf32, #tpu.memory_space<vmem>>)
      %slice3A_251 = vector.extract_strided_slice %get3A_85 {offsets = [1], sizes = [1], strides = [1]} : vector<16xi32> to vector<1xi32>
      %squeeze3A_252 = vector.extract %slice3A_251[0] : i32 from vector<1xi32>
      %and3A_253 = arith.constant 127 : i32
      %and3A_254 = arith.andi %squeeze3A_252, %and3A_253 : i32
      %broadcast_in_dim3A_255 = vector.broadcast %and3A_254 : i32 to vector<16xi32>
      %iota3A_256 = tpu.iota {dimensions = array<i32: 0>} : vector<16xi32>
      %add3A_257 = arith.constant 0 : i32
      %add3A_258 = vector.broadcast %add3A_257 : i32 to vector<16xi32>
      %add3A_259 = arith.addi %iota3A_256, %add3A_258 : vector<16xi32>
      %gather3A_260 = tpu.vector_load_idx %arg7[%add3A_259, %broadcast_in_dim3A_255] : memref<64x128xf32, #tpu.memory_space<vmem>>[vector<16xi32>, vector<16xi32>], vector<16xf32>,
      %add3A_261 = arith.constant 1 : i32
      %add3A_262 = arith.addi %mul3A_82, %add3A_261 : i32
      %swap3A_263 = arith.index_cast %add3A_262 : i32 to index
      %swap3A_264 = arith.constant 0 : index
      %swap3A_265 = tpu.vector_load %arg16[%swap3A_263, %swap3A_264] {strides = array<i32>} : memref<128x64xf32, #tpu.memory_space<vmem>>, vector<16xf32>,
      tpu.vector_store %arg16[%swap3A_263, %swap3A_264], %gather3A_260 {strides = array<i32>} : memref<128x64xf32, #tpu.memory_space<vmem>>, vector<16xf32>,
      %iota3A_266 = tpu.iota {dimensions = array<i32: 0>} : vector<16xi32>
      %add3A_267 = arith.constant 16 : i32
      %add3A_268 = vector.broadcast %add3A_267 : i32 to vector<16xi32>
      %add3A_269 = arith.addi %iota3A_266, %add3A_268 : vector<16xi32>
      %gather3A_270 = tpu.vector_load_idx %arg7[%add3A_269, %broadcast_in_dim3A_255] : memref<64x128xf32, #tpu.memory_space<vmem>>[vector<16xi32>, vector<16xi32>], vector<16xf32>,
      %add3A_271 = arith.constant 1 : i32
      %add3A_272 = arith.addi %mul3A_82, %add3A_271 : i32
      %swap3A_273 = arith.index_cast %add3A_272 : i32 to index
      %swap3A_274 = arith.constant 16 : index
      %swap3A_275 = tpu.vector_load %arg16[%swap3A_273, %swap3A_274] {strides = array<i32>} : memref<128x64xf32, #tpu.memory_space<vmem>>, vector<16xf32>,
      tpu.vector_store %arg16[%swap3A_273, %swap3A_274], %gather3A_270 {strides = array<i32>} : memref<128x64xf32, #tpu.memory_space<vmem>>, vector<16xf32>,
      %iota3A_276 = tpu.iota {dimensions = array<i32: 0>} : vector<16xi32>
      %add3A_277 = arith.constant 32 : i32
      %add3A_278 = vector.broadcast %add3A_277 : i32 to vector<16xi32>
      %add3A_279 = arith.addi %iota3A_276, %add3A_278 : vector<16xi32>
      %gather3A_280 = tpu.vector_load_idx %arg7[%add3A_279, %broadcast_in_dim3A_255] : memref<64x128xf32, #tpu.memory_space<vmem>>[vector<16xi32>, vector<16xi32>], vector<16xf32>,
      %add3A_281 = arith.constant 1 : i32
      %add3A_282 = arith.addi %mul3A_82, %add3A_281 : i32
      %swap3A_283 = arith.index_cast %add3A_282 : i32 to index
      %swap3A_284 = arith.constant 32 : index
      %swap3A_285 = tpu.vector_load %arg16[%swap3A_283, %swap3A_284] {strides = array<i32>} : memref<128x64xf32, #tpu.memory_space<vmem>>, vector<16xf32>,
      tpu.vector_store %arg16[%swap3A_283, %swap3A_284], %gather3A_280 {strides = array<i32>} : memref<128x64xf32, #tpu.memory_space<vmem>>, vector<16xf32>,
      %iota3A_286 = tpu.iota {dimensions = array<i32: 0>} : vector<16xi32>
      %add3A_287 = arith.constant 48 : i32
      %add3A_288 = vector.broadcast %add3A_287 : i32 to vector<16xi32>
      %add3A_289 = arith.addi %iota3A_286, %add3A_288 : vector<16xi32>
      %gather3A_290 = tpu.vector_load_idx %arg7[%add3A_289, %broadcast_in_dim3A_255] : memref<64x128xf32, #tpu.memory_space<vmem>>[vector<16xi32>, vector<16xi32>], vector<16xf32>,
      %add3A_291 = arith.constant 1 : i32
      %add3A_292 = arith.addi %mul3A_82, %add3A_291 : i32
      %swap3A_293 = arith.index_cast %add3A_292 : i32 to index
      %swap3A_294 = arith.constant 48 : index
      %swap3A_295 = tpu.vector_load %arg16[%swap3A_293, %swap3A_294] {strides = array<i32>} : memref<128x64xf32, #tpu.memory_space<vmem>>, vector<16xf32>,
      tpu.vector_store %arg16[%swap3A_293, %swap3A_294], %gather3A_290 {strides = array<i32>} : memref<128x64xf32, #tpu.memory_space<vmem>>, vector<16xf32>,
      %slice3A_296 = vector.extract_strided_slice %get3A_85 {offsets = [11], sizes = [1], strides = [1]} : vector<16xi32> to vector<1xi32>
      %squeeze3A_297 = vector.extract %slice3A_296[0] : i32 from vector<1xi32>
      %shift_right_arithmetic3A_298 = arith.constant 7 : i32
      %shift_right_arithmetic3A_299 = arith.shrsi %squeeze3A_297, %shift_right_arithmetic3A_298 : i32
      %mul3A_300 = arith.constant 128 : i32
      %mul3A_301 = arith.muli %shift_right_arithmetic3A_299, %mul3A_300 : i32
      %multiple_of3A_302 = tpu.assume_multiple %mul3A_301, 128 : i32
      %dma_start3A_303 = arith.constant 0 : i32
      %dma_start3A_304 = tpu.memref_slice %arg3[%dma_start3A_303, %multiple_of3A_302] : memref<64x1000000xf32, #tpu.memory_space<hbm>> -> memref<64x128xf32, #tpu.memory_space<hbm>>
      %dma_start3A_305 = arith.constant 0 : i32
      %dma_start3A_306 = tpu.memref_slice %arg3[%dma_start3A_305, %multiple_of3A_302] : memref<64x1000000xf32, #tpu.memory_space<hbm>> -> memref<64x128xf32, #tpu.memory_space<hbm>>
      tpu.enqueue_dma source(%dma_start3A_306 : memref<64x128xf32, #tpu.memory_space<hbm>>) target(%arg7 : memref<64x128xf32, #tpu.memory_space<vmem>>) target_semaphore(%arg18 : memref<!tpu.dma_semaphore, #tpu.memory_space<semaphore_mem>>)
      %dma_wait3A_307 = arith.constant 0 : i32
      %dma_wait3A_308 = tpu.memref_slice %arg3[%dma_wait3A_307, %multiple_of3A_110] : memref<64x1000000xf32, #tpu.memory_space<hbm>> -> memref<64x128xf32, #tpu.memory_space<hbm>>
      %dma_wait3A_309 = arith.constant 0 : i32
      %dma_wait3A_310 = tpu.memref_slice %arg3[%dma_wait3A_309, %multiple_of3A_110] : memref<64x1000000xf32, #tpu.memory_space<hbm>> -> memref<64x128xf32, #tpu.memory_space<hbm>>
      tpu.wait_dma2 semaphore(%arg18 : memref<!tpu.dma_semaphore, #tpu.memory_space<semaphore_mem>>) src(%dma_wait3A_310 : memref<64x128xf32, #tpu.memory_space<hbm>>) dst(%arg8 : memref<64x128xf32, #tpu.memory_space<vmem>>)
      %slice3A_311 = vector.extract_strided_slice %get3A_85 {offsets = [2], sizes = [1], strides = [1]} : vector<16xi32> to vector<1xi32>
      %squeeze3A_312 = vector.extract %slice3A_311[0] : i32 from vector<1xi32>
      %and3A_313 = arith.constant 127 : i32
      %and3A_314 = arith.andi %squeeze3A_312, %and3A_313 : i32
      %broadcast_in_dim3A_315 = vector.broadcast %and3A_314 : i32 to vector<16xi32>
      %iota3A_316 = tpu.iota {dimensions = array<i32: 0>} : vector<16xi32>
      %add3A_317 = arith.constant 0 : i32
      %add3A_318 = vector.broadcast %add3A_317 : i32 to vector<16xi32>
      %add3A_319 = arith.addi %iota3A_316, %add3A_318 : vector<16xi32>
      %gather3A_320 = tpu.vector_load_idx %arg8[%add3A_319, %broadcast_in_dim3A_315] : memref<64x128xf32, #tpu.memory_space<vmem>>[vector<16xi32>, vector<16xi32>], vector<16xf32>,
      %add3A_321 = arith.constant 2 : i32
      %add3A_322 = arith.addi %mul3A_82, %add3A_321 : i32
      %swap3A_323 = arith.index_cast %add3A_322 : i32 to index
      %swap3A_324 = arith.constant 0 : index
      %swap3A_325 = tpu.vector_load %arg16[%swap3A_323, %swap3A_324] {strides = array<i32>} : memref<128x64xf32, #tpu.memory_space<vmem>>, vector<16xf32>,
      tpu.vector_store %arg16[%swap3A_323, %swap3A_324], %gather3A_320 {strides = array<i32>} : memref<128x64xf32, #tpu.memory_space<vmem>>, vector<16xf32>,
      %iota3A_326 = tpu.iota {dimensions = array<i32: 0>} : vector<16xi32>
      %add3A_327 = arith.constant 16 : i32
      %add3A_328 = vector.broadcast %add3A_327 : i32 to vector<16xi32>
      %add3A_329 = arith.addi %iota3A_326, %add3A_328 : vector<16xi32>
      %gather3A_330 = tpu.vector_load_idx %arg8[%add3A_329, %broadcast_in_dim3A_315] : memref<64x128xf32, #tpu.memory_space<vmem>>[vector<16xi32>, vector<16xi32>], vector<16xf32>,
      %add3A_331 = arith.constant 2 : i32
      %add3A_332 = arith.addi %mul3A_82, %add3A_331 : i32
      %swap3A_333 = arith.index_cast %add3A_332 : i32 to index
      %swap3A_334 = arith.constant 16 : index
      %swap3A_335 = tpu.vector_load %arg16[%swap3A_333, %swap3A_334] {strides = array<i32>} : memref<128x64xf32, #tpu.memory_space<vmem>>, vector<16xf32>,
      tpu.vector_store %arg16[%swap3A_333, %swap3A_334], %gather3A_330 {strides = array<i32>} : memref<128x64xf32, #tpu.memory_space<vmem>>, vector<16xf32>,
      %iota3A_336 = tpu.iota {dimensions = array<i32: 0>} : vector<16xi32>
      %add3A_337 = arith.constant 32 : i32
      %add3A_338 = vector.broadcast %add3A_337 : i32 to vector<16xi32>
      %add3A_339 = arith.addi %iota3A_336, %add3A_338 : vector<16xi32>
      %gather3A_340 = tpu.vector_load_idx %arg8[%add3A_339, %broadcast_in_dim3A_315] : memref<64x128xf32, #tpu.memory_space<vmem>>[vector<16xi32>, vector<16xi32>], vector<16xf32>,
      %add3A_341 = arith.constant 2 : i32
      %add3A_342 = arith.addi %mul3A_82, %add3A_341 : i32
      %swap3A_343 = arith.index_cast %add3A_342 : i32 to index
      %swap3A_344 = arith.constant 32 : index
      %swap3A_345 = tpu.vector_load %arg16[%swap3A_343, %swap3A_344] {strides = array<i32>} : memref<128x64xf32, #tpu.memory_space<vmem>>, vector<16xf32>,
      tpu.vector_store %arg16[%swap3A_343, %swap3A_344], %gather3A_340 {strides = array<i32>} : memref<128x64xf32, #tpu.memory_space<vmem>>, vector<16xf32>,
      %iota3A_346 = tpu.iota {dimensions = array<i32: 0>} : vector<16xi32>
      %add3A_347 = arith.constant 48 : i32
      %add3A_348 = vector.broadcast %add3A_347 : i32 to vector<16xi32>
      %add3A_349 = arith.addi %iota3A_346, %add3A_348 : vector<16xi32>
      %gather3A_350 = tpu.vector_load_idx %arg8[%add3A_349, %broadcast_in_dim3A_315] : memref<64x128xf32, #tpu.memory_space<vmem>>[vector<16xi32>, vector<16xi32>], vector<16xf32>,
      %add3A_351 = arith.constant 2 : i32
      %add3A_352 = arith.addi %mul3A_82, %add3A_351 : i32
      %swap3A_353 = arith.index_cast %add3A_352 : i32 to index
      %swap3A_354 = arith.constant 48 : index
      %swap3A_355 = tpu.vector_load %arg16[%swap3A_353, %swap3A_354] {strides = array<i32>} : memref<128x64xf32, #tpu.memory_space<vmem>>, vector<16xf32>,
      tpu.vector_store %arg16[%swap3A_353, %swap3A_354], %gather3A_350 {strides = array<i32>} : memref<128x64xf32, #tpu.memory_space<vmem>>, vector<16xf32>,
      %slice3A_356 = vector.extract_strided_slice %get3A_85 {offsets = [12], sizes = [1], strides = [1]} : vector<16xi32> to vector<1xi32>
      %squeeze3A_357 = vector.extract %slice3A_356[0] : i32 from vector<1xi32>
      %shift_right_arithmetic3A_358 = arith.constant 7 : i32
      %shift_right_arithmetic3A_359 = arith.shrsi %squeeze3A_357, %shift_right_arithmetic3A_358 : i32
      %mul3A_360 = arith.constant 128 : i32
      %mul3A_361 = arith.muli %shift_right_arithmetic3A_359, %mul3A_360 : i32
      %multiple_of3A_362 = tpu.assume_multiple %mul3A_361, 128 : i32
      %dma_start3A_363 = arith.constant 0 : i32
      %dma_start3A_364 = tpu.memref_slice %arg3[%dma_start3A_363, %multiple_of3A_362] : memref<64x1000000xf32, #tpu.memory_space<hbm>> -> memref<64x128xf32, #tpu.memory_space<hbm>>
      %dma_start3A_365 = arith.constant 0 : i32
      %dma_start3A_366 = tpu.memref_slice %arg3[%dma_start3A_365, %multiple_of3A_362] : memref<64x1000000xf32, #tpu.memory_space<hbm>> -> memref<64x128xf32, #tpu.memory_space<hbm>>
      tpu.enqueue_dma source(%dma_start3A_366 : memref<64x128xf32, #tpu.memory_space<hbm>>) target(%arg8 : memref<64x128xf32, #tpu.memory_space<vmem>>) target_semaphore(%arg18 : memref<!tpu.dma_semaphore, #tpu.memory_space<semaphore_mem>>)
      %dma_wait3A_367 = arith.constant 0 : i32
      %dma_wait3A_368 = tpu.memref_slice %arg3[%dma_wait3A_367, %multiple_of3A_121] : memref<64x1000000xf32, #tpu.memory_space<hbm>> -> memref<64x128xf32, #tpu.memory_space<hbm>>
      %dma_wait3A_369 = arith.constant 0 : i32
      %dma_wait3A_370 = tpu.memref_slice %arg3[%dma_wait3A_369, %multiple_of3A_121] : memref<64x1000000xf32, #tpu.memory_space<hbm>> -> memref<64x128xf32, #tpu.memory_space<hbm>>
      tpu.wait_dma2 semaphore(%arg18 : memref<!tpu.dma_semaphore, #tpu.memory_space<semaphore_mem>>) src(%dma_wait3A_370 : memref<64x128xf32, #tpu.memory_space<hbm>>) dst(%arg9 : memref<64x128xf32, #tpu.memory_space<vmem>>)
      %slice3A_371 = vector.extract_strided_slice %get3A_85 {offsets = [3], sizes = [1], strides = [1]} : vector<16xi32> to vector<1xi32>
      %squeeze3A_372 = vector.extract %slice3A_371[0] : i32 from vector<1xi32>
      %and3A_373 = arith.constant 127 : i32
      %and3A_374 = arith.andi %squeeze3A_372, %and3A_373 : i32
      %broadcast_in_dim3A_375 = vector.broadcast %and3A_374 : i32 to vector<16xi32>
      %iota3A_376 = tpu.iota {dimensions = array<i32: 0>} : vector<16xi32>
      %add3A_377 = arith.constant 0 : i32
      %add3A_378 = vector.broadcast %add3A_377 : i32 to vector<16xi32>
      %add3A_379 = arith.addi %iota3A_376, %add3A_378 : vector<16xi32>
      %gather3A_380 = tpu.vector_load_idx %arg9[%add3A_379, %broadcast_in_dim3A_375] : memref<64x128xf32, #tpu.memory_space<vmem>>[vector<16xi32>, vector<16xi32>], vector<16xf32>,
      %add3A_381 = arith.constant 3 : i32
      %add3A_382 = arith.addi %mul3A_82, %add3A_381 : i32
      %swap3A_383 = arith.index_cast %add3A_382 : i32 to index
      %swap3A_384 = arith.constant 0 : index
      %swap3A_385 = tpu.vector_load %arg16[%swap3A_383, %swap3A_384] {strides = array<i32>} : memref<128x64xf32, #tpu.memory_space<vmem>>, vector<16xf32>,
      tpu.vector_store %arg16[%swap3A_383, %swap3A_384], %gather3A_380 {strides = array<i32>} : memref<128x64xf32, #tpu.memory_space<vmem>>, vector<16xf32>,
      %iota3A_386 = tpu.iota {dimensions = array<i32: 0>} : vector<16xi32>
      %add3A_387 = arith.constant 16 : i32
      %add3A_388 = vector.broadcast %add3A_387 : i32 to vector<16xi32>
      %add3A_389 = arith.addi %iota3A_386, %add3A_388 : vector<16xi32>
      %gather3A_390 = tpu.vector_load_idx %arg9[%add3A_389, %broadcast_in_dim3A_375] : memref<64x128xf32, #tpu.memory_space<vmem>>[vector<16xi32>, vector<16xi32>], vector<16xf32>,
      %add3A_391 = arith.constant 3 : i32
      %add3A_392 = arith.addi %mul3A_82, %add3A_391 : i32
      %swap3A_393 = arith.index_cast %add3A_392 : i32 to index
      %swap3A_394 = arith.constant 16 : index
      %swap3A_395 = tpu.vector_load %arg16[%swap3A_393, %swap3A_394] {strides = array<i32>} : memref<128x64xf32, #tpu.memory_space<vmem>>, vector<16xf32>,
      tpu.vector_store %arg16[%swap3A_393, %swap3A_394], %gather3A_390 {strides = array<i32>} : memref<128x64xf32, #tpu.memory_space<vmem>>, vector<16xf32>,
      %iota3A_396 = tpu.iota {dimensions = array<i32: 0>} : vector<16xi32>
      %add3A_397 = arith.constant 32 : i32
      %add3A_398 = vector.broadcast %add3A_397 : i32 to vector<16xi32>
      %add3A_399 = arith.addi %iota3A_396, %add3A_398 : vector<16xi32>
      %gather3A_400 = tpu.vector_load_idx %arg9[%add3A_399, %broadcast_in_dim3A_375] : memref<64x128xf32, #tpu.memory_space<vmem>>[vector<16xi32>, vector<16xi32>], vector<16xf32>,
      %add3A_401 = arith.constant 3 : i32
      %add3A_402 = arith.addi %mul3A_82, %add3A_401 : i32
      %swap3A_403 = arith.index_cast %add3A_402 : i32 to index
      %swap3A_404 = arith.constant 32 : index
      %swap3A_405 = tpu.vector_load %arg16[%swap3A_403, %swap3A_404] {strides = array<i32>} : memref<128x64xf32, #tpu.memory_space<vmem>>, vector<16xf32>,
      tpu.vector_store %arg16[%swap3A_403, %swap3A_404], %gather3A_400 {strides = array<i32>} : memref<128x64xf32, #tpu.memory_space<vmem>>, vector<16xf32>,
      %iota3A_406 = tpu.iota {dimensions = array<i32: 0>} : vector<16xi32>
      %add3A_407 = arith.constant 48 : i32
      %add3A_408 = vector.broadcast %add3A_407 : i32 to vector<16xi32>
      %add3A_409 = arith.addi %iota3A_406, %add3A_408 : vector<16xi32>
      %gather3A_410 = tpu.vector_load_idx %arg9[%add3A_409, %broadcast_in_dim3A_375] : memref<64x128xf32, #tpu.memory_space<vmem>>[vector<16xi32>, vector<16xi32>], vector<16xf32>,
      %add3A_411 = arith.constant 3 : i32
      %add3A_412 = arith.addi %mul3A_82, %add3A_411 : i32
      %swap3A_413 = arith.index_cast %add3A_412 : i32 to index
      %swap3A_414 = arith.constant 48 : index
      %swap3A_415 = tpu.vector_load %arg16[%swap3A_413, %swap3A_414] {strides = array<i32>} : memref<128x64xf32, #tpu.memory_space<vmem>>, vector<16xf32>,
      tpu.vector_store %arg16[%swap3A_413, %swap3A_414], %gather3A_410 {strides = array<i32>} : memref<128x64xf32, #tpu.memory_space<vmem>>, vector<16xf32>,
      %slice3A_416 = vector.extract_strided_slice %get3A_85 {offsets = [13], sizes = [1], strides = [1]} : vector<16xi32> to vector<1xi32>
      %squeeze3A_417 = vector.extract %slice3A_416[0] : i32 from vector<1xi32>
      %shift_right_arithmetic3A_418 = arith.constant 7 : i32
      %shift_right_arithmetic3A_419 = arith.shrsi %squeeze3A_417, %shift_right_arithmetic3A_418 : i32
      %mul3A_420 = arith.constant 128 : i32
      %mul3A_421 = arith.muli %shift_right_arithmetic3A_419, %mul3A_420 : i32
      %multiple_of3A_422 = tpu.assume_multiple %mul3A_421, 128 : i32
      %dma_start3A_423 = arith.constant 0 : i32
      %dma_start3A_424 = tpu.memref_slice %arg3[%dma_start3A_423, %multiple_of3A_422] : memref<64x1000000xf32, #tpu.memory_space<hbm>> -> memref<64x128xf32, #tpu.memory_space<hbm>>
      %dma_start3A_425 = arith.constant 0 : i32
      %dma_start3A_426 = tpu.memref_slice %arg3[%dma_start3A_425, %multiple_of3A_422] : memref<64x1000000xf32, #tpu.memory_space<hbm>> -> memref<64x128xf32, #tpu.memory_space<hbm>>
      tpu.enqueue_dma source(%dma_start3A_426 : memref<64x128xf32, #tpu.memory_space<hbm>>) target(%arg9 : memref<64x128xf32, #tpu.memory_space<vmem>>) target_semaphore(%arg18 : memref<!tpu.dma_semaphore, #tpu.memory_space<semaphore_mem>>)
      %dma_wait3A_427 = arith.constant 0 : i32
      %dma_wait3A_428 = tpu.memref_slice %arg3[%dma_wait3A_427, %multiple_of3A_132] : memref<64x1000000xf32, #tpu.memory_space<hbm>> -> memref<64x128xf32, #tpu.memory_space<hbm>>
      %dma_wait3A_429 = arith.constant 0 : i32
      %dma_wait3A_430 = tpu.memref_slice %arg3[%dma_wait3A_429, %multiple_of3A_132] : memref<64x1000000xf32, #tpu.memory_space<hbm>> -> memref<64x128xf32, #tpu.memory_space<hbm>>
      tpu.wait_dma2 semaphore(%arg18 : memref<!tpu.dma_semaphore, #tpu.memory_space<semaphore_mem>>) src(%dma_wait3A_430 : memref<64x128xf32, #tpu.memory_space<hbm>>) dst(%arg10 : memref<64x128xf32, #tpu.memory_space<vmem>>)
      %slice3A_431 = vector.extract_strided_slice %get3A_85 {offsets = [4], sizes = [1], strides = [1]} : vector<16xi32> to vector<1xi32>
      %squeeze3A_432 = vector.extract %slice3A_431[0] : i32 from vector<1xi32>
      %and3A_433 = arith.constant 127 : i32
      %and3A_434 = arith.andi %squeeze3A_432, %and3A_433 : i32
      %broadcast_in_dim3A_435 = vector.broadcast %and3A_434 : i32 to vector<16xi32>
      %iota3A_436 = tpu.iota {dimensions = array<i32: 0>} : vector<16xi32>
      %add3A_437 = arith.constant 0 : i32
      %add3A_438 = vector.broadcast %add3A_437 : i32 to vector<16xi32>
      %add3A_439 = arith.addi %iota3A_436, %add3A_438 : vector<16xi32>
      %gather3A_440 = tpu.vector_load_idx %arg10[%add3A_439, %broadcast_in_dim3A_435] : memref<64x128xf32, #tpu.memory_space<vmem>>[vector<16xi32>, vector<16xi32>], vector<16xf32>,
      %add3A_441 = arith.constant 4 : i32
      %add3A_442 = arith.addi %mul3A_82, %add3A_441 : i32
      %swap3A_443 = arith.index_cast %add3A_442 : i32 to index
      %swap3A_444 = arith.constant 0 : index
      %swap3A_445 = tpu.vector_load %arg16[%swap3A_443, %swap3A_444] {strides = array<i32>} : memref<128x64xf32, #tpu.memory_space<vmem>>, vector<16xf32>,
      tpu.vector_store %arg16[%swap3A_443, %swap3A_444], %gather3A_440 {strides = array<i32>} : memref<128x64xf32, #tpu.memory_space<vmem>>, vector<16xf32>,
      %iota3A_446 = tpu.iota {dimensions = array<i32: 0>} : vector<16xi32>
      %add3A_447 = arith.constant 16 : i32
      %add3A_448 = vector.broadcast %add3A_447 : i32 to vector<16xi32>
      %add3A_449 = arith.addi %iota3A_446, %add3A_448 : vector<16xi32>
      %gather3A_450 = tpu.vector_load_idx %arg10[%add3A_449, %broadcast_in_dim3A_435] : memref<64x128xf32, #tpu.memory_space<vmem>>[vector<16xi32>, vector<16xi32>], vector<16xf32>,
      %add3A_451 = arith.constant 4 : i32
      %add3A_452 = arith.addi %mul3A_82, %add3A_451 : i32
      %swap3A_453 = arith.index_cast %add3A_452 : i32 to index
      %swap3A_454 = arith.constant 16 : index
      %swap3A_455 = tpu.vector_load %arg16[%swap3A_453, %swap3A_454] {strides = array<i32>} : memref<128x64xf32, #tpu.memory_space<vmem>>, vector<16xf32>,
      tpu.vector_store %arg16[%swap3A_453, %swap3A_454], %gather3A_450 {strides = array<i32>} : memref<128x64xf32, #tpu.memory_space<vmem>>, vector<16xf32>,
      %iota3A_456 = tpu.iota {dimensions = array<i32: 0>} : vector<16xi32>
      %add3A_457 = arith.constant 32 : i32
      %add3A_458 = vector.broadcast %add3A_457 : i32 to vector<16xi32>
      %add3A_459 = arith.addi %iota3A_456, %add3A_458 : vector<16xi32>
      %gather3A_460 = tpu.vector_load_idx %arg10[%add3A_459, %broadcast_in_dim3A_435] : memref<64x128xf32, #tpu.memory_space<vmem>>[vector<16xi32>, vector<16xi32>], vector<16xf32>,
      %add3A_461 = arith.constant 4 : i32
      %add3A_462 = arith.addi %mul3A_82, %add3A_461 : i32
      %swap3A_463 = arith.index_cast %add3A_462 : i32 to index
      %swap3A_464 = arith.constant 32 : index
      %swap3A_465 = tpu.vector_load %arg16[%swap3A_463, %swap3A_464] {strides = array<i32>} : memref<128x64xf32, #tpu.memory_space<vmem>>, vector<16xf32>,
      tpu.vector_store %arg16[%swap3A_463, %swap3A_464], %gather3A_460 {strides = array<i32>} : memref<128x64xf32, #tpu.memory_space<vmem>>, vector<16xf32>,
      %iota3A_466 = tpu.iota {dimensions = array<i32: 0>} : vector<16xi32>
      %add3A_467 = arith.constant 48 : i32
      %add3A_468 = vector.broadcast %add3A_467 : i32 to vector<16xi32>
      %add3A_469 = arith.addi %iota3A_466, %add3A_468 : vector<16xi32>
      %gather3A_470 = tpu.vector_load_idx %arg10[%add3A_469, %broadcast_in_dim3A_435] : memref<64x128xf32, #tpu.memory_space<vmem>>[vector<16xi32>, vector<16xi32>], vector<16xf32>,
      %add3A_471 = arith.constant 4 : i32
      %add3A_472 = arith.addi %mul3A_82, %add3A_471 : i32
      %swap3A_473 = arith.index_cast %add3A_472 : i32 to index
      %swap3A_474 = arith.constant 48 : index
      %swap3A_475 = tpu.vector_load %arg16[%swap3A_473, %swap3A_474] {strides = array<i32>} : memref<128x64xf32, #tpu.memory_space<vmem>>, vector<16xf32>,
      tpu.vector_store %arg16[%swap3A_473, %swap3A_474], %gather3A_470 {strides = array<i32>} : memref<128x64xf32, #tpu.memory_space<vmem>>, vector<16xf32>,
      %slice3A_476 = vector.extract_strided_slice %get3A_85 {offsets = [14], sizes = [1], strides = [1]} : vector<16xi32> to vector<1xi32>
      %squeeze3A_477 = vector.extract %slice3A_476[0] : i32 from vector<1xi32>
      %shift_right_arithmetic3A_478 = arith.constant 7 : i32
      %shift_right_arithmetic3A_479 = arith.shrsi %squeeze3A_477, %shift_right_arithmetic3A_478 : i32
      %mul3A_480 = arith.constant 128 : i32
      %mul3A_481 = arith.muli %shift_right_arithmetic3A_479, %mul3A_480 : i32
      %multiple_of3A_482 = tpu.assume_multiple %mul3A_481, 128 : i32
      %dma_start3A_483 = arith.constant 0 : i32
      %dma_start3A_484 = tpu.memref_slice %arg3[%dma_start3A_483, %multiple_of3A_482] : memref<64x1000000xf32, #tpu.memory_space<hbm>> -> memref<64x128xf32, #tpu.memory_space<hbm>>
      %dma_start3A_485 = arith.constant 0 : i32
      %dma_start3A_486 = tpu.memref_slice %arg3[%dma_start3A_485, %multiple_of3A_482] : memref<64x1000000xf32, #tpu.memory_space<hbm>> -> memref<64x128xf32, #tpu.memory_space<hbm>>
      tpu.enqueue_dma source(%dma_start3A_486 : memref<64x128xf32, #tpu.memory_space<hbm>>) target(%arg10 : memref<64x128xf32, #tpu.memory_space<vmem>>) target_semaphore(%arg18 : memref<!tpu.dma_semaphore, #tpu.memory_space<semaphore_mem>>)
      %dma_wait3A_487 = arith.constant 0 : i32
      %dma_wait3A_488 = tpu.memref_slice %arg3[%dma_wait3A_487, %multiple_of3A_143] : memref<64x1000000xf32, #tpu.memory_space<hbm>> -> memref<64x128xf32, #tpu.memory_space<hbm>>
      %dma_wait3A_489 = arith.constant 0 : i32
      %dma_wait3A_490 = tpu.memref_slice %arg3[%dma_wait3A_489, %multiple_of3A_143] : memref<64x1000000xf32, #tpu.memory_space<hbm>> -> memref<64x128xf32, #tpu.memory_space<hbm>>
      tpu.wait_dma2 semaphore(%arg18 : memref<!tpu.dma_semaphore, #tpu.memory_space<semaphore_mem>>) src(%dma_wait3A_490 : memref<64x128xf32, #tpu.memory_space<hbm>>) dst(%arg11 : memref<64x128xf32, #tpu.memory_space<vmem>>)
      %slice3A_491 = vector.extract_strided_slice %get3A_85 {offsets = [5], sizes = [1], strides = [1]} : vector<16xi32> to vector<1xi32>
      %squeeze3A_492 = vector.extract %slice3A_491[0] : i32 from vector<1xi32>
      %and3A_493 = arith.constant 127 : i32
      %and3A_494 = arith.andi %squeeze3A_492, %and3A_493 : i32
      %broadcast_in_dim3A_495 = vector.broadcast %and3A_494 : i32 to vector<16xi32>
      %iota3A_496 = tpu.iota {dimensions = array<i32: 0>} : vector<16xi32>
      %add3A_497 = arith.constant 0 : i32
      %add3A_498 = vector.broadcast %add3A_497 : i32 to vector<16xi32>
      %add3A_499 = arith.addi %iota3A_496, %add3A_498 : vector<16xi32>
      %gather3A_500 = tpu.vector_load_idx %arg11[%add3A_499, %broadcast_in_dim3A_495] : memref<64x128xf32, #tpu.memory_space<vmem>>[vector<16xi32>, vector<16xi32>], vector<16xf32>,
      %add3A_501 = arith.constant 5 : i32
      %add3A_502 = arith.addi %mul3A_82, %add3A_501 : i32
      %swap3A_503 = arith.index_cast %add3A_502 : i32 to index
      %swap3A_504 = arith.constant 0 : index
      %swap3A_505 = tpu.vector_load %arg16[%swap3A_503, %swap3A_504] {strides = array<i32>} : memref<128x64xf32, #tpu.memory_space<vmem>>, vector<16xf32>,
      tpu.vector_store %arg16[%swap3A_503, %swap3A_504], %gather3A_500 {strides = array<i32>} : memref<128x64xf32, #tpu.memory_space<vmem>>, vector<16xf32>,
      %iota3A_506 = tpu.iota {dimensions = array<i32: 0>} : vector<16xi32>
      %add3A_507 = arith.constant 16 : i32
      %add3A_508 = vector.broadcast %add3A_507 : i32 to vector<16xi32>
      %add3A_509 = arith.addi %iota3A_506, %add3A_508 : vector<16xi32>
      %gather3A_510 = tpu.vector_load_idx %arg11[%add3A_509, %broadcast_in_dim3A_495] : memref<64x128xf32, #tpu.memory_space<vmem>>[vector<16xi32>, vector<16xi32>], vector<16xf32>,
      %add3A_511 = arith.constant 5 : i32
      %add3A_512 = arith.addi %mul3A_82, %add3A_511 : i32
      %swap3A_513 = arith.index_cast %add3A_512 : i32 to index
      %swap3A_514 = arith.constant 16 : index
      %swap3A_515 = tpu.vector_load %arg16[%swap3A_513, %swap3A_514] {strides = array<i32>} : memref<128x64xf32, #tpu.memory_space<vmem>>, vector<16xf32>,
      tpu.vector_store %arg16[%swap3A_513, %swap3A_514], %gather3A_510 {strides = array<i32>} : memref<128x64xf32, #tpu.memory_space<vmem>>, vector<16xf32>,
      %iota3A_516 = tpu.iota {dimensions = array<i32: 0>} : vector<16xi32>
      %add3A_517 = arith.constant 32 : i32
      %add3A_518 = vector.broadcast %add3A_517 : i32 to vector<16xi32>
      %add3A_519 = arith.addi %iota3A_516, %add3A_518 : vector<16xi32>
      %gather3A_520 = tpu.vector_load_idx %arg11[%add3A_519, %broadcast_in_dim3A_495] : memref<64x128xf32, #tpu.memory_space<vmem>>[vector<16xi32>, vector<16xi32>], vector<16xf32>,
      %add3A_521 = arith.constant 5 : i32
      %add3A_522 = arith.addi %mul3A_82, %add3A_521 : i32
      %swap3A_523 = arith.index_cast %add3A_522 : i32 to index
      %swap3A_524 = arith.constant 32 : index
      %swap3A_525 = tpu.vector_load %arg16[%swap3A_523, %swap3A_524] {strides = array<i32>} : memref<128x64xf32, #tpu.memory_space<vmem>>, vector<16xf32>,
      tpu.vector_store %arg16[%swap3A_523, %swap3A_524], %gather3A_520 {strides = array<i32>} : memref<128x64xf32, #tpu.memory_space<vmem>>, vector<16xf32>,
      %iota3A_526 = tpu.iota {dimensions = array<i32: 0>} : vector<16xi32>
      %add3A_527 = arith.constant 48 : i32
      %add3A_528 = vector.broadcast %add3A_527 : i32 to vector<16xi32>
      %add3A_529 = arith.addi %iota3A_526, %add3A_528 : vector<16xi32>
      %gather3A_530 = tpu.vector_load_idx %arg11[%add3A_529, %broadcast_in_dim3A_495] : memref<64x128xf32, #tpu.memory_space<vmem>>[vector<16xi32>, vector<16xi32>], vector<16xf32>,
      %add3A_531 = arith.constant 5 : i32
      %add3A_532 = arith.addi %mul3A_82, %add3A_531 : i32
      %swap3A_533 = arith.index_cast %add3A_532 : i32 to index
      %swap3A_534 = arith.constant 48 : index
      %swap3A_535 = tpu.vector_load %arg16[%swap3A_533, %swap3A_534] {strides = array<i32>} : memref<128x64xf32, #tpu.memory_space<vmem>>, vector<16xf32>,
      tpu.vector_store %arg16[%swap3A_533, %swap3A_534], %gather3A_530 {strides = array<i32>} : memref<128x64xf32, #tpu.memory_space<vmem>>, vector<16xf32>,
      %slice3A_536 = vector.extract_strided_slice %get3A_85 {offsets = [15], sizes = [1], strides = [1]} : vector<16xi32> to vector<1xi32>
      %squeeze3A_537 = vector.extract %slice3A_536[0] : i32 from vector<1xi32>
      %shift_right_arithmetic3A_538 = arith.constant 7 : i32
      %shift_right_arithmetic3A_539 = arith.shrsi %squeeze3A_537, %shift_right_arithmetic3A_538 : i32
      %mul3A_540 = arith.constant 128 : i32
      %mul3A_541 = arith.muli %shift_right_arithmetic3A_539, %mul3A_540 : i32
      %multiple_of3A_542 = tpu.assume_multiple %mul3A_541, 128 : i32
      %dma_start3A_543 = arith.constant 0 : i32
      %dma_start3A_544 = tpu.memref_slice %arg3[%dma_start3A_543, %multiple_of3A_542] : memref<64x1000000xf32, #tpu.memory_space<hbm>> -> memref<64x128xf32, #tpu.memory_space<hbm>>
      %dma_start3A_545 = arith.constant 0 : i32
      %dma_start3A_546 = tpu.memref_slice %arg3[%dma_start3A_545, %multiple_of3A_542] : memref<64x1000000xf32, #tpu.memory_space<hbm>> -> memref<64x128xf32, #tpu.memory_space<hbm>>
      tpu.enqueue_dma source(%dma_start3A_546 : memref<64x128xf32, #tpu.memory_space<hbm>>) target(%arg11 : memref<64x128xf32, #tpu.memory_space<vmem>>) target_semaphore(%arg18 : memref<!tpu.dma_semaphore, #tpu.memory_space<semaphore_mem>>)
      %dma_wait3A_547 = arith.constant 0 : i32
      %dma_wait3A_548 = tpu.memref_slice %arg3[%dma_wait3A_547, %multiple_of3A_154] : memref<64x1000000xf32, #tpu.memory_space<hbm>> -> memref<64x128xf32, #tpu.memory_space<hbm>>
      %dma_wait3A_549 = arith.constant 0 : i32
      %dma_wait3A_550 = tpu.memref_slice %arg3[%dma_wait3A_549, %multiple_of3A_154] : memref<64x1000000xf32, #tpu.memory_space<hbm>> -> memref<64x128xf32, #tpu.memory_space<hbm>>
      tpu.wait_dma2 semaphore(%arg18 : memref<!tpu.dma_semaphore, #tpu.memory_space<semaphore_mem>>) src(%dma_wait3A_550 : memref<64x128xf32, #tpu.memory_space<hbm>>) dst(%arg12 : memref<64x128xf32, #tpu.memory_space<vmem>>)
      %slice3A_551 = vector.extract_strided_slice %get3A_85 {offsets = [6], sizes = [1], strides = [1]} : vector<16xi32> to vector<1xi32>
      %squeeze3A_552 = vector.extract %slice3A_551[0] : i32 from vector<1xi32>
      %and3A_553 = arith.constant 127 : i32
      %and3A_554 = arith.andi %squeeze3A_552, %and3A_553 : i32
      %broadcast_in_dim3A_555 = vector.broadcast %and3A_554 : i32 to vector<16xi32>
      %iota3A_556 = tpu.iota {dimensions = array<i32: 0>} : vector<16xi32>
      %add3A_557 = arith.constant 0 : i32
      %add3A_558 = vector.broadcast %add3A_557 : i32 to vector<16xi32>
      %add3A_559 = arith.addi %iota3A_556, %add3A_558 : vector<16xi32>
      %gather3A_560 = tpu.vector_load_idx %arg12[%add3A_559, %broadcast_in_dim3A_555] : memref<64x128xf32, #tpu.memory_space<vmem>>[vector<16xi32>, vector<16xi32>], vector<16xf32>,
      %add3A_561 = arith.constant 6 : i32
      %add3A_562 = arith.addi %mul3A_82, %add3A_561 : i32
      %swap3A_563 = arith.index_cast %add3A_562 : i32 to index
      %swap3A_564 = arith.constant 0 : index
      %swap3A_565 = tpu.vector_load %arg16[%swap3A_563, %swap3A_564] {strides = array<i32>} : memref<128x64xf32, #tpu.memory_space<vmem>>, vector<16xf32>,
      tpu.vector_store %arg16[%swap3A_563, %swap3A_564], %gather3A_560 {strides = array<i32>} : memref<128x64xf32, #tpu.memory_space<vmem>>, vector<16xf32>,
      %iota3A_566 = tpu.iota {dimensions = array<i32: 0>} : vector<16xi32>
      %add3A_567 = arith.constant 16 : i32
      %add3A_568 = vector.broadcast %add3A_567 : i32 to vector<16xi32>
      %add3A_569 = arith.addi %iota3A_566, %add3A_568 : vector<16xi32>
      %gather3A_570 = tpu.vector_load_idx %arg12[%add3A_569, %broadcast_in_dim3A_555] : memref<64x128xf32, #tpu.memory_space<vmem>>[vector<16xi32>, vector<16xi32>], vector<16xf32>,
      %add3A_571 = arith.constant 6 : i32
      %add3A_572 = arith.addi %mul3A_82, %add3A_571 : i32
      %swap3A_573 = arith.index_cast %add3A_572 : i32 to index
      %swap3A_574 = arith.constant 16 : index
      %swap3A_575 = tpu.vector_load %arg16[%swap3A_573, %swap3A_574] {strides = array<i32>} : memref<128x64xf32, #tpu.memory_space<vmem>>, vector<16xf32>,
      tpu.vector_store %arg16[%swap3A_573, %swap3A_574], %gather3A_570 {strides = array<i32>} : memref<128x64xf32, #tpu.memory_space<vmem>>, vector<16xf32>,
      %iota3A_576 = tpu.iota {dimensions = array<i32: 0>} : vector<16xi32>
      %add3A_577 = arith.constant 32 : i32
      %add3A_578 = vector.broadcast %add3A_577 : i32 to vector<16xi32>
      %add3A_579 = arith.addi %iota3A_576, %add3A_578 : vector<16xi32>
      %gather3A_580 = tpu.vector_load_idx %arg12[%add3A_579, %broadcast_in_dim3A_555] : memref<64x128xf32, #tpu.memory_space<vmem>>[vector<16xi32>, vector<16xi32>], vector<16xf32>,
      %add3A_581 = arith.constant 6 : i32
      %add3A_582 = arith.addi %mul3A_82, %add3A_581 : i32
      %swap3A_583 = arith.index_cast %add3A_582 : i32 to index
      %swap3A_584 = arith.constant 32 : index
      %swap3A_585 = tpu.vector_load %arg16[%swap3A_583, %swap3A_584] {strides = array<i32>} : memref<128x64xf32, #tpu.memory_space<vmem>>, vector<16xf32>,
      tpu.vector_store %arg16[%swap3A_583, %swap3A_584], %gather3A_580 {strides = array<i32>} : memref<128x64xf32, #tpu.memory_space<vmem>>, vector<16xf32>,
      %iota3A_586 = tpu.iota {dimensions = array<i32: 0>} : vector<16xi32>
      %add3A_587 = arith.constant 48 : i32
      %add3A_588 = vector.broadcast %add3A_587 : i32 to vector<16xi32>
      %add3A_589 = arith.addi %iota3A_586, %add3A_588 : vector<16xi32>
      %gather3A_590 = tpu.vector_load_idx %arg12[%add3A_589, %broadcast_in_dim3A_555] : memref<64x128xf32, #tpu.memory_space<vmem>>[vector<16xi32>, vector<16xi32>], vector<16xf32>,
      %add3A_591 = arith.constant 6 : i32
      %add3A_592 = arith.addi %mul3A_82, %add3A_591 : i32
      %swap3A_593 = arith.index_cast %add3A_592 : i32 to index
      %swap3A_594 = arith.constant 48 : index
      %swap3A_595 = tpu.vector_load %arg16[%swap3A_593, %swap3A_594] {strides = array<i32>} : memref<128x64xf32, #tpu.memory_space<vmem>>, vector<16xf32>,
      tpu.vector_store %arg16[%swap3A_593, %swap3A_594], %gather3A_590 {strides = array<i32>} : memref<128x64xf32, #tpu.memory_space<vmem>>, vector<16xf32>,
      %dma_wait3A_596 = arith.constant 0 : i32
      %dma_wait3A_597 = tpu.memref_slice %arg3[%dma_wait3A_596, %multiple_of3A_165] : memref<64x1000000xf32, #tpu.memory_space<hbm>> -> memref<64x128xf32, #tpu.memory_space<hbm>>
      %dma_wait3A_598 = arith.constant 0 : i32
      %dma_wait3A_599 = tpu.memref_slice %arg3[%dma_wait3A_598, %multiple_of3A_165] : memref<64x1000000xf32, #tpu.memory_space<hbm>> -> memref<64x128xf32, #tpu.memory_space<hbm>>
      tpu.wait_dma2 semaphore(%arg18 : memref<!tpu.dma_semaphore, #tpu.memory_space<semaphore_mem>>) src(%dma_wait3A_599 : memref<64x128xf32, #tpu.memory_space<hbm>>) dst(%arg13 : memref<64x128xf32, #tpu.memory_space<vmem>>)
      %slice3A_600 = vector.extract_strided_slice %get3A_85 {offsets = [7], sizes = [1], strides = [1]} : vector<16xi32> to vector<1xi32>
      %squeeze3A_601 = vector.extract %slice3A_600[0] : i32 from vector<1xi32>
      %and3A_602 = arith.constant 127 : i32
      %and3A_603 = arith.andi %squeeze3A_601, %and3A_602 : i32
      %broadcast_in_dim3A_604 = vector.broadcast %and3A_603 : i32 to vector<16xi32>
      %iota3A_605 = tpu.iota {dimensions = array<i32: 0>} : vector<16xi32>
      %add3A_606 = arith.constant 0 : i32
      %add3A_607 = vector.broadcast %add3A_606 : i32 to vector<16xi32>
      %add3A_608 = arith.addi %iota3A_605, %add3A_607 : vector<16xi32>
      %gather3A_609 = tpu.vector_load_idx %arg13[%add3A_608, %broadcast_in_dim3A_604] : memref<64x128xf32, #tpu.memory_space<vmem>>[vector<16xi32>, vector<16xi32>], vector<16xf32>,
      %add3A_610 = arith.constant 7 : i32
      %add3A_611 = arith.addi %mul3A_82, %add3A_610 : i32
      %swap3A_612 = arith.index_cast %add3A_611 : i32 to index
      %swap3A_613 = arith.constant 0 : index
      %swap3A_614 = tpu.vector_load %arg16[%swap3A_612, %swap3A_613] {strides = array<i32>} : memref<128x64xf32, #tpu.memory_space<vmem>>, vector<16xf32>,
      tpu.vector_store %arg16[%swap3A_612, %swap3A_613], %gather3A_609 {strides = array<i32>} : memref<128x64xf32, #tpu.memory_space<vmem>>, vector<16xf32>,
      %iota3A_615 = tpu.iota {dimensions = array<i32: 0>} : vector<16xi32>
      %add3A_616 = arith.constant 16 : i32
      %add3A_617 = vector.broadcast %add3A_616 : i32 to vector<16xi32>
      %add3A_618 = arith.addi %iota3A_615, %add3A_617 : vector<16xi32>
      %gather3A_619 = tpu.vector_load_idx %arg13[%add3A_618, %broadcast_in_dim3A_604] : memref<64x128xf32, #tpu.memory_space<vmem>>[vector<16xi32>, vector<16xi32>], vector<16xf32>,
      %add3A_620 = arith.constant 7 : i32
      %add3A_621 = arith.addi %mul3A_82, %add3A_620 : i32
      %swap3A_622 = arith.index_cast %add3A_621 : i32 to index
      %swap3A_623 = arith.constant 16 : index
      %swap3A_624 = tpu.vector_load %arg16[%swap3A_622, %swap3A_623] {strides = array<i32>} : memref<128x64xf32, #tpu.memory_space<vmem>>, vector<16xf32>,
      tpu.vector_store %arg16[%swap3A_622, %swap3A_623], %gather3A_619 {strides = array<i32>} : memref<128x64xf32, #tpu.memory_space<vmem>>, vector<16xf32>,
      %iota3A_625 = tpu.iota {dimensions = array<i32: 0>} : vector<16xi32>
      %add3A_626 = arith.constant 32 : i32
      %add3A_627 = vector.broadcast %add3A_626 : i32 to vector<16xi32>
      %add3A_628 = arith.addi %iota3A_625, %add3A_627 : vector<16xi32>
      %gather3A_629 = tpu.vector_load_idx %arg13[%add3A_628, %broadcast_in_dim3A_604] : memref<64x128xf32, #tpu.memory_space<vmem>>[vector<16xi32>, vector<16xi32>], vector<16xf32>,
      %add3A_630 = arith.constant 7 : i32
      %add3A_631 = arith.addi %mul3A_82, %add3A_630 : i32
      %swap3A_632 = arith.index_cast %add3A_631 : i32 to index
      %swap3A_633 = arith.constant 32 : index
      %swap3A_634 = tpu.vector_load %arg16[%swap3A_632, %swap3A_633] {strides = array<i32>} : memref<128x64xf32, #tpu.memory_space<vmem>>, vector<16xf32>,
      tpu.vector_store %arg16[%swap3A_632, %swap3A_633], %gather3A_629 {strides = array<i32>} : memref<128x64xf32, #tpu.memory_space<vmem>>, vector<16xf32>,
      %iota3A_635 = tpu.iota {dimensions = array<i32: 0>} : vector<16xi32>
      %add3A_636 = arith.constant 48 : i32
      %add3A_637 = vector.broadcast %add3A_636 : i32 to vector<16xi32>
      %add3A_638 = arith.addi %iota3A_635, %add3A_637 : vector<16xi32>
      %gather3A_639 = tpu.vector_load_idx %arg13[%add3A_638, %broadcast_in_dim3A_604] : memref<64x128xf32, #tpu.memory_space<vmem>>[vector<16xi32>, vector<16xi32>], vector<16xf32>,
      %add3A_640 = arith.constant 7 : i32
      %add3A_641 = arith.addi %mul3A_82, %add3A_640 : i32
      %swap3A_642 = arith.index_cast %add3A_641 : i32 to index
      %swap3A_643 = arith.constant 48 : index
      %swap3A_644 = tpu.vector_load %arg16[%swap3A_642, %swap3A_643] {strides = array<i32>} : memref<128x64xf32, #tpu.memory_space<vmem>>, vector<16xf32>,
      tpu.vector_store %arg16[%swap3A_642, %swap3A_643], %gather3A_639 {strides = array<i32>} : memref<128x64xf32, #tpu.memory_space<vmem>>, vector<16xf32>,
      %dma_wait3A_645 = arith.constant 0 : i32
      %dma_wait3A_646 = tpu.memref_slice %arg3[%dma_wait3A_645, %multiple_of3A_176] : memref<64x1000000xf32, #tpu.memory_space<hbm>> -> memref<64x128xf32, #tpu.memory_space<hbm>>
      %dma_wait3A_647 = arith.constant 0 : i32
      %dma_wait3A_648 = tpu.memref_slice %arg3[%dma_wait3A_647, %multiple_of3A_176] : memref<64x1000000xf32, #tpu.memory_space<hbm>> -> memref<64x128xf32, #tpu.memory_space<hbm>>
      tpu.wait_dma2 semaphore(%arg18 : memref<!tpu.dma_semaphore, #tpu.memory_space<semaphore_mem>>) src(%dma_wait3A_648 : memref<64x128xf32, #tpu.memory_space<hbm>>) dst(%arg14 : memref<64x128xf32, #tpu.memory_space<vmem>>)
      %slice3A_649 = vector.extract_strided_slice %get3A_85 {offsets = [8], sizes = [1], strides = [1]} : vector<16xi32> to vector<1xi32>
      %squeeze3A_650 = vector.extract %slice3A_649[0] : i32 from vector<1xi32>
      %and3A_651 = arith.constant 127 : i32
      %and3A_652 = arith.andi %squeeze3A_650, %and3A_651 : i32
      %broadcast_in_dim3A_653 = vector.broadcast %and3A_652 : i32 to vector<16xi32>
      %iota3A_654 = tpu.iota {dimensions = array<i32: 0>} : vector<16xi32>
      %add3A_655 = arith.constant 0 : i32
      %add3A_656 = vector.broadcast %add3A_655 : i32 to vector<16xi32>
      %add3A_657 = arith.addi %iota3A_654, %add3A_656 : vector<16xi32>
      %gather3A_658 = tpu.vector_load_idx %arg14[%add3A_657, %broadcast_in_dim3A_653] : memref<64x128xf32, #tpu.memory_space<vmem>>[vector<16xi32>, vector<16xi32>], vector<16xf32>,
      %add3A_659 = arith.constant 8 : i32
      %add3A_660 = arith.addi %mul3A_82, %add3A_659 : i32
      %swap3A_661 = arith.index_cast %add3A_660 : i32 to index
      %swap3A_662 = arith.constant 0 : index
      %swap3A_663 = tpu.vector_load %arg16[%swap3A_661, %swap3A_662] {strides = array<i32>} : memref<128x64xf32, #tpu.memory_space<vmem>>, vector<16xf32>,
      tpu.vector_store %arg16[%swap3A_661, %swap3A_662], %gather3A_658 {strides = array<i32>} : memref<128x64xf32, #tpu.memory_space<vmem>>, vector<16xf32>,
      %iota3A_664 = tpu.iota {dimensions = array<i32: 0>} : vector<16xi32>
      %add3A_665 = arith.constant 16 : i32
      %add3A_666 = vector.broadcast %add3A_665 : i32 to vector<16xi32>
      %add3A_667 = arith.addi %iota3A_664, %add3A_666 : vector<16xi32>
      %gather3A_668 = tpu.vector_load_idx %arg14[%add3A_667, %broadcast_in_dim3A_653] : memref<64x128xf32, #tpu.memory_space<vmem>>[vector<16xi32>, vector<16xi32>], vector<16xf32>,
      %add3A_669 = arith.constant 8 : i32
      %add3A_670 = arith.addi %mul3A_82, %add3A_669 : i32
      %swap3A_671 = arith.index_cast %add3A_670 : i32 to index
      %swap3A_672 = arith.constant 16 : index
      %swap3A_673 = tpu.vector_load %arg16[%swap3A_671, %swap3A_672] {strides = array<i32>} : memref<128x64xf32, #tpu.memory_space<vmem>>, vector<16xf32>,
      tpu.vector_store %arg16[%swap3A_671, %swap3A_672], %gather3A_668 {strides = array<i32>} : memref<128x64xf32, #tpu.memory_space<vmem>>, vector<16xf32>,
      %iota3A_674 = tpu.iota {dimensions = array<i32: 0>} : vector<16xi32>
      %add3A_675 = arith.constant 32 : i32
      %add3A_676 = vector.broadcast %add3A_675 : i32 to vector<16xi32>
      %add3A_677 = arith.addi %iota3A_674, %add3A_676 : vector<16xi32>
      %gather3A_678 = tpu.vector_load_idx %arg14[%add3A_677, %broadcast_in_dim3A_653] : memref<64x128xf32, #tpu.memory_space<vmem>>[vector<16xi32>, vector<16xi32>], vector<16xf32>,
      %add3A_679 = arith.constant 8 : i32
      %add3A_680 = arith.addi %mul3A_82, %add3A_679 : i32
      %swap3A_681 = arith.index_cast %add3A_680 : i32 to index
      %swap3A_682 = arith.constant 32 : index
      %swap3A_683 = tpu.vector_load %arg16[%swap3A_681, %swap3A_682] {strides = array<i32>} : memref<128x64xf32, #tpu.memory_space<vmem>>, vector<16xf32>,
      tpu.vector_store %arg16[%swap3A_681, %swap3A_682], %gather3A_678 {strides = array<i32>} : memref<128x64xf32, #tpu.memory_space<vmem>>, vector<16xf32>,
      %iota3A_684 = tpu.iota {dimensions = array<i32: 0>} : vector<16xi32>
      %add3A_685 = arith.constant 48 : i32
      %add3A_686 = vector.broadcast %add3A_685 : i32 to vector<16xi32>
      %add3A_687 = arith.addi %iota3A_684, %add3A_686 : vector<16xi32>
      %gather3A_688 = tpu.vector_load_idx %arg14[%add3A_687, %broadcast_in_dim3A_653] : memref<64x128xf32, #tpu.memory_space<vmem>>[vector<16xi32>, vector<16xi32>], vector<16xf32>,
      %add3A_689 = arith.constant 8 : i32
      %add3A_690 = arith.addi %mul3A_82, %add3A_689 : i32
      %swap3A_691 = arith.index_cast %add3A_690 : i32 to index
      %swap3A_692 = arith.constant 48 : index
      %swap3A_693 = tpu.vector_load %arg16[%swap3A_691, %swap3A_692] {strides = array<i32>} : memref<128x64xf32, #tpu.memory_space<vmem>>, vector<16xf32>,
      tpu.vector_store %arg16[%swap3A_691, %swap3A_692], %gather3A_688 {strides = array<i32>} : memref<128x64xf32, #tpu.memory_space<vmem>>, vector<16xf32>,
      %dma_wait3A_694 = arith.constant 0 : i32
      %dma_wait3A_695 = tpu.memref_slice %arg3[%dma_wait3A_694, %multiple_of3A_187] : memref<64x1000000xf32, #tpu.memory_space<hbm>> -> memref<64x128xf32, #tpu.memory_space<hbm>>
      %dma_wait3A_696 = arith.constant 0 : i32
      %dma_wait3A_697 = tpu.memref_slice %arg3[%dma_wait3A_696, %multiple_of3A_187] : memref<64x1000000xf32, #tpu.memory_space<hbm>> -> memref<64x128xf32, #tpu.memory_space<hbm>>
      tpu.wait_dma2 semaphore(%arg18 : memref<!tpu.dma_semaphore, #tpu.memory_space<semaphore_mem>>) src(%dma_wait3A_697 : memref<64x128xf32, #tpu.memory_space<hbm>>) dst(%arg15 : memref<64x128xf32, #tpu.memory_space<vmem>>)
      %slice3A_698 = vector.extract_strided_slice %get3A_85 {offsets = [9], sizes = [1], strides = [1]} : vector<16xi32> to vector<1xi32>
      %squeeze3A_699 = vector.extract %slice3A_698[0] : i32 from vector<1xi32>
      %and3A_700 = arith.constant 127 : i32
      %and3A_701 = arith.andi %squeeze3A_699, %and3A_700 : i32
      %broadcast_in_dim3A_702 = vector.broadcast %and3A_701 : i32 to vector<16xi32>
      %iota3A_703 = tpu.iota {dimensions = array<i32: 0>} : vector<16xi32>
      %add3A_704 = arith.constant 0 : i32
      %add3A_705 = vector.broadcast %add3A_704 : i32 to vector<16xi32>
      %add3A_706 = arith.addi %iota3A_703, %add3A_705 : vector<16xi32>
      %gather3A_707 = tpu.vector_load_idx %arg15[%add3A_706, %broadcast_in_dim3A_702] : memref<64x128xf32, #tpu.memory_space<vmem>>[vector<16xi32>, vector<16xi32>], vector<16xf32>,
      %add3A_708 = arith.constant 9 : i32
      %add3A_709 = arith.addi %mul3A_82, %add3A_708 : i32
      %swap3A_710 = arith.index_cast %add3A_709 : i32 to index
      %swap3A_711 = arith.constant 0 : index
      %swap3A_712 = tpu.vector_load %arg16[%swap3A_710, %swap3A_711] {strides = array<i32>} : memref<128x64xf32, #tpu.memory_space<vmem>>, vector<16xf32>,
      tpu.vector_store %arg16[%swap3A_710, %swap3A_711], %gather3A_707 {strides = array<i32>} : memref<128x64xf32, #tpu.memory_space<vmem>>, vector<16xf32>,
      %iota3A_713 = tpu.iota {dimensions = array<i32: 0>} : vector<16xi32>
      %add3A_714 = arith.constant 16 : i32
      %add3A_715 = vector.broadcast %add3A_714 : i32 to vector<16xi32>
      %add3A_716 = arith.addi %iota3A_713, %add3A_715 : vector<16xi32>
      %gather3A_717 = tpu.vector_load_idx %arg15[%add3A_716, %broadcast_in_dim3A_702] : memref<64x128xf32, #tpu.memory_space<vmem>>[vector<16xi32>, vector<16xi32>], vector<16xf32>,
      %add3A_718 = arith.constant 9 : i32
      %add3A_719 = arith.addi %mul3A_82, %add3A_718 : i32
      %swap3A_720 = arith.index_cast %add3A_719 : i32 to index
      %swap3A_721 = arith.constant 16 : index
      %swap3A_722 = tpu.vector_load %arg16[%swap3A_720, %swap3A_721] {strides = array<i32>} : memref<128x64xf32, #tpu.memory_space<vmem>>, vector<16xf32>,
      tpu.vector_store %arg16[%swap3A_720, %swap3A_721], %gather3A_717 {strides = array<i32>} : memref<128x64xf32, #tpu.memory_space<vmem>>, vector<16xf32>,
      %iota3A_723 = tpu.iota {dimensions = array<i32: 0>} : vector<16xi32>
      %add3A_724 = arith.constant 32 : i32
      %add3A_725 = vector.broadcast %add3A_724 : i32 to vector<16xi32>
      %add3A_726 = arith.addi %iota3A_723, %add3A_725 : vector<16xi32>
      %gather3A_727 = tpu.vector_load_idx %arg15[%add3A_726, %broadcast_in_dim3A_702] : memref<64x128xf32, #tpu.memory_space<vmem>>[vector<16xi32>, vector<16xi32>], vector<16xf32>,
      %add3A_728 = arith.constant 9 : i32
      %add3A_729 = arith.addi %mul3A_82, %add3A_728 : i32
      %swap3A_730 = arith.index_cast %add3A_729 : i32 to index
      %swap3A_731 = arith.constant 32 : index
      %swap3A_732 = tpu.vector_load %arg16[%swap3A_730, %swap3A_731] {strides = array<i32>} : memref<128x64xf32, #tpu.memory_space<vmem>>, vector<16xf32>,
      tpu.vector_store %arg16[%swap3A_730, %swap3A_731], %gather3A_727 {strides = array<i32>} : memref<128x64xf32, #tpu.memory_space<vmem>>, vector<16xf32>,
      %iota3A_733 = tpu.iota {dimensions = array<i32: 0>} : vector<16xi32>
      %add3A_734 = arith.constant 48 : i32
      %add3A_735 = vector.broadcast %add3A_734 : i32 to vector<16xi32>
      %add3A_736 = arith.addi %iota3A_733, %add3A_735 : vector<16xi32>
      %gather3A_737 = tpu.vector_load_idx %arg15[%add3A_736, %broadcast_in_dim3A_702] : memref<64x128xf32, #tpu.memory_space<vmem>>[vector<16xi32>, vector<16xi32>], vector<16xf32>,
      %add3A_738 = arith.constant 9 : i32
      %add3A_739 = arith.addi %mul3A_82, %add3A_738 : i32
      %swap3A_740 = arith.index_cast %add3A_739 : i32 to index
      %swap3A_741 = arith.constant 48 : index
      %swap3A_742 = tpu.vector_load %arg16[%swap3A_740, %swap3A_741] {strides = array<i32>} : memref<128x64xf32, #tpu.memory_space<vmem>>, vector<16xf32>,
      tpu.vector_store %arg16[%swap3A_740, %swap3A_741], %gather3A_737 {strides = array<i32>} : memref<128x64xf32, #tpu.memory_space<vmem>>, vector<16xf32>,
      %dma_wait3A_743 = arith.constant 0 : i32
      %dma_wait3A_744 = tpu.memref_slice %arg3[%dma_wait3A_743, %multiple_of3A_242] : memref<64x1000000xf32, #tpu.memory_space<hbm>> -> memref<64x128xf32, #tpu.memory_space<hbm>>
      %dma_wait3A_745 = arith.constant 0 : i32
      %dma_wait3A_746 = tpu.memref_slice %arg3[%dma_wait3A_745, %multiple_of3A_242] : memref<64x1000000xf32, #tpu.memory_space<hbm>> -> memref<64x128xf32, #tpu.memory_space<hbm>>
      tpu.wait_dma2 semaphore(%arg18 : memref<!tpu.dma_semaphore, #tpu.memory_space<semaphore_mem>>) src(%dma_wait3A_746 : memref<64x128xf32, #tpu.memory_space<hbm>>) dst(%arg6 : memref<64x128xf32, #tpu.memory_space<vmem>>)
      %slice3A_747 = vector.extract_strided_slice %get3A_85 {offsets = [10], sizes = [1], strides = [1]} : vector<16xi32> to vector<1xi32>
      %squeeze3A_748 = vector.extract %slice3A_747[0] : i32 from vector<1xi32>
      %and3A_749 = arith.constant 127 : i32
      %and3A_750 = arith.andi %squeeze3A_748, %and3A_749 : i32
      %broadcast_in_dim3A_751 = vector.broadcast %and3A_750 : i32 to vector<16xi32>
      %iota3A_752 = tpu.iota {dimensions = array<i32: 0>} : vector<16xi32>
      %add3A_753 = arith.constant 0 : i32
      %add3A_754 = vector.broadcast %add3A_753 : i32 to vector<16xi32>
      %add3A_755 = arith.addi %iota3A_752, %add3A_754 : vector<16xi32>
      %gather3A_756 = tpu.vector_load_idx %arg6[%add3A_755, %broadcast_in_dim3A_751] : memref<64x128xf32, #tpu.memory_space<vmem>>[vector<16xi32>, vector<16xi32>], vector<16xf32>,
      %add3A_757 = arith.constant 10 : i32
      %add3A_758 = arith.addi %mul3A_82, %add3A_757 : i32
      %swap3A_759 = arith.index_cast %add3A_758 : i32 to index
      %swap3A_760 = arith.constant 0 : index
      %swap3A_761 = tpu.vector_load %arg16[%swap3A_759, %swap3A_760] {strides = array<i32>} : memref<128x64xf32, #tpu.memory_space<vmem>>, vector<16xf32>,
      tpu.vector_store %arg16[%swap3A_759, %swap3A_760], %gather3A_756 {strides = array<i32>} : memref<128x64xf32, #tpu.memory_space<vmem>>, vector<16xf32>,
      %iota3A_762 = tpu.iota {dimensions = array<i32: 0>} : vector<16xi32>
      %add3A_763 = arith.constant 16 : i32
      %add3A_764 = vector.broadcast %add3A_763 : i32 to vector<16xi32>
      %add3A_765 = arith.addi %iota3A_762, %add3A_764 : vector<16xi32>
      %gather3A_766 = tpu.vector_load_idx %arg6[%add3A_765, %broadcast_in_dim3A_751] : memref<64x128xf32, #tpu.memory_space<vmem>>[vector<16xi32>, vector<16xi32>], vector<16xf32>,
      %add3A_767 = arith.constant 10 : i32
      %add3A_768 = arith.addi %mul3A_82, %add3A_767 : i32
      %swap3A_769 = arith.index_cast %add3A_768 : i32 to index
      %swap3A_770 = arith.constant 16 : index
      %swap3A_771 = tpu.vector_load %arg16[%swap3A_769, %swap3A_770] {strides = array<i32>} : memref<128x64xf32, #tpu.memory_space<vmem>>, vector<16xf32>,
      tpu.vector_store %arg16[%swap3A_769, %swap3A_770], %gather3A_766 {strides = array<i32>} : memref<128x64xf32, #tpu.memory_space<vmem>>, vector<16xf32>,
      %iota3A_772 = tpu.iota {dimensions = array<i32: 0>} : vector<16xi32>
      %add3A_773 = arith.constant 32 : i32
      %add3A_774 = vector.broadcast %add3A_773 : i32 to vector<16xi32>
      %add3A_775 = arith.addi %iota3A_772, %add3A_774 : vector<16xi32>
      %gather3A_776 = tpu.vector_load_idx %arg6[%add3A_775, %broadcast_in_dim3A_751] : memref<64x128xf32, #tpu.memory_space<vmem>>[vector<16xi32>, vector<16xi32>], vector<16xf32>,
      %add3A_777 = arith.constant 10 : i32
      %add3A_778 = arith.addi %mul3A_82, %add3A_777 : i32
      %swap3A_779 = arith.index_cast %add3A_778 : i32 to index
      %swap3A_780 = arith.constant 32 : index
      %swap3A_781 = tpu.vector_load %arg16[%swap3A_779, %swap3A_780] {strides = array<i32>} : memref<128x64xf32, #tpu.memory_space<vmem>>, vector<16xf32>,
      tpu.vector_store %arg16[%swap3A_779, %swap3A_780], %gather3A_776 {strides = array<i32>} : memref<128x64xf32, #tpu.memory_space<vmem>>, vector<16xf32>,
      %iota3A_782 = tpu.iota {dimensions = array<i32: 0>} : vector<16xi32>
      %add3A_783 = arith.constant 48 : i32
      %add3A_784 = vector.broadcast %add3A_783 : i32 to vector<16xi32>
      %add3A_785 = arith.addi %iota3A_782, %add3A_784 : vector<16xi32>
      %gather3A_786 = tpu.vector_load_idx %arg6[%add3A_785, %broadcast_in_dim3A_751] : memref<64x128xf32, #tpu.memory_space<vmem>>[vector<16xi32>, vector<16xi32>], vector<16xf32>,
      %add3A_787 = arith.constant 10 : i32
      %add3A_788 = arith.addi %mul3A_82, %add3A_787 : i32
      %swap3A_789 = arith.index_cast %add3A_788 : i32 to index
      %swap3A_790 = arith.constant 48 : index
      %swap3A_791 = tpu.vector_load %arg16[%swap3A_789, %swap3A_790] {strides = array<i32>} : memref<128x64xf32, #tpu.memory_space<vmem>>, vector<16xf32>,
      tpu.vector_store %arg16[%swap3A_789, %swap3A_790], %gather3A_786 {strides = array<i32>} : memref<128x64xf32, #tpu.memory_space<vmem>>, vector<16xf32>,
      %dma_wait3A_792 = arith.constant 0 : i32
      %dma_wait3A_793 = tpu.memref_slice %arg3[%dma_wait3A_792, %multiple_of3A_302] : memref<64x1000000xf32, #tpu.memory_space<hbm>> -> memref<64x128xf32, #tpu.memory_space<hbm>>
      %dma_wait3A_794 = arith.constant 0 : i32
      %dma_wait3A_795 = tpu.memref_slice %arg3[%dma_wait3A_794, %multiple_of3A_302] : memref<64x1000000xf32, #tpu.memory_space<hbm>> -> memref<64x128xf32, #tpu.memory_space<hbm>>
      tpu.wait_dma2 semaphore(%arg18 : memref<!tpu.dma_semaphore, #tpu.memory_space<semaphore_mem>>) src(%dma_wait3A_795 : memref<64x128xf32, #tpu.memory_space<hbm>>) dst(%arg7 : memref<64x128xf32, #tpu.memory_space<vmem>>)
      %slice3A_796 = vector.extract_strided_slice %get3A_85 {offsets = [11], sizes = [1], strides = [1]} : vector<16xi32> to vector<1xi32>
      %squeeze3A_797 = vector.extract %slice3A_796[0] : i32 from vector<1xi32>
      %and3A_798 = arith.constant 127 : i32
      %and3A_799 = arith.andi %squeeze3A_797, %and3A_798 : i32
      %broadcast_in_dim3A_800 = vector.broadcast %and3A_799 : i32 to vector<16xi32>
      %iota3A_801 = tpu.iota {dimensions = array<i32: 0>} : vector<16xi32>
      %add3A_802 = arith.constant 0 : i32
      %add3A_803 = vector.broadcast %add3A_802 : i32 to vector<16xi32>
      %add3A_804 = arith.addi %iota3A_801, %add3A_803 : vector<16xi32>
      %gather3A_805 = tpu.vector_load_idx %arg7[%add3A_804, %broadcast_in_dim3A_800] : memref<64x128xf32, #tpu.memory_space<vmem>>[vector<16xi32>, vector<16xi32>], vector<16xf32>,
      %add3A_806 = arith.constant 11 : i32
      %add3A_807 = arith.addi %mul3A_82, %add3A_806 : i32
      %swap3A_808 = arith.index_cast %add3A_807 : i32 to index
      %swap3A_809 = arith.constant 0 : index
      %swap3A_810 = tpu.vector_load %arg16[%swap3A_808, %swap3A_809] {strides = array<i32>} : memref<128x64xf32, #tpu.memory_space<vmem>>, vector<16xf32>,
      tpu.vector_store %arg16[%swap3A_808, %swap3A_809], %gather3A_805 {strides = array<i32>} : memref<128x64xf32, #tpu.memory_space<vmem>>, vector<16xf32>,
      %iota3A_811 = tpu.iota {dimensions = array<i32: 0>} : vector<16xi32>
      %add3A_812 = arith.constant 16 : i32
      %add3A_813 = vector.broadcast %add3A_812 : i32 to vector<16xi32>
      %add3A_814 = arith.addi %iota3A_811, %add3A_813 : vector<16xi32>
      %gather3A_815 = tpu.vector_load_idx %arg7[%add3A_814, %broadcast_in_dim3A_800] : memref<64x128xf32, #tpu.memory_space<vmem>>[vector<16xi32>, vector<16xi32>], vector<16xf32>,
      %add3A_816 = arith.constant 11 : i32
      %add3A_817 = arith.addi %mul3A_82, %add3A_816 : i32
      %swap3A_818 = arith.index_cast %add3A_817 : i32 to index
      %swap3A_819 = arith.constant 16 : index
      %swap3A_820 = tpu.vector_load %arg16[%swap3A_818, %swap3A_819] {strides = array<i32>} : memref<128x64xf32, #tpu.memory_space<vmem>>, vector<16xf32>,
      tpu.vector_store %arg16[%swap3A_818, %swap3A_819], %gather3A_815 {strides = array<i32>} : memref<128x64xf32, #tpu.memory_space<vmem>>, vector<16xf32>,
      %iota3A_821 = tpu.iota {dimensions = array<i32: 0>} : vector<16xi32>
      %add3A_822 = arith.constant 32 : i32
      %add3A_823 = vector.broadcast %add3A_822 : i32 to vector<16xi32>
      %add3A_824 = arith.addi %iota3A_821, %add3A_823 : vector<16xi32>
      %gather3A_825 = tpu.vector_load_idx %arg7[%add3A_824, %broadcast_in_dim3A_800] : memref<64x128xf32, #tpu.memory_space<vmem>>[vector<16xi32>, vector<16xi32>], vector<16xf32>,
      %add3A_826 = arith.constant 11 : i32
      %add3A_827 = arith.addi %mul3A_82, %add3A_826 : i32
      %swap3A_828 = arith.index_cast %add3A_827 : i32 to index
      %swap3A_829 = arith.constant 32 : index
      %swap3A_830 = tpu.vector_load %arg16[%swap3A_828, %swap3A_829] {strides = array<i32>} : memref<128x64xf32, #tpu.memory_space<vmem>>, vector<16xf32>,
      tpu.vector_store %arg16[%swap3A_828, %swap3A_829], %gather3A_825 {strides = array<i32>} : memref<128x64xf32, #tpu.memory_space<vmem>>, vector<16xf32>,
      %iota3A_831 = tpu.iota {dimensions = array<i32: 0>} : vector<16xi32>
      %add3A_832 = arith.constant 48 : i32
      %add3A_833 = vector.broadcast %add3A_832 : i32 to vector<16xi32>
      %add3A_834 = arith.addi %iota3A_831, %add3A_833 : vector<16xi32>
      %gather3A_835 = tpu.vector_load_idx %arg7[%add3A_834, %broadcast_in_dim3A_800] : memref<64x128xf32, #tpu.memory_space<vmem>>[vector<16xi32>, vector<16xi32>], vector<16xf32>,
      %add3A_836 = arith.constant 11 : i32
      %add3A_837 = arith.addi %mul3A_82, %add3A_836 : i32
      %swap3A_838 = arith.index_cast %add3A_837 : i32 to index
      %swap3A_839 = arith.constant 48 : index
      %swap3A_840 = tpu.vector_load %arg16[%swap3A_838, %swap3A_839] {strides = array<i32>} : memref<128x64xf32, #tpu.memory_space<vmem>>, vector<16xf32>,
      tpu.vector_store %arg16[%swap3A_838, %swap3A_839], %gather3A_835 {strides = array<i32>} : memref<128x64xf32, #tpu.memory_space<vmem>>, vector<16xf32>,
      %dma_wait3A_841 = arith.constant 0 : i32
      %dma_wait3A_842 = tpu.memref_slice %arg3[%dma_wait3A_841, %multiple_of3A_362] : memref<64x1000000xf32, #tpu.memory_space<hbm>> -> memref<64x128xf32, #tpu.memory_space<hbm>>
      %dma_wait3A_843 = arith.constant 0 : i32
      %dma_wait3A_844 = tpu.memref_slice %arg3[%dma_wait3A_843, %multiple_of3A_362] : memref<64x1000000xf32, #tpu.memory_space<hbm>> -> memref<64x128xf32, #tpu.memory_space<hbm>>
      tpu.wait_dma2 semaphore(%arg18 : memref<!tpu.dma_semaphore, #tpu.memory_space<semaphore_mem>>) src(%dma_wait3A_844 : memref<64x128xf32, #tpu.memory_space<hbm>>) dst(%arg8 : memref<64x128xf32, #tpu.memory_space<vmem>>)
      %slice3A_845 = vector.extract_strided_slice %get3A_85 {offsets = [12], sizes = [1], strides = [1]} : vector<16xi32> to vector<1xi32>
      %squeeze3A_846 = vector.extract %slice3A_845[0] : i32 from vector<1xi32>
      %and3A_847 = arith.constant 127 : i32
      %and3A_848 = arith.andi %squeeze3A_846, %and3A_847 : i32
      %broadcast_in_dim3A_849 = vector.broadcast %and3A_848 : i32 to vector<16xi32>
      %iota3A_850 = tpu.iota {dimensions = array<i32: 0>} : vector<16xi32>
      %add3A_851 = arith.constant 0 : i32
      %add3A_852 = vector.broadcast %add3A_851 : i32 to vector<16xi32>
      %add3A_853 = arith.addi %iota3A_850, %add3A_852 : vector<16xi32>
      %gather3A_854 = tpu.vector_load_idx %arg8[%add3A_853, %broadcast_in_dim3A_849] : memref<64x128xf32, #tpu.memory_space<vmem>>[vector<16xi32>, vector<16xi32>], vector<16xf32>,
      %add3A_855 = arith.constant 12 : i32
      %add3A_856 = arith.addi %mul3A_82, %add3A_855 : i32
      %swap3A_857 = arith.index_cast %add3A_856 : i32 to index
      %swap3A_858 = arith.constant 0 : index
      %swap3A_859 = tpu.vector_load %arg16[%swap3A_857, %swap3A_858] {strides = array<i32>} : memref<128x64xf32, #tpu.memory_space<vmem>>, vector<16xf32>,
      tpu.vector_store %arg16[%swap3A_857, %swap3A_858], %gather3A_854 {strides = array<i32>} : memref<128x64xf32, #tpu.memory_space<vmem>>, vector<16xf32>,
      %iota3A_860 = tpu.iota {dimensions = array<i32: 0>} : vector<16xi32>
      %add3A_861 = arith.constant 16 : i32
      %add3A_862 = vector.broadcast %add3A_861 : i32 to vector<16xi32>
      %add3A_863 = arith.addi %iota3A_860, %add3A_862 : vector<16xi32>
      %gather3A_864 = tpu.vector_load_idx %arg8[%add3A_863, %broadcast_in_dim3A_849] : memref<64x128xf32, #tpu.memory_space<vmem>>[vector<16xi32>, vector<16xi32>], vector<16xf32>,
      %add3A_865 = arith.constant 12 : i32
      %add3A_866 = arith.addi %mul3A_82, %add3A_865 : i32
      %swap3A_867 = arith.index_cast %add3A_866 : i32 to index
      %swap3A_868 = arith.constant 16 : index
      %swap3A_869 = tpu.vector_load %arg16[%swap3A_867, %swap3A_868] {strides = array<i32>} : memref<128x64xf32, #tpu.memory_space<vmem>>, vector<16xf32>,
      tpu.vector_store %arg16[%swap3A_867, %swap3A_868], %gather3A_864 {strides = array<i32>} : memref<128x64xf32, #tpu.memory_space<vmem>>, vector<16xf32>,
      %iota3A_870 = tpu.iota {dimensions = array<i32: 0>} : vector<16xi32>
      %add3A_871 = arith.constant 32 : i32
      %add3A_872 = vector.broadcast %add3A_871 : i32 to vector<16xi32>
      %add3A_873 = arith.addi %iota3A_870, %add3A_872 : vector<16xi32>
      %gather3A_874 = tpu.vector_load_idx %arg8[%add3A_873, %broadcast_in_dim3A_849] : memref<64x128xf32, #tpu.memory_space<vmem>>[vector<16xi32>, vector<16xi32>], vector<16xf32>,
      %add3A_875 = arith.constant 12 : i32
      %add3A_876 = arith.addi %mul3A_82, %add3A_875 : i32
      %swap3A_877 = arith.index_cast %add3A_876 : i32 to index
      %swap3A_878 = arith.constant 32 : index
      %swap3A_879 = tpu.vector_load %arg16[%swap3A_877, %swap3A_878] {strides = array<i32>} : memref<128x64xf32, #tpu.memory_space<vmem>>, vector<16xf32>,
      tpu.vector_store %arg16[%swap3A_877, %swap3A_878], %gather3A_874 {strides = array<i32>} : memref<128x64xf32, #tpu.memory_space<vmem>>, vector<16xf32>,
      %iota3A_880 = tpu.iota {dimensions = array<i32: 0>} : vector<16xi32>
      %add3A_881 = arith.constant 48 : i32
      %add3A_882 = vector.broadcast %add3A_881 : i32 to vector<16xi32>
      %add3A_883 = arith.addi %iota3A_880, %add3A_882 : vector<16xi32>
      %gather3A_884 = tpu.vector_load_idx %arg8[%add3A_883, %broadcast_in_dim3A_849] : memref<64x128xf32, #tpu.memory_space<vmem>>[vector<16xi32>, vector<16xi32>], vector<16xf32>,
      %add3A_885 = arith.constant 12 : i32
      %add3A_886 = arith.addi %mul3A_82, %add3A_885 : i32
      %swap3A_887 = arith.index_cast %add3A_886 : i32 to index
      %swap3A_888 = arith.constant 48 : index
      %swap3A_889 = tpu.vector_load %arg16[%swap3A_887, %swap3A_888] {strides = array<i32>} : memref<128x64xf32, #tpu.memory_space<vmem>>, vector<16xf32>,
      tpu.vector_store %arg16[%swap3A_887, %swap3A_888], %gather3A_884 {strides = array<i32>} : memref<128x64xf32, #tpu.memory_space<vmem>>, vector<16xf32>,
      %dma_wait3A_890 = arith.constant 0 : i32
      %dma_wait3A_891 = tpu.memref_slice %arg3[%dma_wait3A_890, %multiple_of3A_422] : memref<64x1000000xf32, #tpu.memory_space<hbm>> -> memref<64x128xf32, #tpu.memory_space<hbm>>
      %dma_wait3A_892 = arith.constant 0 : i32
      %dma_wait3A_893 = tpu.memref_slice %arg3[%dma_wait3A_892, %multiple_of3A_422] : memref<64x1000000xf32, #tpu.memory_space<hbm>> -> memref<64x128xf32, #tpu.memory_space<hbm>>
      tpu.wait_dma2 semaphore(%arg18 : memref<!tpu.dma_semaphore, #tpu.memory_space<semaphore_mem>>) src(%dma_wait3A_893 : memref<64x128xf32, #tpu.memory_space<hbm>>) dst(%arg9 : memref<64x128xf32, #tpu.memory_space<vmem>>)
      %slice3A_894 = vector.extract_strided_slice %get3A_85 {offsets = [13], sizes = [1], strides = [1]} : vector<16xi32> to vector<1xi32>
      %squeeze3A_895 = vector.extract %slice3A_894[0] : i32 from vector<1xi32>
      %and3A_896 = arith.constant 127 : i32
      %and3A_897 = arith.andi %squeeze3A_895, %and3A_896 : i32
      %broadcast_in_dim3A_898 = vector.broadcast %and3A_897 : i32 to vector<16xi32>
      %iota3A_899 = tpu.iota {dimensions = array<i32: 0>} : vector<16xi32>
      %add3A_900 = arith.constant 0 : i32
      %add3A_901 = vector.broadcast %add3A_900 : i32 to vector<16xi32>
      %add3A_902 = arith.addi %iota3A_899, %add3A_901 : vector<16xi32>
      %gather3A_903 = tpu.vector_load_idx %arg9[%add3A_902, %broadcast_in_dim3A_898] : memref<64x128xf32, #tpu.memory_space<vmem>>[vector<16xi32>, vector<16xi32>], vector<16xf32>,
      %add3A_904 = arith.constant 13 : i32
      %add3A_905 = arith.addi %mul3A_82, %add3A_904 : i32
      %swap3A_906 = arith.index_cast %add3A_905 : i32 to index
      %swap3A_907 = arith.constant 0 : index
      %swap3A_908 = tpu.vector_load %arg16[%swap3A_906, %swap3A_907] {strides = array<i32>} : memref<128x64xf32, #tpu.memory_space<vmem>>, vector<16xf32>,
      tpu.vector_store %arg16[%swap3A_906, %swap3A_907], %gather3A_903 {strides = array<i32>} : memref<128x64xf32, #tpu.memory_space<vmem>>, vector<16xf32>,
      %iota3A_909 = tpu.iota {dimensions = array<i32: 0>} : vector<16xi32>
      %add3A_910 = arith.constant 16 : i32
      %add3A_911 = vector.broadcast %add3A_910 : i32 to vector<16xi32>
      %add3A_912 = arith.addi %iota3A_909, %add3A_911 : vector<16xi32>
      %gather3A_913 = tpu.vector_load_idx %arg9[%add3A_912, %broadcast_in_dim3A_898] : memref<64x128xf32, #tpu.memory_space<vmem>>[vector<16xi32>, vector<16xi32>], vector<16xf32>,
      %add3A_914 = arith.constant 13 : i32
      %add3A_915 = arith.addi %mul3A_82, %add3A_914 : i32
      %swap3A_916 = arith.index_cast %add3A_915 : i32 to index
      %swap3A_917 = arith.constant 16 : index
      %swap3A_918 = tpu.vector_load %arg16[%swap3A_916, %swap3A_917] {strides = array<i32>} : memref<128x64xf32, #tpu.memory_space<vmem>>, vector<16xf32>,
      tpu.vector_store %arg16[%swap3A_916, %swap3A_917], %gather3A_913 {strides = array<i32>} : memref<128x64xf32, #tpu.memory_space<vmem>>, vector<16xf32>,
      %iota3A_919 = tpu.iota {dimensions = array<i32: 0>} : vector<16xi32>
      %add3A_920 = arith.constant 32 : i32
      %add3A_921 = vector.broadcast %add3A_920 : i32 to vector<16xi32>
      %add3A_922 = arith.addi %iota3A_919, %add3A_921 : vector<16xi32>
      %gather3A_923 = tpu.vector_load_idx %arg9[%add3A_922, %broadcast_in_dim3A_898] : memref<64x128xf32, #tpu.memory_space<vmem>>[vector<16xi32>, vector<16xi32>], vector<16xf32>,
      %add3A_924 = arith.constant 13 : i32
      %add3A_925 = arith.addi %mul3A_82, %add3A_924 : i32
      %swap3A_926 = arith.index_cast %add3A_925 : i32 to index
      %swap3A_927 = arith.constant 32 : index
      %swap3A_928 = tpu.vector_load %arg16[%swap3A_926, %swap3A_927] {strides = array<i32>} : memref<128x64xf32, #tpu.memory_space<vmem>>, vector<16xf32>,
      tpu.vector_store %arg16[%swap3A_926, %swap3A_927], %gather3A_923 {strides = array<i32>} : memref<128x64xf32, #tpu.memory_space<vmem>>, vector<16xf32>,
      %iota3A_929 = tpu.iota {dimensions = array<i32: 0>} : vector<16xi32>
      %add3A_930 = arith.constant 48 : i32
      %add3A_931 = vector.broadcast %add3A_930 : i32 to vector<16xi32>
      %add3A_932 = arith.addi %iota3A_929, %add3A_931 : vector<16xi32>
      %gather3A_933 = tpu.vector_load_idx %arg9[%add3A_932, %broadcast_in_dim3A_898] : memref<64x128xf32, #tpu.memory_space<vmem>>[vector<16xi32>, vector<16xi32>], vector<16xf32>,
      %add3A_934 = arith.constant 13 : i32
      %add3A_935 = arith.addi %mul3A_82, %add3A_934 : i32
      %swap3A_936 = arith.index_cast %add3A_935 : i32 to index
      %swap3A_937 = arith.constant 48 : index
      %swap3A_938 = tpu.vector_load %arg16[%swap3A_936, %swap3A_937] {strides = array<i32>} : memref<128x64xf32, #tpu.memory_space<vmem>>, vector<16xf32>,
      tpu.vector_store %arg16[%swap3A_936, %swap3A_937], %gather3A_933 {strides = array<i32>} : memref<128x64xf32, #tpu.memory_space<vmem>>, vector<16xf32>,
      %dma_wait3A_939 = arith.constant 0 : i32
      %dma_wait3A_940 = tpu.memref_slice %arg3[%dma_wait3A_939, %multiple_of3A_482] : memref<64x1000000xf32, #tpu.memory_space<hbm>> -> memref<64x128xf32, #tpu.memory_space<hbm>>
      %dma_wait3A_941 = arith.constant 0 : i32
      %dma_wait3A_942 = tpu.memref_slice %arg3[%dma_wait3A_941, %multiple_of3A_482] : memref<64x1000000xf32, #tpu.memory_space<hbm>> -> memref<64x128xf32, #tpu.memory_space<hbm>>
      tpu.wait_dma2 semaphore(%arg18 : memref<!tpu.dma_semaphore, #tpu.memory_space<semaphore_mem>>) src(%dma_wait3A_942 : memref<64x128xf32, #tpu.memory_space<hbm>>) dst(%arg10 : memref<64x128xf32, #tpu.memory_space<vmem>>)
      %slice3A_943 = vector.extract_strided_slice %get3A_85 {offsets = [14], sizes = [1], strides = [1]} : vector<16xi32> to vector<1xi32>
      %squeeze3A_944 = vector.extract %slice3A_943[0] : i32 from vector<1xi32>
      %and3A_945 = arith.constant 127 : i32
      %and3A_946 = arith.andi %squeeze3A_944, %and3A_945 : i32
      %broadcast_in_dim3A_947 = vector.broadcast %and3A_946 : i32 to vector<16xi32>
      %iota3A_948 = tpu.iota {dimensions = array<i32: 0>} : vector<16xi32>
      %add3A_949 = arith.constant 0 : i32
      %add3A_950 = vector.broadcast %add3A_949 : i32 to vector<16xi32>
      %add3A_951 = arith.addi %iota3A_948, %add3A_950 : vector<16xi32>
      %gather3A_952 = tpu.vector_load_idx %arg10[%add3A_951, %broadcast_in_dim3A_947] : memref<64x128xf32, #tpu.memory_space<vmem>>[vector<16xi32>, vector<16xi32>], vector<16xf32>,
      %add3A_953 = arith.constant 14 : i32
      %add3A_954 = arith.addi %mul3A_82, %add3A_953 : i32
      %swap3A_955 = arith.index_cast %add3A_954 : i32 to index
      %swap3A_956 = arith.constant 0 : index
      %swap3A_957 = tpu.vector_load %arg16[%swap3A_955, %swap3A_956] {strides = array<i32>} : memref<128x64xf32, #tpu.memory_space<vmem>>, vector<16xf32>,
      tpu.vector_store %arg16[%swap3A_955, %swap3A_956], %gather3A_952 {strides = array<i32>} : memref<128x64xf32, #tpu.memory_space<vmem>>, vector<16xf32>,
      %iota3A_958 = tpu.iota {dimensions = array<i32: 0>} : vector<16xi32>
      %add3A_959 = arith.constant 16 : i32
      %add3A_960 = vector.broadcast %add3A_959 : i32 to vector<16xi32>
      %add3A_961 = arith.addi %iota3A_958, %add3A_960 : vector<16xi32>
      %gather3A_962 = tpu.vector_load_idx %arg10[%add3A_961, %broadcast_in_dim3A_947] : memref<64x128xf32, #tpu.memory_space<vmem>>[vector<16xi32>, vector<16xi32>], vector<16xf32>,
      %add3A_963 = arith.constant 14 : i32
      %add3A_964 = arith.addi %mul3A_82, %add3A_963 : i32
      %swap3A_965 = arith.index_cast %add3A_964 : i32 to index
      %swap3A_966 = arith.constant 16 : index
      %swap3A_967 = tpu.vector_load %arg16[%swap3A_965, %swap3A_966] {strides = array<i32>} : memref<128x64xf32, #tpu.memory_space<vmem>>, vector<16xf32>,
      tpu.vector_store %arg16[%swap3A_965, %swap3A_966], %gather3A_962 {strides = array<i32>} : memref<128x64xf32, #tpu.memory_space<vmem>>, vector<16xf32>,
      %iota3A_968 = tpu.iota {dimensions = array<i32: 0>} : vector<16xi32>
      %add3A_969 = arith.constant 32 : i32
      %add3A_970 = vector.broadcast %add3A_969 : i32 to vector<16xi32>
      %add3A_971 = arith.addi %iota3A_968, %add3A_970 : vector<16xi32>
      %gather3A_972 = tpu.vector_load_idx %arg10[%add3A_971, %broadcast_in_dim3A_947] : memref<64x128xf32, #tpu.memory_space<vmem>>[vector<16xi32>, vector<16xi32>], vector<16xf32>,
      %add3A_973 = arith.constant 14 : i32
      %add3A_974 = arith.addi %mul3A_82, %add3A_973 : i32
      %swap3A_975 = arith.index_cast %add3A_974 : i32 to index
      %swap3A_976 = arith.constant 32 : index
      %swap3A_977 = tpu.vector_load %arg16[%swap3A_975, %swap3A_976] {strides = array<i32>} : memref<128x64xf32, #tpu.memory_space<vmem>>, vector<16xf32>,
      tpu.vector_store %arg16[%swap3A_975, %swap3A_976], %gather3A_972 {strides = array<i32>} : memref<128x64xf32, #tpu.memory_space<vmem>>, vector<16xf32>,
      %iota3A_978 = tpu.iota {dimensions = array<i32: 0>} : vector<16xi32>
      %add3A_979 = arith.constant 48 : i32
      %add3A_980 = vector.broadcast %add3A_979 : i32 to vector<16xi32>
      %add3A_981 = arith.addi %iota3A_978, %add3A_980 : vector<16xi32>
      %gather3A_982 = tpu.vector_load_idx %arg10[%add3A_981, %broadcast_in_dim3A_947] : memref<64x128xf32, #tpu.memory_space<vmem>>[vector<16xi32>, vector<16xi32>], vector<16xf32>,
      %add3A_983 = arith.constant 14 : i32
      %add3A_984 = arith.addi %mul3A_82, %add3A_983 : i32
      %swap3A_985 = arith.index_cast %add3A_984 : i32 to index
      %swap3A_986 = arith.constant 48 : index
      %swap3A_987 = tpu.vector_load %arg16[%swap3A_985, %swap3A_986] {strides = array<i32>} : memref<128x64xf32, #tpu.memory_space<vmem>>, vector<16xf32>,
      tpu.vector_store %arg16[%swap3A_985, %swap3A_986], %gather3A_982 {strides = array<i32>} : memref<128x64xf32, #tpu.memory_space<vmem>>, vector<16xf32>,
      %dma_wait3A_988 = arith.constant 0 : i32
      %dma_wait3A_989 = tpu.memref_slice %arg3[%dma_wait3A_988, %multiple_of3A_542] : memref<64x1000000xf32, #tpu.memory_space<hbm>> -> memref<64x128xf32, #tpu.memory_space<hbm>>
      %dma_wait3A_990 = arith.constant 0 : i32
      %dma_wait3A_991 = tpu.memref_slice %arg3[%dma_wait3A_990, %multiple_of3A_542] : memref<64x1000000xf32, #tpu.memory_space<hbm>> -> memref<64x128xf32, #tpu.memory_space<hbm>>
      tpu.wait_dma2 semaphore(%arg18 : memref<!tpu.dma_semaphore, #tpu.memory_space<semaphore_mem>>) src(%dma_wait3A_991 : memref<64x128xf32, #tpu.memory_space<hbm>>) dst(%arg11 : memref<64x128xf32, #tpu.memory_space<vmem>>)
      %slice3A_992 = vector.extract_strided_slice %get3A_85 {offsets = [15], sizes = [1], strides = [1]} : vector<16xi32> to vector<1xi32>
      %squeeze3A_993 = vector.extract %slice3A_992[0] : i32 from vector<1xi32>
      %and3A_994 = arith.constant 127 : i32
      %and3A_995 = arith.andi %squeeze3A_993, %and3A_994 : i32
      %broadcast_in_dim3A_996 = vector.broadcast %and3A_995 : i32 to vector<16xi32>
      %iota3A_997 = tpu.iota {dimensions = array<i32: 0>} : vector<16xi32>
      %add3A_998 = arith.constant 0 : i32
      %add3A_999 = vector.broadcast %add3A_998 : i32 to vector<16xi32>
      %add3A_1000 = arith.addi %iota3A_997, %add3A_999 : vector<16xi32>
      %gather3A_1001 = tpu.vector_load_idx %arg11[%add3A_1000, %broadcast_in_dim3A_996] : memref<64x128xf32, #tpu.memory_space<vmem>>[vector<16xi32>, vector<16xi32>], vector<16xf32>,
      %add3A_1002 = arith.constant 15 : i32
      %add3A_1003 = arith.addi %mul3A_82, %add3A_1002 : i32
      %swap3A_1004 = arith.index_cast %add3A_1003 : i32 to index
      %swap3A_1005 = arith.constant 0 : index
      %swap3A_1006 = tpu.vector_load %arg16[%swap3A_1004, %swap3A_1005] {strides = array<i32>} : memref<128x64xf32, #tpu.memory_space<vmem>>, vector<16xf32>,
      tpu.vector_store %arg16[%swap3A_1004, %swap3A_1005], %gather3A_1001 {strides = array<i32>} : memref<128x64xf32, #tpu.memory_space<vmem>>, vector<16xf32>,
      %iota3A_1007 = tpu.iota {dimensions = array<i32: 0>} : vector<16xi32>
      %add3A_1008 = arith.constant 16 : i32
      %add3A_1009 = vector.broadcast %add3A_1008 : i32 to vector<16xi32>
      %add3A_1010 = arith.addi %iota3A_1007, %add3A_1009 : vector<16xi32>
      %gather3A_1011 = tpu.vector_load_idx %arg11[%add3A_1010, %broadcast_in_dim3A_996] : memref<64x128xf32, #tpu.memory_space<vmem>>[vector<16xi32>, vector<16xi32>], vector<16xf32>,
      %add3A_1012 = arith.constant 15 : i32
      %add3A_1013 = arith.addi %mul3A_82, %add3A_1012 : i32
      %swap3A_1014 = arith.index_cast %add3A_1013 : i32 to index
      %swap3A_1015 = arith.constant 16 : index
      %swap3A_1016 = tpu.vector_load %arg16[%swap3A_1014, %swap3A_1015] {strides = array<i32>} : memref<128x64xf32, #tpu.memory_space<vmem>>, vector<16xf32>,
      tpu.vector_store %arg16[%swap3A_1014, %swap3A_1015], %gather3A_1011 {strides = array<i32>} : memref<128x64xf32, #tpu.memory_space<vmem>>, vector<16xf32>,
      %iota3A_1017 = tpu.iota {dimensions = array<i32: 0>} : vector<16xi32>
      %add3A_1018 = arith.constant 32 : i32
      %add3A_1019 = vector.broadcast %add3A_1018 : i32 to vector<16xi32>
      %add3A_1020 = arith.addi %iota3A_1017, %add3A_1019 : vector<16xi32>
      %gather3A_1021 = tpu.vector_load_idx %arg11[%add3A_1020, %broadcast_in_dim3A_996] : memref<64x128xf32, #tpu.memory_space<vmem>>[vector<16xi32>, vector<16xi32>], vector<16xf32>,
      %add3A_1022 = arith.constant 15 : i32
      %add3A_1023 = arith.addi %mul3A_82, %add3A_1022 : i32
      %swap3A_1024 = arith.index_cast %add3A_1023 : i32 to index
      %swap3A_1025 = arith.constant 32 : index
      %swap3A_1026 = tpu.vector_load %arg16[%swap3A_1024, %swap3A_1025] {strides = array<i32>} : memref<128x64xf32, #tpu.memory_space<vmem>>, vector<16xf32>,
      tpu.vector_store %arg16[%swap3A_1024, %swap3A_1025], %gather3A_1021 {strides = array<i32>} : memref<128x64xf32, #tpu.memory_space<vmem>>, vector<16xf32>,
      %iota3A_1027 = tpu.iota {dimensions = array<i32: 0>} : vector<16xi32>
      %add3A_1028 = arith.constant 48 : i32
      %add3A_1029 = vector.broadcast %add3A_1028 : i32 to vector<16xi32>
      %add3A_1030 = arith.addi %iota3A_1027, %add3A_1029 : vector<16xi32>
      %gather3A_1031 = tpu.vector_load_idx %arg11[%add3A_1030, %broadcast_in_dim3A_996] : memref<64x128xf32, #tpu.memory_space<vmem>>[vector<16xi32>, vector<16xi32>], vector<16xf32>,
      %add3A_1032 = arith.constant 15 : i32
      %add3A_1033 = arith.addi %mul3A_82, %add3A_1032 : i32
      %swap3A_1034 = arith.index_cast %add3A_1033 : i32 to index
      %swap3A_1035 = arith.constant 48 : index
      %swap3A_1036 = tpu.vector_load %arg16[%swap3A_1034, %swap3A_1035] {strides = array<i32>} : memref<128x64xf32, #tpu.memory_space<vmem>>, vector<16xf32>,
      tpu.vector_store %arg16[%swap3A_1034, %swap3A_1035], %gather3A_1031 {strides = array<i32>} : memref<128x64xf32, #tpu.memory_space<vmem>>, vector<16xf32>,
    }
    %scan3A_20 = arith.constant 8 : i32
    %add3A_21 = arith.constant 0 : i32
    %add3A_22 = arith.addi %mul3A_2, %add3A_21 : i32
    %dma_start3A_23 = arith.constant 0 : i32
    %dma_start3A_24 = tpu.memref_slice %arg4[%add3A_22, %dma_start3A_23] : memref<16384x64xf32, #tpu.memory_space<hbm>> -> memref<128x64xf32, #tpu.memory_space<hbm>>
    %dma_start3A_25 = arith.constant 0 : i32
    %dma_start3A_26 = tpu.memref_slice %arg4[%add3A_22, %dma_start3A_25] : memref<16384x64xf32, #tpu.memory_space<hbm>> -> memref<128x64xf32, #tpu.memory_space<hbm>>
    tpu.enqueue_dma source(%arg16 : memref<128x64xf32, #tpu.memory_space<vmem>>) target(%dma_start3A_26 : memref<128x64xf32, #tpu.memory_space<hbm>>) target_semaphore(%arg17 : memref<!tpu.dma_semaphore, #tpu.memory_space<semaphore_mem>>)
    %dma_wait3A_27 = arith.constant 0 : i32
    %dma_wait3A_28 = tpu.memref_slice %arg4[%add3A_22, %dma_wait3A_27] : memref<16384x64xf32, #tpu.memory_space<hbm>> -> memref<128x64xf32, #tpu.memory_space<hbm>>
    %dma_wait3A_29 = arith.constant 0 : i32
    %dma_wait3A_30 = tpu.memref_slice %arg4[%add3A_22, %dma_wait3A_29] : memref<16384x64xf32, #tpu.memory_space<hbm>> -> memref<128x64xf32, #tpu.memory_space<hbm>>
    tpu.wait_dma2 semaphore(%arg17 : memref<!tpu.dma_semaphore, #tpu.memory_space<semaphore_mem>>) src(%arg16 : memref<128x64xf32, #tpu.memory_space<vmem>>) dst(%dma_wait3A_30 : memref<128x64xf32, #tpu.memory_space<hbm>>)
    %scan3A_31 = arith.constant 0 : i32
    %scan3A_32 = arith.constant 8 : i32
    %scan3A_33 = arith.addi %scan3A_31, %scan3A_32 : i32
    %scan3A_34 = arith.constant 1 : i32
    scf.for %scan3A_76 = %scan3A_31 to %scan3A_33 step %scan3A_34  : i32 {
      %mul3A_77 = arith.constant 1 : i32
      %mul3A_78 = arith.muli %scan3A_76, %mul3A_77 : i32
      %add3A_79 = arith.constant 0 : i32
      %add3A_80 = arith.addi %add3A_79, %mul3A_78 : i32
      %mul3A_81 = arith.constant 16 : i32
      %mul3A_82 = arith.muli %add3A_80, %mul3A_81 : i32
      %get3A = arith.constant 1 : i32
      %get3A_83 = arith.index_cast %get3A : i32 to index
      %get3A_84 = arith.index_cast %mul3A_82 : i32 to index
      %get3A_85 = tpu.vector_load %arg5[%get3A_83, %get3A_84] {strides = array<i32>} : memref<4x128xi32, #tpu.memory_space<vmem>>, vector<16xi32>,
      %slice3A = vector.extract_strided_slice %get3A_85 {offsets = [0], sizes = [1], strides = [1]} : vector<16xi32> to vector<1xi32>
      %squeeze3A = vector.extract %slice3A[0] : i32 from vector<1xi32>
      %shift_right_arithmetic3A = arith.constant 7 : i32
      %shift_right_arithmetic3A_86 = arith.shrsi %squeeze3A, %shift_right_arithmetic3A : i32
      %mul3A_87 = arith.constant 128 : i32
      %mul3A_88 = arith.muli %shift_right_arithmetic3A_86, %mul3A_87 : i32
      %multiple_of3A = tpu.assume_multiple %mul3A_88, 128 : i32
      %dma_start3A_89 = arith.constant 0 : i32
      %dma_start3A_90 = tpu.memref_slice %arg3[%dma_start3A_89, %multiple_of3A] : memref<64x1000000xf32, #tpu.memory_space<hbm>> -> memref<64x128xf32, #tpu.memory_space<hbm>>
      %dma_start3A_91 = arith.constant 0 : i32
      %dma_start3A_92 = tpu.memref_slice %arg3[%dma_start3A_91, %multiple_of3A] : memref<64x1000000xf32, #tpu.memory_space<hbm>> -> memref<64x128xf32, #tpu.memory_space<hbm>>
      tpu.enqueue_dma source(%dma_start3A_92 : memref<64x128xf32, #tpu.memory_space<hbm>>) target(%arg6 : memref<64x128xf32, #tpu.memory_space<vmem>>) target_semaphore(%arg18 : memref<!tpu.dma_semaphore, #tpu.memory_space<semaphore_mem>>)
      %slice3A_93 = vector.extract_strided_slice %get3A_85 {offsets = [1], sizes = [1], strides = [1]} : vector<16xi32> to vector<1xi32>
      %squeeze3A_94 = vector.extract %slice3A_93[0] : i32 from vector<1xi32>
      %shift_right_arithmetic3A_95 = arith.constant 7 : i32
      %shift_right_arithmetic3A_96 = arith.shrsi %squeeze3A_94, %shift_right_arithmetic3A_95 : i32
      %mul3A_97 = arith.constant 128 : i32
      %mul3A_98 = arith.muli %shift_right_arithmetic3A_96, %mul3A_97 : i32
      %multiple_of3A_99 = tpu.assume_multiple %mul3A_98, 128 : i32
      %dma_start3A_100 = arith.constant 0 : i32
      %dma_start3A_101 = tpu.memref_slice %arg3[%dma_start3A_100, %multiple_of3A_99] : memref<64x1000000xf32, #tpu.memory_space<hbm>> -> memref<64x128xf32, #tpu.memory_space<hbm>>
      %dma_start3A_102 = arith.constant 0 : i32
      %dma_start3A_103 = tpu.memref_slice %arg3[%dma_start3A_102, %multiple_of3A_99] : memref<64x1000000xf32, #tpu.memory_space<hbm>> -> memref<64x128xf32, #tpu.memory_space<hbm>>
      tpu.enqueue_dma source(%dma_start3A_103 : memref<64x128xf32, #tpu.memory_space<hbm>>) target(%arg7 : memref<64x128xf32, #tpu.memory_space<vmem>>) target_semaphore(%arg18 : memref<!tpu.dma_semaphore, #tpu.memory_space<semaphore_mem>>)
      %slice3A_104 = vector.extract_strided_slice %get3A_85 {offsets = [2], sizes = [1], strides = [1]} : vector<16xi32> to vector<1xi32>
      %squeeze3A_105 = vector.extract %slice3A_104[0] : i32 from vector<1xi32>
      %shift_right_arithmetic3A_106 = arith.constant 7 : i32
      %shift_right_arithmetic3A_107 = arith.shrsi %squeeze3A_105, %shift_right_arithmetic3A_106 : i32
      %mul3A_108 = arith.constant 128 : i32
      %mul3A_109 = arith.muli %shift_right_arithmetic3A_107, %mul3A_108 : i32
      %multiple_of3A_110 = tpu.assume_multiple %mul3A_109, 128 : i32
      %dma_start3A_111 = arith.constant 0 : i32
      %dma_start3A_112 = tpu.memref_slice %arg3[%dma_start3A_111, %multiple_of3A_110] : memref<64x1000000xf32, #tpu.memory_space<hbm>> -> memref<64x128xf32, #tpu.memory_space<hbm>>
      %dma_start3A_113 = arith.constant 0 : i32
      %dma_start3A_114 = tpu.memref_slice %arg3[%dma_start3A_113, %multiple_of3A_110] : memref<64x1000000xf32, #tpu.memory_space<hbm>> -> memref<64x128xf32, #tpu.memory_space<hbm>>
      tpu.enqueue_dma source(%dma_start3A_114 : memref<64x128xf32, #tpu.memory_space<hbm>>) target(%arg8 : memref<64x128xf32, #tpu.memory_space<vmem>>) target_semaphore(%arg18 : memref<!tpu.dma_semaphore, #tpu.memory_space<semaphore_mem>>)
      %slice3A_115 = vector.extract_strided_slice %get3A_85 {offsets = [3], sizes = [1], strides = [1]} : vector<16xi32> to vector<1xi32>
      %squeeze3A_116 = vector.extract %slice3A_115[0] : i32 from vector<1xi32>
      %shift_right_arithmetic3A_117 = arith.constant 7 : i32
      %shift_right_arithmetic3A_118 = arith.shrsi %squeeze3A_116, %shift_right_arithmetic3A_117 : i32
      %mul3A_119 = arith.constant 128 : i32
      %mul3A_120 = arith.muli %shift_right_arithmetic3A_118, %mul3A_119 : i32
      %multiple_of3A_121 = tpu.assume_multiple %mul3A_120, 128 : i32
      %dma_start3A_122 = arith.constant 0 : i32
      %dma_start3A_123 = tpu.memref_slice %arg3[%dma_start3A_122, %multiple_of3A_121] : memref<64x1000000xf32, #tpu.memory_space<hbm>> -> memref<64x128xf32, #tpu.memory_space<hbm>>
      %dma_start3A_124 = arith.constant 0 : i32
      %dma_start3A_125 = tpu.memref_slice %arg3[%dma_start3A_124, %multiple_of3A_121] : memref<64x1000000xf32, #tpu.memory_space<hbm>> -> memref<64x128xf32, #tpu.memory_space<hbm>>
      tpu.enqueue_dma source(%dma_start3A_125 : memref<64x128xf32, #tpu.memory_space<hbm>>) target(%arg9 : memref<64x128xf32, #tpu.memory_space<vmem>>) target_semaphore(%arg18 : memref<!tpu.dma_semaphore, #tpu.memory_space<semaphore_mem>>)
      %slice3A_126 = vector.extract_strided_slice %get3A_85 {offsets = [4], sizes = [1], strides = [1]} : vector<16xi32> to vector<1xi32>
      %squeeze3A_127 = vector.extract %slice3A_126[0] : i32 from vector<1xi32>
      %shift_right_arithmetic3A_128 = arith.constant 7 : i32
      %shift_right_arithmetic3A_129 = arith.shrsi %squeeze3A_127, %shift_right_arithmetic3A_128 : i32
      %mul3A_130 = arith.constant 128 : i32
      %mul3A_131 = arith.muli %shift_right_arithmetic3A_129, %mul3A_130 : i32
      %multiple_of3A_132 = tpu.assume_multiple %mul3A_131, 128 : i32
      %dma_start3A_133 = arith.constant 0 : i32
      %dma_start3A_134 = tpu.memref_slice %arg3[%dma_start3A_133, %multiple_of3A_132] : memref<64x1000000xf32, #tpu.memory_space<hbm>> -> memref<64x128xf32, #tpu.memory_space<hbm>>
      %dma_start3A_135 = arith.constant 0 : i32
      %dma_start3A_136 = tpu.memref_slice %arg3[%dma_start3A_135, %multiple_of3A_132] : memref<64x1000000xf32, #tpu.memory_space<hbm>> -> memref<64x128xf32, #tpu.memory_space<hbm>>
      tpu.enqueue_dma source(%dma_start3A_136 : memref<64x128xf32, #tpu.memory_space<hbm>>) target(%arg10 : memref<64x128xf32, #tpu.memory_space<vmem>>) target_semaphore(%arg18 : memref<!tpu.dma_semaphore, #tpu.memory_space<semaphore_mem>>)
      %slice3A_137 = vector.extract_strided_slice %get3A_85 {offsets = [5], sizes = [1], strides = [1]} : vector<16xi32> to vector<1xi32>
      %squeeze3A_138 = vector.extract %slice3A_137[0] : i32 from vector<1xi32>
      %shift_right_arithmetic3A_139 = arith.constant 7 : i32
      %shift_right_arithmetic3A_140 = arith.shrsi %squeeze3A_138, %shift_right_arithmetic3A_139 : i32
      %mul3A_141 = arith.constant 128 : i32
      %mul3A_142 = arith.muli %shift_right_arithmetic3A_140, %mul3A_141 : i32
      %multiple_of3A_143 = tpu.assume_multiple %mul3A_142, 128 : i32
      %dma_start3A_144 = arith.constant 0 : i32
      %dma_start3A_145 = tpu.memref_slice %arg3[%dma_start3A_144, %multiple_of3A_143] : memref<64x1000000xf32, #tpu.memory_space<hbm>> -> memref<64x128xf32, #tpu.memory_space<hbm>>
      %dma_start3A_146 = arith.constant 0 : i32
      %dma_start3A_147 = tpu.memref_slice %arg3[%dma_start3A_146, %multiple_of3A_143] : memref<64x1000000xf32, #tpu.memory_space<hbm>> -> memref<64x128xf32, #tpu.memory_space<hbm>>
      tpu.enqueue_dma source(%dma_start3A_147 : memref<64x128xf32, #tpu.memory_space<hbm>>) target(%arg11 : memref<64x128xf32, #tpu.memory_space<vmem>>) target_semaphore(%arg18 : memref<!tpu.dma_semaphore, #tpu.memory_space<semaphore_mem>>)
      %slice3A_148 = vector.extract_strided_slice %get3A_85 {offsets = [6], sizes = [1], strides = [1]} : vector<16xi32> to vector<1xi32>
      %squeeze3A_149 = vector.extract %slice3A_148[0] : i32 from vector<1xi32>
      %shift_right_arithmetic3A_150 = arith.constant 7 : i32
      %shift_right_arithmetic3A_151 = arith.shrsi %squeeze3A_149, %shift_right_arithmetic3A_150 : i32
      %mul3A_152 = arith.constant 128 : i32
      %mul3A_153 = arith.muli %shift_right_arithmetic3A_151, %mul3A_152 : i32
      %multiple_of3A_154 = tpu.assume_multiple %mul3A_153, 128 : i32
      %dma_start3A_155 = arith.constant 0 : i32
      %dma_start3A_156 = tpu.memref_slice %arg3[%dma_start3A_155, %multiple_of3A_154] : memref<64x1000000xf32, #tpu.memory_space<hbm>> -> memref<64x128xf32, #tpu.memory_space<hbm>>
      %dma_start3A_157 = arith.constant 0 : i32
      %dma_start3A_158 = tpu.memref_slice %arg3[%dma_start3A_157, %multiple_of3A_154] : memref<64x1000000xf32, #tpu.memory_space<hbm>> -> memref<64x128xf32, #tpu.memory_space<hbm>>
      tpu.enqueue_dma source(%dma_start3A_158 : memref<64x128xf32, #tpu.memory_space<hbm>>) target(%arg12 : memref<64x128xf32, #tpu.memory_space<vmem>>) target_semaphore(%arg18 : memref<!tpu.dma_semaphore, #tpu.memory_space<semaphore_mem>>)
      %slice3A_159 = vector.extract_strided_slice %get3A_85 {offsets = [7], sizes = [1], strides = [1]} : vector<16xi32> to vector<1xi32>
      %squeeze3A_160 = vector.extract %slice3A_159[0] : i32 from vector<1xi32>
      %shift_right_arithmetic3A_161 = arith.constant 7 : i32
      %shift_right_arithmetic3A_162 = arith.shrsi %squeeze3A_160, %shift_right_arithmetic3A_161 : i32
      %mul3A_163 = arith.constant 128 : i32
      %mul3A_164 = arith.muli %shift_right_arithmetic3A_162, %mul3A_163 : i32
      %multiple_of3A_165 = tpu.assume_multiple %mul3A_164, 128 : i32
      %dma_start3A_166 = arith.constant 0 : i32
      %dma_start3A_167 = tpu.memref_slice %arg3[%dma_start3A_166, %multiple_of3A_165] : memref<64x1000000xf32, #tpu.memory_space<hbm>> -> memref<64x128xf32, #tpu.memory_space<hbm>>
      %dma_start3A_168 = arith.constant 0 : i32
      %dma_start3A_169 = tpu.memref_slice %arg3[%dma_start3A_168, %multiple_of3A_165] : memref<64x1000000xf32, #tpu.memory_space<hbm>> -> memref<64x128xf32, #tpu.memory_space<hbm>>
      tpu.enqueue_dma source(%dma_start3A_169 : memref<64x128xf32, #tpu.memory_space<hbm>>) target(%arg13 : memref<64x128xf32, #tpu.memory_space<vmem>>) target_semaphore(%arg18 : memref<!tpu.dma_semaphore, #tpu.memory_space<semaphore_mem>>)
      %slice3A_170 = vector.extract_strided_slice %get3A_85 {offsets = [8], sizes = [1], strides = [1]} : vector<16xi32> to vector<1xi32>
      %squeeze3A_171 = vector.extract %slice3A_170[0] : i32 from vector<1xi32>
      %shift_right_arithmetic3A_172 = arith.constant 7 : i32
      %shift_right_arithmetic3A_173 = arith.shrsi %squeeze3A_171, %shift_right_arithmetic3A_172 : i32
      %mul3A_174 = arith.constant 128 : i32
      %mul3A_175 = arith.muli %shift_right_arithmetic3A_173, %mul3A_174 : i32
      %multiple_of3A_176 = tpu.assume_multiple %mul3A_175, 128 : i32
      %dma_start3A_177 = arith.constant 0 : i32
      %dma_start3A_178 = tpu.memref_slice %arg3[%dma_start3A_177, %multiple_of3A_176] : memref<64x1000000xf32, #tpu.memory_space<hbm>> -> memref<64x128xf32, #tpu.memory_space<hbm>>
      %dma_start3A_179 = arith.constant 0 : i32
      %dma_start3A_180 = tpu.memref_slice %arg3[%dma_start3A_179, %multiple_of3A_176] : memref<64x1000000xf32, #tpu.memory_space<hbm>> -> memref<64x128xf32, #tpu.memory_space<hbm>>
      tpu.enqueue_dma source(%dma_start3A_180 : memref<64x128xf32, #tpu.memory_space<hbm>>) target(%arg14 : memref<64x128xf32, #tpu.memory_space<vmem>>) target_semaphore(%arg18 : memref<!tpu.dma_semaphore, #tpu.memory_space<semaphore_mem>>)
      %slice3A_181 = vector.extract_strided_slice %get3A_85 {offsets = [9], sizes = [1], strides = [1]} : vector<16xi32> to vector<1xi32>
      %squeeze3A_182 = vector.extract %slice3A_181[0] : i32 from vector<1xi32>
      %shift_right_arithmetic3A_183 = arith.constant 7 : i32
      %shift_right_arithmetic3A_184 = arith.shrsi %squeeze3A_182, %shift_right_arithmetic3A_183 : i32
      %mul3A_185 = arith.constant 128 : i32
      %mul3A_186 = arith.muli %shift_right_arithmetic3A_184, %mul3A_185 : i32
      %multiple_of3A_187 = tpu.assume_multiple %mul3A_186, 128 : i32
      %dma_start3A_188 = arith.constant 0 : i32
      %dma_start3A_189 = tpu.memref_slice %arg3[%dma_start3A_188, %multiple_of3A_187] : memref<64x1000000xf32, #tpu.memory_space<hbm>> -> memref<64x128xf32, #tpu.memory_space<hbm>>
      %dma_start3A_190 = arith.constant 0 : i32
      %dma_start3A_191 = tpu.memref_slice %arg3[%dma_start3A_190, %multiple_of3A_187] : memref<64x1000000xf32, #tpu.memory_space<hbm>> -> memref<64x128xf32, #tpu.memory_space<hbm>>
      tpu.enqueue_dma source(%dma_start3A_191 : memref<64x128xf32, #tpu.memory_space<hbm>>) target(%arg15 : memref<64x128xf32, #tpu.memory_space<vmem>>) target_semaphore(%arg18 : memref<!tpu.dma_semaphore, #tpu.memory_space<semaphore_mem>>)
      %dma_wait3A_192 = arith.constant 0 : i32
      %dma_wait3A_193 = tpu.memref_slice %arg3[%dma_wait3A_192, %multiple_of3A] : memref<64x1000000xf32, #tpu.memory_space<hbm>> -> memref<64x128xf32, #tpu.memory_space<hbm>>
      %dma_wait3A_194 = arith.constant 0 : i32
      %dma_wait3A_195 = tpu.memref_slice %arg3[%dma_wait3A_194, %multiple_of3A] : memref<64x1000000xf32, #tpu.memory_space<hbm>> -> memref<64x128xf32, #tpu.memory_space<hbm>>
      tpu.wait_dma2 semaphore(%arg18 : memref<!tpu.dma_semaphore, #tpu.memory_space<semaphore_mem>>) src(%dma_wait3A_195 : memref<64x128xf32, #tpu.memory_space<hbm>>) dst(%arg6 : memref<64x128xf32, #tpu.memory_space<vmem>>)
      %slice3A_196 = vector.extract_strided_slice %get3A_85 {offsets = [0], sizes = [1], strides = [1]} : vector<16xi32> to vector<1xi32>
      %squeeze3A_197 = vector.extract %slice3A_196[0] : i32 from vector<1xi32>
      %and3A = arith.constant 127 : i32
      %and3A_198 = arith.andi %squeeze3A_197, %and3A : i32
      %broadcast_in_dim3A = vector.broadcast %and3A_198 : i32 to vector<16xi32>
      %iota3A = tpu.iota {dimensions = array<i32: 0>} : vector<16xi32>
      %add3A_199 = arith.constant 0 : i32
      %add3A_200 = vector.broadcast %add3A_199 : i32 to vector<16xi32>
      %add3A_201 = arith.addi %iota3A, %add3A_200 : vector<16xi32>
      %gather3A = tpu.vector_load_idx %arg6[%add3A_201, %broadcast_in_dim3A] : memref<64x128xf32, #tpu.memory_space<vmem>>[vector<16xi32>, vector<16xi32>], vector<16xf32>,
      %add3A_202 = arith.constant 0 : i32
      %add3A_203 = arith.addi %mul3A_82, %add3A_202 : i32
      %swap3A = arith.index_cast %add3A_203 : i32 to index
      %swap3A_204 = arith.constant 0 : index
      %swap3A_205 = tpu.vector_load %arg16[%swap3A, %swap3A_204] {strides = array<i32>} : memref<128x64xf32, #tpu.memory_space<vmem>>, vector<16xf32>,
      tpu.vector_store %arg16[%swap3A, %swap3A_204], %gather3A {strides = array<i32>} : memref<128x64xf32, #tpu.memory_space<vmem>>, vector<16xf32>,
      %iota3A_206 = tpu.iota {dimensions = array<i32: 0>} : vector<16xi32>
      %add3A_207 = arith.constant 16 : i32
      %add3A_208 = vector.broadcast %add3A_207 : i32 to vector<16xi32>
      %add3A_209 = arith.addi %iota3A_206, %add3A_208 : vector<16xi32>
      %gather3A_210 = tpu.vector_load_idx %arg6[%add3A_209, %broadcast_in_dim3A] : memref<64x128xf32, #tpu.memory_space<vmem>>[vector<16xi32>, vector<16xi32>], vector<16xf32>,
      %add3A_211 = arith.constant 0 : i32
      %add3A_212 = arith.addi %mul3A_82, %add3A_211 : i32
      %swap3A_213 = arith.index_cast %add3A_212 : i32 to index
      %swap3A_214 = arith.constant 16 : index
      %swap3A_215 = tpu.vector_load %arg16[%swap3A_213, %swap3A_214] {strides = array<i32>} : memref<128x64xf32, #tpu.memory_space<vmem>>, vector<16xf32>,
      tpu.vector_store %arg16[%swap3A_213, %swap3A_214], %gather3A_210 {strides = array<i32>} : memref<128x64xf32, #tpu.memory_space<vmem>>, vector<16xf32>,
      %iota3A_216 = tpu.iota {dimensions = array<i32: 0>} : vector<16xi32>
      %add3A_217 = arith.constant 32 : i32
      %add3A_218 = vector.broadcast %add3A_217 : i32 to vector<16xi32>
      %add3A_219 = arith.addi %iota3A_216, %add3A_218 : vector<16xi32>
      %gather3A_220 = tpu.vector_load_idx %arg6[%add3A_219, %broadcast_in_dim3A] : memref<64x128xf32, #tpu.memory_space<vmem>>[vector<16xi32>, vector<16xi32>], vector<16xf32>,
      %add3A_221 = arith.constant 0 : i32
      %add3A_222 = arith.addi %mul3A_82, %add3A_221 : i32
      %swap3A_223 = arith.index_cast %add3A_222 : i32 to index
      %swap3A_224 = arith.constant 32 : index
      %swap3A_225 = tpu.vector_load %arg16[%swap3A_223, %swap3A_224] {strides = array<i32>} : memref<128x64xf32, #tpu.memory_space<vmem>>, vector<16xf32>,
      tpu.vector_store %arg16[%swap3A_223, %swap3A_224], %gather3A_220 {strides = array<i32>} : memref<128x64xf32, #tpu.memory_space<vmem>>, vector<16xf32>,
      %iota3A_226 = tpu.iota {dimensions = array<i32: 0>} : vector<16xi32>
      %add3A_227 = arith.constant 48 : i32
      %add3A_228 = vector.broadcast %add3A_227 : i32 to vector<16xi32>
      %add3A_229 = arith.addi %iota3A_226, %add3A_228 : vector<16xi32>
      %gather3A_230 = tpu.vector_load_idx %arg6[%add3A_229, %broadcast_in_dim3A] : memref<64x128xf32, #tpu.memory_space<vmem>>[vector<16xi32>, vector<16xi32>], vector<16xf32>,
      %add3A_231 = arith.constant 0 : i32
      %add3A_232 = arith.addi %mul3A_82, %add3A_231 : i32
      %swap3A_233 = arith.index_cast %add3A_232 : i32 to index
      %swap3A_234 = arith.constant 48 : index
      %swap3A_235 = tpu.vector_load %arg16[%swap3A_233, %swap3A_234] {strides = array<i32>} : memref<128x64xf32, #tpu.memory_space<vmem>>, vector<16xf32>,
      tpu.vector_store %arg16[%swap3A_233, %swap3A_234], %gather3A_230 {strides = array<i32>} : memref<128x64xf32, #tpu.memory_space<vmem>>, vector<16xf32>,
      %slice3A_236 = vector.extract_strided_slice %get3A_85 {offsets = [10], sizes = [1], strides = [1]} : vector<16xi32> to vector<1xi32>
      %squeeze3A_237 = vector.extract %slice3A_236[0] : i32 from vector<1xi32>
      %shift_right_arithmetic3A_238 = arith.constant 7 : i32
      %shift_right_arithmetic3A_239 = arith.shrsi %squeeze3A_237, %shift_right_arithmetic3A_238 : i32
      %mul3A_240 = arith.constant 128 : i32
      %mul3A_241 = arith.muli %shift_right_arithmetic3A_239, %mul3A_240 : i32
      %multiple_of3A_242 = tpu.assume_multiple %mul3A_241, 128 : i32
      %dma_start3A_243 = arith.constant 0 : i32
      %dma_start3A_244 = tpu.memref_slice %arg3[%dma_start3A_243, %multiple_of3A_242] : memref<64x1000000xf32, #tpu.memory_space<hbm>> -> memref<64x128xf32, #tpu.memory_space<hbm>>
      %dma_start3A_245 = arith.constant 0 : i32
      %dma_start3A_246 = tpu.memref_slice %arg3[%dma_start3A_245, %multiple_of3A_242] : memref<64x1000000xf32, #tpu.memory_space<hbm>> -> memref<64x128xf32, #tpu.memory_space<hbm>>
      tpu.enqueue_dma source(%dma_start3A_246 : memref<64x128xf32, #tpu.memory_space<hbm>>) target(%arg6 : memref<64x128xf32, #tpu.memory_space<vmem>>) target_semaphore(%arg18 : memref<!tpu.dma_semaphore, #tpu.memory_space<semaphore_mem>>)
      %dma_wait3A_247 = arith.constant 0 : i32
      %dma_wait3A_248 = tpu.memref_slice %arg3[%dma_wait3A_247, %multiple_of3A_99] : memref<64x1000000xf32, #tpu.memory_space<hbm>> -> memref<64x128xf32, #tpu.memory_space<hbm>>
      %dma_wait3A_249 = arith.constant 0 : i32
      %dma_wait3A_250 = tpu.memref_slice %arg3[%dma_wait3A_249, %multiple_of3A_99] : memref<64x1000000xf32, #tpu.memory_space<hbm>> -> memref<64x128xf32, #tpu.memory_space<hbm>>
      tpu.wait_dma2 semaphore(%arg18 : memref<!tpu.dma_semaphore, #tpu.memory_space<semaphore_mem>>) src(%dma_wait3A_250 : memref<64x128xf32, #tpu.memory_space<hbm>>) dst(%arg7 : memref<64x128xf32, #tpu.memory_space<vmem>>)
      %slice3A_251 = vector.extract_strided_slice %get3A_85 {offsets = [1], sizes = [1], strides = [1]} : vector<16xi32> to vector<1xi32>
      %squeeze3A_252 = vector.extract %slice3A_251[0] : i32 from vector<1xi32>
      %and3A_253 = arith.constant 127 : i32
      %and3A_254 = arith.andi %squeeze3A_252, %and3A_253 : i32
      %broadcast_in_dim3A_255 = vector.broadcast %and3A_254 : i32 to vector<16xi32>
      %iota3A_256 = tpu.iota {dimensions = array<i32: 0>} : vector<16xi32>
      %add3A_257 = arith.constant 0 : i32
      %add3A_258 = vector.broadcast %add3A_257 : i32 to vector<16xi32>
      %add3A_259 = arith.addi %iota3A_256, %add3A_258 : vector<16xi32>
      %gather3A_260 = tpu.vector_load_idx %arg7[%add3A_259, %broadcast_in_dim3A_255] : memref<64x128xf32, #tpu.memory_space<vmem>>[vector<16xi32>, vector<16xi32>], vector<16xf32>,
      %add3A_261 = arith.constant 1 : i32
      %add3A_262 = arith.addi %mul3A_82, %add3A_261 : i32
      %swap3A_263 = arith.index_cast %add3A_262 : i32 to index
      %swap3A_264 = arith.constant 0 : index
      %swap3A_265 = tpu.vector_load %arg16[%swap3A_263, %swap3A_264] {strides = array<i32>} : memref<128x64xf32, #tpu.memory_space<vmem>>, vector<16xf32>,
      tpu.vector_store %arg16[%swap3A_263, %swap3A_264], %gather3A_260 {strides = array<i32>} : memref<128x64xf32, #tpu.memory_space<vmem>>, vector<16xf32>,
      %iota3A_266 = tpu.iota {dimensions = array<i32: 0>} : vector<16xi32>
      %add3A_267 = arith.constant 16 : i32
      %add3A_268 = vector.broadcast %add3A_267 : i32 to vector<16xi32>
      %add3A_269 = arith.addi %iota3A_266, %add3A_268 : vector<16xi32>
      %gather3A_270 = tpu.vector_load_idx %arg7[%add3A_269, %broadcast_in_dim3A_255] : memref<64x128xf32, #tpu.memory_space<vmem>>[vector<16xi32>, vector<16xi32>], vector<16xf32>,
      %add3A_271 = arith.constant 1 : i32
      %add3A_272 = arith.addi %mul3A_82, %add3A_271 : i32
      %swap3A_273 = arith.index_cast %add3A_272 : i32 to index
      %swap3A_274 = arith.constant 16 : index
      %swap3A_275 = tpu.vector_load %arg16[%swap3A_273, %swap3A_274] {strides = array<i32>} : memref<128x64xf32, #tpu.memory_space<vmem>>, vector<16xf32>,
      tpu.vector_store %arg16[%swap3A_273, %swap3A_274], %gather3A_270 {strides = array<i32>} : memref<128x64xf32, #tpu.memory_space<vmem>>, vector<16xf32>,
      %iota3A_276 = tpu.iota {dimensions = array<i32: 0>} : vector<16xi32>
      %add3A_277 = arith.constant 32 : i32
      %add3A_278 = vector.broadcast %add3A_277 : i32 to vector<16xi32>
      %add3A_279 = arith.addi %iota3A_276, %add3A_278 : vector<16xi32>
      %gather3A_280 = tpu.vector_load_idx %arg7[%add3A_279, %broadcast_in_dim3A_255] : memref<64x128xf32, #tpu.memory_space<vmem>>[vector<16xi32>, vector<16xi32>], vector<16xf32>,
      %add3A_281 = arith.constant 1 : i32
      %add3A_282 = arith.addi %mul3A_82, %add3A_281 : i32
      %swap3A_283 = arith.index_cast %add3A_282 : i32 to index
      %swap3A_284 = arith.constant 32 : index
      %swap3A_285 = tpu.vector_load %arg16[%swap3A_283, %swap3A_284] {strides = array<i32>} : memref<128x64xf32, #tpu.memory_space<vmem>>, vector<16xf32>,
      tpu.vector_store %arg16[%swap3A_283, %swap3A_284], %gather3A_280 {strides = array<i32>} : memref<128x64xf32, #tpu.memory_space<vmem>>, vector<16xf32>,
      %iota3A_286 = tpu.iota {dimensions = array<i32: 0>} : vector<16xi32>
      %add3A_287 = arith.constant 48 : i32
      %add3A_288 = vector.broadcast %add3A_287 : i32 to vector<16xi32>
      %add3A_289 = arith.addi %iota3A_286, %add3A_288 : vector<16xi32>
      %gather3A_290 = tpu.vector_load_idx %arg7[%add3A_289, %broadcast_in_dim3A_255] : memref<64x128xf32, #tpu.memory_space<vmem>>[vector<16xi32>, vector<16xi32>], vector<16xf32>,
      %add3A_291 = arith.constant 1 : i32
      %add3A_292 = arith.addi %mul3A_82, %add3A_291 : i32
      %swap3A_293 = arith.index_cast %add3A_292 : i32 to index
      %swap3A_294 = arith.constant 48 : index
      %swap3A_295 = tpu.vector_load %arg16[%swap3A_293, %swap3A_294] {strides = array<i32>} : memref<128x64xf32, #tpu.memory_space<vmem>>, vector<16xf32>,
      tpu.vector_store %arg16[%swap3A_293, %swap3A_294], %gather3A_290 {strides = array<i32>} : memref<128x64xf32, #tpu.memory_space<vmem>>, vector<16xf32>,
      %slice3A_296 = vector.extract_strided_slice %get3A_85 {offsets = [11], sizes = [1], strides = [1]} : vector<16xi32> to vector<1xi32>
      %squeeze3A_297 = vector.extract %slice3A_296[0] : i32 from vector<1xi32>
      %shift_right_arithmetic3A_298 = arith.constant 7 : i32
      %shift_right_arithmetic3A_299 = arith.shrsi %squeeze3A_297, %shift_right_arithmetic3A_298 : i32
      %mul3A_300 = arith.constant 128 : i32
      %mul3A_301 = arith.muli %shift_right_arithmetic3A_299, %mul3A_300 : i32
      %multiple_of3A_302 = tpu.assume_multiple %mul3A_301, 128 : i32
      %dma_start3A_303 = arith.constant 0 : i32
      %dma_start3A_304 = tpu.memref_slice %arg3[%dma_start3A_303, %multiple_of3A_302] : memref<64x1000000xf32, #tpu.memory_space<hbm>> -> memref<64x128xf32, #tpu.memory_space<hbm>>
      %dma_start3A_305 = arith.constant 0 : i32
      %dma_start3A_306 = tpu.memref_slice %arg3[%dma_start3A_305, %multiple_of3A_302] : memref<64x1000000xf32, #tpu.memory_space<hbm>> -> memref<64x128xf32, #tpu.memory_space<hbm>>
      tpu.enqueue_dma source(%dma_start3A_306 : memref<64x128xf32, #tpu.memory_space<hbm>>) target(%arg7 : memref<64x128xf32, #tpu.memory_space<vmem>>) target_semaphore(%arg18 : memref<!tpu.dma_semaphore, #tpu.memory_space<semaphore_mem>>)
      %dma_wait3A_307 = arith.constant 0 : i32
      %dma_wait3A_308 = tpu.memref_slice %arg3[%dma_wait3A_307, %multiple_of3A_110] : memref<64x1000000xf32, #tpu.memory_space<hbm>> -> memref<64x128xf32, #tpu.memory_space<hbm>>
      %dma_wait3A_309 = arith.constant 0 : i32
      %dma_wait3A_310 = tpu.memref_slice %arg3[%dma_wait3A_309, %multiple_of3A_110] : memref<64x1000000xf32, #tpu.memory_space<hbm>> -> memref<64x128xf32, #tpu.memory_space<hbm>>
      tpu.wait_dma2 semaphore(%arg18 : memref<!tpu.dma_semaphore, #tpu.memory_space<semaphore_mem>>) src(%dma_wait3A_310 : memref<64x128xf32, #tpu.memory_space<hbm>>) dst(%arg8 : memref<64x128xf32, #tpu.memory_space<vmem>>)
      %slice3A_311 = vector.extract_strided_slice %get3A_85 {offsets = [2], sizes = [1], strides = [1]} : vector<16xi32> to vector<1xi32>
      %squeeze3A_312 = vector.extract %slice3A_311[0] : i32 from vector<1xi32>
      %and3A_313 = arith.constant 127 : i32
      %and3A_314 = arith.andi %squeeze3A_312, %and3A_313 : i32
      %broadcast_in_dim3A_315 = vector.broadcast %and3A_314 : i32 to vector<16xi32>
      %iota3A_316 = tpu.iota {dimensions = array<i32: 0>} : vector<16xi32>
      %add3A_317 = arith.constant 0 : i32
      %add3A_318 = vector.broadcast %add3A_317 : i32 to vector<16xi32>
      %add3A_319 = arith.addi %iota3A_316, %add3A_318 : vector<16xi32>
      %gather3A_320 = tpu.vector_load_idx %arg8[%add3A_319, %broadcast_in_dim3A_315] : memref<64x128xf32, #tpu.memory_space<vmem>>[vector<16xi32>, vector<16xi32>], vector<16xf32>,
      %add3A_321 = arith.constant 2 : i32
      %add3A_322 = arith.addi %mul3A_82, %add3A_321 : i32
      %swap3A_323 = arith.index_cast %add3A_322 : i32 to index
      %swap3A_324 = arith.constant 0 : index
      %swap3A_325 = tpu.vector_load %arg16[%swap3A_323, %swap3A_324] {strides = array<i32>} : memref<128x64xf32, #tpu.memory_space<vmem>>, vector<16xf32>,
      tpu.vector_store %arg16[%swap3A_323, %swap3A_324], %gather3A_320 {strides = array<i32>} : memref<128x64xf32, #tpu.memory_space<vmem>>, vector<16xf32>,
      %iota3A_326 = tpu.iota {dimensions = array<i32: 0>} : vector<16xi32>
      %add3A_327 = arith.constant 16 : i32
      %add3A_328 = vector.broadcast %add3A_327 : i32 to vector<16xi32>
      %add3A_329 = arith.addi %iota3A_326, %add3A_328 : vector<16xi32>
      %gather3A_330 = tpu.vector_load_idx %arg8[%add3A_329, %broadcast_in_dim3A_315] : memref<64x128xf32, #tpu.memory_space<vmem>>[vector<16xi32>, vector<16xi32>], vector<16xf32>,
      %add3A_331 = arith.constant 2 : i32
      %add3A_332 = arith.addi %mul3A_82, %add3A_331 : i32
      %swap3A_333 = arith.index_cast %add3A_332 : i32 to index
      %swap3A_334 = arith.constant 16 : index
      %swap3A_335 = tpu.vector_load %arg16[%swap3A_333, %swap3A_334] {strides = array<i32>} : memref<128x64xf32, #tpu.memory_space<vmem>>, vector<16xf32>,
      tpu.vector_store %arg16[%swap3A_333, %swap3A_334], %gather3A_330 {strides = array<i32>} : memref<128x64xf32, #tpu.memory_space<vmem>>, vector<16xf32>,
      %iota3A_336 = tpu.iota {dimensions = array<i32: 0>} : vector<16xi32>
      %add3A_337 = arith.constant 32 : i32
      %add3A_338 = vector.broadcast %add3A_337 : i32 to vector<16xi32>
      %add3A_339 = arith.addi %iota3A_336, %add3A_338 : vector<16xi32>
      %gather3A_340 = tpu.vector_load_idx %arg8[%add3A_339, %broadcast_in_dim3A_315] : memref<64x128xf32, #tpu.memory_space<vmem>>[vector<16xi32>, vector<16xi32>], vector<16xf32>,
      %add3A_341 = arith.constant 2 : i32
      %add3A_342 = arith.addi %mul3A_82, %add3A_341 : i32
      %swap3A_343 = arith.index_cast %add3A_342 : i32 to index
      %swap3A_344 = arith.constant 32 : index
      %swap3A_345 = tpu.vector_load %arg16[%swap3A_343, %swap3A_344] {strides = array<i32>} : memref<128x64xf32, #tpu.memory_space<vmem>>, vector<16xf32>,
      tpu.vector_store %arg16[%swap3A_343, %swap3A_344], %gather3A_340 {strides = array<i32>} : memref<128x64xf32, #tpu.memory_space<vmem>>, vector<16xf32>,
      %iota3A_346 = tpu.iota {dimensions = array<i32: 0>} : vector<16xi32>
      %add3A_347 = arith.constant 48 : i32
      %add3A_348 = vector.broadcast %add3A_347 : i32 to vector<16xi32>
      %add3A_349 = arith.addi %iota3A_346, %add3A_348 : vector<16xi32>
      %gather3A_350 = tpu.vector_load_idx %arg8[%add3A_349, %broadcast_in_dim3A_315] : memref<64x128xf32, #tpu.memory_space<vmem>>[vector<16xi32>, vector<16xi32>], vector<16xf32>,
      %add3A_351 = arith.constant 2 : i32
      %add3A_352 = arith.addi %mul3A_82, %add3A_351 : i32
      %swap3A_353 = arith.index_cast %add3A_352 : i32 to index
      %swap3A_354 = arith.constant 48 : index
      %swap3A_355 = tpu.vector_load %arg16[%swap3A_353, %swap3A_354] {strides = array<i32>} : memref<128x64xf32, #tpu.memory_space<vmem>>, vector<16xf32>,
      tpu.vector_store %arg16[%swap3A_353, %swap3A_354], %gather3A_350 {strides = array<i32>} : memref<128x64xf32, #tpu.memory_space<vmem>>, vector<16xf32>,
      %slice3A_356 = vector.extract_strided_slice %get3A_85 {offsets = [12], sizes = [1], strides = [1]} : vector<16xi32> to vector<1xi32>
      %squeeze3A_357 = vector.extract %slice3A_356[0] : i32 from vector<1xi32>
      %shift_right_arithmetic3A_358 = arith.constant 7 : i32
      %shift_right_arithmetic3A_359 = arith.shrsi %squeeze3A_357, %shift_right_arithmetic3A_358 : i32
      %mul3A_360 = arith.constant 128 : i32
      %mul3A_361 = arith.muli %shift_right_arithmetic3A_359, %mul3A_360 : i32
      %multiple_of3A_362 = tpu.assume_multiple %mul3A_361, 128 : i32
      %dma_start3A_363 = arith.constant 0 : i32
      %dma_start3A_364 = tpu.memref_slice %arg3[%dma_start3A_363, %multiple_of3A_362] : memref<64x1000000xf32, #tpu.memory_space<hbm>> -> memref<64x128xf32, #tpu.memory_space<hbm>>
      %dma_start3A_365 = arith.constant 0 : i32
      %dma_start3A_366 = tpu.memref_slice %arg3[%dma_start3A_365, %multiple_of3A_362] : memref<64x1000000xf32, #tpu.memory_space<hbm>> -> memref<64x128xf32, #tpu.memory_space<hbm>>
      tpu.enqueue_dma source(%dma_start3A_366 : memref<64x128xf32, #tpu.memory_space<hbm>>) target(%arg8 : memref<64x128xf32, #tpu.memory_space<vmem>>) target_semaphore(%arg18 : memref<!tpu.dma_semaphore, #tpu.memory_space<semaphore_mem>>)
      %dma_wait3A_367 = arith.constant 0 : i32
      %dma_wait3A_368 = tpu.memref_slice %arg3[%dma_wait3A_367, %multiple_of3A_121] : memref<64x1000000xf32, #tpu.memory_space<hbm>> -> memref<64x128xf32, #tpu.memory_space<hbm>>
      %dma_wait3A_369 = arith.constant 0 : i32
      %dma_wait3A_370 = tpu.memref_slice %arg3[%dma_wait3A_369, %multiple_of3A_121] : memref<64x1000000xf32, #tpu.memory_space<hbm>> -> memref<64x128xf32, #tpu.memory_space<hbm>>
      tpu.wait_dma2 semaphore(%arg18 : memref<!tpu.dma_semaphore, #tpu.memory_space<semaphore_mem>>) src(%dma_wait3A_370 : memref<64x128xf32, #tpu.memory_space<hbm>>) dst(%arg9 : memref<64x128xf32, #tpu.memory_space<vmem>>)
      %slice3A_371 = vector.extract_strided_slice %get3A_85 {offsets = [3], sizes = [1], strides = [1]} : vector<16xi32> to vector<1xi32>
      %squeeze3A_372 = vector.extract %slice3A_371[0] : i32 from vector<1xi32>
      %and3A_373 = arith.constant 127 : i32
      %and3A_374 = arith.andi %squeeze3A_372, %and3A_373 : i32
      %broadcast_in_dim3A_375 = vector.broadcast %and3A_374 : i32 to vector<16xi32>
      %iota3A_376 = tpu.iota {dimensions = array<i32: 0>} : vector<16xi32>
      %add3A_377 = arith.constant 0 : i32
      %add3A_378 = vector.broadcast %add3A_377 : i32 to vector<16xi32>
      %add3A_379 = arith.addi %iota3A_376, %add3A_378 : vector<16xi32>
      %gather3A_380 = tpu.vector_load_idx %arg9[%add3A_379, %broadcast_in_dim3A_375] : memref<64x128xf32, #tpu.memory_space<vmem>>[vector<16xi32>, vector<16xi32>], vector<16xf32>,
      %add3A_381 = arith.constant 3 : i32
      %add3A_382 = arith.addi %mul3A_82, %add3A_381 : i32
      %swap3A_383 = arith.index_cast %add3A_382 : i32 to index
      %swap3A_384 = arith.constant 0 : index
      %swap3A_385 = tpu.vector_load %arg16[%swap3A_383, %swap3A_384] {strides = array<i32>} : memref<128x64xf32, #tpu.memory_space<vmem>>, vector<16xf32>,
      tpu.vector_store %arg16[%swap3A_383, %swap3A_384], %gather3A_380 {strides = array<i32>} : memref<128x64xf32, #tpu.memory_space<vmem>>, vector<16xf32>,
      %iota3A_386 = tpu.iota {dimensions = array<i32: 0>} : vector<16xi32>
      %add3A_387 = arith.constant 16 : i32
      %add3A_388 = vector.broadcast %add3A_387 : i32 to vector<16xi32>
      %add3A_389 = arith.addi %iota3A_386, %add3A_388 : vector<16xi32>
      %gather3A_390 = tpu.vector_load_idx %arg9[%add3A_389, %broadcast_in_dim3A_375] : memref<64x128xf32, #tpu.memory_space<vmem>>[vector<16xi32>, vector<16xi32>], vector<16xf32>,
      %add3A_391 = arith.constant 3 : i32
      %add3A_392 = arith.addi %mul3A_82, %add3A_391 : i32
      %swap3A_393 = arith.index_cast %add3A_392 : i32 to index
      %swap3A_394 = arith.constant 16 : index
      %swap3A_395 = tpu.vector_load %arg16[%swap3A_393, %swap3A_394] {strides = array<i32>} : memref<128x64xf32, #tpu.memory_space<vmem>>, vector<16xf32>,
      tpu.vector_store %arg16[%swap3A_393, %swap3A_394], %gather3A_390 {strides = array<i32>} : memref<128x64xf32, #tpu.memory_space<vmem>>, vector<16xf32>,
      %iota3A_396 = tpu.iota {dimensions = array<i32: 0>} : vector<16xi32>
      %add3A_397 = arith.constant 32 : i32
      %add3A_398 = vector.broadcast %add3A_397 : i32 to vector<16xi32>
      %add3A_399 = arith.addi %iota3A_396, %add3A_398 : vector<16xi32>
      %gather3A_400 = tpu.vector_load_idx %arg9[%add3A_399, %broadcast_in_dim3A_375] : memref<64x128xf32, #tpu.memory_space<vmem>>[vector<16xi32>, vector<16xi32>], vector<16xf32>,
      %add3A_401 = arith.constant 3 : i32
      %add3A_402 = arith.addi %mul3A_82, %add3A_401 : i32
      %swap3A_403 = arith.index_cast %add3A_402 : i32 to index
      %swap3A_404 = arith.constant 32 : index
      %swap3A_405 = tpu.vector_load %arg16[%swap3A_403, %swap3A_404] {strides = array<i32>} : memref<128x64xf32, #tpu.memory_space<vmem>>, vector<16xf32>,
      tpu.vector_store %arg16[%swap3A_403, %swap3A_404], %gather3A_400 {strides = array<i32>} : memref<128x64xf32, #tpu.memory_space<vmem>>, vector<16xf32>,
      %iota3A_406 = tpu.iota {dimensions = array<i32: 0>} : vector<16xi32>
      %add3A_407 = arith.constant 48 : i32
      %add3A_408 = vector.broadcast %add3A_407 : i32 to vector<16xi32>
      %add3A_409 = arith.addi %iota3A_406, %add3A_408 : vector<16xi32>
      %gather3A_410 = tpu.vector_load_idx %arg9[%add3A_409, %broadcast_in_dim3A_375] : memref<64x128xf32, #tpu.memory_space<vmem>>[vector<16xi32>, vector<16xi32>], vector<16xf32>,
      %add3A_411 = arith.constant 3 : i32
      %add3A_412 = arith.addi %mul3A_82, %add3A_411 : i32
      %swap3A_413 = arith.index_cast %add3A_412 : i32 to index
      %swap3A_414 = arith.constant 48 : index
      %swap3A_415 = tpu.vector_load %arg16[%swap3A_413, %swap3A_414] {strides = array<i32>} : memref<128x64xf32, #tpu.memory_space<vmem>>, vector<16xf32>,
      tpu.vector_store %arg16[%swap3A_413, %swap3A_414], %gather3A_410 {strides = array<i32>} : memref<128x64xf32, #tpu.memory_space<vmem>>, vector<16xf32>,
      %slice3A_416 = vector.extract_strided_slice %get3A_85 {offsets = [13], sizes = [1], strides = [1]} : vector<16xi32> to vector<1xi32>
      %squeeze3A_417 = vector.extract %slice3A_416[0] : i32 from vector<1xi32>
      %shift_right_arithmetic3A_418 = arith.constant 7 : i32
      %shift_right_arithmetic3A_419 = arith.shrsi %squeeze3A_417, %shift_right_arithmetic3A_418 : i32
      %mul3A_420 = arith.constant 128 : i32
      %mul3A_421 = arith.muli %shift_right_arithmetic3A_419, %mul3A_420 : i32
      %multiple_of3A_422 = tpu.assume_multiple %mul3A_421, 128 : i32
      %dma_start3A_423 = arith.constant 0 : i32
      %dma_start3A_424 = tpu.memref_slice %arg3[%dma_start3A_423, %multiple_of3A_422] : memref<64x1000000xf32, #tpu.memory_space<hbm>> -> memref<64x128xf32, #tpu.memory_space<hbm>>
      %dma_start3A_425 = arith.constant 0 : i32
      %dma_start3A_426 = tpu.memref_slice %arg3[%dma_start3A_425, %multiple_of3A_422] : memref<64x1000000xf32, #tpu.memory_space<hbm>> -> memref<64x128xf32, #tpu.memory_space<hbm>>
      tpu.enqueue_dma source(%dma_start3A_426 : memref<64x128xf32, #tpu.memory_space<hbm>>) target(%arg9 : memref<64x128xf32, #tpu.memory_space<vmem>>) target_semaphore(%arg18 : memref<!tpu.dma_semaphore, #tpu.memory_space<semaphore_mem>>)
      %dma_wait3A_427 = arith.constant 0 : i32
      %dma_wait3A_428 = tpu.memref_slice %arg3[%dma_wait3A_427, %multiple_of3A_132] : memref<64x1000000xf32, #tpu.memory_space<hbm>> -> memref<64x128xf32, #tpu.memory_space<hbm>>
      %dma_wait3A_429 = arith.constant 0 : i32
      %dma_wait3A_430 = tpu.memref_slice %arg3[%dma_wait3A_429, %multiple_of3A_132] : memref<64x1000000xf32, #tpu.memory_space<hbm>> -> memref<64x128xf32, #tpu.memory_space<hbm>>
      tpu.wait_dma2 semaphore(%arg18 : memref<!tpu.dma_semaphore, #tpu.memory_space<semaphore_mem>>) src(%dma_wait3A_430 : memref<64x128xf32, #tpu.memory_space<hbm>>) dst(%arg10 : memref<64x128xf32, #tpu.memory_space<vmem>>)
      %slice3A_431 = vector.extract_strided_slice %get3A_85 {offsets = [4], sizes = [1], strides = [1]} : vector<16xi32> to vector<1xi32>
      %squeeze3A_432 = vector.extract %slice3A_431[0] : i32 from vector<1xi32>
      %and3A_433 = arith.constant 127 : i32
      %and3A_434 = arith.andi %squeeze3A_432, %and3A_433 : i32
      %broadcast_in_dim3A_435 = vector.broadcast %and3A_434 : i32 to vector<16xi32>
      %iota3A_436 = tpu.iota {dimensions = array<i32: 0>} : vector<16xi32>
      %add3A_437 = arith.constant 0 : i32
      %add3A_438 = vector.broadcast %add3A_437 : i32 to vector<16xi32>
      %add3A_439 = arith.addi %iota3A_436, %add3A_438 : vector<16xi32>
      %gather3A_440 = tpu.vector_load_idx %arg10[%add3A_439, %broadcast_in_dim3A_435] : memref<64x128xf32, #tpu.memory_space<vmem>>[vector<16xi32>, vector<16xi32>], vector<16xf32>,
      %add3A_441 = arith.constant 4 : i32
      %add3A_442 = arith.addi %mul3A_82, %add3A_441 : i32
      %swap3A_443 = arith.index_cast %add3A_442 : i32 to index
      %swap3A_444 = arith.constant 0 : index
      %swap3A_445 = tpu.vector_load %arg16[%swap3A_443, %swap3A_444] {strides = array<i32>} : memref<128x64xf32, #tpu.memory_space<vmem>>, vector<16xf32>,
      tpu.vector_store %arg16[%swap3A_443, %swap3A_444], %gather3A_440 {strides = array<i32>} : memref<128x64xf32, #tpu.memory_space<vmem>>, vector<16xf32>,
      %iota3A_446 = tpu.iota {dimensions = array<i32: 0>} : vector<16xi32>
      %add3A_447 = arith.constant 16 : i32
      %add3A_448 = vector.broadcast %add3A_447 : i32 to vector<16xi32>
      %add3A_449 = arith.addi %iota3A_446, %add3A_448 : vector<16xi32>
      %gather3A_450 = tpu.vector_load_idx %arg10[%add3A_449, %broadcast_in_dim3A_435] : memref<64x128xf32, #tpu.memory_space<vmem>>[vector<16xi32>, vector<16xi32>], vector<16xf32>,
      %add3A_451 = arith.constant 4 : i32
      %add3A_452 = arith.addi %mul3A_82, %add3A_451 : i32
      %swap3A_453 = arith.index_cast %add3A_452 : i32 to index
      %swap3A_454 = arith.constant 16 : index
      %swap3A_455 = tpu.vector_load %arg16[%swap3A_453, %swap3A_454] {strides = array<i32>} : memref<128x64xf32, #tpu.memory_space<vmem>>, vector<16xf32>,
      tpu.vector_store %arg16[%swap3A_453, %swap3A_454], %gather3A_450 {strides = array<i32>} : memref<128x64xf32, #tpu.memory_space<vmem>>, vector<16xf32>,
      %iota3A_456 = tpu.iota {dimensions = array<i32: 0>} : vector<16xi32>
      %add3A_457 = arith.constant 32 : i32
      %add3A_458 = vector.broadcast %add3A_457 : i32 to vector<16xi32>
      %add3A_459 = arith.addi %iota3A_456, %add3A_458 : vector<16xi32>
      %gather3A_460 = tpu.vector_load_idx %arg10[%add3A_459, %broadcast_in_dim3A_435] : memref<64x128xf32, #tpu.memory_space<vmem>>[vector<16xi32>, vector<16xi32>], vector<16xf32>,
      %add3A_461 = arith.constant 4 : i32
      %add3A_462 = arith.addi %mul3A_82, %add3A_461 : i32
      %swap3A_463 = arith.index_cast %add3A_462 : i32 to index
      %swap3A_464 = arith.constant 32 : index
      %swap3A_465 = tpu.vector_load %arg16[%swap3A_463, %swap3A_464] {strides = array<i32>} : memref<128x64xf32, #tpu.memory_space<vmem>>, vector<16xf32>,
      tpu.vector_store %arg16[%swap3A_463, %swap3A_464], %gather3A_460 {strides = array<i32>} : memref<128x64xf32, #tpu.memory_space<vmem>>, vector<16xf32>,
      %iota3A_466 = tpu.iota {dimensions = array<i32: 0>} : vector<16xi32>
      %add3A_467 = arith.constant 48 : i32
      %add3A_468 = vector.broadcast %add3A_467 : i32 to vector<16xi32>
      %add3A_469 = arith.addi %iota3A_466, %add3A_468 : vector<16xi32>
      %gather3A_470 = tpu.vector_load_idx %arg10[%add3A_469, %broadcast_in_dim3A_435] : memref<64x128xf32, #tpu.memory_space<vmem>>[vector<16xi32>, vector<16xi32>], vector<16xf32>,
      %add3A_471 = arith.constant 4 : i32
      %add3A_472 = arith.addi %mul3A_82, %add3A_471 : i32
      %swap3A_473 = arith.index_cast %add3A_472 : i32 to index
      %swap3A_474 = arith.constant 48 : index
      %swap3A_475 = tpu.vector_load %arg16[%swap3A_473, %swap3A_474] {strides = array<i32>} : memref<128x64xf32, #tpu.memory_space<vmem>>, vector<16xf32>,
      tpu.vector_store %arg16[%swap3A_473, %swap3A_474], %gather3A_470 {strides = array<i32>} : memref<128x64xf32, #tpu.memory_space<vmem>>, vector<16xf32>,
      %slice3A_476 = vector.extract_strided_slice %get3A_85 {offsets = [14], sizes = [1], strides = [1]} : vector<16xi32> to vector<1xi32>
      %squeeze3A_477 = vector.extract %slice3A_476[0] : i32 from vector<1xi32>
      %shift_right_arithmetic3A_478 = arith.constant 7 : i32
      %shift_right_arithmetic3A_479 = arith.shrsi %squeeze3A_477, %shift_right_arithmetic3A_478 : i32
      %mul3A_480 = arith.constant 128 : i32
      %mul3A_481 = arith.muli %shift_right_arithmetic3A_479, %mul3A_480 : i32
      %multiple_of3A_482 = tpu.assume_multiple %mul3A_481, 128 : i32
      %dma_start3A_483 = arith.constant 0 : i32
      %dma_start3A_484 = tpu.memref_slice %arg3[%dma_start3A_483, %multiple_of3A_482] : memref<64x1000000xf32, #tpu.memory_space<hbm>> -> memref<64x128xf32, #tpu.memory_space<hbm>>
      %dma_start3A_485 = arith.constant 0 : i32
      %dma_start3A_486 = tpu.memref_slice %arg3[%dma_start3A_485, %multiple_of3A_482] : memref<64x1000000xf32, #tpu.memory_space<hbm>> -> memref<64x128xf32, #tpu.memory_space<hbm>>
      tpu.enqueue_dma source(%dma_start3A_486 : memref<64x128xf32, #tpu.memory_space<hbm>>) target(%arg10 : memref<64x128xf32, #tpu.memory_space<vmem>>) target_semaphore(%arg18 : memref<!tpu.dma_semaphore, #tpu.memory_space<semaphore_mem>>)
      %dma_wait3A_487 = arith.constant 0 : i32
      %dma_wait3A_488 = tpu.memref_slice %arg3[%dma_wait3A_487, %multiple_of3A_143] : memref<64x1000000xf32, #tpu.memory_space<hbm>> -> memref<64x128xf32, #tpu.memory_space<hbm>>
      %dma_wait3A_489 = arith.constant 0 : i32
      %dma_wait3A_490 = tpu.memref_slice %arg3[%dma_wait3A_489, %multiple_of3A_143] : memref<64x1000000xf32, #tpu.memory_space<hbm>> -> memref<64x128xf32, #tpu.memory_space<hbm>>
      tpu.wait_dma2 semaphore(%arg18 : memref<!tpu.dma_semaphore, #tpu.memory_space<semaphore_mem>>) src(%dma_wait3A_490 : memref<64x128xf32, #tpu.memory_space<hbm>>) dst(%arg11 : memref<64x128xf32, #tpu.memory_space<vmem>>)
      %slice3A_491 = vector.extract_strided_slice %get3A_85 {offsets = [5], sizes = [1], strides = [1]} : vector<16xi32> to vector<1xi32>
      %squeeze3A_492 = vector.extract %slice3A_491[0] : i32 from vector<1xi32>
      %and3A_493 = arith.constant 127 : i32
      %and3A_494 = arith.andi %squeeze3A_492, %and3A_493 : i32
      %broadcast_in_dim3A_495 = vector.broadcast %and3A_494 : i32 to vector<16xi32>
      %iota3A_496 = tpu.iota {dimensions = array<i32: 0>} : vector<16xi32>
      %add3A_497 = arith.constant 0 : i32
      %add3A_498 = vector.broadcast %add3A_497 : i32 to vector<16xi32>
      %add3A_499 = arith.addi %iota3A_496, %add3A_498 : vector<16xi32>
      %gather3A_500 = tpu.vector_load_idx %arg11[%add3A_499, %broadcast_in_dim3A_495] : memref<64x128xf32, #tpu.memory_space<vmem>>[vector<16xi32>, vector<16xi32>], vector<16xf32>,
      %add3A_501 = arith.constant 5 : i32
      %add3A_502 = arith.addi %mul3A_82, %add3A_501 : i32
      %swap3A_503 = arith.index_cast %add3A_502 : i32 to index
      %swap3A_504 = arith.constant 0 : index
      %swap3A_505 = tpu.vector_load %arg16[%swap3A_503, %swap3A_504] {strides = array<i32>} : memref<128x64xf32, #tpu.memory_space<vmem>>, vector<16xf32>,
      tpu.vector_store %arg16[%swap3A_503, %swap3A_504], %gather3A_500 {strides = array<i32>} : memref<128x64xf32, #tpu.memory_space<vmem>>, vector<16xf32>,
      %iota3A_506 = tpu.iota {dimensions = array<i32: 0>} : vector<16xi32>
      %add3A_507 = arith.constant 16 : i32
      %add3A_508 = vector.broadcast %add3A_507 : i32 to vector<16xi32>
      %add3A_509 = arith.addi %iota3A_506, %add3A_508 : vector<16xi32>
      %gather3A_510 = tpu.vector_load_idx %arg11[%add3A_509, %broadcast_in_dim3A_495] : memref<64x128xf32, #tpu.memory_space<vmem>>[vector<16xi32>, vector<16xi32>], vector<16xf32>,
      %add3A_511 = arith.constant 5 : i32
      %add3A_512 = arith.addi %mul3A_82, %add3A_511 : i32
      %swap3A_513 = arith.index_cast %add3A_512 : i32 to index
      %swap3A_514 = arith.constant 16 : index
      %swap3A_515 = tpu.vector_load %arg16[%swap3A_513, %swap3A_514] {strides = array<i32>} : memref<128x64xf32, #tpu.memory_space<vmem>>, vector<16xf32>,
      tpu.vector_store %arg16[%swap3A_513, %swap3A_514], %gather3A_510 {strides = array<i32>} : memref<128x64xf32, #tpu.memory_space<vmem>>, vector<16xf32>,
      %iota3A_516 = tpu.iota {dimensions = array<i32: 0>} : vector<16xi32>
      %add3A_517 = arith.constant 32 : i32
      %add3A_518 = vector.broadcast %add3A_517 : i32 to vector<16xi32>
      %add3A_519 = arith.addi %iota3A_516, %add3A_518 : vector<16xi32>
      %gather3A_520 = tpu.vector_load_idx %arg11[%add3A_519, %broadcast_in_dim3A_495] : memref<64x128xf32, #tpu.memory_space<vmem>>[vector<16xi32>, vector<16xi32>], vector<16xf32>,
      %add3A_521 = arith.constant 5 : i32
      %add3A_522 = arith.addi %mul3A_82, %add3A_521 : i32
      %swap3A_523 = arith.index_cast %add3A_522 : i32 to index
      %swap3A_524 = arith.constant 32 : index
      %swap3A_525 = tpu.vector_load %arg16[%swap3A_523, %swap3A_524] {strides = array<i32>} : memref<128x64xf32, #tpu.memory_space<vmem>>, vector<16xf32>,
      tpu.vector_store %arg16[%swap3A_523, %swap3A_524], %gather3A_520 {strides = array<i32>} : memref<128x64xf32, #tpu.memory_space<vmem>>, vector<16xf32>,
      %iota3A_526 = tpu.iota {dimensions = array<i32: 0>} : vector<16xi32>
      %add3A_527 = arith.constant 48 : i32
      %add3A_528 = vector.broadcast %add3A_527 : i32 to vector<16xi32>
      %add3A_529 = arith.addi %iota3A_526, %add3A_528 : vector<16xi32>
      %gather3A_530 = tpu.vector_load_idx %arg11[%add3A_529, %broadcast_in_dim3A_495] : memref<64x128xf32, #tpu.memory_space<vmem>>[vector<16xi32>, vector<16xi32>], vector<16xf32>,
      %add3A_531 = arith.constant 5 : i32
      %add3A_532 = arith.addi %mul3A_82, %add3A_531 : i32
      %swap3A_533 = arith.index_cast %add3A_532 : i32 to index
      %swap3A_534 = arith.constant 48 : index
      %swap3A_535 = tpu.vector_load %arg16[%swap3A_533, %swap3A_534] {strides = array<i32>} : memref<128x64xf32, #tpu.memory_space<vmem>>, vector<16xf32>,
      tpu.vector_store %arg16[%swap3A_533, %swap3A_534], %gather3A_530 {strides = array<i32>} : memref<128x64xf32, #tpu.memory_space<vmem>>, vector<16xf32>,
      %slice3A_536 = vector.extract_strided_slice %get3A_85 {offsets = [15], sizes = [1], strides = [1]} : vector<16xi32> to vector<1xi32>
      %squeeze3A_537 = vector.extract %slice3A_536[0] : i32 from vector<1xi32>
      %shift_right_arithmetic3A_538 = arith.constant 7 : i32
      %shift_right_arithmetic3A_539 = arith.shrsi %squeeze3A_537, %shift_right_arithmetic3A_538 : i32
      %mul3A_540 = arith.constant 128 : i32
      %mul3A_541 = arith.muli %shift_right_arithmetic3A_539, %mul3A_540 : i32
      %multiple_of3A_542 = tpu.assume_multiple %mul3A_541, 128 : i32
      %dma_start3A_543 = arith.constant 0 : i32
      %dma_start3A_544 = tpu.memref_slice %arg3[%dma_start3A_543, %multiple_of3A_542] : memref<64x1000000xf32, #tpu.memory_space<hbm>> -> memref<64x128xf32, #tpu.memory_space<hbm>>
      %dma_start3A_545 = arith.constant 0 : i32
      %dma_start3A_546 = tpu.memref_slice %arg3[%dma_start3A_545, %multiple_of3A_542] : memref<64x1000000xf32, #tpu.memory_space<hbm>> -> memref<64x128xf32, #tpu.memory_space<hbm>>
      tpu.enqueue_dma source(%dma_start3A_546 : memref<64x128xf32, #tpu.memory_space<hbm>>) target(%arg11 : memref<64x128xf32, #tpu.memory_space<vmem>>) target_semaphore(%arg18 : memref<!tpu.dma_semaphore, #tpu.memory_space<semaphore_mem>>)
      %dma_wait3A_547 = arith.constant 0 : i32
      %dma_wait3A_548 = tpu.memref_slice %arg3[%dma_wait3A_547, %multiple_of3A_154] : memref<64x1000000xf32, #tpu.memory_space<hbm>> -> memref<64x128xf32, #tpu.memory_space<hbm>>
      %dma_wait3A_549 = arith.constant 0 : i32
      %dma_wait3A_550 = tpu.memref_slice %arg3[%dma_wait3A_549, %multiple_of3A_154] : memref<64x1000000xf32, #tpu.memory_space<hbm>> -> memref<64x128xf32, #tpu.memory_space<hbm>>
      tpu.wait_dma2 semaphore(%arg18 : memref<!tpu.dma_semaphore, #tpu.memory_space<semaphore_mem>>) src(%dma_wait3A_550 : memref<64x128xf32, #tpu.memory_space<hbm>>) dst(%arg12 : memref<64x128xf32, #tpu.memory_space<vmem>>)
      %slice3A_551 = vector.extract_strided_slice %get3A_85 {offsets = [6], sizes = [1], strides = [1]} : vector<16xi32> to vector<1xi32>
      %squeeze3A_552 = vector.extract %slice3A_551[0] : i32 from vector<1xi32>
      %and3A_553 = arith.constant 127 : i32
      %and3A_554 = arith.andi %squeeze3A_552, %and3A_553 : i32
      %broadcast_in_dim3A_555 = vector.broadcast %and3A_554 : i32 to vector<16xi32>
      %iota3A_556 = tpu.iota {dimensions = array<i32: 0>} : vector<16xi32>
      %add3A_557 = arith.constant 0 : i32
      %add3A_558 = vector.broadcast %add3A_557 : i32 to vector<16xi32>
      %add3A_559 = arith.addi %iota3A_556, %add3A_558 : vector<16xi32>
      %gather3A_560 = tpu.vector_load_idx %arg12[%add3A_559, %broadcast_in_dim3A_555] : memref<64x128xf32, #tpu.memory_space<vmem>>[vector<16xi32>, vector<16xi32>], vector<16xf32>,
      %add3A_561 = arith.constant 6 : i32
      %add3A_562 = arith.addi %mul3A_82, %add3A_561 : i32
      %swap3A_563 = arith.index_cast %add3A_562 : i32 to index
      %swap3A_564 = arith.constant 0 : index
      %swap3A_565 = tpu.vector_load %arg16[%swap3A_563, %swap3A_564] {strides = array<i32>} : memref<128x64xf32, #tpu.memory_space<vmem>>, vector<16xf32>,
      tpu.vector_store %arg16[%swap3A_563, %swap3A_564], %gather3A_560 {strides = array<i32>} : memref<128x64xf32, #tpu.memory_space<vmem>>, vector<16xf32>,
      %iota3A_566 = tpu.iota {dimensions = array<i32: 0>} : vector<16xi32>
      %add3A_567 = arith.constant 16 : i32
      %add3A_568 = vector.broadcast %add3A_567 : i32 to vector<16xi32>
      %add3A_569 = arith.addi %iota3A_566, %add3A_568 : vector<16xi32>
      %gather3A_570 = tpu.vector_load_idx %arg12[%add3A_569, %broadcast_in_dim3A_555] : memref<64x128xf32, #tpu.memory_space<vmem>>[vector<16xi32>, vector<16xi32>], vector<16xf32>,
      %add3A_571 = arith.constant 6 : i32
      %add3A_572 = arith.addi %mul3A_82, %add3A_571 : i32
      %swap3A_573 = arith.index_cast %add3A_572 : i32 to index
      %swap3A_574 = arith.constant 16 : index
      %swap3A_575 = tpu.vector_load %arg16[%swap3A_573, %swap3A_574] {strides = array<i32>} : memref<128x64xf32, #tpu.memory_space<vmem>>, vector<16xf32>,
      tpu.vector_store %arg16[%swap3A_573, %swap3A_574], %gather3A_570 {strides = array<i32>} : memref<128x64xf32, #tpu.memory_space<vmem>>, vector<16xf32>,
      %iota3A_576 = tpu.iota {dimensions = array<i32: 0>} : vector<16xi32>
      %add3A_577 = arith.constant 32 : i32
      %add3A_578 = vector.broadcast %add3A_577 : i32 to vector<16xi32>
      %add3A_579 = arith.addi %iota3A_576, %add3A_578 : vector<16xi32>
      %gather3A_580 = tpu.vector_load_idx %arg12[%add3A_579, %broadcast_in_dim3A_555] : memref<64x128xf32, #tpu.memory_space<vmem>>[vector<16xi32>, vector<16xi32>], vector<16xf32>,
      %add3A_581 = arith.constant 6 : i32
      %add3A_582 = arith.addi %mul3A_82, %add3A_581 : i32
      %swap3A_583 = arith.index_cast %add3A_582 : i32 to index
      %swap3A_584 = arith.constant 32 : index
      %swap3A_585 = tpu.vector_load %arg16[%swap3A_583, %swap3A_584] {strides = array<i32>} : memref<128x64xf32, #tpu.memory_space<vmem>>, vector<16xf32>,
      tpu.vector_store %arg16[%swap3A_583, %swap3A_584], %gather3A_580 {strides = array<i32>} : memref<128x64xf32, #tpu.memory_space<vmem>>, vector<16xf32>,
      %iota3A_586 = tpu.iota {dimensions = array<i32: 0>} : vector<16xi32>
      %add3A_587 = arith.constant 48 : i32
      %add3A_588 = vector.broadcast %add3A_587 : i32 to vector<16xi32>
      %add3A_589 = arith.addi %iota3A_586, %add3A_588 : vector<16xi32>
      %gather3A_590 = tpu.vector_load_idx %arg12[%add3A_589, %broadcast_in_dim3A_555] : memref<64x128xf32, #tpu.memory_space<vmem>>[vector<16xi32>, vector<16xi32>], vector<16xf32>,
      %add3A_591 = arith.constant 6 : i32
      %add3A_592 = arith.addi %mul3A_82, %add3A_591 : i32
      %swap3A_593 = arith.index_cast %add3A_592 : i32 to index
      %swap3A_594 = arith.constant 48 : index
      %swap3A_595 = tpu.vector_load %arg16[%swap3A_593, %swap3A_594] {strides = array<i32>} : memref<128x64xf32, #tpu.memory_space<vmem>>, vector<16xf32>,
      tpu.vector_store %arg16[%swap3A_593, %swap3A_594], %gather3A_590 {strides = array<i32>} : memref<128x64xf32, #tpu.memory_space<vmem>>, vector<16xf32>,
      %dma_wait3A_596 = arith.constant 0 : i32
      %dma_wait3A_597 = tpu.memref_slice %arg3[%dma_wait3A_596, %multiple_of3A_165] : memref<64x1000000xf32, #tpu.memory_space<hbm>> -> memref<64x128xf32, #tpu.memory_space<hbm>>
      %dma_wait3A_598 = arith.constant 0 : i32
      %dma_wait3A_599 = tpu.memref_slice %arg3[%dma_wait3A_598, %multiple_of3A_165] : memref<64x1000000xf32, #tpu.memory_space<hbm>> -> memref<64x128xf32, #tpu.memory_space<hbm>>
      tpu.wait_dma2 semaphore(%arg18 : memref<!tpu.dma_semaphore, #tpu.memory_space<semaphore_mem>>) src(%dma_wait3A_599 : memref<64x128xf32, #tpu.memory_space<hbm>>) dst(%arg13 : memref<64x128xf32, #tpu.memory_space<vmem>>)
      %slice3A_600 = vector.extract_strided_slice %get3A_85 {offsets = [7], sizes = [1], strides = [1]} : vector<16xi32> to vector<1xi32>
      %squeeze3A_601 = vector.extract %slice3A_600[0] : i32 from vector<1xi32>
      %and3A_602 = arith.constant 127 : i32
      %and3A_603 = arith.andi %squeeze3A_601, %and3A_602 : i32
      %broadcast_in_dim3A_604 = vector.broadcast %and3A_603 : i32 to vector<16xi32>
      %iota3A_605 = tpu.iota {dimensions = array<i32: 0>} : vector<16xi32>
      %add3A_606 = arith.constant 0 : i32
      %add3A_607 = vector.broadcast %add3A_606 : i32 to vector<16xi32>
      %add3A_608 = arith.addi %iota3A_605, %add3A_607 : vector<16xi32>
      %gather3A_609 = tpu.vector_load_idx %arg13[%add3A_608, %broadcast_in_dim3A_604] : memref<64x128xf32, #tpu.memory_space<vmem>>[vector<16xi32>, vector<16xi32>], vector<16xf32>,
      %add3A_610 = arith.constant 7 : i32
      %add3A_611 = arith.addi %mul3A_82, %add3A_610 : i32
      %swap3A_612 = arith.index_cast %add3A_611 : i32 to index
      %swap3A_613 = arith.constant 0 : index
      %swap3A_614 = tpu.vector_load %arg16[%swap3A_612, %swap3A_613] {strides = array<i32>} : memref<128x64xf32, #tpu.memory_space<vmem>>, vector<16xf32>,
      tpu.vector_store %arg16[%swap3A_612, %swap3A_613], %gather3A_609 {strides = array<i32>} : memref<128x64xf32, #tpu.memory_space<vmem>>, vector<16xf32>,
      %iota3A_615 = tpu.iota {dimensions = array<i32: 0>} : vector<16xi32>
      %add3A_616 = arith.constant 16 : i32
      %add3A_617 = vector.broadcast %add3A_616 : i32 to vector<16xi32>
      %add3A_618 = arith.addi %iota3A_615, %add3A_617 : vector<16xi32>
      %gather3A_619 = tpu.vector_load_idx %arg13[%add3A_618, %broadcast_in_dim3A_604] : memref<64x128xf32, #tpu.memory_space<vmem>>[vector<16xi32>, vector<16xi32>], vector<16xf32>,
      %add3A_620 = arith.constant 7 : i32
      %add3A_621 = arith.addi %mul3A_82, %add3A_620 : i32
      %swap3A_622 = arith.index_cast %add3A_621 : i32 to index
      %swap3A_623 = arith.constant 16 : index
      %swap3A_624 = tpu.vector_load %arg16[%swap3A_622, %swap3A_623] {strides = array<i32>} : memref<128x64xf32, #tpu.memory_space<vmem>>, vector<16xf32>,
      tpu.vector_store %arg16[%swap3A_622, %swap3A_623], %gather3A_619 {strides = array<i32>} : memref<128x64xf32, #tpu.memory_space<vmem>>, vector<16xf32>,
      %iota3A_625 = tpu.iota {dimensions = array<i32: 0>} : vector<16xi32>
      %add3A_626 = arith.constant 32 : i32
      %add3A_627 = vector.broadcast %add3A_626 : i32 to vector<16xi32>
      %add3A_628 = arith.addi %iota3A_625, %add3A_627 : vector<16xi32>
      %gather3A_629 = tpu.vector_load_idx %arg13[%add3A_628, %broadcast_in_dim3A_604] : memref<64x128xf32, #tpu.memory_space<vmem>>[vector<16xi32>, vector<16xi32>], vector<16xf32>,
      %add3A_630 = arith.constant 7 : i32
      %add3A_631 = arith.addi %mul3A_82, %add3A_630 : i32
      %swap3A_632 = arith.index_cast %add3A_631 : i32 to index
      %swap3A_633 = arith.constant 32 : index
      %swap3A_634 = tpu.vector_load %arg16[%swap3A_632, %swap3A_633] {strides = array<i32>} : memref<128x64xf32, #tpu.memory_space<vmem>>, vector<16xf32>,
      tpu.vector_store %arg16[%swap3A_632, %swap3A_633], %gather3A_629 {strides = array<i32>} : memref<128x64xf32, #tpu.memory_space<vmem>>, vector<16xf32>,
      %iota3A_635 = tpu.iota {dimensions = array<i32: 0>} : vector<16xi32>
      %add3A_636 = arith.constant 48 : i32
      %add3A_637 = vector.broadcast %add3A_636 : i32 to vector<16xi32>
      %add3A_638 = arith.addi %iota3A_635, %add3A_637 : vector<16xi32>
      %gather3A_639 = tpu.vector_load_idx %arg13[%add3A_638, %broadcast_in_dim3A_604] : memref<64x128xf32, #tpu.memory_space<vmem>>[vector<16xi32>, vector<16xi32>], vector<16xf32>,
      %add3A_640 = arith.constant 7 : i32
      %add3A_641 = arith.addi %mul3A_82, %add3A_640 : i32
      %swap3A_642 = arith.index_cast %add3A_641 : i32 to index
      %swap3A_643 = arith.constant 48 : index
      %swap3A_644 = tpu.vector_load %arg16[%swap3A_642, %swap3A_643] {strides = array<i32>} : memref<128x64xf32, #tpu.memory_space<vmem>>, vector<16xf32>,
      tpu.vector_store %arg16[%swap3A_642, %swap3A_643], %gather3A_639 {strides = array<i32>} : memref<128x64xf32, #tpu.memory_space<vmem>>, vector<16xf32>,
      %dma_wait3A_645 = arith.constant 0 : i32
      %dma_wait3A_646 = tpu.memref_slice %arg3[%dma_wait3A_645, %multiple_of3A_176] : memref<64x1000000xf32, #tpu.memory_space<hbm>> -> memref<64x128xf32, #tpu.memory_space<hbm>>
      %dma_wait3A_647 = arith.constant 0 : i32
      %dma_wait3A_648 = tpu.memref_slice %arg3[%dma_wait3A_647, %multiple_of3A_176] : memref<64x1000000xf32, #tpu.memory_space<hbm>> -> memref<64x128xf32, #tpu.memory_space<hbm>>
      tpu.wait_dma2 semaphore(%arg18 : memref<!tpu.dma_semaphore, #tpu.memory_space<semaphore_mem>>) src(%dma_wait3A_648 : memref<64x128xf32, #tpu.memory_space<hbm>>) dst(%arg14 : memref<64x128xf32, #tpu.memory_space<vmem>>)
      %slice3A_649 = vector.extract_strided_slice %get3A_85 {offsets = [8], sizes = [1], strides = [1]} : vector<16xi32> to vector<1xi32>
      %squeeze3A_650 = vector.extract %slice3A_649[0] : i32 from vector<1xi32>
      %and3A_651 = arith.constant 127 : i32
      %and3A_652 = arith.andi %squeeze3A_650, %and3A_651 : i32
      %broadcast_in_dim3A_653 = vector.broadcast %and3A_652 : i32 to vector<16xi32>
      %iota3A_654 = tpu.iota {dimensions = array<i32: 0>} : vector<16xi32>
      %add3A_655 = arith.constant 0 : i32
      %add3A_656 = vector.broadcast %add3A_655 : i32 to vector<16xi32>
      %add3A_657 = arith.addi %iota3A_654, %add3A_656 : vector<16xi32>
      %gather3A_658 = tpu.vector_load_idx %arg14[%add3A_657, %broadcast_in_dim3A_653] : memref<64x128xf32, #tpu.memory_space<vmem>>[vector<16xi32>, vector<16xi32>], vector<16xf32>,
      %add3A_659 = arith.constant 8 : i32
      %add3A_660 = arith.addi %mul3A_82, %add3A_659 : i32
      %swap3A_661 = arith.index_cast %add3A_660 : i32 to index
      %swap3A_662 = arith.constant 0 : index
      %swap3A_663 = tpu.vector_load %arg16[%swap3A_661, %swap3A_662] {strides = array<i32>} : memref<128x64xf32, #tpu.memory_space<vmem>>, vector<16xf32>,
      tpu.vector_store %arg16[%swap3A_661, %swap3A_662], %gather3A_658 {strides = array<i32>} : memref<128x64xf32, #tpu.memory_space<vmem>>, vector<16xf32>,
      %iota3A_664 = tpu.iota {dimensions = array<i32: 0>} : vector<16xi32>
      %add3A_665 = arith.constant 16 : i32
      %add3A_666 = vector.broadcast %add3A_665 : i32 to vector<16xi32>
      %add3A_667 = arith.addi %iota3A_664, %add3A_666 : vector<16xi32>
      %gather3A_668 = tpu.vector_load_idx %arg14[%add3A_667, %broadcast_in_dim3A_653] : memref<64x128xf32, #tpu.memory_space<vmem>>[vector<16xi32>, vector<16xi32>], vector<16xf32>,
      %add3A_669 = arith.constant 8 : i32
      %add3A_670 = arith.addi %mul3A_82, %add3A_669 : i32
      %swap3A_671 = arith.index_cast %add3A_670 : i32 to index
      %swap3A_672 = arith.constant 16 : index
      %swap3A_673 = tpu.vector_load %arg16[%swap3A_671, %swap3A_672] {strides = array<i32>} : memref<128x64xf32, #tpu.memory_space<vmem>>, vector<16xf32>,
      tpu.vector_store %arg16[%swap3A_671, %swap3A_672], %gather3A_668 {strides = array<i32>} : memref<128x64xf32, #tpu.memory_space<vmem>>, vector<16xf32>,
      %iota3A_674 = tpu.iota {dimensions = array<i32: 0>} : vector<16xi32>
      %add3A_675 = arith.constant 32 : i32
      %add3A_676 = vector.broadcast %add3A_675 : i32 to vector<16xi32>
      %add3A_677 = arith.addi %iota3A_674, %add3A_676 : vector<16xi32>
      %gather3A_678 = tpu.vector_load_idx %arg14[%add3A_677, %broadcast_in_dim3A_653] : memref<64x128xf32, #tpu.memory_space<vmem>>[vector<16xi32>, vector<16xi32>], vector<16xf32>,
      %add3A_679 = arith.constant 8 : i32
      %add3A_680 = arith.addi %mul3A_82, %add3A_679 : i32
      %swap3A_681 = arith.index_cast %add3A_680 : i32 to index
      %swap3A_682 = arith.constant 32 : index
      %swap3A_683 = tpu.vector_load %arg16[%swap3A_681, %swap3A_682] {strides = array<i32>} : memref<128x64xf32, #tpu.memory_space<vmem>>, vector<16xf32>,
      tpu.vector_store %arg16[%swap3A_681, %swap3A_682], %gather3A_678 {strides = array<i32>} : memref<128x64xf32, #tpu.memory_space<vmem>>, vector<16xf32>,
      %iota3A_684 = tpu.iota {dimensions = array<i32: 0>} : vector<16xi32>
      %add3A_685 = arith.constant 48 : i32
      %add3A_686 = vector.broadcast %add3A_685 : i32 to vector<16xi32>
      %add3A_687 = arith.addi %iota3A_684, %add3A_686 : vector<16xi32>
      %gather3A_688 = tpu.vector_load_idx %arg14[%add3A_687, %broadcast_in_dim3A_653] : memref<64x128xf32, #tpu.memory_space<vmem>>[vector<16xi32>, vector<16xi32>], vector<16xf32>,
      %add3A_689 = arith.constant 8 : i32
      %add3A_690 = arith.addi %mul3A_82, %add3A_689 : i32
      %swap3A_691 = arith.index_cast %add3A_690 : i32 to index
      %swap3A_692 = arith.constant 48 : index
      %swap3A_693 = tpu.vector_load %arg16[%swap3A_691, %swap3A_692] {strides = array<i32>} : memref<128x64xf32, #tpu.memory_space<vmem>>, vector<16xf32>,
      tpu.vector_store %arg16[%swap3A_691, %swap3A_692], %gather3A_688 {strides = array<i32>} : memref<128x64xf32, #tpu.memory_space<vmem>>, vector<16xf32>,
      %dma_wait3A_694 = arith.constant 0 : i32
      %dma_wait3A_695 = tpu.memref_slice %arg3[%dma_wait3A_694, %multiple_of3A_187] : memref<64x1000000xf32, #tpu.memory_space<hbm>> -> memref<64x128xf32, #tpu.memory_space<hbm>>
      %dma_wait3A_696 = arith.constant 0 : i32
      %dma_wait3A_697 = tpu.memref_slice %arg3[%dma_wait3A_696, %multiple_of3A_187] : memref<64x1000000xf32, #tpu.memory_space<hbm>> -> memref<64x128xf32, #tpu.memory_space<hbm>>
      tpu.wait_dma2 semaphore(%arg18 : memref<!tpu.dma_semaphore, #tpu.memory_space<semaphore_mem>>) src(%dma_wait3A_697 : memref<64x128xf32, #tpu.memory_space<hbm>>) dst(%arg15 : memref<64x128xf32, #tpu.memory_space<vmem>>)
      %slice3A_698 = vector.extract_strided_slice %get3A_85 {offsets = [9], sizes = [1], strides = [1]} : vector<16xi32> to vector<1xi32>
      %squeeze3A_699 = vector.extract %slice3A_698[0] : i32 from vector<1xi32>
      %and3A_700 = arith.constant 127 : i32
      %and3A_701 = arith.andi %squeeze3A_699, %and3A_700 : i32
      %broadcast_in_dim3A_702 = vector.broadcast %and3A_701 : i32 to vector<16xi32>
      %iota3A_703 = tpu.iota {dimensions = array<i32: 0>} : vector<16xi32>
      %add3A_704 = arith.constant 0 : i32
      %add3A_705 = vector.broadcast %add3A_704 : i32 to vector<16xi32>
      %add3A_706 = arith.addi %iota3A_703, %add3A_705 : vector<16xi32>
      %gather3A_707 = tpu.vector_load_idx %arg15[%add3A_706, %broadcast_in_dim3A_702] : memref<64x128xf32, #tpu.memory_space<vmem>>[vector<16xi32>, vector<16xi32>], vector<16xf32>,
      %add3A_708 = arith.constant 9 : i32
      %add3A_709 = arith.addi %mul3A_82, %add3A_708 : i32
      %swap3A_710 = arith.index_cast %add3A_709 : i32 to index
      %swap3A_711 = arith.constant 0 : index
      %swap3A_712 = tpu.vector_load %arg16[%swap3A_710, %swap3A_711] {strides = array<i32>} : memref<128x64xf32, #tpu.memory_space<vmem>>, vector<16xf32>,
      tpu.vector_store %arg16[%swap3A_710, %swap3A_711], %gather3A_707 {strides = array<i32>} : memref<128x64xf32, #tpu.memory_space<vmem>>, vector<16xf32>,
      %iota3A_713 = tpu.iota {dimensions = array<i32: 0>} : vector<16xi32>
      %add3A_714 = arith.constant 16 : i32
      %add3A_715 = vector.broadcast %add3A_714 : i32 to vector<16xi32>
      %add3A_716 = arith.addi %iota3A_713, %add3A_715 : vector<16xi32>
      %gather3A_717 = tpu.vector_load_idx %arg15[%add3A_716, %broadcast_in_dim3A_702] : memref<64x128xf32, #tpu.memory_space<vmem>>[vector<16xi32>, vector<16xi32>], vector<16xf32>,
      %add3A_718 = arith.constant 9 : i32
      %add3A_719 = arith.addi %mul3A_82, %add3A_718 : i32
      %swap3A_720 = arith.index_cast %add3A_719 : i32 to index
      %swap3A_721 = arith.constant 16 : index
      %swap3A_722 = tpu.vector_load %arg16[%swap3A_720, %swap3A_721] {strides = array<i32>} : memref<128x64xf32, #tpu.memory_space<vmem>>, vector<16xf32>,
      tpu.vector_store %arg16[%swap3A_720, %swap3A_721], %gather3A_717 {strides = array<i32>} : memref<128x64xf32, #tpu.memory_space<vmem>>, vector<16xf32>,
      %iota3A_723 = tpu.iota {dimensions = array<i32: 0>} : vector<16xi32>
      %add3A_724 = arith.constant 32 : i32
      %add3A_725 = vector.broadcast %add3A_724 : i32 to vector<16xi32>
      %add3A_726 = arith.addi %iota3A_723, %add3A_725 : vector<16xi32>
      %gather3A_727 = tpu.vector_load_idx %arg15[%add3A_726, %broadcast_in_dim3A_702] : memref<64x128xf32, #tpu.memory_space<vmem>>[vector<16xi32>, vector<16xi32>], vector<16xf32>,
      %add3A_728 = arith.constant 9 : i32
      %add3A_729 = arith.addi %mul3A_82, %add3A_728 : i32
      %swap3A_730 = arith.index_cast %add3A_729 : i32 to index
      %swap3A_731 = arith.constant 32 : index
      %swap3A_732 = tpu.vector_load %arg16[%swap3A_730, %swap3A_731] {strides = array<i32>} : memref<128x64xf32, #tpu.memory_space<vmem>>, vector<16xf32>,
      tpu.vector_store %arg16[%swap3A_730, %swap3A_731], %gather3A_727 {strides = array<i32>} : memref<128x64xf32, #tpu.memory_space<vmem>>, vector<16xf32>,
      %iota3A_733 = tpu.iota {dimensions = array<i32: 0>} : vector<16xi32>
      %add3A_734 = arith.constant 48 : i32
      %add3A_735 = vector.broadcast %add3A_734 : i32 to vector<16xi32>
      %add3A_736 = arith.addi %iota3A_733, %add3A_735 : vector<16xi32>
      %gather3A_737 = tpu.vector_load_idx %arg15[%add3A_736, %broadcast_in_dim3A_702] : memref<64x128xf32, #tpu.memory_space<vmem>>[vector<16xi32>, vector<16xi32>], vector<16xf32>,
      %add3A_738 = arith.constant 9 : i32
      %add3A_739 = arith.addi %mul3A_82, %add3A_738 : i32
      %swap3A_740 = arith.index_cast %add3A_739 : i32 to index
      %swap3A_741 = arith.constant 48 : index
      %swap3A_742 = tpu.vector_load %arg16[%swap3A_740, %swap3A_741] {strides = array<i32>} : memref<128x64xf32, #tpu.memory_space<vmem>>, vector<16xf32>,
      tpu.vector_store %arg16[%swap3A_740, %swap3A_741], %gather3A_737 {strides = array<i32>} : memref<128x64xf32, #tpu.memory_space<vmem>>, vector<16xf32>,
      %dma_wait3A_743 = arith.constant 0 : i32
      %dma_wait3A_744 = tpu.memref_slice %arg3[%dma_wait3A_743, %multiple_of3A_242] : memref<64x1000000xf32, #tpu.memory_space<hbm>> -> memref<64x128xf32, #tpu.memory_space<hbm>>
      %dma_wait3A_745 = arith.constant 0 : i32
      %dma_wait3A_746 = tpu.memref_slice %arg3[%dma_wait3A_745, %multiple_of3A_242] : memref<64x1000000xf32, #tpu.memory_space<hbm>> -> memref<64x128xf32, #tpu.memory_space<hbm>>
      tpu.wait_dma2 semaphore(%arg18 : memref<!tpu.dma_semaphore, #tpu.memory_space<semaphore_mem>>) src(%dma_wait3A_746 : memref<64x128xf32, #tpu.memory_space<hbm>>) dst(%arg6 : memref<64x128xf32, #tpu.memory_space<vmem>>)
      %slice3A_747 = vector.extract_strided_slice %get3A_85 {offsets = [10], sizes = [1], strides = [1]} : vector<16xi32> to vector<1xi32>
      %squeeze3A_748 = vector.extract %slice3A_747[0] : i32 from vector<1xi32>
      %and3A_749 = arith.constant 127 : i32
      %and3A_750 = arith.andi %squeeze3A_748, %and3A_749 : i32
      %broadcast_in_dim3A_751 = vector.broadcast %and3A_750 : i32 to vector<16xi32>
      %iota3A_752 = tpu.iota {dimensions = array<i32: 0>} : vector<16xi32>
      %add3A_753 = arith.constant 0 : i32
      %add3A_754 = vector.broadcast %add3A_753 : i32 to vector<16xi32>
      %add3A_755 = arith.addi %iota3A_752, %add3A_754 : vector<16xi32>
      %gather3A_756 = tpu.vector_load_idx %arg6[%add3A_755, %broadcast_in_dim3A_751] : memref<64x128xf32, #tpu.memory_space<vmem>>[vector<16xi32>, vector<16xi32>], vector<16xf32>,
      %add3A_757 = arith.constant 10 : i32
      %add3A_758 = arith.addi %mul3A_82, %add3A_757 : i32
      %swap3A_759 = arith.index_cast %add3A_758 : i32 to index
      %swap3A_760 = arith.constant 0 : index
      %swap3A_761 = tpu.vector_load %arg16[%swap3A_759, %swap3A_760] {strides = array<i32>} : memref<128x64xf32, #tpu.memory_space<vmem>>, vector<16xf32>,
      tpu.vector_store %arg16[%swap3A_759, %swap3A_760], %gather3A_756 {strides = array<i32>} : memref<128x64xf32, #tpu.memory_space<vmem>>, vector<16xf32>,
      %iota3A_762 = tpu.iota {dimensions = array<i32: 0>} : vector<16xi32>
      %add3A_763 = arith.constant 16 : i32
      %add3A_764 = vector.broadcast %add3A_763 : i32 to vector<16xi32>
      %add3A_765 = arith.addi %iota3A_762, %add3A_764 : vector<16xi32>
      %gather3A_766 = tpu.vector_load_idx %arg6[%add3A_765, %broadcast_in_dim3A_751] : memref<64x128xf32, #tpu.memory_space<vmem>>[vector<16xi32>, vector<16xi32>], vector<16xf32>,
      %add3A_767 = arith.constant 10 : i32
      %add3A_768 = arith.addi %mul3A_82, %add3A_767 : i32
      %swap3A_769 = arith.index_cast %add3A_768 : i32 to index
      %swap3A_770 = arith.constant 16 : index
      %swap3A_771 = tpu.vector_load %arg16[%swap3A_769, %swap3A_770] {strides = array<i32>} : memref<128x64xf32, #tpu.memory_space<vmem>>, vector<16xf32>,
      tpu.vector_store %arg16[%swap3A_769, %swap3A_770], %gather3A_766 {strides = array<i32>} : memref<128x64xf32, #tpu.memory_space<vmem>>, vector<16xf32>,
      %iota3A_772 = tpu.iota {dimensions = array<i32: 0>} : vector<16xi32>
      %add3A_773 = arith.constant 32 : i32
      %add3A_774 = vector.broadcast %add3A_773 : i32 to vector<16xi32>
      %add3A_775 = arith.addi %iota3A_772, %add3A_774 : vector<16xi32>
      %gather3A_776 = tpu.vector_load_idx %arg6[%add3A_775, %broadcast_in_dim3A_751] : memref<64x128xf32, #tpu.memory_space<vmem>>[vector<16xi32>, vector<16xi32>], vector<16xf32>,
      %add3A_777 = arith.constant 10 : i32
      %add3A_778 = arith.addi %mul3A_82, %add3A_777 : i32
      %swap3A_779 = arith.index_cast %add3A_778 : i32 to index
      %swap3A_780 = arith.constant 32 : index
      %swap3A_781 = tpu.vector_load %arg16[%swap3A_779, %swap3A_780] {strides = array<i32>} : memref<128x64xf32, #tpu.memory_space<vmem>>, vector<16xf32>,
      tpu.vector_store %arg16[%swap3A_779, %swap3A_780], %gather3A_776 {strides = array<i32>} : memref<128x64xf32, #tpu.memory_space<vmem>>, vector<16xf32>,
      %iota3A_782 = tpu.iota {dimensions = array<i32: 0>} : vector<16xi32>
      %add3A_783 = arith.constant 48 : i32
      %add3A_784 = vector.broadcast %add3A_783 : i32 to vector<16xi32>
      %add3A_785 = arith.addi %iota3A_782, %add3A_784 : vector<16xi32>
      %gather3A_786 = tpu.vector_load_idx %arg6[%add3A_785, %broadcast_in_dim3A_751] : memref<64x128xf32, #tpu.memory_space<vmem>>[vector<16xi32>, vector<16xi32>], vector<16xf32>,
      %add3A_787 = arith.constant 10 : i32
      %add3A_788 = arith.addi %mul3A_82, %add3A_787 : i32
      %swap3A_789 = arith.index_cast %add3A_788 : i32 to index
      %swap3A_790 = arith.constant 48 : index
      %swap3A_791 = tpu.vector_load %arg16[%swap3A_789, %swap3A_790] {strides = array<i32>} : memref<128x64xf32, #tpu.memory_space<vmem>>, vector<16xf32>,
      tpu.vector_store %arg16[%swap3A_789, %swap3A_790], %gather3A_786 {strides = array<i32>} : memref<128x64xf32, #tpu.memory_space<vmem>>, vector<16xf32>,
      %dma_wait3A_792 = arith.constant 0 : i32
      %dma_wait3A_793 = tpu.memref_slice %arg3[%dma_wait3A_792, %multiple_of3A_302] : memref<64x1000000xf32, #tpu.memory_space<hbm>> -> memref<64x128xf32, #tpu.memory_space<hbm>>
      %dma_wait3A_794 = arith.constant 0 : i32
      %dma_wait3A_795 = tpu.memref_slice %arg3[%dma_wait3A_794, %multiple_of3A_302] : memref<64x1000000xf32, #tpu.memory_space<hbm>> -> memref<64x128xf32, #tpu.memory_space<hbm>>
      tpu.wait_dma2 semaphore(%arg18 : memref<!tpu.dma_semaphore, #tpu.memory_space<semaphore_mem>>) src(%dma_wait3A_795 : memref<64x128xf32, #tpu.memory_space<hbm>>) dst(%arg7 : memref<64x128xf32, #tpu.memory_space<vmem>>)
      %slice3A_796 = vector.extract_strided_slice %get3A_85 {offsets = [11], sizes = [1], strides = [1]} : vector<16xi32> to vector<1xi32>
      %squeeze3A_797 = vector.extract %slice3A_796[0] : i32 from vector<1xi32>
      %and3A_798 = arith.constant 127 : i32
      %and3A_799 = arith.andi %squeeze3A_797, %and3A_798 : i32
      %broadcast_in_dim3A_800 = vector.broadcast %and3A_799 : i32 to vector<16xi32>
      %iota3A_801 = tpu.iota {dimensions = array<i32: 0>} : vector<16xi32>
      %add3A_802 = arith.constant 0 : i32
      %add3A_803 = vector.broadcast %add3A_802 : i32 to vector<16xi32>
      %add3A_804 = arith.addi %iota3A_801, %add3A_803 : vector<16xi32>
      %gather3A_805 = tpu.vector_load_idx %arg7[%add3A_804, %broadcast_in_dim3A_800] : memref<64x128xf32, #tpu.memory_space<vmem>>[vector<16xi32>, vector<16xi32>], vector<16xf32>,
      %add3A_806 = arith.constant 11 : i32
      %add3A_807 = arith.addi %mul3A_82, %add3A_806 : i32
      %swap3A_808 = arith.index_cast %add3A_807 : i32 to index
      %swap3A_809 = arith.constant 0 : index
      %swap3A_810 = tpu.vector_load %arg16[%swap3A_808, %swap3A_809] {strides = array<i32>} : memref<128x64xf32, #tpu.memory_space<vmem>>, vector<16xf32>,
      tpu.vector_store %arg16[%swap3A_808, %swap3A_809], %gather3A_805 {strides = array<i32>} : memref<128x64xf32, #tpu.memory_space<vmem>>, vector<16xf32>,
      %iota3A_811 = tpu.iota {dimensions = array<i32: 0>} : vector<16xi32>
      %add3A_812 = arith.constant 16 : i32
      %add3A_813 = vector.broadcast %add3A_812 : i32 to vector<16xi32>
      %add3A_814 = arith.addi %iota3A_811, %add3A_813 : vector<16xi32>
      %gather3A_815 = tpu.vector_load_idx %arg7[%add3A_814, %broadcast_in_dim3A_800] : memref<64x128xf32, #tpu.memory_space<vmem>>[vector<16xi32>, vector<16xi32>], vector<16xf32>,
      %add3A_816 = arith.constant 11 : i32
      %add3A_817 = arith.addi %mul3A_82, %add3A_816 : i32
      %swap3A_818 = arith.index_cast %add3A_817 : i32 to index
      %swap3A_819 = arith.constant 16 : index
      %swap3A_820 = tpu.vector_load %arg16[%swap3A_818, %swap3A_819] {strides = array<i32>} : memref<128x64xf32, #tpu.memory_space<vmem>>, vector<16xf32>,
      tpu.vector_store %arg16[%swap3A_818, %swap3A_819], %gather3A_815 {strides = array<i32>} : memref<128x64xf32, #tpu.memory_space<vmem>>, vector<16xf32>,
      %iota3A_821 = tpu.iota {dimensions = array<i32: 0>} : vector<16xi32>
      %add3A_822 = arith.constant 32 : i32
      %add3A_823 = vector.broadcast %add3A_822 : i32 to vector<16xi32>
      %add3A_824 = arith.addi %iota3A_821, %add3A_823 : vector<16xi32>
      %gather3A_825 = tpu.vector_load_idx %arg7[%add3A_824, %broadcast_in_dim3A_800] : memref<64x128xf32, #tpu.memory_space<vmem>>[vector<16xi32>, vector<16xi32>], vector<16xf32>,
      %add3A_826 = arith.constant 11 : i32
      %add3A_827 = arith.addi %mul3A_82, %add3A_826 : i32
      %swap3A_828 = arith.index_cast %add3A_827 : i32 to index
      %swap3A_829 = arith.constant 32 : index
      %swap3A_830 = tpu.vector_load %arg16[%swap3A_828, %swap3A_829] {strides = array<i32>} : memref<128x64xf32, #tpu.memory_space<vmem>>, vector<16xf32>,
      tpu.vector_store %arg16[%swap3A_828, %swap3A_829], %gather3A_825 {strides = array<i32>} : memref<128x64xf32, #tpu.memory_space<vmem>>, vector<16xf32>,
      %iota3A_831 = tpu.iota {dimensions = array<i32: 0>} : vector<16xi32>
      %add3A_832 = arith.constant 48 : i32
      %add3A_833 = vector.broadcast %add3A_832 : i32 to vector<16xi32>
      %add3A_834 = arith.addi %iota3A_831, %add3A_833 : vector<16xi32>
      %gather3A_835 = tpu.vector_load_idx %arg7[%add3A_834, %broadcast_in_dim3A_800] : memref<64x128xf32, #tpu.memory_space<vmem>>[vector<16xi32>, vector<16xi32>], vector<16xf32>,
      %add3A_836 = arith.constant 11 : i32
      %add3A_837 = arith.addi %mul3A_82, %add3A_836 : i32
      %swap3A_838 = arith.index_cast %add3A_837 : i32 to index
      %swap3A_839 = arith.constant 48 : index
      %swap3A_840 = tpu.vector_load %arg16[%swap3A_838, %swap3A_839] {strides = array<i32>} : memref<128x64xf32, #tpu.memory_space<vmem>>, vector<16xf32>,
      tpu.vector_store %arg16[%swap3A_838, %swap3A_839], %gather3A_835 {strides = array<i32>} : memref<128x64xf32, #tpu.memory_space<vmem>>, vector<16xf32>,
      %dma_wait3A_841 = arith.constant 0 : i32
      %dma_wait3A_842 = tpu.memref_slice %arg3[%dma_wait3A_841, %multiple_of3A_362] : memref<64x1000000xf32, #tpu.memory_space<hbm>> -> memref<64x128xf32, #tpu.memory_space<hbm>>
      %dma_wait3A_843 = arith.constant 0 : i32
      %dma_wait3A_844 = tpu.memref_slice %arg3[%dma_wait3A_843, %multiple_of3A_362] : memref<64x1000000xf32, #tpu.memory_space<hbm>> -> memref<64x128xf32, #tpu.memory_space<hbm>>
      tpu.wait_dma2 semaphore(%arg18 : memref<!tpu.dma_semaphore, #tpu.memory_space<semaphore_mem>>) src(%dma_wait3A_844 : memref<64x128xf32, #tpu.memory_space<hbm>>) dst(%arg8 : memref<64x128xf32, #tpu.memory_space<vmem>>)
      %slice3A_845 = vector.extract_strided_slice %get3A_85 {offsets = [12], sizes = [1], strides = [1]} : vector<16xi32> to vector<1xi32>
      %squeeze3A_846 = vector.extract %slice3A_845[0] : i32 from vector<1xi32>
      %and3A_847 = arith.constant 127 : i32
      %and3A_848 = arith.andi %squeeze3A_846, %and3A_847 : i32
      %broadcast_in_dim3A_849 = vector.broadcast %and3A_848 : i32 to vector<16xi32>
      %iota3A_850 = tpu.iota {dimensions = array<i32: 0>} : vector<16xi32>
      %add3A_851 = arith.constant 0 : i32
      %add3A_852 = vector.broadcast %add3A_851 : i32 to vector<16xi32>
      %add3A_853 = arith.addi %iota3A_850, %add3A_852 : vector<16xi32>
      %gather3A_854 = tpu.vector_load_idx %arg8[%add3A_853, %broadcast_in_dim3A_849] : memref<64x128xf32, #tpu.memory_space<vmem>>[vector<16xi32>, vector<16xi32>], vector<16xf32>,
      %add3A_855 = arith.constant 12 : i32
      %add3A_856 = arith.addi %mul3A_82, %add3A_855 : i32
      %swap3A_857 = arith.index_cast %add3A_856 : i32 to index
      %swap3A_858 = arith.constant 0 : index
      %swap3A_859 = tpu.vector_load %arg16[%swap3A_857, %swap3A_858] {strides = array<i32>} : memref<128x64xf32, #tpu.memory_space<vmem>>, vector<16xf32>,
      tpu.vector_store %arg16[%swap3A_857, %swap3A_858], %gather3A_854 {strides = array<i32>} : memref<128x64xf32, #tpu.memory_space<vmem>>, vector<16xf32>,
      %iota3A_860 = tpu.iota {dimensions = array<i32: 0>} : vector<16xi32>
      %add3A_861 = arith.constant 16 : i32
      %add3A_862 = vector.broadcast %add3A_861 : i32 to vector<16xi32>
      %add3A_863 = arith.addi %iota3A_860, %add3A_862 : vector<16xi32>
      %gather3A_864 = tpu.vector_load_idx %arg8[%add3A_863, %broadcast_in_dim3A_849] : memref<64x128xf32, #tpu.memory_space<vmem>>[vector<16xi32>, vector<16xi32>], vector<16xf32>,
      %add3A_865 = arith.constant 12 : i32
      %add3A_866 = arith.addi %mul3A_82, %add3A_865 : i32
      %swap3A_867 = arith.index_cast %add3A_866 : i32 to index
      %swap3A_868 = arith.constant 16 : index
      %swap3A_869 = tpu.vector_load %arg16[%swap3A_867, %swap3A_868] {strides = array<i32>} : memref<128x64xf32, #tpu.memory_space<vmem>>, vector<16xf32>,
      tpu.vector_store %arg16[%swap3A_867, %swap3A_868], %gather3A_864 {strides = array<i32>} : memref<128x64xf32, #tpu.memory_space<vmem>>, vector<16xf32>,
      %iota3A_870 = tpu.iota {dimensions = array<i32: 0>} : vector<16xi32>
      %add3A_871 = arith.constant 32 : i32
      %add3A_872 = vector.broadcast %add3A_871 : i32 to vector<16xi32>
      %add3A_873 = arith.addi %iota3A_870, %add3A_872 : vector<16xi32>
      %gather3A_874 = tpu.vector_load_idx %arg8[%add3A_873, %broadcast_in_dim3A_849] : memref<64x128xf32, #tpu.memory_space<vmem>>[vector<16xi32>, vector<16xi32>], vector<16xf32>,
      %add3A_875 = arith.constant 12 : i32
      %add3A_876 = arith.addi %mul3A_82, %add3A_875 : i32
      %swap3A_877 = arith.index_cast %add3A_876 : i32 to index
      %swap3A_878 = arith.constant 32 : index
      %swap3A_879 = tpu.vector_load %arg16[%swap3A_877, %swap3A_878] {strides = array<i32>} : memref<128x64xf32, #tpu.memory_space<vmem>>, vector<16xf32>,
      tpu.vector_store %arg16[%swap3A_877, %swap3A_878], %gather3A_874 {strides = array<i32>} : memref<128x64xf32, #tpu.memory_space<vmem>>, vector<16xf32>,
      %iota3A_880 = tpu.iota {dimensions = array<i32: 0>} : vector<16xi32>
      %add3A_881 = arith.constant 48 : i32
      %add3A_882 = vector.broadcast %add3A_881 : i32 to vector<16xi32>
      %add3A_883 = arith.addi %iota3A_880, %add3A_882 : vector<16xi32>
      %gather3A_884 = tpu.vector_load_idx %arg8[%add3A_883, %broadcast_in_dim3A_849] : memref<64x128xf32, #tpu.memory_space<vmem>>[vector<16xi32>, vector<16xi32>], vector<16xf32>,
      %add3A_885 = arith.constant 12 : i32
      %add3A_886 = arith.addi %mul3A_82, %add3A_885 : i32
      %swap3A_887 = arith.index_cast %add3A_886 : i32 to index
      %swap3A_888 = arith.constant 48 : index
      %swap3A_889 = tpu.vector_load %arg16[%swap3A_887, %swap3A_888] {strides = array<i32>} : memref<128x64xf32, #tpu.memory_space<vmem>>, vector<16xf32>,
      tpu.vector_store %arg16[%swap3A_887, %swap3A_888], %gather3A_884 {strides = array<i32>} : memref<128x64xf32, #tpu.memory_space<vmem>>, vector<16xf32>,
      %dma_wait3A_890 = arith.constant 0 : i32
      %dma_wait3A_891 = tpu.memref_slice %arg3[%dma_wait3A_890, %multiple_of3A_422] : memref<64x1000000xf32, #tpu.memory_space<hbm>> -> memref<64x128xf32, #tpu.memory_space<hbm>>
      %dma_wait3A_892 = arith.constant 0 : i32
      %dma_wait3A_893 = tpu.memref_slice %arg3[%dma_wait3A_892, %multiple_of3A_422] : memref<64x1000000xf32, #tpu.memory_space<hbm>> -> memref<64x128xf32, #tpu.memory_space<hbm>>
      tpu.wait_dma2 semaphore(%arg18 : memref<!tpu.dma_semaphore, #tpu.memory_space<semaphore_mem>>) src(%dma_wait3A_893 : memref<64x128xf32, #tpu.memory_space<hbm>>) dst(%arg9 : memref<64x128xf32, #tpu.memory_space<vmem>>)
      %slice3A_894 = vector.extract_strided_slice %get3A_85 {offsets = [13], sizes = [1], strides = [1]} : vector<16xi32> to vector<1xi32>
      %squeeze3A_895 = vector.extract %slice3A_894[0] : i32 from vector<1xi32>
      %and3A_896 = arith.constant 127 : i32
      %and3A_897 = arith.andi %squeeze3A_895, %and3A_896 : i32
      %broadcast_in_dim3A_898 = vector.broadcast %and3A_897 : i32 to vector<16xi32>
      %iota3A_899 = tpu.iota {dimensions = array<i32: 0>} : vector<16xi32>
      %add3A_900 = arith.constant 0 : i32
      %add3A_901 = vector.broadcast %add3A_900 : i32 to vector<16xi32>
      %add3A_902 = arith.addi %iota3A_899, %add3A_901 : vector<16xi32>
      %gather3A_903 = tpu.vector_load_idx %arg9[%add3A_902, %broadcast_in_dim3A_898] : memref<64x128xf32, #tpu.memory_space<vmem>>[vector<16xi32>, vector<16xi32>], vector<16xf32>,
      %add3A_904 = arith.constant 13 : i32
      %add3A_905 = arith.addi %mul3A_82, %add3A_904 : i32
      %swap3A_906 = arith.index_cast %add3A_905 : i32 to index
      %swap3A_907 = arith.constant 0 : index
      %swap3A_908 = tpu.vector_load %arg16[%swap3A_906, %swap3A_907] {strides = array<i32>} : memref<128x64xf32, #tpu.memory_space<vmem>>, vector<16xf32>,
      tpu.vector_store %arg16[%swap3A_906, %swap3A_907], %gather3A_903 {strides = array<i32>} : memref<128x64xf32, #tpu.memory_space<vmem>>, vector<16xf32>,
      %iota3A_909 = tpu.iota {dimensions = array<i32: 0>} : vector<16xi32>
      %add3A_910 = arith.constant 16 : i32
      %add3A_911 = vector.broadcast %add3A_910 : i32 to vector<16xi32>
      %add3A_912 = arith.addi %iota3A_909, %add3A_911 : vector<16xi32>
      %gather3A_913 = tpu.vector_load_idx %arg9[%add3A_912, %broadcast_in_dim3A_898] : memref<64x128xf32, #tpu.memory_space<vmem>>[vector<16xi32>, vector<16xi32>], vector<16xf32>,
      %add3A_914 = arith.constant 13 : i32
      %add3A_915 = arith.addi %mul3A_82, %add3A_914 : i32
      %swap3A_916 = arith.index_cast %add3A_915 : i32 to index
      %swap3A_917 = arith.constant 16 : index
      %swap3A_918 = tpu.vector_load %arg16[%swap3A_916, %swap3A_917] {strides = array<i32>} : memref<128x64xf32, #tpu.memory_space<vmem>>, vector<16xf32>,
      tpu.vector_store %arg16[%swap3A_916, %swap3A_917], %gather3A_913 {strides = array<i32>} : memref<128x64xf32, #tpu.memory_space<vmem>>, vector<16xf32>,
      %iota3A_919 = tpu.iota {dimensions = array<i32: 0>} : vector<16xi32>
      %add3A_920 = arith.constant 32 : i32
      %add3A_921 = vector.broadcast %add3A_920 : i32 to vector<16xi32>
      %add3A_922 = arith.addi %iota3A_919, %add3A_921 : vector<16xi32>
      %gather3A_923 = tpu.vector_load_idx %arg9[%add3A_922, %broadcast_in_dim3A_898] : memref<64x128xf32, #tpu.memory_space<vmem>>[vector<16xi32>, vector<16xi32>], vector<16xf32>,
      %add3A_924 = arith.constant 13 : i32
      %add3A_925 = arith.addi %mul3A_82, %add3A_924 : i32
      %swap3A_926 = arith.index_cast %add3A_925 : i32 to index
      %swap3A_927 = arith.constant 32 : index
      %swap3A_928 = tpu.vector_load %arg16[%swap3A_926, %swap3A_927] {strides = array<i32>} : memref<128x64xf32, #tpu.memory_space<vmem>>, vector<16xf32>,
      tpu.vector_store %arg16[%swap3A_926, %swap3A_927], %gather3A_923 {strides = array<i32>} : memref<128x64xf32, #tpu.memory_space<vmem>>, vector<16xf32>,
      %iota3A_929 = tpu.iota {dimensions = array<i32: 0>} : vector<16xi32>
      %add3A_930 = arith.constant 48 : i32
      %add3A_931 = vector.broadcast %add3A_930 : i32 to vector<16xi32>
      %add3A_932 = arith.addi %iota3A_929, %add3A_931 : vector<16xi32>
      %gather3A_933 = tpu.vector_load_idx %arg9[%add3A_932, %broadcast_in_dim3A_898] : memref<64x128xf32, #tpu.memory_space<vmem>>[vector<16xi32>, vector<16xi32>], vector<16xf32>,
      %add3A_934 = arith.constant 13 : i32
      %add3A_935 = arith.addi %mul3A_82, %add3A_934 : i32
      %swap3A_936 = arith.index_cast %add3A_935 : i32 to index
      %swap3A_937 = arith.constant 48 : index
      %swap3A_938 = tpu.vector_load %arg16[%swap3A_936, %swap3A_937] {strides = array<i32>} : memref<128x64xf32, #tpu.memory_space<vmem>>, vector<16xf32>,
      tpu.vector_store %arg16[%swap3A_936, %swap3A_937], %gather3A_933 {strides = array<i32>} : memref<128x64xf32, #tpu.memory_space<vmem>>, vector<16xf32>,
      %dma_wait3A_939 = arith.constant 0 : i32
      %dma_wait3A_940 = tpu.memref_slice %arg3[%dma_wait3A_939, %multiple_of3A_482] : memref<64x1000000xf32, #tpu.memory_space<hbm>> -> memref<64x128xf32, #tpu.memory_space<hbm>>
      %dma_wait3A_941 = arith.constant 0 : i32
      %dma_wait3A_942 = tpu.memref_slice %arg3[%dma_wait3A_941, %multiple_of3A_482] : memref<64x1000000xf32, #tpu.memory_space<hbm>> -> memref<64x128xf32, #tpu.memory_space<hbm>>
      tpu.wait_dma2 semaphore(%arg18 : memref<!tpu.dma_semaphore, #tpu.memory_space<semaphore_mem>>) src(%dma_wait3A_942 : memref<64x128xf32, #tpu.memory_space<hbm>>) dst(%arg10 : memref<64x128xf32, #tpu.memory_space<vmem>>)
      %slice3A_943 = vector.extract_strided_slice %get3A_85 {offsets = [14], sizes = [1], strides = [1]} : vector<16xi32> to vector<1xi32>
      %squeeze3A_944 = vector.extract %slice3A_943[0] : i32 from vector<1xi32>
      %and3A_945 = arith.constant 127 : i32
      %and3A_946 = arith.andi %squeeze3A_944, %and3A_945 : i32
      %broadcast_in_dim3A_947 = vector.broadcast %and3A_946 : i32 to vector<16xi32>
      %iota3A_948 = tpu.iota {dimensions = array<i32: 0>} : vector<16xi32>
      %add3A_949 = arith.constant 0 : i32
      %add3A_950 = vector.broadcast %add3A_949 : i32 to vector<16xi32>
      %add3A_951 = arith.addi %iota3A_948, %add3A_950 : vector<16xi32>
      %gather3A_952 = tpu.vector_load_idx %arg10[%add3A_951, %broadcast_in_dim3A_947] : memref<64x128xf32, #tpu.memory_space<vmem>>[vector<16xi32>, vector<16xi32>], vector<16xf32>,
      %add3A_953 = arith.constant 14 : i32
      %add3A_954 = arith.addi %mul3A_82, %add3A_953 : i32
      %swap3A_955 = arith.index_cast %add3A_954 : i32 to index
      %swap3A_956 = arith.constant 0 : index
      %swap3A_957 = tpu.vector_load %arg16[%swap3A_955, %swap3A_956] {strides = array<i32>} : memref<128x64xf32, #tpu.memory_space<vmem>>, vector<16xf32>,
      tpu.vector_store %arg16[%swap3A_955, %swap3A_956], %gather3A_952 {strides = array<i32>} : memref<128x64xf32, #tpu.memory_space<vmem>>, vector<16xf32>,
      %iota3A_958 = tpu.iota {dimensions = array<i32: 0>} : vector<16xi32>
      %add3A_959 = arith.constant 16 : i32
      %add3A_960 = vector.broadcast %add3A_959 : i32 to vector<16xi32>
      %add3A_961 = arith.addi %iota3A_958, %add3A_960 : vector<16xi32>
      %gather3A_962 = tpu.vector_load_idx %arg10[%add3A_961, %broadcast_in_dim3A_947] : memref<64x128xf32, #tpu.memory_space<vmem>>[vector<16xi32>, vector<16xi32>], vector<16xf32>,
      %add3A_963 = arith.constant 14 : i32
      %add3A_964 = arith.addi %mul3A_82, %add3A_963 : i32
      %swap3A_965 = arith.index_cast %add3A_964 : i32 to index
      %swap3A_966 = arith.constant 16 : index
      %swap3A_967 = tpu.vector_load %arg16[%swap3A_965, %swap3A_966] {strides = array<i32>} : memref<128x64xf32, #tpu.memory_space<vmem>>, vector<16xf32>,
      tpu.vector_store %arg16[%swap3A_965, %swap3A_966], %gather3A_962 {strides = array<i32>} : memref<128x64xf32, #tpu.memory_space<vmem>>, vector<16xf32>,
      %iota3A_968 = tpu.iota {dimensions = array<i32: 0>} : vector<16xi32>
      %add3A_969 = arith.constant 32 : i32
      %add3A_970 = vector.broadcast %add3A_969 : i32 to vector<16xi32>
      %add3A_971 = arith.addi %iota3A_968, %add3A_970 : vector<16xi32>
      %gather3A_972 = tpu.vector_load_idx %arg10[%add3A_971, %broadcast_in_dim3A_947] : memref<64x128xf32, #tpu.memory_space<vmem>>[vector<16xi32>, vector<16xi32>], vector<16xf32>,
      %add3A_973 = arith.constant 14 : i32
      %add3A_974 = arith.addi %mul3A_82, %add3A_973 : i32
      %swap3A_975 = arith.index_cast %add3A_974 : i32 to index
      %swap3A_976 = arith.constant 32 : index
      %swap3A_977 = tpu.vector_load %arg16[%swap3A_975, %swap3A_976] {strides = array<i32>} : memref<128x64xf32, #tpu.memory_space<vmem>>, vector<16xf32>,
      tpu.vector_store %arg16[%swap3A_975, %swap3A_976], %gather3A_972 {strides = array<i32>} : memref<128x64xf32, #tpu.memory_space<vmem>>, vector<16xf32>,
      %iota3A_978 = tpu.iota {dimensions = array<i32: 0>} : vector<16xi32>
      %add3A_979 = arith.constant 48 : i32
      %add3A_980 = vector.broadcast %add3A_979 : i32 to vector<16xi32>
      %add3A_981 = arith.addi %iota3A_978, %add3A_980 : vector<16xi32>
      %gather3A_982 = tpu.vector_load_idx %arg10[%add3A_981, %broadcast_in_dim3A_947] : memref<64x128xf32, #tpu.memory_space<vmem>>[vector<16xi32>, vector<16xi32>], vector<16xf32>,
      %add3A_983 = arith.constant 14 : i32
      %add3A_984 = arith.addi %mul3A_82, %add3A_983 : i32
      %swap3A_985 = arith.index_cast %add3A_984 : i32 to index
      %swap3A_986 = arith.constant 48 : index
      %swap3A_987 = tpu.vector_load %arg16[%swap3A_985, %swap3A_986] {strides = array<i32>} : memref<128x64xf32, #tpu.memory_space<vmem>>, vector<16xf32>,
      tpu.vector_store %arg16[%swap3A_985, %swap3A_986], %gather3A_982 {strides = array<i32>} : memref<128x64xf32, #tpu.memory_space<vmem>>, vector<16xf32>,
      %dma_wait3A_988 = arith.constant 0 : i32
      %dma_wait3A_989 = tpu.memref_slice %arg3[%dma_wait3A_988, %multiple_of3A_542] : memref<64x1000000xf32, #tpu.memory_space<hbm>> -> memref<64x128xf32, #tpu.memory_space<hbm>>
      %dma_wait3A_990 = arith.constant 0 : i32
      %dma_wait3A_991 = tpu.memref_slice %arg3[%dma_wait3A_990, %multiple_of3A_542] : memref<64x1000000xf32, #tpu.memory_space<hbm>> -> memref<64x128xf32, #tpu.memory_space<hbm>>
      tpu.wait_dma2 semaphore(%arg18 : memref<!tpu.dma_semaphore, #tpu.memory_space<semaphore_mem>>) src(%dma_wait3A_991 : memref<64x128xf32, #tpu.memory_space<hbm>>) dst(%arg11 : memref<64x128xf32, #tpu.memory_space<vmem>>)
      %slice3A_992 = vector.extract_strided_slice %get3A_85 {offsets = [15], sizes = [1], strides = [1]} : vector<16xi32> to vector<1xi32>
      %squeeze3A_993 = vector.extract %slice3A_992[0] : i32 from vector<1xi32>
      %and3A_994 = arith.constant 127 : i32
      %and3A_995 = arith.andi %squeeze3A_993, %and3A_994 : i32
      %broadcast_in_dim3A_996 = vector.broadcast %and3A_995 : i32 to vector<16xi32>
      %iota3A_997 = tpu.iota {dimensions = array<i32: 0>} : vector<16xi32>
      %add3A_998 = arith.constant 0 : i32
      %add3A_999 = vector.broadcast %add3A_998 : i32 to vector<16xi32>
      %add3A_1000 = arith.addi %iota3A_997, %add3A_999 : vector<16xi32>
      %gather3A_1001 = tpu.vector_load_idx %arg11[%add3A_1000, %broadcast_in_dim3A_996] : memref<64x128xf32, #tpu.memory_space<vmem>>[vector<16xi32>, vector<16xi32>], vector<16xf32>,
      %add3A_1002 = arith.constant 15 : i32
      %add3A_1003 = arith.addi %mul3A_82, %add3A_1002 : i32
      %swap3A_1004 = arith.index_cast %add3A_1003 : i32 to index
      %swap3A_1005 = arith.constant 0 : index
      %swap3A_1006 = tpu.vector_load %arg16[%swap3A_1004, %swap3A_1005] {strides = array<i32>} : memref<128x64xf32, #tpu.memory_space<vmem>>, vector<16xf32>,
      tpu.vector_store %arg16[%swap3A_1004, %swap3A_1005], %gather3A_1001 {strides = array<i32>} : memref<128x64xf32, #tpu.memory_space<vmem>>, vector<16xf32>,
      %iota3A_1007 = tpu.iota {dimensions = array<i32: 0>} : vector<16xi32>
      %add3A_1008 = arith.constant 16 : i32
      %add3A_1009 = vector.broadcast %add3A_1008 : i32 to vector<16xi32>
      %add3A_1010 = arith.addi %iota3A_1007, %add3A_1009 : vector<16xi32>
      %gather3A_1011 = tpu.vector_load_idx %arg11[%add3A_1010, %broadcast_in_dim3A_996] : memref<64x128xf32, #tpu.memory_space<vmem>>[vector<16xi32>, vector<16xi32>], vector<16xf32>,
      %add3A_1012 = arith.constant 15 : i32
      %add3A_1013 = arith.addi %mul3A_82, %add3A_1012 : i32
      %swap3A_1014 = arith.index_cast %add3A_1013 : i32 to index
      %swap3A_1015 = arith.constant 16 : index
      %swap3A_1016 = tpu.vector_load %arg16[%swap3A_1014, %swap3A_1015] {strides = array<i32>} : memref<128x64xf32, #tpu.memory_space<vmem>>, vector<16xf32>,
      tpu.vector_store %arg16[%swap3A_1014, %swap3A_1015], %gather3A_1011 {strides = array<i32>} : memref<128x64xf32, #tpu.memory_space<vmem>>, vector<16xf32>,
      %iota3A_1017 = tpu.iota {dimensions = array<i32: 0>} : vector<16xi32>
      %add3A_1018 = arith.constant 32 : i32
      %add3A_1019 = vector.broadcast %add3A_1018 : i32 to vector<16xi32>
      %add3A_1020 = arith.addi %iota3A_1017, %add3A_1019 : vector<16xi32>
      %gather3A_1021 = tpu.vector_load_idx %arg11[%add3A_1020, %broadcast_in_dim3A_996] : memref<64x128xf32, #tpu.memory_space<vmem>>[vector<16xi32>, vector<16xi32>], vector<16xf32>,
      %add3A_1022 = arith.constant 15 : i32
      %add3A_1023 = arith.addi %mul3A_82, %add3A_1022 : i32
      %swap3A_1024 = arith.index_cast %add3A_1023 : i32 to index
      %swap3A_1025 = arith.constant 32 : index
      %swap3A_1026 = tpu.vector_load %arg16[%swap3A_1024, %swap3A_1025] {strides = array<i32>} : memref<128x64xf32, #tpu.memory_space<vmem>>, vector<16xf32>,
      tpu.vector_store %arg16[%swap3A_1024, %swap3A_1025], %gather3A_1021 {strides = array<i32>} : memref<128x64xf32, #tpu.memory_space<vmem>>, vector<16xf32>,
      %iota3A_1027 = tpu.iota {dimensions = array<i32: 0>} : vector<16xi32>
      %add3A_1028 = arith.constant 48 : i32
      %add3A_1029 = vector.broadcast %add3A_1028 : i32 to vector<16xi32>
      %add3A_1030 = arith.addi %iota3A_1027, %add3A_1029 : vector<16xi32>
      %gather3A_1031 = tpu.vector_load_idx %arg11[%add3A_1030, %broadcast_in_dim3A_996] : memref<64x128xf32, #tpu.memory_space<vmem>>[vector<16xi32>, vector<16xi32>], vector<16xf32>,
      %add3A_1032 = arith.constant 15 : i32
      %add3A_1033 = arith.addi %mul3A_82, %add3A_1032 : i32
      %swap3A_1034 = arith.index_cast %add3A_1033 : i32 to index
      %swap3A_1035 = arith.constant 48 : index
      %swap3A_1036 = tpu.vector_load %arg16[%swap3A_1034, %swap3A_1035] {strides = array<i32>} : memref<128x64xf32, #tpu.memory_space<vmem>>, vector<16xf32>,
      tpu.vector_store %arg16[%swap3A_1034, %swap3A_1035], %gather3A_1031 {strides = array<i32>} : memref<128x64xf32, #tpu.memory_space<vmem>>, vector<16xf32>,
    }
    %scan3A_35 = arith.constant 8 : i32
    %add3A_36 = arith.constant 128 : i32
    %add3A_37 = arith.addi %mul3A_2, %add3A_36 : i32
    %dma_start3A_38 = arith.constant 0 : i32
    %dma_start3A_39 = tpu.memref_slice %arg4[%add3A_37, %dma_start3A_38] : memref<16384x64xf32, #tpu.memory_space<hbm>> -> memref<128x64xf32, #tpu.memory_space<hbm>>
    %dma_start3A_40 = arith.constant 0 : i32
    %dma_start3A_41 = tpu.memref_slice %arg4[%add3A_37, %dma_start3A_40] : memref<16384x64xf32, #tpu.memory_space<hbm>> -> memref<128x64xf32, #tpu.memory_space<hbm>>
    tpu.enqueue_dma source(%arg16 : memref<128x64xf32, #tpu.memory_space<vmem>>) target(%dma_start3A_41 : memref<128x64xf32, #tpu.memory_space<hbm>>) target_semaphore(%arg17 : memref<!tpu.dma_semaphore, #tpu.memory_space<semaphore_mem>>)
    %dma_wait3A_42 = arith.constant 0 : i32
    %dma_wait3A_43 = tpu.memref_slice %arg4[%add3A_37, %dma_wait3A_42] : memref<16384x64xf32, #tpu.memory_space<hbm>> -> memref<128x64xf32, #tpu.memory_space<hbm>>
    %dma_wait3A_44 = arith.constant 0 : i32
    %dma_wait3A_45 = tpu.memref_slice %arg4[%add3A_37, %dma_wait3A_44] : memref<16384x64xf32, #tpu.memory_space<hbm>> -> memref<128x64xf32, #tpu.memory_space<hbm>>
    tpu.wait_dma2 semaphore(%arg17 : memref<!tpu.dma_semaphore, #tpu.memory_space<semaphore_mem>>) src(%arg16 : memref<128x64xf32, #tpu.memory_space<vmem>>) dst(%dma_wait3A_45 : memref<128x64xf32, #tpu.memory_space<hbm>>)
    %scan3A_46 = arith.constant 0 : i32
    %scan3A_47 = arith.constant 8 : i32
    %scan3A_48 = arith.addi %scan3A_46, %scan3A_47 : i32
    %scan3A_49 = arith.constant 1 : i32
    scf.for %scan3A_76 = %scan3A_46 to %scan3A_48 step %scan3A_49  : i32 {
      %mul3A_77 = arith.constant 1 : i32
      %mul3A_78 = arith.muli %scan3A_76, %mul3A_77 : i32
      %add3A_79 = arith.constant 0 : i32
      %add3A_80 = arith.addi %add3A_79, %mul3A_78 : i32
      %mul3A_81 = arith.constant 16 : i32
      %mul3A_82 = arith.muli %add3A_80, %mul3A_81 : i32
      %get3A = arith.constant 2 : i32
      %get3A_83 = arith.index_cast %get3A : i32 to index
      %get3A_84 = arith.index_cast %mul3A_82 : i32 to index
      %get3A_85 = tpu.vector_load %arg5[%get3A_83, %get3A_84] {strides = array<i32>} : memref<4x128xi32, #tpu.memory_space<vmem>>, vector<16xi32>,
      %slice3A = vector.extract_strided_slice %get3A_85 {offsets = [0], sizes = [1], strides = [1]} : vector<16xi32> to vector<1xi32>
      %squeeze3A = vector.extract %slice3A[0] : i32 from vector<1xi32>
      %shift_right_arithmetic3A = arith.constant 7 : i32
      %shift_right_arithmetic3A_86 = arith.shrsi %squeeze3A, %shift_right_arithmetic3A : i32
      %mul3A_87 = arith.constant 128 : i32
      %mul3A_88 = arith.muli %shift_right_arithmetic3A_86, %mul3A_87 : i32
      %multiple_of3A = tpu.assume_multiple %mul3A_88, 128 : i32
      %dma_start3A_89 = arith.constant 0 : i32
      %dma_start3A_90 = tpu.memref_slice %arg3[%dma_start3A_89, %multiple_of3A] : memref<64x1000000xf32, #tpu.memory_space<hbm>> -> memref<64x128xf32, #tpu.memory_space<hbm>>
      %dma_start3A_91 = arith.constant 0 : i32
      %dma_start3A_92 = tpu.memref_slice %arg3[%dma_start3A_91, %multiple_of3A] : memref<64x1000000xf32, #tpu.memory_space<hbm>> -> memref<64x128xf32, #tpu.memory_space<hbm>>
      tpu.enqueue_dma source(%dma_start3A_92 : memref<64x128xf32, #tpu.memory_space<hbm>>) target(%arg6 : memref<64x128xf32, #tpu.memory_space<vmem>>) target_semaphore(%arg18 : memref<!tpu.dma_semaphore, #tpu.memory_space<semaphore_mem>>)
      %slice3A_93 = vector.extract_strided_slice %get3A_85 {offsets = [1], sizes = [1], strides = [1]} : vector<16xi32> to vector<1xi32>
      %squeeze3A_94 = vector.extract %slice3A_93[0] : i32 from vector<1xi32>
      %shift_right_arithmetic3A_95 = arith.constant 7 : i32
      %shift_right_arithmetic3A_96 = arith.shrsi %squeeze3A_94, %shift_right_arithmetic3A_95 : i32
      %mul3A_97 = arith.constant 128 : i32
      %mul3A_98 = arith.muli %shift_right_arithmetic3A_96, %mul3A_97 : i32
      %multiple_of3A_99 = tpu.assume_multiple %mul3A_98, 128 : i32
      %dma_start3A_100 = arith.constant 0 : i32
      %dma_start3A_101 = tpu.memref_slice %arg3[%dma_start3A_100, %multiple_of3A_99] : memref<64x1000000xf32, #tpu.memory_space<hbm>> -> memref<64x128xf32, #tpu.memory_space<hbm>>
      %dma_start3A_102 = arith.constant 0 : i32
      %dma_start3A_103 = tpu.memref_slice %arg3[%dma_start3A_102, %multiple_of3A_99] : memref<64x1000000xf32, #tpu.memory_space<hbm>> -> memref<64x128xf32, #tpu.memory_space<hbm>>
      tpu.enqueue_dma source(%dma_start3A_103 : memref<64x128xf32, #tpu.memory_space<hbm>>) target(%arg7 : memref<64x128xf32, #tpu.memory_space<vmem>>) target_semaphore(%arg18 : memref<!tpu.dma_semaphore, #tpu.memory_space<semaphore_mem>>)
      %slice3A_104 = vector.extract_strided_slice %get3A_85 {offsets = [2], sizes = [1], strides = [1]} : vector<16xi32> to vector<1xi32>
      %squeeze3A_105 = vector.extract %slice3A_104[0] : i32 from vector<1xi32>
      %shift_right_arithmetic3A_106 = arith.constant 7 : i32
      %shift_right_arithmetic3A_107 = arith.shrsi %squeeze3A_105, %shift_right_arithmetic3A_106 : i32
      %mul3A_108 = arith.constant 128 : i32
      %mul3A_109 = arith.muli %shift_right_arithmetic3A_107, %mul3A_108 : i32
      %multiple_of3A_110 = tpu.assume_multiple %mul3A_109, 128 : i32
      %dma_start3A_111 = arith.constant 0 : i32
      %dma_start3A_112 = tpu.memref_slice %arg3[%dma_start3A_111, %multiple_of3A_110] : memref<64x1000000xf32, #tpu.memory_space<hbm>> -> memref<64x128xf32, #tpu.memory_space<hbm>>
      %dma_start3A_113 = arith.constant 0 : i32
      %dma_start3A_114 = tpu.memref_slice %arg3[%dma_start3A_113, %multiple_of3A_110] : memref<64x1000000xf32, #tpu.memory_space<hbm>> -> memref<64x128xf32, #tpu.memory_space<hbm>>
      tpu.enqueue_dma source(%dma_start3A_114 : memref<64x128xf32, #tpu.memory_space<hbm>>) target(%arg8 : memref<64x128xf32, #tpu.memory_space<vmem>>) target_semaphore(%arg18 : memref<!tpu.dma_semaphore, #tpu.memory_space<semaphore_mem>>)
      %slice3A_115 = vector.extract_strided_slice %get3A_85 {offsets = [3], sizes = [1], strides = [1]} : vector<16xi32> to vector<1xi32>
      %squeeze3A_116 = vector.extract %slice3A_115[0] : i32 from vector<1xi32>
      %shift_right_arithmetic3A_117 = arith.constant 7 : i32
      %shift_right_arithmetic3A_118 = arith.shrsi %squeeze3A_116, %shift_right_arithmetic3A_117 : i32
      %mul3A_119 = arith.constant 128 : i32
      %mul3A_120 = arith.muli %shift_right_arithmetic3A_118, %mul3A_119 : i32
      %multiple_of3A_121 = tpu.assume_multiple %mul3A_120, 128 : i32
      %dma_start3A_122 = arith.constant 0 : i32
      %dma_start3A_123 = tpu.memref_slice %arg3[%dma_start3A_122, %multiple_of3A_121] : memref<64x1000000xf32, #tpu.memory_space<hbm>> -> memref<64x128xf32, #tpu.memory_space<hbm>>
      %dma_start3A_124 = arith.constant 0 : i32
      %dma_start3A_125 = tpu.memref_slice %arg3[%dma_start3A_124, %multiple_of3A_121] : memref<64x1000000xf32, #tpu.memory_space<hbm>> -> memref<64x128xf32, #tpu.memory_space<hbm>>
      tpu.enqueue_dma source(%dma_start3A_125 : memref<64x128xf32, #tpu.memory_space<hbm>>) target(%arg9 : memref<64x128xf32, #tpu.memory_space<vmem>>) target_semaphore(%arg18 : memref<!tpu.dma_semaphore, #tpu.memory_space<semaphore_mem>>)
      %slice3A_126 = vector.extract_strided_slice %get3A_85 {offsets = [4], sizes = [1], strides = [1]} : vector<16xi32> to vector<1xi32>
      %squeeze3A_127 = vector.extract %slice3A_126[0] : i32 from vector<1xi32>
      %shift_right_arithmetic3A_128 = arith.constant 7 : i32
      %shift_right_arithmetic3A_129 = arith.shrsi %squeeze3A_127, %shift_right_arithmetic3A_128 : i32
      %mul3A_130 = arith.constant 128 : i32
      %mul3A_131 = arith.muli %shift_right_arithmetic3A_129, %mul3A_130 : i32
      %multiple_of3A_132 = tpu.assume_multiple %mul3A_131, 128 : i32
      %dma_start3A_133 = arith.constant 0 : i32
      %dma_start3A_134 = tpu.memref_slice %arg3[%dma_start3A_133, %multiple_of3A_132] : memref<64x1000000xf32, #tpu.memory_space<hbm>> -> memref<64x128xf32, #tpu.memory_space<hbm>>
      %dma_start3A_135 = arith.constant 0 : i32
      %dma_start3A_136 = tpu.memref_slice %arg3[%dma_start3A_135, %multiple_of3A_132] : memref<64x1000000xf32, #tpu.memory_space<hbm>> -> memref<64x128xf32, #tpu.memory_space<hbm>>
      tpu.enqueue_dma source(%dma_start3A_136 : memref<64x128xf32, #tpu.memory_space<hbm>>) target(%arg10 : memref<64x128xf32, #tpu.memory_space<vmem>>) target_semaphore(%arg18 : memref<!tpu.dma_semaphore, #tpu.memory_space<semaphore_mem>>)
      %slice3A_137 = vector.extract_strided_slice %get3A_85 {offsets = [5], sizes = [1], strides = [1]} : vector<16xi32> to vector<1xi32>
      %squeeze3A_138 = vector.extract %slice3A_137[0] : i32 from vector<1xi32>
      %shift_right_arithmetic3A_139 = arith.constant 7 : i32
      %shift_right_arithmetic3A_140 = arith.shrsi %squeeze3A_138, %shift_right_arithmetic3A_139 : i32
      %mul3A_141 = arith.constant 128 : i32
      %mul3A_142 = arith.muli %shift_right_arithmetic3A_140, %mul3A_141 : i32
      %multiple_of3A_143 = tpu.assume_multiple %mul3A_142, 128 : i32
      %dma_start3A_144 = arith.constant 0 : i32
      %dma_start3A_145 = tpu.memref_slice %arg3[%dma_start3A_144, %multiple_of3A_143] : memref<64x1000000xf32, #tpu.memory_space<hbm>> -> memref<64x128xf32, #tpu.memory_space<hbm>>
      %dma_start3A_146 = arith.constant 0 : i32
      %dma_start3A_147 = tpu.memref_slice %arg3[%dma_start3A_146, %multiple_of3A_143] : memref<64x1000000xf32, #tpu.memory_space<hbm>> -> memref<64x128xf32, #tpu.memory_space<hbm>>
      tpu.enqueue_dma source(%dma_start3A_147 : memref<64x128xf32, #tpu.memory_space<hbm>>) target(%arg11 : memref<64x128xf32, #tpu.memory_space<vmem>>) target_semaphore(%arg18 : memref<!tpu.dma_semaphore, #tpu.memory_space<semaphore_mem>>)
      %slice3A_148 = vector.extract_strided_slice %get3A_85 {offsets = [6], sizes = [1], strides = [1]} : vector<16xi32> to vector<1xi32>
      %squeeze3A_149 = vector.extract %slice3A_148[0] : i32 from vector<1xi32>
      %shift_right_arithmetic3A_150 = arith.constant 7 : i32
      %shift_right_arithmetic3A_151 = arith.shrsi %squeeze3A_149, %shift_right_arithmetic3A_150 : i32
      %mul3A_152 = arith.constant 128 : i32
      %mul3A_153 = arith.muli %shift_right_arithmetic3A_151, %mul3A_152 : i32
      %multiple_of3A_154 = tpu.assume_multiple %mul3A_153, 128 : i32
      %dma_start3A_155 = arith.constant 0 : i32
      %dma_start3A_156 = tpu.memref_slice %arg3[%dma_start3A_155, %multiple_of3A_154] : memref<64x1000000xf32, #tpu.memory_space<hbm>> -> memref<64x128xf32, #tpu.memory_space<hbm>>
      %dma_start3A_157 = arith.constant 0 : i32
      %dma_start3A_158 = tpu.memref_slice %arg3[%dma_start3A_157, %multiple_of3A_154] : memref<64x1000000xf32, #tpu.memory_space<hbm>> -> memref<64x128xf32, #tpu.memory_space<hbm>>
      tpu.enqueue_dma source(%dma_start3A_158 : memref<64x128xf32, #tpu.memory_space<hbm>>) target(%arg12 : memref<64x128xf32, #tpu.memory_space<vmem>>) target_semaphore(%arg18 : memref<!tpu.dma_semaphore, #tpu.memory_space<semaphore_mem>>)
      %slice3A_159 = vector.extract_strided_slice %get3A_85 {offsets = [7], sizes = [1], strides = [1]} : vector<16xi32> to vector<1xi32>
      %squeeze3A_160 = vector.extract %slice3A_159[0] : i32 from vector<1xi32>
      %shift_right_arithmetic3A_161 = arith.constant 7 : i32
      %shift_right_arithmetic3A_162 = arith.shrsi %squeeze3A_160, %shift_right_arithmetic3A_161 : i32
      %mul3A_163 = arith.constant 128 : i32
      %mul3A_164 = arith.muli %shift_right_arithmetic3A_162, %mul3A_163 : i32
      %multiple_of3A_165 = tpu.assume_multiple %mul3A_164, 128 : i32
      %dma_start3A_166 = arith.constant 0 : i32
      %dma_start3A_167 = tpu.memref_slice %arg3[%dma_start3A_166, %multiple_of3A_165] : memref<64x1000000xf32, #tpu.memory_space<hbm>> -> memref<64x128xf32, #tpu.memory_space<hbm>>
      %dma_start3A_168 = arith.constant 0 : i32
      %dma_start3A_169 = tpu.memref_slice %arg3[%dma_start3A_168, %multiple_of3A_165] : memref<64x1000000xf32, #tpu.memory_space<hbm>> -> memref<64x128xf32, #tpu.memory_space<hbm>>
      tpu.enqueue_dma source(%dma_start3A_169 : memref<64x128xf32, #tpu.memory_space<hbm>>) target(%arg13 : memref<64x128xf32, #tpu.memory_space<vmem>>) target_semaphore(%arg18 : memref<!tpu.dma_semaphore, #tpu.memory_space<semaphore_mem>>)
      %slice3A_170 = vector.extract_strided_slice %get3A_85 {offsets = [8], sizes = [1], strides = [1]} : vector<16xi32> to vector<1xi32>
      %squeeze3A_171 = vector.extract %slice3A_170[0] : i32 from vector<1xi32>
      %shift_right_arithmetic3A_172 = arith.constant 7 : i32
      %shift_right_arithmetic3A_173 = arith.shrsi %squeeze3A_171, %shift_right_arithmetic3A_172 : i32
      %mul3A_174 = arith.constant 128 : i32
      %mul3A_175 = arith.muli %shift_right_arithmetic3A_173, %mul3A_174 : i32
      %multiple_of3A_176 = tpu.assume_multiple %mul3A_175, 128 : i32
      %dma_start3A_177 = arith.constant 0 : i32
      %dma_start3A_178 = tpu.memref_slice %arg3[%dma_start3A_177, %multiple_of3A_176] : memref<64x1000000xf32, #tpu.memory_space<hbm>> -> memref<64x128xf32, #tpu.memory_space<hbm>>
      %dma_start3A_179 = arith.constant 0 : i32
      %dma_start3A_180 = tpu.memref_slice %arg3[%dma_start3A_179, %multiple_of3A_176] : memref<64x1000000xf32, #tpu.memory_space<hbm>> -> memref<64x128xf32, #tpu.memory_space<hbm>>
      tpu.enqueue_dma source(%dma_start3A_180 : memref<64x128xf32, #tpu.memory_space<hbm>>) target(%arg14 : memref<64x128xf32, #tpu.memory_space<vmem>>) target_semaphore(%arg18 : memref<!tpu.dma_semaphore, #tpu.memory_space<semaphore_mem>>)
      %slice3A_181 = vector.extract_strided_slice %get3A_85 {offsets = [9], sizes = [1], strides = [1]} : vector<16xi32> to vector<1xi32>
      %squeeze3A_182 = vector.extract %slice3A_181[0] : i32 from vector<1xi32>
      %shift_right_arithmetic3A_183 = arith.constant 7 : i32
      %shift_right_arithmetic3A_184 = arith.shrsi %squeeze3A_182, %shift_right_arithmetic3A_183 : i32
      %mul3A_185 = arith.constant 128 : i32
      %mul3A_186 = arith.muli %shift_right_arithmetic3A_184, %mul3A_185 : i32
      %multiple_of3A_187 = tpu.assume_multiple %mul3A_186, 128 : i32
      %dma_start3A_188 = arith.constant 0 : i32
      %dma_start3A_189 = tpu.memref_slice %arg3[%dma_start3A_188, %multiple_of3A_187] : memref<64x1000000xf32, #tpu.memory_space<hbm>> -> memref<64x128xf32, #tpu.memory_space<hbm>>
      %dma_start3A_190 = arith.constant 0 : i32
      %dma_start3A_191 = tpu.memref_slice %arg3[%dma_start3A_190, %multiple_of3A_187] : memref<64x1000000xf32, #tpu.memory_space<hbm>> -> memref<64x128xf32, #tpu.memory_space<hbm>>
      tpu.enqueue_dma source(%dma_start3A_191 : memref<64x128xf32, #tpu.memory_space<hbm>>) target(%arg15 : memref<64x128xf32, #tpu.memory_space<vmem>>) target_semaphore(%arg18 : memref<!tpu.dma_semaphore, #tpu.memory_space<semaphore_mem>>)
      %dma_wait3A_192 = arith.constant 0 : i32
      %dma_wait3A_193 = tpu.memref_slice %arg3[%dma_wait3A_192, %multiple_of3A] : memref<64x1000000xf32, #tpu.memory_space<hbm>> -> memref<64x128xf32, #tpu.memory_space<hbm>>
      %dma_wait3A_194 = arith.constant 0 : i32
      %dma_wait3A_195 = tpu.memref_slice %arg3[%dma_wait3A_194, %multiple_of3A] : memref<64x1000000xf32, #tpu.memory_space<hbm>> -> memref<64x128xf32, #tpu.memory_space<hbm>>
      tpu.wait_dma2 semaphore(%arg18 : memref<!tpu.dma_semaphore, #tpu.memory_space<semaphore_mem>>) src(%dma_wait3A_195 : memref<64x128xf32, #tpu.memory_space<hbm>>) dst(%arg6 : memref<64x128xf32, #tpu.memory_space<vmem>>)
      %slice3A_196 = vector.extract_strided_slice %get3A_85 {offsets = [0], sizes = [1], strides = [1]} : vector<16xi32> to vector<1xi32>
      %squeeze3A_197 = vector.extract %slice3A_196[0] : i32 from vector<1xi32>
      %and3A = arith.constant 127 : i32
      %and3A_198 = arith.andi %squeeze3A_197, %and3A : i32
      %broadcast_in_dim3A = vector.broadcast %and3A_198 : i32 to vector<16xi32>
      %iota3A = tpu.iota {dimensions = array<i32: 0>} : vector<16xi32>
      %add3A_199 = arith.constant 0 : i32
      %add3A_200 = vector.broadcast %add3A_199 : i32 to vector<16xi32>
      %add3A_201 = arith.addi %iota3A, %add3A_200 : vector<16xi32>
      %gather3A = tpu.vector_load_idx %arg6[%add3A_201, %broadcast_in_dim3A] : memref<64x128xf32, #tpu.memory_space<vmem>>[vector<16xi32>, vector<16xi32>], vector<16xf32>,
      %add3A_202 = arith.constant 0 : i32
      %add3A_203 = arith.addi %mul3A_82, %add3A_202 : i32
      %swap3A = arith.index_cast %add3A_203 : i32 to index
      %swap3A_204 = arith.constant 0 : index
      %swap3A_205 = tpu.vector_load %arg16[%swap3A, %swap3A_204] {strides = array<i32>} : memref<128x64xf32, #tpu.memory_space<vmem>>, vector<16xf32>,
      tpu.vector_store %arg16[%swap3A, %swap3A_204], %gather3A {strides = array<i32>} : memref<128x64xf32, #tpu.memory_space<vmem>>, vector<16xf32>,
      %iota3A_206 = tpu.iota {dimensions = array<i32: 0>} : vector<16xi32>
      %add3A_207 = arith.constant 16 : i32
      %add3A_208 = vector.broadcast %add3A_207 : i32 to vector<16xi32>
      %add3A_209 = arith.addi %iota3A_206, %add3A_208 : vector<16xi32>
      %gather3A_210 = tpu.vector_load_idx %arg6[%add3A_209, %broadcast_in_dim3A] : memref<64x128xf32, #tpu.memory_space<vmem>>[vector<16xi32>, vector<16xi32>], vector<16xf32>,
      %add3A_211 = arith.constant 0 : i32
      %add3A_212 = arith.addi %mul3A_82, %add3A_211 : i32
      %swap3A_213 = arith.index_cast %add3A_212 : i32 to index
      %swap3A_214 = arith.constant 16 : index
      %swap3A_215 = tpu.vector_load %arg16[%swap3A_213, %swap3A_214] {strides = array<i32>} : memref<128x64xf32, #tpu.memory_space<vmem>>, vector<16xf32>,
      tpu.vector_store %arg16[%swap3A_213, %swap3A_214], %gather3A_210 {strides = array<i32>} : memref<128x64xf32, #tpu.memory_space<vmem>>, vector<16xf32>,
      %iota3A_216 = tpu.iota {dimensions = array<i32: 0>} : vector<16xi32>
      %add3A_217 = arith.constant 32 : i32
      %add3A_218 = vector.broadcast %add3A_217 : i32 to vector<16xi32>
      %add3A_219 = arith.addi %iota3A_216, %add3A_218 : vector<16xi32>
      %gather3A_220 = tpu.vector_load_idx %arg6[%add3A_219, %broadcast_in_dim3A] : memref<64x128xf32, #tpu.memory_space<vmem>>[vector<16xi32>, vector<16xi32>], vector<16xf32>,
      %add3A_221 = arith.constant 0 : i32
      %add3A_222 = arith.addi %mul3A_82, %add3A_221 : i32
      %swap3A_223 = arith.index_cast %add3A_222 : i32 to index
      %swap3A_224 = arith.constant 32 : index
      %swap3A_225 = tpu.vector_load %arg16[%swap3A_223, %swap3A_224] {strides = array<i32>} : memref<128x64xf32, #tpu.memory_space<vmem>>, vector<16xf32>,
      tpu.vector_store %arg16[%swap3A_223, %swap3A_224], %gather3A_220 {strides = array<i32>} : memref<128x64xf32, #tpu.memory_space<vmem>>, vector<16xf32>,
      %iota3A_226 = tpu.iota {dimensions = array<i32: 0>} : vector<16xi32>
      %add3A_227 = arith.constant 48 : i32
      %add3A_228 = vector.broadcast %add3A_227 : i32 to vector<16xi32>
      %add3A_229 = arith.addi %iota3A_226, %add3A_228 : vector<16xi32>
      %gather3A_230 = tpu.vector_load_idx %arg6[%add3A_229, %broadcast_in_dim3A] : memref<64x128xf32, #tpu.memory_space<vmem>>[vector<16xi32>, vector<16xi32>], vector<16xf32>,
      %add3A_231 = arith.constant 0 : i32
      %add3A_232 = arith.addi %mul3A_82, %add3A_231 : i32
      %swap3A_233 = arith.index_cast %add3A_232 : i32 to index
      %swap3A_234 = arith.constant 48 : index
      %swap3A_235 = tpu.vector_load %arg16[%swap3A_233, %swap3A_234] {strides = array<i32>} : memref<128x64xf32, #tpu.memory_space<vmem>>, vector<16xf32>,
      tpu.vector_store %arg16[%swap3A_233, %swap3A_234], %gather3A_230 {strides = array<i32>} : memref<128x64xf32, #tpu.memory_space<vmem>>, vector<16xf32>,
      %slice3A_236 = vector.extract_strided_slice %get3A_85 {offsets = [10], sizes = [1], strides = [1]} : vector<16xi32> to vector<1xi32>
      %squeeze3A_237 = vector.extract %slice3A_236[0] : i32 from vector<1xi32>
      %shift_right_arithmetic3A_238 = arith.constant 7 : i32
      %shift_right_arithmetic3A_239 = arith.shrsi %squeeze3A_237, %shift_right_arithmetic3A_238 : i32
      %mul3A_240 = arith.constant 128 : i32
      %mul3A_241 = arith.muli %shift_right_arithmetic3A_239, %mul3A_240 : i32
      %multiple_of3A_242 = tpu.assume_multiple %mul3A_241, 128 : i32
      %dma_start3A_243 = arith.constant 0 : i32
      %dma_start3A_244 = tpu.memref_slice %arg3[%dma_start3A_243, %multiple_of3A_242] : memref<64x1000000xf32, #tpu.memory_space<hbm>> -> memref<64x128xf32, #tpu.memory_space<hbm>>
      %dma_start3A_245 = arith.constant 0 : i32
      %dma_start3A_246 = tpu.memref_slice %arg3[%dma_start3A_245, %multiple_of3A_242] : memref<64x1000000xf32, #tpu.memory_space<hbm>> -> memref<64x128xf32, #tpu.memory_space<hbm>>
      tpu.enqueue_dma source(%dma_start3A_246 : memref<64x128xf32, #tpu.memory_space<hbm>>) target(%arg6 : memref<64x128xf32, #tpu.memory_space<vmem>>) target_semaphore(%arg18 : memref<!tpu.dma_semaphore, #tpu.memory_space<semaphore_mem>>)
      %dma_wait3A_247 = arith.constant 0 : i32
      %dma_wait3A_248 = tpu.memref_slice %arg3[%dma_wait3A_247, %multiple_of3A_99] : memref<64x1000000xf32, #tpu.memory_space<hbm>> -> memref<64x128xf32, #tpu.memory_space<hbm>>
      %dma_wait3A_249 = arith.constant 0 : i32
      %dma_wait3A_250 = tpu.memref_slice %arg3[%dma_wait3A_249, %multiple_of3A_99] : memref<64x1000000xf32, #tpu.memory_space<hbm>> -> memref<64x128xf32, #tpu.memory_space<hbm>>
      tpu.wait_dma2 semaphore(%arg18 : memref<!tpu.dma_semaphore, #tpu.memory_space<semaphore_mem>>) src(%dma_wait3A_250 : memref<64x128xf32, #tpu.memory_space<hbm>>) dst(%arg7 : memref<64x128xf32, #tpu.memory_space<vmem>>)
      %slice3A_251 = vector.extract_strided_slice %get3A_85 {offsets = [1], sizes = [1], strides = [1]} : vector<16xi32> to vector<1xi32>
      %squeeze3A_252 = vector.extract %slice3A_251[0] : i32 from vector<1xi32>
      %and3A_253 = arith.constant 127 : i32
      %and3A_254 = arith.andi %squeeze3A_252, %and3A_253 : i32
      %broadcast_in_dim3A_255 = vector.broadcast %and3A_254 : i32 to vector<16xi32>
      %iota3A_256 = tpu.iota {dimensions = array<i32: 0>} : vector<16xi32>
      %add3A_257 = arith.constant 0 : i32
      %add3A_258 = vector.broadcast %add3A_257 : i32 to vector<16xi32>
      %add3A_259 = arith.addi %iota3A_256, %add3A_258 : vector<16xi32>
      %gather3A_260 = tpu.vector_load_idx %arg7[%add3A_259, %broadcast_in_dim3A_255] : memref<64x128xf32, #tpu.memory_space<vmem>>[vector<16xi32>, vector<16xi32>], vector<16xf32>,
      %add3A_261 = arith.constant 1 : i32
      %add3A_262 = arith.addi %mul3A_82, %add3A_261 : i32
      %swap3A_263 = arith.index_cast %add3A_262 : i32 to index
      %swap3A_264 = arith.constant 0 : index
      %swap3A_265 = tpu.vector_load %arg16[%swap3A_263, %swap3A_264] {strides = array<i32>} : memref<128x64xf32, #tpu.memory_space<vmem>>, vector<16xf32>,
      tpu.vector_store %arg16[%swap3A_263, %swap3A_264], %gather3A_260 {strides = array<i32>} : memref<128x64xf32, #tpu.memory_space<vmem>>, vector<16xf32>,
      %iota3A_266 = tpu.iota {dimensions = array<i32: 0>} : vector<16xi32>
      %add3A_267 = arith.constant 16 : i32
      %add3A_268 = vector.broadcast %add3A_267 : i32 to vector<16xi32>
      %add3A_269 = arith.addi %iota3A_266, %add3A_268 : vector<16xi32>
      %gather3A_270 = tpu.vector_load_idx %arg7[%add3A_269, %broadcast_in_dim3A_255] : memref<64x128xf32, #tpu.memory_space<vmem>>[vector<16xi32>, vector<16xi32>], vector<16xf32>,
      %add3A_271 = arith.constant 1 : i32
      %add3A_272 = arith.addi %mul3A_82, %add3A_271 : i32
      %swap3A_273 = arith.index_cast %add3A_272 : i32 to index
      %swap3A_274 = arith.constant 16 : index
      %swap3A_275 = tpu.vector_load %arg16[%swap3A_273, %swap3A_274] {strides = array<i32>} : memref<128x64xf32, #tpu.memory_space<vmem>>, vector<16xf32>,
      tpu.vector_store %arg16[%swap3A_273, %swap3A_274], %gather3A_270 {strides = array<i32>} : memref<128x64xf32, #tpu.memory_space<vmem>>, vector<16xf32>,
      %iota3A_276 = tpu.iota {dimensions = array<i32: 0>} : vector<16xi32>
      %add3A_277 = arith.constant 32 : i32
      %add3A_278 = vector.broadcast %add3A_277 : i32 to vector<16xi32>
      %add3A_279 = arith.addi %iota3A_276, %add3A_278 : vector<16xi32>
      %gather3A_280 = tpu.vector_load_idx %arg7[%add3A_279, %broadcast_in_dim3A_255] : memref<64x128xf32, #tpu.memory_space<vmem>>[vector<16xi32>, vector<16xi32>], vector<16xf32>,
      %add3A_281 = arith.constant 1 : i32
      %add3A_282 = arith.addi %mul3A_82, %add3A_281 : i32
      %swap3A_283 = arith.index_cast %add3A_282 : i32 to index
      %swap3A_284 = arith.constant 32 : index
      %swap3A_285 = tpu.vector_load %arg16[%swap3A_283, %swap3A_284] {strides = array<i32>} : memref<128x64xf32, #tpu.memory_space<vmem>>, vector<16xf32>,
      tpu.vector_store %arg16[%swap3A_283, %swap3A_284], %gather3A_280 {strides = array<i32>} : memref<128x64xf32, #tpu.memory_space<vmem>>, vector<16xf32>,
      %iota3A_286 = tpu.iota {dimensions = array<i32: 0>} : vector<16xi32>
      %add3A_287 = arith.constant 48 : i32
      %add3A_288 = vector.broadcast %add3A_287 : i32 to vector<16xi32>
      %add3A_289 = arith.addi %iota3A_286, %add3A_288 : vector<16xi32>
      %gather3A_290 = tpu.vector_load_idx %arg7[%add3A_289, %broadcast_in_dim3A_255] : memref<64x128xf32, #tpu.memory_space<vmem>>[vector<16xi32>, vector<16xi32>], vector<16xf32>,
      %add3A_291 = arith.constant 1 : i32
      %add3A_292 = arith.addi %mul3A_82, %add3A_291 : i32
      %swap3A_293 = arith.index_cast %add3A_292 : i32 to index
      %swap3A_294 = arith.constant 48 : index
      %swap3A_295 = tpu.vector_load %arg16[%swap3A_293, %swap3A_294] {strides = array<i32>} : memref<128x64xf32, #tpu.memory_space<vmem>>, vector<16xf32>,
      tpu.vector_store %arg16[%swap3A_293, %swap3A_294], %gather3A_290 {strides = array<i32>} : memref<128x64xf32, #tpu.memory_space<vmem>>, vector<16xf32>,
      %slice3A_296 = vector.extract_strided_slice %get3A_85 {offsets = [11], sizes = [1], strides = [1]} : vector<16xi32> to vector<1xi32>
      %squeeze3A_297 = vector.extract %slice3A_296[0] : i32 from vector<1xi32>
      %shift_right_arithmetic3A_298 = arith.constant 7 : i32
      %shift_right_arithmetic3A_299 = arith.shrsi %squeeze3A_297, %shift_right_arithmetic3A_298 : i32
      %mul3A_300 = arith.constant 128 : i32
      %mul3A_301 = arith.muli %shift_right_arithmetic3A_299, %mul3A_300 : i32
      %multiple_of3A_302 = tpu.assume_multiple %mul3A_301, 128 : i32
      %dma_start3A_303 = arith.constant 0 : i32
      %dma_start3A_304 = tpu.memref_slice %arg3[%dma_start3A_303, %multiple_of3A_302] : memref<64x1000000xf32, #tpu.memory_space<hbm>> -> memref<64x128xf32, #tpu.memory_space<hbm>>
      %dma_start3A_305 = arith.constant 0 : i32
      %dma_start3A_306 = tpu.memref_slice %arg3[%dma_start3A_305, %multiple_of3A_302] : memref<64x1000000xf32, #tpu.memory_space<hbm>> -> memref<64x128xf32, #tpu.memory_space<hbm>>
      tpu.enqueue_dma source(%dma_start3A_306 : memref<64x128xf32, #tpu.memory_space<hbm>>) target(%arg7 : memref<64x128xf32, #tpu.memory_space<vmem>>) target_semaphore(%arg18 : memref<!tpu.dma_semaphore, #tpu.memory_space<semaphore_mem>>)
      %dma_wait3A_307 = arith.constant 0 : i32
      %dma_wait3A_308 = tpu.memref_slice %arg3[%dma_wait3A_307, %multiple_of3A_110] : memref<64x1000000xf32, #tpu.memory_space<hbm>> -> memref<64x128xf32, #tpu.memory_space<hbm>>
      %dma_wait3A_309 = arith.constant 0 : i32
      %dma_wait3A_310 = tpu.memref_slice %arg3[%dma_wait3A_309, %multiple_of3A_110] : memref<64x1000000xf32, #tpu.memory_space<hbm>> -> memref<64x128xf32, #tpu.memory_space<hbm>>
      tpu.wait_dma2 semaphore(%arg18 : memref<!tpu.dma_semaphore, #tpu.memory_space<semaphore_mem>>) src(%dma_wait3A_310 : memref<64x128xf32, #tpu.memory_space<hbm>>) dst(%arg8 : memref<64x128xf32, #tpu.memory_space<vmem>>)
      %slice3A_311 = vector.extract_strided_slice %get3A_85 {offsets = [2], sizes = [1], strides = [1]} : vector<16xi32> to vector<1xi32>
      %squeeze3A_312 = vector.extract %slice3A_311[0] : i32 from vector<1xi32>
      %and3A_313 = arith.constant 127 : i32
      %and3A_314 = arith.andi %squeeze3A_312, %and3A_313 : i32
      %broadcast_in_dim3A_315 = vector.broadcast %and3A_314 : i32 to vector<16xi32>
      %iota3A_316 = tpu.iota {dimensions = array<i32: 0>} : vector<16xi32>
      %add3A_317 = arith.constant 0 : i32
      %add3A_318 = vector.broadcast %add3A_317 : i32 to vector<16xi32>
      %add3A_319 = arith.addi %iota3A_316, %add3A_318 : vector<16xi32>
      %gather3A_320 = tpu.vector_load_idx %arg8[%add3A_319, %broadcast_in_dim3A_315] : memref<64x128xf32, #tpu.memory_space<vmem>>[vector<16xi32>, vector<16xi32>], vector<16xf32>,
      %add3A_321 = arith.constant 2 : i32
      %add3A_322 = arith.addi %mul3A_82, %add3A_321 : i32
      %swap3A_323 = arith.index_cast %add3A_322 : i32 to index
      %swap3A_324 = arith.constant 0 : index
      %swap3A_325 = tpu.vector_load %arg16[%swap3A_323, %swap3A_324] {strides = array<i32>} : memref<128x64xf32, #tpu.memory_space<vmem>>, vector<16xf32>,
      tpu.vector_store %arg16[%swap3A_323, %swap3A_324], %gather3A_320 {strides = array<i32>} : memref<128x64xf32, #tpu.memory_space<vmem>>, vector<16xf32>,
      %iota3A_326 = tpu.iota {dimensions = array<i32: 0>} : vector<16xi32>
      %add3A_327 = arith.constant 16 : i32
      %add3A_328 = vector.broadcast %add3A_327 : i32 to vector<16xi32>
      %add3A_329 = arith.addi %iota3A_326, %add3A_328 : vector<16xi32>
      %gather3A_330 = tpu.vector_load_idx %arg8[%add3A_329, %broadcast_in_dim3A_315] : memref<64x128xf32, #tpu.memory_space<vmem>>[vector<16xi32>, vector<16xi32>], vector<16xf32>,
      %add3A_331 = arith.constant 2 : i32
      %add3A_332 = arith.addi %mul3A_82, %add3A_331 : i32
      %swap3A_333 = arith.index_cast %add3A_332 : i32 to index
      %swap3A_334 = arith.constant 16 : index
      %swap3A_335 = tpu.vector_load %arg16[%swap3A_333, %swap3A_334] {strides = array<i32>} : memref<128x64xf32, #tpu.memory_space<vmem>>, vector<16xf32>,
      tpu.vector_store %arg16[%swap3A_333, %swap3A_334], %gather3A_330 {strides = array<i32>} : memref<128x64xf32, #tpu.memory_space<vmem>>, vector<16xf32>,
      %iota3A_336 = tpu.iota {dimensions = array<i32: 0>} : vector<16xi32>
      %add3A_337 = arith.constant 32 : i32
      %add3A_338 = vector.broadcast %add3A_337 : i32 to vector<16xi32>
      %add3A_339 = arith.addi %iota3A_336, %add3A_338 : vector<16xi32>
      %gather3A_340 = tpu.vector_load_idx %arg8[%add3A_339, %broadcast_in_dim3A_315] : memref<64x128xf32, #tpu.memory_space<vmem>>[vector<16xi32>, vector<16xi32>], vector<16xf32>,
      %add3A_341 = arith.constant 2 : i32
      %add3A_342 = arith.addi %mul3A_82, %add3A_341 : i32
      %swap3A_343 = arith.index_cast %add3A_342 : i32 to index
      %swap3A_344 = arith.constant 32 : index
      %swap3A_345 = tpu.vector_load %arg16[%swap3A_343, %swap3A_344] {strides = array<i32>} : memref<128x64xf32, #tpu.memory_space<vmem>>, vector<16xf32>,
      tpu.vector_store %arg16[%swap3A_343, %swap3A_344], %gather3A_340 {strides = array<i32>} : memref<128x64xf32, #tpu.memory_space<vmem>>, vector<16xf32>,
      %iota3A_346 = tpu.iota {dimensions = array<i32: 0>} : vector<16xi32>
      %add3A_347 = arith.constant 48 : i32
      %add3A_348 = vector.broadcast %add3A_347 : i32 to vector<16xi32>
      %add3A_349 = arith.addi %iota3A_346, %add3A_348 : vector<16xi32>
      %gather3A_350 = tpu.vector_load_idx %arg8[%add3A_349, %broadcast_in_dim3A_315] : memref<64x128xf32, #tpu.memory_space<vmem>>[vector<16xi32>, vector<16xi32>], vector<16xf32>,
      %add3A_351 = arith.constant 2 : i32
      %add3A_352 = arith.addi %mul3A_82, %add3A_351 : i32
      %swap3A_353 = arith.index_cast %add3A_352 : i32 to index
      %swap3A_354 = arith.constant 48 : index
      %swap3A_355 = tpu.vector_load %arg16[%swap3A_353, %swap3A_354] {strides = array<i32>} : memref<128x64xf32, #tpu.memory_space<vmem>>, vector<16xf32>,
      tpu.vector_store %arg16[%swap3A_353, %swap3A_354], %gather3A_350 {strides = array<i32>} : memref<128x64xf32, #tpu.memory_space<vmem>>, vector<16xf32>,
      %slice3A_356 = vector.extract_strided_slice %get3A_85 {offsets = [12], sizes = [1], strides = [1]} : vector<16xi32> to vector<1xi32>
      %squeeze3A_357 = vector.extract %slice3A_356[0] : i32 from vector<1xi32>
      %shift_right_arithmetic3A_358 = arith.constant 7 : i32
      %shift_right_arithmetic3A_359 = arith.shrsi %squeeze3A_357, %shift_right_arithmetic3A_358 : i32
      %mul3A_360 = arith.constant 128 : i32
      %mul3A_361 = arith.muli %shift_right_arithmetic3A_359, %mul3A_360 : i32
      %multiple_of3A_362 = tpu.assume_multiple %mul3A_361, 128 : i32
      %dma_start3A_363 = arith.constant 0 : i32
      %dma_start3A_364 = tpu.memref_slice %arg3[%dma_start3A_363, %multiple_of3A_362] : memref<64x1000000xf32, #tpu.memory_space<hbm>> -> memref<64x128xf32, #tpu.memory_space<hbm>>
      %dma_start3A_365 = arith.constant 0 : i32
      %dma_start3A_366 = tpu.memref_slice %arg3[%dma_start3A_365, %multiple_of3A_362] : memref<64x1000000xf32, #tpu.memory_space<hbm>> -> memref<64x128xf32, #tpu.memory_space<hbm>>
      tpu.enqueue_dma source(%dma_start3A_366 : memref<64x128xf32, #tpu.memory_space<hbm>>) target(%arg8 : memref<64x128xf32, #tpu.memory_space<vmem>>) target_semaphore(%arg18 : memref<!tpu.dma_semaphore, #tpu.memory_space<semaphore_mem>>)
      %dma_wait3A_367 = arith.constant 0 : i32
      %dma_wait3A_368 = tpu.memref_slice %arg3[%dma_wait3A_367, %multiple_of3A_121] : memref<64x1000000xf32, #tpu.memory_space<hbm>> -> memref<64x128xf32, #tpu.memory_space<hbm>>
      %dma_wait3A_369 = arith.constant 0 : i32
      %dma_wait3A_370 = tpu.memref_slice %arg3[%dma_wait3A_369, %multiple_of3A_121] : memref<64x1000000xf32, #tpu.memory_space<hbm>> -> memref<64x128xf32, #tpu.memory_space<hbm>>
      tpu.wait_dma2 semaphore(%arg18 : memref<!tpu.dma_semaphore, #tpu.memory_space<semaphore_mem>>) src(%dma_wait3A_370 : memref<64x128xf32, #tpu.memory_space<hbm>>) dst(%arg9 : memref<64x128xf32, #tpu.memory_space<vmem>>)
      %slice3A_371 = vector.extract_strided_slice %get3A_85 {offsets = [3], sizes = [1], strides = [1]} : vector<16xi32> to vector<1xi32>
      %squeeze3A_372 = vector.extract %slice3A_371[0] : i32 from vector<1xi32>
      %and3A_373 = arith.constant 127 : i32
      %and3A_374 = arith.andi %squeeze3A_372, %and3A_373 : i32
      %broadcast_in_dim3A_375 = vector.broadcast %and3A_374 : i32 to vector<16xi32>
      %iota3A_376 = tpu.iota {dimensions = array<i32: 0>} : vector<16xi32>
      %add3A_377 = arith.constant 0 : i32
      %add3A_378 = vector.broadcast %add3A_377 : i32 to vector<16xi32>
      %add3A_379 = arith.addi %iota3A_376, %add3A_378 : vector<16xi32>
      %gather3A_380 = tpu.vector_load_idx %arg9[%add3A_379, %broadcast_in_dim3A_375] : memref<64x128xf32, #tpu.memory_space<vmem>>[vector<16xi32>, vector<16xi32>], vector<16xf32>,
      %add3A_381 = arith.constant 3 : i32
      %add3A_382 = arith.addi %mul3A_82, %add3A_381 : i32
      %swap3A_383 = arith.index_cast %add3A_382 : i32 to index
      %swap3A_384 = arith.constant 0 : index
      %swap3A_385 = tpu.vector_load %arg16[%swap3A_383, %swap3A_384] {strides = array<i32>} : memref<128x64xf32, #tpu.memory_space<vmem>>, vector<16xf32>,
      tpu.vector_store %arg16[%swap3A_383, %swap3A_384], %gather3A_380 {strides = array<i32>} : memref<128x64xf32, #tpu.memory_space<vmem>>, vector<16xf32>,
      %iota3A_386 = tpu.iota {dimensions = array<i32: 0>} : vector<16xi32>
      %add3A_387 = arith.constant 16 : i32
      %add3A_388 = vector.broadcast %add3A_387 : i32 to vector<16xi32>
      %add3A_389 = arith.addi %iota3A_386, %add3A_388 : vector<16xi32>
      %gather3A_390 = tpu.vector_load_idx %arg9[%add3A_389, %broadcast_in_dim3A_375] : memref<64x128xf32, #tpu.memory_space<vmem>>[vector<16xi32>, vector<16xi32>], vector<16xf32>,
      %add3A_391 = arith.constant 3 : i32
      %add3A_392 = arith.addi %mul3A_82, %add3A_391 : i32
      %swap3A_393 = arith.index_cast %add3A_392 : i32 to index
      %swap3A_394 = arith.constant 16 : index
      %swap3A_395 = tpu.vector_load %arg16[%swap3A_393, %swap3A_394] {strides = array<i32>} : memref<128x64xf32, #tpu.memory_space<vmem>>, vector<16xf32>,
      tpu.vector_store %arg16[%swap3A_393, %swap3A_394], %gather3A_390 {strides = array<i32>} : memref<128x64xf32, #tpu.memory_space<vmem>>, vector<16xf32>,
      %iota3A_396 = tpu.iota {dimensions = array<i32: 0>} : vector<16xi32>
      %add3A_397 = arith.constant 32 : i32
      %add3A_398 = vector.broadcast %add3A_397 : i32 to vector<16xi32>
      %add3A_399 = arith.addi %iota3A_396, %add3A_398 : vector<16xi32>
      %gather3A_400 = tpu.vector_load_idx %arg9[%add3A_399, %broadcast_in_dim3A_375] : memref<64x128xf32, #tpu.memory_space<vmem>>[vector<16xi32>, vector<16xi32>], vector<16xf32>,
      %add3A_401 = arith.constant 3 : i32
      %add3A_402 = arith.addi %mul3A_82, %add3A_401 : i32
      %swap3A_403 = arith.index_cast %add3A_402 : i32 to index
      %swap3A_404 = arith.constant 32 : index
      %swap3A_405 = tpu.vector_load %arg16[%swap3A_403, %swap3A_404] {strides = array<i32>} : memref<128x64xf32, #tpu.memory_space<vmem>>, vector<16xf32>,
      tpu.vector_store %arg16[%swap3A_403, %swap3A_404], %gather3A_400 {strides = array<i32>} : memref<128x64xf32, #tpu.memory_space<vmem>>, vector<16xf32>,
      %iota3A_406 = tpu.iota {dimensions = array<i32: 0>} : vector<16xi32>
      %add3A_407 = arith.constant 48 : i32
      %add3A_408 = vector.broadcast %add3A_407 : i32 to vector<16xi32>
      %add3A_409 = arith.addi %iota3A_406, %add3A_408 : vector<16xi32>
      %gather3A_410 = tpu.vector_load_idx %arg9[%add3A_409, %broadcast_in_dim3A_375] : memref<64x128xf32, #tpu.memory_space<vmem>>[vector<16xi32>, vector<16xi32>], vector<16xf32>,
      %add3A_411 = arith.constant 3 : i32
      %add3A_412 = arith.addi %mul3A_82, %add3A_411 : i32
      %swap3A_413 = arith.index_cast %add3A_412 : i32 to index
      %swap3A_414 = arith.constant 48 : index
      %swap3A_415 = tpu.vector_load %arg16[%swap3A_413, %swap3A_414] {strides = array<i32>} : memref<128x64xf32, #tpu.memory_space<vmem>>, vector<16xf32>,
      tpu.vector_store %arg16[%swap3A_413, %swap3A_414], %gather3A_410 {strides = array<i32>} : memref<128x64xf32, #tpu.memory_space<vmem>>, vector<16xf32>,
      %slice3A_416 = vector.extract_strided_slice %get3A_85 {offsets = [13], sizes = [1], strides = [1]} : vector<16xi32> to vector<1xi32>
      %squeeze3A_417 = vector.extract %slice3A_416[0] : i32 from vector<1xi32>
      %shift_right_arithmetic3A_418 = arith.constant 7 : i32
      %shift_right_arithmetic3A_419 = arith.shrsi %squeeze3A_417, %shift_right_arithmetic3A_418 : i32
      %mul3A_420 = arith.constant 128 : i32
      %mul3A_421 = arith.muli %shift_right_arithmetic3A_419, %mul3A_420 : i32
      %multiple_of3A_422 = tpu.assume_multiple %mul3A_421, 128 : i32
      %dma_start3A_423 = arith.constant 0 : i32
      %dma_start3A_424 = tpu.memref_slice %arg3[%dma_start3A_423, %multiple_of3A_422] : memref<64x1000000xf32, #tpu.memory_space<hbm>> -> memref<64x128xf32, #tpu.memory_space<hbm>>
      %dma_start3A_425 = arith.constant 0 : i32
      %dma_start3A_426 = tpu.memref_slice %arg3[%dma_start3A_425, %multiple_of3A_422] : memref<64x1000000xf32, #tpu.memory_space<hbm>> -> memref<64x128xf32, #tpu.memory_space<hbm>>
      tpu.enqueue_dma source(%dma_start3A_426 : memref<64x128xf32, #tpu.memory_space<hbm>>) target(%arg9 : memref<64x128xf32, #tpu.memory_space<vmem>>) target_semaphore(%arg18 : memref<!tpu.dma_semaphore, #tpu.memory_space<semaphore_mem>>)
      %dma_wait3A_427 = arith.constant 0 : i32
      %dma_wait3A_428 = tpu.memref_slice %arg3[%dma_wait3A_427, %multiple_of3A_132] : memref<64x1000000xf32, #tpu.memory_space<hbm>> -> memref<64x128xf32, #tpu.memory_space<hbm>>
      %dma_wait3A_429 = arith.constant 0 : i32
      %dma_wait3A_430 = tpu.memref_slice %arg3[%dma_wait3A_429, %multiple_of3A_132] : memref<64x1000000xf32, #tpu.memory_space<hbm>> -> memref<64x128xf32, #tpu.memory_space<hbm>>
      tpu.wait_dma2 semaphore(%arg18 : memref<!tpu.dma_semaphore, #tpu.memory_space<semaphore_mem>>) src(%dma_wait3A_430 : memref<64x128xf32, #tpu.memory_space<hbm>>) dst(%arg10 : memref<64x128xf32, #tpu.memory_space<vmem>>)
      %slice3A_431 = vector.extract_strided_slice %get3A_85 {offsets = [4], sizes = [1], strides = [1]} : vector<16xi32> to vector<1xi32>
      %squeeze3A_432 = vector.extract %slice3A_431[0] : i32 from vector<1xi32>
      %and3A_433 = arith.constant 127 : i32
      %and3A_434 = arith.andi %squeeze3A_432, %and3A_433 : i32
      %broadcast_in_dim3A_435 = vector.broadcast %and3A_434 : i32 to vector<16xi32>
      %iota3A_436 = tpu.iota {dimensions = array<i32: 0>} : vector<16xi32>
      %add3A_437 = arith.constant 0 : i32
      %add3A_438 = vector.broadcast %add3A_437 : i32 to vector<16xi32>
      %add3A_439 = arith.addi %iota3A_436, %add3A_438 : vector<16xi32>
      %gather3A_440 = tpu.vector_load_idx %arg10[%add3A_439, %broadcast_in_dim3A_435] : memref<64x128xf32, #tpu.memory_space<vmem>>[vector<16xi32>, vector<16xi32>], vector<16xf32>,
      %add3A_441 = arith.constant 4 : i32
      %add3A_442 = arith.addi %mul3A_82, %add3A_441 : i32
      %swap3A_443 = arith.index_cast %add3A_442 : i32 to index
      %swap3A_444 = arith.constant 0 : index
      %swap3A_445 = tpu.vector_load %arg16[%swap3A_443, %swap3A_444] {strides = array<i32>} : memref<128x64xf32, #tpu.memory_space<vmem>>, vector<16xf32>,
      tpu.vector_store %arg16[%swap3A_443, %swap3A_444], %gather3A_440 {strides = array<i32>} : memref<128x64xf32, #tpu.memory_space<vmem>>, vector<16xf32>,
      %iota3A_446 = tpu.iota {dimensions = array<i32: 0>} : vector<16xi32>
      %add3A_447 = arith.constant 16 : i32
      %add3A_448 = vector.broadcast %add3A_447 : i32 to vector<16xi32>
      %add3A_449 = arith.addi %iota3A_446, %add3A_448 : vector<16xi32>
      %gather3A_450 = tpu.vector_load_idx %arg10[%add3A_449, %broadcast_in_dim3A_435] : memref<64x128xf32, #tpu.memory_space<vmem>>[vector<16xi32>, vector<16xi32>], vector<16xf32>,
      %add3A_451 = arith.constant 4 : i32
      %add3A_452 = arith.addi %mul3A_82, %add3A_451 : i32
      %swap3A_453 = arith.index_cast %add3A_452 : i32 to index
      %swap3A_454 = arith.constant 16 : index
      %swap3A_455 = tpu.vector_load %arg16[%swap3A_453, %swap3A_454] {strides = array<i32>} : memref<128x64xf32, #tpu.memory_space<vmem>>, vector<16xf32>,
      tpu.vector_store %arg16[%swap3A_453, %swap3A_454], %gather3A_450 {strides = array<i32>} : memref<128x64xf32, #tpu.memory_space<vmem>>, vector<16xf32>,
      %iota3A_456 = tpu.iota {dimensions = array<i32: 0>} : vector<16xi32>
      %add3A_457 = arith.constant 32 : i32
      %add3A_458 = vector.broadcast %add3A_457 : i32 to vector<16xi32>
      %add3A_459 = arith.addi %iota3A_456, %add3A_458 : vector<16xi32>
      %gather3A_460 = tpu.vector_load_idx %arg10[%add3A_459, %broadcast_in_dim3A_435] : memref<64x128xf32, #tpu.memory_space<vmem>>[vector<16xi32>, vector<16xi32>], vector<16xf32>,
      %add3A_461 = arith.constant 4 : i32
      %add3A_462 = arith.addi %mul3A_82, %add3A_461 : i32
      %swap3A_463 = arith.index_cast %add3A_462 : i32 to index
      %swap3A_464 = arith.constant 32 : index
      %swap3A_465 = tpu.vector_load %arg16[%swap3A_463, %swap3A_464] {strides = array<i32>} : memref<128x64xf32, #tpu.memory_space<vmem>>, vector<16xf32>,
      tpu.vector_store %arg16[%swap3A_463, %swap3A_464], %gather3A_460 {strides = array<i32>} : memref<128x64xf32, #tpu.memory_space<vmem>>, vector<16xf32>,
      %iota3A_466 = tpu.iota {dimensions = array<i32: 0>} : vector<16xi32>
      %add3A_467 = arith.constant 48 : i32
      %add3A_468 = vector.broadcast %add3A_467 : i32 to vector<16xi32>
      %add3A_469 = arith.addi %iota3A_466, %add3A_468 : vector<16xi32>
      %gather3A_470 = tpu.vector_load_idx %arg10[%add3A_469, %broadcast_in_dim3A_435] : memref<64x128xf32, #tpu.memory_space<vmem>>[vector<16xi32>, vector<16xi32>], vector<16xf32>,
      %add3A_471 = arith.constant 4 : i32
      %add3A_472 = arith.addi %mul3A_82, %add3A_471 : i32
      %swap3A_473 = arith.index_cast %add3A_472 : i32 to index
      %swap3A_474 = arith.constant 48 : index
      %swap3A_475 = tpu.vector_load %arg16[%swap3A_473, %swap3A_474] {strides = array<i32>} : memref<128x64xf32, #tpu.memory_space<vmem>>, vector<16xf32>,
      tpu.vector_store %arg16[%swap3A_473, %swap3A_474], %gather3A_470 {strides = array<i32>} : memref<128x64xf32, #tpu.memory_space<vmem>>, vector<16xf32>,
      %slice3A_476 = vector.extract_strided_slice %get3A_85 {offsets = [14], sizes = [1], strides = [1]} : vector<16xi32> to vector<1xi32>
      %squeeze3A_477 = vector.extract %slice3A_476[0] : i32 from vector<1xi32>
      %shift_right_arithmetic3A_478 = arith.constant 7 : i32
      %shift_right_arithmetic3A_479 = arith.shrsi %squeeze3A_477, %shift_right_arithmetic3A_478 : i32
      %mul3A_480 = arith.constant 128 : i32
      %mul3A_481 = arith.muli %shift_right_arithmetic3A_479, %mul3A_480 : i32
      %multiple_of3A_482 = tpu.assume_multiple %mul3A_481, 128 : i32
      %dma_start3A_483 = arith.constant 0 : i32
      %dma_start3A_484 = tpu.memref_slice %arg3[%dma_start3A_483, %multiple_of3A_482] : memref<64x1000000xf32, #tpu.memory_space<hbm>> -> memref<64x128xf32, #tpu.memory_space<hbm>>
      %dma_start3A_485 = arith.constant 0 : i32
      %dma_start3A_486 = tpu.memref_slice %arg3[%dma_start3A_485, %multiple_of3A_482] : memref<64x1000000xf32, #tpu.memory_space<hbm>> -> memref<64x128xf32, #tpu.memory_space<hbm>>
      tpu.enqueue_dma source(%dma_start3A_486 : memref<64x128xf32, #tpu.memory_space<hbm>>) target(%arg10 : memref<64x128xf32, #tpu.memory_space<vmem>>) target_semaphore(%arg18 : memref<!tpu.dma_semaphore, #tpu.memory_space<semaphore_mem>>)
      %dma_wait3A_487 = arith.constant 0 : i32
      %dma_wait3A_488 = tpu.memref_slice %arg3[%dma_wait3A_487, %multiple_of3A_143] : memref<64x1000000xf32, #tpu.memory_space<hbm>> -> memref<64x128xf32, #tpu.memory_space<hbm>>
      %dma_wait3A_489 = arith.constant 0 : i32
      %dma_wait3A_490 = tpu.memref_slice %arg3[%dma_wait3A_489, %multiple_of3A_143] : memref<64x1000000xf32, #tpu.memory_space<hbm>> -> memref<64x128xf32, #tpu.memory_space<hbm>>
      tpu.wait_dma2 semaphore(%arg18 : memref<!tpu.dma_semaphore, #tpu.memory_space<semaphore_mem>>) src(%dma_wait3A_490 : memref<64x128xf32, #tpu.memory_space<hbm>>) dst(%arg11 : memref<64x128xf32, #tpu.memory_space<vmem>>)
      %slice3A_491 = vector.extract_strided_slice %get3A_85 {offsets = [5], sizes = [1], strides = [1]} : vector<16xi32> to vector<1xi32>
      %squeeze3A_492 = vector.extract %slice3A_491[0] : i32 from vector<1xi32>
      %and3A_493 = arith.constant 127 : i32
      %and3A_494 = arith.andi %squeeze3A_492, %and3A_493 : i32
      %broadcast_in_dim3A_495 = vector.broadcast %and3A_494 : i32 to vector<16xi32>
      %iota3A_496 = tpu.iota {dimensions = array<i32: 0>} : vector<16xi32>
      %add3A_497 = arith.constant 0 : i32
      %add3A_498 = vector.broadcast %add3A_497 : i32 to vector<16xi32>
      %add3A_499 = arith.addi %iota3A_496, %add3A_498 : vector<16xi32>
      %gather3A_500 = tpu.vector_load_idx %arg11[%add3A_499, %broadcast_in_dim3A_495] : memref<64x128xf32, #tpu.memory_space<vmem>>[vector<16xi32>, vector<16xi32>], vector<16xf32>,
      %add3A_501 = arith.constant 5 : i32
      %add3A_502 = arith.addi %mul3A_82, %add3A_501 : i32
      %swap3A_503 = arith.index_cast %add3A_502 : i32 to index
      %swap3A_504 = arith.constant 0 : index
      %swap3A_505 = tpu.vector_load %arg16[%swap3A_503, %swap3A_504] {strides = array<i32>} : memref<128x64xf32, #tpu.memory_space<vmem>>, vector<16xf32>,
      tpu.vector_store %arg16[%swap3A_503, %swap3A_504], %gather3A_500 {strides = array<i32>} : memref<128x64xf32, #tpu.memory_space<vmem>>, vector<16xf32>,
      %iota3A_506 = tpu.iota {dimensions = array<i32: 0>} : vector<16xi32>
      %add3A_507 = arith.constant 16 : i32
      %add3A_508 = vector.broadcast %add3A_507 : i32 to vector<16xi32>
      %add3A_509 = arith.addi %iota3A_506, %add3A_508 : vector<16xi32>
      %gather3A_510 = tpu.vector_load_idx %arg11[%add3A_509, %broadcast_in_dim3A_495] : memref<64x128xf32, #tpu.memory_space<vmem>>[vector<16xi32>, vector<16xi32>], vector<16xf32>,
      %add3A_511 = arith.constant 5 : i32
      %add3A_512 = arith.addi %mul3A_82, %add3A_511 : i32
      %swap3A_513 = arith.index_cast %add3A_512 : i32 to index
      %swap3A_514 = arith.constant 16 : index
      %swap3A_515 = tpu.vector_load %arg16[%swap3A_513, %swap3A_514] {strides = array<i32>} : memref<128x64xf32, #tpu.memory_space<vmem>>, vector<16xf32>,
      tpu.vector_store %arg16[%swap3A_513, %swap3A_514], %gather3A_510 {strides = array<i32>} : memref<128x64xf32, #tpu.memory_space<vmem>>, vector<16xf32>,
      %iota3A_516 = tpu.iota {dimensions = array<i32: 0>} : vector<16xi32>
      %add3A_517 = arith.constant 32 : i32
      %add3A_518 = vector.broadcast %add3A_517 : i32 to vector<16xi32>
      %add3A_519 = arith.addi %iota3A_516, %add3A_518 : vector<16xi32>
      %gather3A_520 = tpu.vector_load_idx %arg11[%add3A_519, %broadcast_in_dim3A_495] : memref<64x128xf32, #tpu.memory_space<vmem>>[vector<16xi32>, vector<16xi32>], vector<16xf32>,
      %add3A_521 = arith.constant 5 : i32
      %add3A_522 = arith.addi %mul3A_82, %add3A_521 : i32
      %swap3A_523 = arith.index_cast %add3A_522 : i32 to index
      %swap3A_524 = arith.constant 32 : index
      %swap3A_525 = tpu.vector_load %arg16[%swap3A_523, %swap3A_524] {strides = array<i32>} : memref<128x64xf32, #tpu.memory_space<vmem>>, vector<16xf32>,
      tpu.vector_store %arg16[%swap3A_523, %swap3A_524], %gather3A_520 {strides = array<i32>} : memref<128x64xf32, #tpu.memory_space<vmem>>, vector<16xf32>,
      %iota3A_526 = tpu.iota {dimensions = array<i32: 0>} : vector<16xi32>
      %add3A_527 = arith.constant 48 : i32
      %add3A_528 = vector.broadcast %add3A_527 : i32 to vector<16xi32>
      %add3A_529 = arith.addi %iota3A_526, %add3A_528 : vector<16xi32>
      %gather3A_530 = tpu.vector_load_idx %arg11[%add3A_529, %broadcast_in_dim3A_495] : memref<64x128xf32, #tpu.memory_space<vmem>>[vector<16xi32>, vector<16xi32>], vector<16xf32>,
      %add3A_531 = arith.constant 5 : i32
      %add3A_532 = arith.addi %mul3A_82, %add3A_531 : i32
      %swap3A_533 = arith.index_cast %add3A_532 : i32 to index
      %swap3A_534 = arith.constant 48 : index
      %swap3A_535 = tpu.vector_load %arg16[%swap3A_533, %swap3A_534] {strides = array<i32>} : memref<128x64xf32, #tpu.memory_space<vmem>>, vector<16xf32>,
      tpu.vector_store %arg16[%swap3A_533, %swap3A_534], %gather3A_530 {strides = array<i32>} : memref<128x64xf32, #tpu.memory_space<vmem>>, vector<16xf32>,
      %slice3A_536 = vector.extract_strided_slice %get3A_85 {offsets = [15], sizes = [1], strides = [1]} : vector<16xi32> to vector<1xi32>
      %squeeze3A_537 = vector.extract %slice3A_536[0] : i32 from vector<1xi32>
      %shift_right_arithmetic3A_538 = arith.constant 7 : i32
      %shift_right_arithmetic3A_539 = arith.shrsi %squeeze3A_537, %shift_right_arithmetic3A_538 : i32
      %mul3A_540 = arith.constant 128 : i32
      %mul3A_541 = arith.muli %shift_right_arithmetic3A_539, %mul3A_540 : i32
      %multiple_of3A_542 = tpu.assume_multiple %mul3A_541, 128 : i32
      %dma_start3A_543 = arith.constant 0 : i32
      %dma_start3A_544 = tpu.memref_slice %arg3[%dma_start3A_543, %multiple_of3A_542] : memref<64x1000000xf32, #tpu.memory_space<hbm>> -> memref<64x128xf32, #tpu.memory_space<hbm>>
      %dma_start3A_545 = arith.constant 0 : i32
      %dma_start3A_546 = tpu.memref_slice %arg3[%dma_start3A_545, %multiple_of3A_542] : memref<64x1000000xf32, #tpu.memory_space<hbm>> -> memref<64x128xf32, #tpu.memory_space<hbm>>
      tpu.enqueue_dma source(%dma_start3A_546 : memref<64x128xf32, #tpu.memory_space<hbm>>) target(%arg11 : memref<64x128xf32, #tpu.memory_space<vmem>>) target_semaphore(%arg18 : memref<!tpu.dma_semaphore, #tpu.memory_space<semaphore_mem>>)
      %dma_wait3A_547 = arith.constant 0 : i32
      %dma_wait3A_548 = tpu.memref_slice %arg3[%dma_wait3A_547, %multiple_of3A_154] : memref<64x1000000xf32, #tpu.memory_space<hbm>> -> memref<64x128xf32, #tpu.memory_space<hbm>>
      %dma_wait3A_549 = arith.constant 0 : i32
      %dma_wait3A_550 = tpu.memref_slice %arg3[%dma_wait3A_549, %multiple_of3A_154] : memref<64x1000000xf32, #tpu.memory_space<hbm>> -> memref<64x128xf32, #tpu.memory_space<hbm>>
      tpu.wait_dma2 semaphore(%arg18 : memref<!tpu.dma_semaphore, #tpu.memory_space<semaphore_mem>>) src(%dma_wait3A_550 : memref<64x128xf32, #tpu.memory_space<hbm>>) dst(%arg12 : memref<64x128xf32, #tpu.memory_space<vmem>>)
      %slice3A_551 = vector.extract_strided_slice %get3A_85 {offsets = [6], sizes = [1], strides = [1]} : vector<16xi32> to vector<1xi32>
      %squeeze3A_552 = vector.extract %slice3A_551[0] : i32 from vector<1xi32>
      %and3A_553 = arith.constant 127 : i32
      %and3A_554 = arith.andi %squeeze3A_552, %and3A_553 : i32
      %broadcast_in_dim3A_555 = vector.broadcast %and3A_554 : i32 to vector<16xi32>
      %iota3A_556 = tpu.iota {dimensions = array<i32: 0>} : vector<16xi32>
      %add3A_557 = arith.constant 0 : i32
      %add3A_558 = vector.broadcast %add3A_557 : i32 to vector<16xi32>
      %add3A_559 = arith.addi %iota3A_556, %add3A_558 : vector<16xi32>
      %gather3A_560 = tpu.vector_load_idx %arg12[%add3A_559, %broadcast_in_dim3A_555] : memref<64x128xf32, #tpu.memory_space<vmem>>[vector<16xi32>, vector<16xi32>], vector<16xf32>,
      %add3A_561 = arith.constant 6 : i32
      %add3A_562 = arith.addi %mul3A_82, %add3A_561 : i32
      %swap3A_563 = arith.index_cast %add3A_562 : i32 to index
      %swap3A_564 = arith.constant 0 : index
      %swap3A_565 = tpu.vector_load %arg16[%swap3A_563, %swap3A_564] {strides = array<i32>} : memref<128x64xf32, #tpu.memory_space<vmem>>, vector<16xf32>,
      tpu.vector_store %arg16[%swap3A_563, %swap3A_564], %gather3A_560 {strides = array<i32>} : memref<128x64xf32, #tpu.memory_space<vmem>>, vector<16xf32>,
      %iota3A_566 = tpu.iota {dimensions = array<i32: 0>} : vector<16xi32>
      %add3A_567 = arith.constant 16 : i32
      %add3A_568 = vector.broadcast %add3A_567 : i32 to vector<16xi32>
      %add3A_569 = arith.addi %iota3A_566, %add3A_568 : vector<16xi32>
      %gather3A_570 = tpu.vector_load_idx %arg12[%add3A_569, %broadcast_in_dim3A_555] : memref<64x128xf32, #tpu.memory_space<vmem>>[vector<16xi32>, vector<16xi32>], vector<16xf32>,
      %add3A_571 = arith.constant 6 : i32
      %add3A_572 = arith.addi %mul3A_82, %add3A_571 : i32
      %swap3A_573 = arith.index_cast %add3A_572 : i32 to index
      %swap3A_574 = arith.constant 16 : index
      %swap3A_575 = tpu.vector_load %arg16[%swap3A_573, %swap3A_574] {strides = array<i32>} : memref<128x64xf32, #tpu.memory_space<vmem>>, vector<16xf32>,
      tpu.vector_store %arg16[%swap3A_573, %swap3A_574], %gather3A_570 {strides = array<i32>} : memref<128x64xf32, #tpu.memory_space<vmem>>, vector<16xf32>,
      %iota3A_576 = tpu.iota {dimensions = array<i32: 0>} : vector<16xi32>
      %add3A_577 = arith.constant 32 : i32
      %add3A_578 = vector.broadcast %add3A_577 : i32 to vector<16xi32>
      %add3A_579 = arith.addi %iota3A_576, %add3A_578 : vector<16xi32>
      %gather3A_580 = tpu.vector_load_idx %arg12[%add3A_579, %broadcast_in_dim3A_555] : memref<64x128xf32, #tpu.memory_space<vmem>>[vector<16xi32>, vector<16xi32>], vector<16xf32>,
      %add3A_581 = arith.constant 6 : i32
      %add3A_582 = arith.addi %mul3A_82, %add3A_581 : i32
      %swap3A_583 = arith.index_cast %add3A_582 : i32 to index
      %swap3A_584 = arith.constant 32 : index
      %swap3A_585 = tpu.vector_load %arg16[%swap3A_583, %swap3A_584] {strides = array<i32>} : memref<128x64xf32, #tpu.memory_space<vmem>>, vector<16xf32>,
      tpu.vector_store %arg16[%swap3A_583, %swap3A_584], %gather3A_580 {strides = array<i32>} : memref<128x64xf32, #tpu.memory_space<vmem>>, vector<16xf32>,
      %iota3A_586 = tpu.iota {dimensions = array<i32: 0>} : vector<16xi32>
      %add3A_587 = arith.constant 48 : i32
      %add3A_588 = vector.broadcast %add3A_587 : i32 to vector<16xi32>
      %add3A_589 = arith.addi %iota3A_586, %add3A_588 : vector<16xi32>
      %gather3A_590 = tpu.vector_load_idx %arg12[%add3A_589, %broadcast_in_dim3A_555] : memref<64x128xf32, #tpu.memory_space<vmem>>[vector<16xi32>, vector<16xi32>], vector<16xf32>,
      %add3A_591 = arith.constant 6 : i32
      %add3A_592 = arith.addi %mul3A_82, %add3A_591 : i32
      %swap3A_593 = arith.index_cast %add3A_592 : i32 to index
      %swap3A_594 = arith.constant 48 : index
      %swap3A_595 = tpu.vector_load %arg16[%swap3A_593, %swap3A_594] {strides = array<i32>} : memref<128x64xf32, #tpu.memory_space<vmem>>, vector<16xf32>,
      tpu.vector_store %arg16[%swap3A_593, %swap3A_594], %gather3A_590 {strides = array<i32>} : memref<128x64xf32, #tpu.memory_space<vmem>>, vector<16xf32>,
      %dma_wait3A_596 = arith.constant 0 : i32
      %dma_wait3A_597 = tpu.memref_slice %arg3[%dma_wait3A_596, %multiple_of3A_165] : memref<64x1000000xf32, #tpu.memory_space<hbm>> -> memref<64x128xf32, #tpu.memory_space<hbm>>
      %dma_wait3A_598 = arith.constant 0 : i32
      %dma_wait3A_599 = tpu.memref_slice %arg3[%dma_wait3A_598, %multiple_of3A_165] : memref<64x1000000xf32, #tpu.memory_space<hbm>> -> memref<64x128xf32, #tpu.memory_space<hbm>>
      tpu.wait_dma2 semaphore(%arg18 : memref<!tpu.dma_semaphore, #tpu.memory_space<semaphore_mem>>) src(%dma_wait3A_599 : memref<64x128xf32, #tpu.memory_space<hbm>>) dst(%arg13 : memref<64x128xf32, #tpu.memory_space<vmem>>)
      %slice3A_600 = vector.extract_strided_slice %get3A_85 {offsets = [7], sizes = [1], strides = [1]} : vector<16xi32> to vector<1xi32>
      %squeeze3A_601 = vector.extract %slice3A_600[0] : i32 from vector<1xi32>
      %and3A_602 = arith.constant 127 : i32
      %and3A_603 = arith.andi %squeeze3A_601, %and3A_602 : i32
      %broadcast_in_dim3A_604 = vector.broadcast %and3A_603 : i32 to vector<16xi32>
      %iota3A_605 = tpu.iota {dimensions = array<i32: 0>} : vector<16xi32>
      %add3A_606 = arith.constant 0 : i32
      %add3A_607 = vector.broadcast %add3A_606 : i32 to vector<16xi32>
      %add3A_608 = arith.addi %iota3A_605, %add3A_607 : vector<16xi32>
      %gather3A_609 = tpu.vector_load_idx %arg13[%add3A_608, %broadcast_in_dim3A_604] : memref<64x128xf32, #tpu.memory_space<vmem>>[vector<16xi32>, vector<16xi32>], vector<16xf32>,
      %add3A_610 = arith.constant 7 : i32
      %add3A_611 = arith.addi %mul3A_82, %add3A_610 : i32
      %swap3A_612 = arith.index_cast %add3A_611 : i32 to index
      %swap3A_613 = arith.constant 0 : index
      %swap3A_614 = tpu.vector_load %arg16[%swap3A_612, %swap3A_613] {strides = array<i32>} : memref<128x64xf32, #tpu.memory_space<vmem>>, vector<16xf32>,
      tpu.vector_store %arg16[%swap3A_612, %swap3A_613], %gather3A_609 {strides = array<i32>} : memref<128x64xf32, #tpu.memory_space<vmem>>, vector<16xf32>,
      %iota3A_615 = tpu.iota {dimensions = array<i32: 0>} : vector<16xi32>
      %add3A_616 = arith.constant 16 : i32
      %add3A_617 = vector.broadcast %add3A_616 : i32 to vector<16xi32>
      %add3A_618 = arith.addi %iota3A_615, %add3A_617 : vector<16xi32>
      %gather3A_619 = tpu.vector_load_idx %arg13[%add3A_618, %broadcast_in_dim3A_604] : memref<64x128xf32, #tpu.memory_space<vmem>>[vector<16xi32>, vector<16xi32>], vector<16xf32>,
      %add3A_620 = arith.constant 7 : i32
      %add3A_621 = arith.addi %mul3A_82, %add3A_620 : i32
      %swap3A_622 = arith.index_cast %add3A_621 : i32 to index
      %swap3A_623 = arith.constant 16 : index
      %swap3A_624 = tpu.vector_load %arg16[%swap3A_622, %swap3A_623] {strides = array<i32>} : memref<128x64xf32, #tpu.memory_space<vmem>>, vector<16xf32>,
      tpu.vector_store %arg16[%swap3A_622, %swap3A_623], %gather3A_619 {strides = array<i32>} : memref<128x64xf32, #tpu.memory_space<vmem>>, vector<16xf32>,
      %iota3A_625 = tpu.iota {dimensions = array<i32: 0>} : vector<16xi32>
      %add3A_626 = arith.constant 32 : i32
      %add3A_627 = vector.broadcast %add3A_626 : i32 to vector<16xi32>
      %add3A_628 = arith.addi %iota3A_625, %add3A_627 : vector<16xi32>
      %gather3A_629 = tpu.vector_load_idx %arg13[%add3A_628, %broadcast_in_dim3A_604] : memref<64x128xf32, #tpu.memory_space<vmem>>[vector<16xi32>, vector<16xi32>], vector<16xf32>,
      %add3A_630 = arith.constant 7 : i32
      %add3A_631 = arith.addi %mul3A_82, %add3A_630 : i32
      %swap3A_632 = arith.index_cast %add3A_631 : i32 to index
      %swap3A_633 = arith.constant 32 : index
      %swap3A_634 = tpu.vector_load %arg16[%swap3A_632, %swap3A_633] {strides = array<i32>} : memref<128x64xf32, #tpu.memory_space<vmem>>, vector<16xf32>,
      tpu.vector_store %arg16[%swap3A_632, %swap3A_633], %gather3A_629 {strides = array<i32>} : memref<128x64xf32, #tpu.memory_space<vmem>>, vector<16xf32>,
      %iota3A_635 = tpu.iota {dimensions = array<i32: 0>} : vector<16xi32>
      %add3A_636 = arith.constant 48 : i32
      %add3A_637 = vector.broadcast %add3A_636 : i32 to vector<16xi32>
      %add3A_638 = arith.addi %iota3A_635, %add3A_637 : vector<16xi32>
      %gather3A_639 = tpu.vector_load_idx %arg13[%add3A_638, %broadcast_in_dim3A_604] : memref<64x128xf32, #tpu.memory_space<vmem>>[vector<16xi32>, vector<16xi32>], vector<16xf32>,
      %add3A_640 = arith.constant 7 : i32
      %add3A_641 = arith.addi %mul3A_82, %add3A_640 : i32
      %swap3A_642 = arith.index_cast %add3A_641 : i32 to index
      %swap3A_643 = arith.constant 48 : index
      %swap3A_644 = tpu.vector_load %arg16[%swap3A_642, %swap3A_643] {strides = array<i32>} : memref<128x64xf32, #tpu.memory_space<vmem>>, vector<16xf32>,
      tpu.vector_store %arg16[%swap3A_642, %swap3A_643], %gather3A_639 {strides = array<i32>} : memref<128x64xf32, #tpu.memory_space<vmem>>, vector<16xf32>,
      %dma_wait3A_645 = arith.constant 0 : i32
      %dma_wait3A_646 = tpu.memref_slice %arg3[%dma_wait3A_645, %multiple_of3A_176] : memref<64x1000000xf32, #tpu.memory_space<hbm>> -> memref<64x128xf32, #tpu.memory_space<hbm>>
      %dma_wait3A_647 = arith.constant 0 : i32
      %dma_wait3A_648 = tpu.memref_slice %arg3[%dma_wait3A_647, %multiple_of3A_176] : memref<64x1000000xf32, #tpu.memory_space<hbm>> -> memref<64x128xf32, #tpu.memory_space<hbm>>
      tpu.wait_dma2 semaphore(%arg18 : memref<!tpu.dma_semaphore, #tpu.memory_space<semaphore_mem>>) src(%dma_wait3A_648 : memref<64x128xf32, #tpu.memory_space<hbm>>) dst(%arg14 : memref<64x128xf32, #tpu.memory_space<vmem>>)
      %slice3A_649 = vector.extract_strided_slice %get3A_85 {offsets = [8], sizes = [1], strides = [1]} : vector<16xi32> to vector<1xi32>
      %squeeze3A_650 = vector.extract %slice3A_649[0] : i32 from vector<1xi32>
      %and3A_651 = arith.constant 127 : i32
      %and3A_652 = arith.andi %squeeze3A_650, %and3A_651 : i32
      %broadcast_in_dim3A_653 = vector.broadcast %and3A_652 : i32 to vector<16xi32>
      %iota3A_654 = tpu.iota {dimensions = array<i32: 0>} : vector<16xi32>
      %add3A_655 = arith.constant 0 : i32
      %add3A_656 = vector.broadcast %add3A_655 : i32 to vector<16xi32>
      %add3A_657 = arith.addi %iota3A_654, %add3A_656 : vector<16xi32>
      %gather3A_658 = tpu.vector_load_idx %arg14[%add3A_657, %broadcast_in_dim3A_653] : memref<64x128xf32, #tpu.memory_space<vmem>>[vector<16xi32>, vector<16xi32>], vector<16xf32>,
      %add3A_659 = arith.constant 8 : i32
      %add3A_660 = arith.addi %mul3A_82, %add3A_659 : i32
      %swap3A_661 = arith.index_cast %add3A_660 : i32 to index
      %swap3A_662 = arith.constant 0 : index
      %swap3A_663 = tpu.vector_load %arg16[%swap3A_661, %swap3A_662] {strides = array<i32>} : memref<128x64xf32, #tpu.memory_space<vmem>>, vector<16xf32>,
      tpu.vector_store %arg16[%swap3A_661, %swap3A_662], %gather3A_658 {strides = array<i32>} : memref<128x64xf32, #tpu.memory_space<vmem>>, vector<16xf32>,
      %iota3A_664 = tpu.iota {dimensions = array<i32: 0>} : vector<16xi32>
      %add3A_665 = arith.constant 16 : i32
      %add3A_666 = vector.broadcast %add3A_665 : i32 to vector<16xi32>
      %add3A_667 = arith.addi %iota3A_664, %add3A_666 : vector<16xi32>
      %gather3A_668 = tpu.vector_load_idx %arg14[%add3A_667, %broadcast_in_dim3A_653] : memref<64x128xf32, #tpu.memory_space<vmem>>[vector<16xi32>, vector<16xi32>], vector<16xf32>,
      %add3A_669 = arith.constant 8 : i32
      %add3A_670 = arith.addi %mul3A_82, %add3A_669 : i32
      %swap3A_671 = arith.index_cast %add3A_670 : i32 to index
      %swap3A_672 = arith.constant 16 : index
      %swap3A_673 = tpu.vector_load %arg16[%swap3A_671, %swap3A_672] {strides = array<i32>} : memref<128x64xf32, #tpu.memory_space<vmem>>, vector<16xf32>,
      tpu.vector_store %arg16[%swap3A_671, %swap3A_672], %gather3A_668 {strides = array<i32>} : memref<128x64xf32, #tpu.memory_space<vmem>>, vector<16xf32>,
      %iota3A_674 = tpu.iota {dimensions = array<i32: 0>} : vector<16xi32>
      %add3A_675 = arith.constant 32 : i32
      %add3A_676 = vector.broadcast %add3A_675 : i32 to vector<16xi32>
      %add3A_677 = arith.addi %iota3A_674, %add3A_676 : vector<16xi32>
      %gather3A_678 = tpu.vector_load_idx %arg14[%add3A_677, %broadcast_in_dim3A_653] : memref<64x128xf32, #tpu.memory_space<vmem>>[vector<16xi32>, vector<16xi32>], vector<16xf32>,
      %add3A_679 = arith.constant 8 : i32
      %add3A_680 = arith.addi %mul3A_82, %add3A_679 : i32
      %swap3A_681 = arith.index_cast %add3A_680 : i32 to index
      %swap3A_682 = arith.constant 32 : index
      %swap3A_683 = tpu.vector_load %arg16[%swap3A_681, %swap3A_682] {strides = array<i32>} : memref<128x64xf32, #tpu.memory_space<vmem>>, vector<16xf32>,
      tpu.vector_store %arg16[%swap3A_681, %swap3A_682], %gather3A_678 {strides = array<i32>} : memref<128x64xf32, #tpu.memory_space<vmem>>, vector<16xf32>,
      %iota3A_684 = tpu.iota {dimensions = array<i32: 0>} : vector<16xi32>
      %add3A_685 = arith.constant 48 : i32
      %add3A_686 = vector.broadcast %add3A_685 : i32 to vector<16xi32>
      %add3A_687 = arith.addi %iota3A_684, %add3A_686 : vector<16xi32>
      %gather3A_688 = tpu.vector_load_idx %arg14[%add3A_687, %broadcast_in_dim3A_653] : memref<64x128xf32, #tpu.memory_space<vmem>>[vector<16xi32>, vector<16xi32>], vector<16xf32>,
      %add3A_689 = arith.constant 8 : i32
      %add3A_690 = arith.addi %mul3A_82, %add3A_689 : i32
      %swap3A_691 = arith.index_cast %add3A_690 : i32 to index
      %swap3A_692 = arith.constant 48 : index
      %swap3A_693 = tpu.vector_load %arg16[%swap3A_691, %swap3A_692] {strides = array<i32>} : memref<128x64xf32, #tpu.memory_space<vmem>>, vector<16xf32>,
      tpu.vector_store %arg16[%swap3A_691, %swap3A_692], %gather3A_688 {strides = array<i32>} : memref<128x64xf32, #tpu.memory_space<vmem>>, vector<16xf32>,
      %dma_wait3A_694 = arith.constant 0 : i32
      %dma_wait3A_695 = tpu.memref_slice %arg3[%dma_wait3A_694, %multiple_of3A_187] : memref<64x1000000xf32, #tpu.memory_space<hbm>> -> memref<64x128xf32, #tpu.memory_space<hbm>>
      %dma_wait3A_696 = arith.constant 0 : i32
      %dma_wait3A_697 = tpu.memref_slice %arg3[%dma_wait3A_696, %multiple_of3A_187] : memref<64x1000000xf32, #tpu.memory_space<hbm>> -> memref<64x128xf32, #tpu.memory_space<hbm>>
      tpu.wait_dma2 semaphore(%arg18 : memref<!tpu.dma_semaphore, #tpu.memory_space<semaphore_mem>>) src(%dma_wait3A_697 : memref<64x128xf32, #tpu.memory_space<hbm>>) dst(%arg15 : memref<64x128xf32, #tpu.memory_space<vmem>>)
      %slice3A_698 = vector.extract_strided_slice %get3A_85 {offsets = [9], sizes = [1], strides = [1]} : vector<16xi32> to vector<1xi32>
      %squeeze3A_699 = vector.extract %slice3A_698[0] : i32 from vector<1xi32>
      %and3A_700 = arith.constant 127 : i32
      %and3A_701 = arith.andi %squeeze3A_699, %and3A_700 : i32
      %broadcast_in_dim3A_702 = vector.broadcast %and3A_701 : i32 to vector<16xi32>
      %iota3A_703 = tpu.iota {dimensions = array<i32: 0>} : vector<16xi32>
      %add3A_704 = arith.constant 0 : i32
      %add3A_705 = vector.broadcast %add3A_704 : i32 to vector<16xi32>
      %add3A_706 = arith.addi %iota3A_703, %add3A_705 : vector<16xi32>
      %gather3A_707 = tpu.vector_load_idx %arg15[%add3A_706, %broadcast_in_dim3A_702] : memref<64x128xf32, #tpu.memory_space<vmem>>[vector<16xi32>, vector<16xi32>], vector<16xf32>,
      %add3A_708 = arith.constant 9 : i32
      %add3A_709 = arith.addi %mul3A_82, %add3A_708 : i32
      %swap3A_710 = arith.index_cast %add3A_709 : i32 to index
      %swap3A_711 = arith.constant 0 : index
      %swap3A_712 = tpu.vector_load %arg16[%swap3A_710, %swap3A_711] {strides = array<i32>} : memref<128x64xf32, #tpu.memory_space<vmem>>, vector<16xf32>,
      tpu.vector_store %arg16[%swap3A_710, %swap3A_711], %gather3A_707 {strides = array<i32>} : memref<128x64xf32, #tpu.memory_space<vmem>>, vector<16xf32>,
      %iota3A_713 = tpu.iota {dimensions = array<i32: 0>} : vector<16xi32>
      %add3A_714 = arith.constant 16 : i32
      %add3A_715 = vector.broadcast %add3A_714 : i32 to vector<16xi32>
      %add3A_716 = arith.addi %iota3A_713, %add3A_715 : vector<16xi32>
      %gather3A_717 = tpu.vector_load_idx %arg15[%add3A_716, %broadcast_in_dim3A_702] : memref<64x128xf32, #tpu.memory_space<vmem>>[vector<16xi32>, vector<16xi32>], vector<16xf32>,
      %add3A_718 = arith.constant 9 : i32
      %add3A_719 = arith.addi %mul3A_82, %add3A_718 : i32
      %swap3A_720 = arith.index_cast %add3A_719 : i32 to index
      %swap3A_721 = arith.constant 16 : index
      %swap3A_722 = tpu.vector_load %arg16[%swap3A_720, %swap3A_721] {strides = array<i32>} : memref<128x64xf32, #tpu.memory_space<vmem>>, vector<16xf32>,
      tpu.vector_store %arg16[%swap3A_720, %swap3A_721], %gather3A_717 {strides = array<i32>} : memref<128x64xf32, #tpu.memory_space<vmem>>, vector<16xf32>,
      %iota3A_723 = tpu.iota {dimensions = array<i32: 0>} : vector<16xi32>
      %add3A_724 = arith.constant 32 : i32
      %add3A_725 = vector.broadcast %add3A_724 : i32 to vector<16xi32>
      %add3A_726 = arith.addi %iota3A_723, %add3A_725 : vector<16xi32>
      %gather3A_727 = tpu.vector_load_idx %arg15[%add3A_726, %broadcast_in_dim3A_702] : memref<64x128xf32, #tpu.memory_space<vmem>>[vector<16xi32>, vector<16xi32>], vector<16xf32>,
      %add3A_728 = arith.constant 9 : i32
      %add3A_729 = arith.addi %mul3A_82, %add3A_728 : i32
      %swap3A_730 = arith.index_cast %add3A_729 : i32 to index
      %swap3A_731 = arith.constant 32 : index
      %swap3A_732 = tpu.vector_load %arg16[%swap3A_730, %swap3A_731] {strides = array<i32>} : memref<128x64xf32, #tpu.memory_space<vmem>>, vector<16xf32>,
      tpu.vector_store %arg16[%swap3A_730, %swap3A_731], %gather3A_727 {strides = array<i32>} : memref<128x64xf32, #tpu.memory_space<vmem>>, vector<16xf32>,
      %iota3A_733 = tpu.iota {dimensions = array<i32: 0>} : vector<16xi32>
      %add3A_734 = arith.constant 48 : i32
      %add3A_735 = vector.broadcast %add3A_734 : i32 to vector<16xi32>
      %add3A_736 = arith.addi %iota3A_733, %add3A_735 : vector<16xi32>
      %gather3A_737 = tpu.vector_load_idx %arg15[%add3A_736, %broadcast_in_dim3A_702] : memref<64x128xf32, #tpu.memory_space<vmem>>[vector<16xi32>, vector<16xi32>], vector<16xf32>,
      %add3A_738 = arith.constant 9 : i32
      %add3A_739 = arith.addi %mul3A_82, %add3A_738 : i32
      %swap3A_740 = arith.index_cast %add3A_739 : i32 to index
      %swap3A_741 = arith.constant 48 : index
      %swap3A_742 = tpu.vector_load %arg16[%swap3A_740, %swap3A_741] {strides = array<i32>} : memref<128x64xf32, #tpu.memory_space<vmem>>, vector<16xf32>,
      tpu.vector_store %arg16[%swap3A_740, %swap3A_741], %gather3A_737 {strides = array<i32>} : memref<128x64xf32, #tpu.memory_space<vmem>>, vector<16xf32>,
      %dma_wait3A_743 = arith.constant 0 : i32
      %dma_wait3A_744 = tpu.memref_slice %arg3[%dma_wait3A_743, %multiple_of3A_242] : memref<64x1000000xf32, #tpu.memory_space<hbm>> -> memref<64x128xf32, #tpu.memory_space<hbm>>
      %dma_wait3A_745 = arith.constant 0 : i32
      %dma_wait3A_746 = tpu.memref_slice %arg3[%dma_wait3A_745, %multiple_of3A_242] : memref<64x1000000xf32, #tpu.memory_space<hbm>> -> memref<64x128xf32, #tpu.memory_space<hbm>>
      tpu.wait_dma2 semaphore(%arg18 : memref<!tpu.dma_semaphore, #tpu.memory_space<semaphore_mem>>) src(%dma_wait3A_746 : memref<64x128xf32, #tpu.memory_space<hbm>>) dst(%arg6 : memref<64x128xf32, #tpu.memory_space<vmem>>)
      %slice3A_747 = vector.extract_strided_slice %get3A_85 {offsets = [10], sizes = [1], strides = [1]} : vector<16xi32> to vector<1xi32>
      %squeeze3A_748 = vector.extract %slice3A_747[0] : i32 from vector<1xi32>
      %and3A_749 = arith.constant 127 : i32
      %and3A_750 = arith.andi %squeeze3A_748, %and3A_749 : i32
      %broadcast_in_dim3A_751 = vector.broadcast %and3A_750 : i32 to vector<16xi32>
      %iota3A_752 = tpu.iota {dimensions = array<i32: 0>} : vector<16xi32>
      %add3A_753 = arith.constant 0 : i32
      %add3A_754 = vector.broadcast %add3A_753 : i32 to vector<16xi32>
      %add3A_755 = arith.addi %iota3A_752, %add3A_754 : vector<16xi32>
      %gather3A_756 = tpu.vector_load_idx %arg6[%add3A_755, %broadcast_in_dim3A_751] : memref<64x128xf32, #tpu.memory_space<vmem>>[vector<16xi32>, vector<16xi32>], vector<16xf32>,
      %add3A_757 = arith.constant 10 : i32
      %add3A_758 = arith.addi %mul3A_82, %add3A_757 : i32
      %swap3A_759 = arith.index_cast %add3A_758 : i32 to index
      %swap3A_760 = arith.constant 0 : index
      %swap3A_761 = tpu.vector_load %arg16[%swap3A_759, %swap3A_760] {strides = array<i32>} : memref<128x64xf32, #tpu.memory_space<vmem>>, vector<16xf32>,
      tpu.vector_store %arg16[%swap3A_759, %swap3A_760], %gather3A_756 {strides = array<i32>} : memref<128x64xf32, #tpu.memory_space<vmem>>, vector<16xf32>,
      %iota3A_762 = tpu.iota {dimensions = array<i32: 0>} : vector<16xi32>
      %add3A_763 = arith.constant 16 : i32
      %add3A_764 = vector.broadcast %add3A_763 : i32 to vector<16xi32>
      %add3A_765 = arith.addi %iota3A_762, %add3A_764 : vector<16xi32>
      %gather3A_766 = tpu.vector_load_idx %arg6[%add3A_765, %broadcast_in_dim3A_751] : memref<64x128xf32, #tpu.memory_space<vmem>>[vector<16xi32>, vector<16xi32>], vector<16xf32>,
      %add3A_767 = arith.constant 10 : i32
      %add3A_768 = arith.addi %mul3A_82, %add3A_767 : i32
      %swap3A_769 = arith.index_cast %add3A_768 : i32 to index
      %swap3A_770 = arith.constant 16 : index
      %swap3A_771 = tpu.vector_load %arg16[%swap3A_769, %swap3A_770] {strides = array<i32>} : memref<128x64xf32, #tpu.memory_space<vmem>>, vector<16xf32>,
      tpu.vector_store %arg16[%swap3A_769, %swap3A_770], %gather3A_766 {strides = array<i32>} : memref<128x64xf32, #tpu.memory_space<vmem>>, vector<16xf32>,
      %iota3A_772 = tpu.iota {dimensions = array<i32: 0>} : vector<16xi32>
      %add3A_773 = arith.constant 32 : i32
      %add3A_774 = vector.broadcast %add3A_773 : i32 to vector<16xi32>
      %add3A_775 = arith.addi %iota3A_772, %add3A_774 : vector<16xi32>
      %gather3A_776 = tpu.vector_load_idx %arg6[%add3A_775, %broadcast_in_dim3A_751] : memref<64x128xf32, #tpu.memory_space<vmem>>[vector<16xi32>, vector<16xi32>], vector<16xf32>,
      %add3A_777 = arith.constant 10 : i32
      %add3A_778 = arith.addi %mul3A_82, %add3A_777 : i32
      %swap3A_779 = arith.index_cast %add3A_778 : i32 to index
      %swap3A_780 = arith.constant 32 : index
      %swap3A_781 = tpu.vector_load %arg16[%swap3A_779, %swap3A_780] {strides = array<i32>} : memref<128x64xf32, #tpu.memory_space<vmem>>, vector<16xf32>,
      tpu.vector_store %arg16[%swap3A_779, %swap3A_780], %gather3A_776 {strides = array<i32>} : memref<128x64xf32, #tpu.memory_space<vmem>>, vector<16xf32>,
      %iota3A_782 = tpu.iota {dimensions = array<i32: 0>} : vector<16xi32>
      %add3A_783 = arith.constant 48 : i32
      %add3A_784 = vector.broadcast %add3A_783 : i32 to vector<16xi32>
      %add3A_785 = arith.addi %iota3A_782, %add3A_784 : vector<16xi32>
      %gather3A_786 = tpu.vector_load_idx %arg6[%add3A_785, %broadcast_in_dim3A_751] : memref<64x128xf32, #tpu.memory_space<vmem>>[vector<16xi32>, vector<16xi32>], vector<16xf32>,
      %add3A_787 = arith.constant 10 : i32
      %add3A_788 = arith.addi %mul3A_82, %add3A_787 : i32
      %swap3A_789 = arith.index_cast %add3A_788 : i32 to index
      %swap3A_790 = arith.constant 48 : index
      %swap3A_791 = tpu.vector_load %arg16[%swap3A_789, %swap3A_790] {strides = array<i32>} : memref<128x64xf32, #tpu.memory_space<vmem>>, vector<16xf32>,
      tpu.vector_store %arg16[%swap3A_789, %swap3A_790], %gather3A_786 {strides = array<i32>} : memref<128x64xf32, #tpu.memory_space<vmem>>, vector<16xf32>,
      %dma_wait3A_792 = arith.constant 0 : i32
      %dma_wait3A_793 = tpu.memref_slice %arg3[%dma_wait3A_792, %multiple_of3A_302] : memref<64x1000000xf32, #tpu.memory_space<hbm>> -> memref<64x128xf32, #tpu.memory_space<hbm>>
      %dma_wait3A_794 = arith.constant 0 : i32
      %dma_wait3A_795 = tpu.memref_slice %arg3[%dma_wait3A_794, %multiple_of3A_302] : memref<64x1000000xf32, #tpu.memory_space<hbm>> -> memref<64x128xf32, #tpu.memory_space<hbm>>
      tpu.wait_dma2 semaphore(%arg18 : memref<!tpu.dma_semaphore, #tpu.memory_space<semaphore_mem>>) src(%dma_wait3A_795 : memref<64x128xf32, #tpu.memory_space<hbm>>) dst(%arg7 : memref<64x128xf32, #tpu.memory_space<vmem>>)
      %slice3A_796 = vector.extract_strided_slice %get3A_85 {offsets = [11], sizes = [1], strides = [1]} : vector<16xi32> to vector<1xi32>
      %squeeze3A_797 = vector.extract %slice3A_796[0] : i32 from vector<1xi32>
      %and3A_798 = arith.constant 127 : i32
      %and3A_799 = arith.andi %squeeze3A_797, %and3A_798 : i32
      %broadcast_in_dim3A_800 = vector.broadcast %and3A_799 : i32 to vector<16xi32>
      %iota3A_801 = tpu.iota {dimensions = array<i32: 0>} : vector<16xi32>
      %add3A_802 = arith.constant 0 : i32
      %add3A_803 = vector.broadcast %add3A_802 : i32 to vector<16xi32>
      %add3A_804 = arith.addi %iota3A_801, %add3A_803 : vector<16xi32>
      %gather3A_805 = tpu.vector_load_idx %arg7[%add3A_804, %broadcast_in_dim3A_800] : memref<64x128xf32, #tpu.memory_space<vmem>>[vector<16xi32>, vector<16xi32>], vector<16xf32>,
      %add3A_806 = arith.constant 11 : i32
      %add3A_807 = arith.addi %mul3A_82, %add3A_806 : i32
      %swap3A_808 = arith.index_cast %add3A_807 : i32 to index
      %swap3A_809 = arith.constant 0 : index
      %swap3A_810 = tpu.vector_load %arg16[%swap3A_808, %swap3A_809] {strides = array<i32>} : memref<128x64xf32, #tpu.memory_space<vmem>>, vector<16xf32>,
      tpu.vector_store %arg16[%swap3A_808, %swap3A_809], %gather3A_805 {strides = array<i32>} : memref<128x64xf32, #tpu.memory_space<vmem>>, vector<16xf32>,
      %iota3A_811 = tpu.iota {dimensions = array<i32: 0>} : vector<16xi32>
      %add3A_812 = arith.constant 16 : i32
      %add3A_813 = vector.broadcast %add3A_812 : i32 to vector<16xi32>
      %add3A_814 = arith.addi %iota3A_811, %add3A_813 : vector<16xi32>
      %gather3A_815 = tpu.vector_load_idx %arg7[%add3A_814, %broadcast_in_dim3A_800] : memref<64x128xf32, #tpu.memory_space<vmem>>[vector<16xi32>, vector<16xi32>], vector<16xf32>,
      %add3A_816 = arith.constant 11 : i32
      %add3A_817 = arith.addi %mul3A_82, %add3A_816 : i32
      %swap3A_818 = arith.index_cast %add3A_817 : i32 to index
      %swap3A_819 = arith.constant 16 : index
      %swap3A_820 = tpu.vector_load %arg16[%swap3A_818, %swap3A_819] {strides = array<i32>} : memref<128x64xf32, #tpu.memory_space<vmem>>, vector<16xf32>,
      tpu.vector_store %arg16[%swap3A_818, %swap3A_819], %gather3A_815 {strides = array<i32>} : memref<128x64xf32, #tpu.memory_space<vmem>>, vector<16xf32>,
      %iota3A_821 = tpu.iota {dimensions = array<i32: 0>} : vector<16xi32>
      %add3A_822 = arith.constant 32 : i32
      %add3A_823 = vector.broadcast %add3A_822 : i32 to vector<16xi32>
      %add3A_824 = arith.addi %iota3A_821, %add3A_823 : vector<16xi32>
      %gather3A_825 = tpu.vector_load_idx %arg7[%add3A_824, %broadcast_in_dim3A_800] : memref<64x128xf32, #tpu.memory_space<vmem>>[vector<16xi32>, vector<16xi32>], vector<16xf32>,
      %add3A_826 = arith.constant 11 : i32
      %add3A_827 = arith.addi %mul3A_82, %add3A_826 : i32
      %swap3A_828 = arith.index_cast %add3A_827 : i32 to index
      %swap3A_829 = arith.constant 32 : index
      %swap3A_830 = tpu.vector_load %arg16[%swap3A_828, %swap3A_829] {strides = array<i32>} : memref<128x64xf32, #tpu.memory_space<vmem>>, vector<16xf32>,
      tpu.vector_store %arg16[%swap3A_828, %swap3A_829], %gather3A_825 {strides = array<i32>} : memref<128x64xf32, #tpu.memory_space<vmem>>, vector<16xf32>,
      %iota3A_831 = tpu.iota {dimensions = array<i32: 0>} : vector<16xi32>
      %add3A_832 = arith.constant 48 : i32
      %add3A_833 = vector.broadcast %add3A_832 : i32 to vector<16xi32>
      %add3A_834 = arith.addi %iota3A_831, %add3A_833 : vector<16xi32>
      %gather3A_835 = tpu.vector_load_idx %arg7[%add3A_834, %broadcast_in_dim3A_800] : memref<64x128xf32, #tpu.memory_space<vmem>>[vector<16xi32>, vector<16xi32>], vector<16xf32>,
      %add3A_836 = arith.constant 11 : i32
      %add3A_837 = arith.addi %mul3A_82, %add3A_836 : i32
      %swap3A_838 = arith.index_cast %add3A_837 : i32 to index
      %swap3A_839 = arith.constant 48 : index
      %swap3A_840 = tpu.vector_load %arg16[%swap3A_838, %swap3A_839] {strides = array<i32>} : memref<128x64xf32, #tpu.memory_space<vmem>>, vector<16xf32>,
      tpu.vector_store %arg16[%swap3A_838, %swap3A_839], %gather3A_835 {strides = array<i32>} : memref<128x64xf32, #tpu.memory_space<vmem>>, vector<16xf32>,
      %dma_wait3A_841 = arith.constant 0 : i32
      %dma_wait3A_842 = tpu.memref_slice %arg3[%dma_wait3A_841, %multiple_of3A_362] : memref<64x1000000xf32, #tpu.memory_space<hbm>> -> memref<64x128xf32, #tpu.memory_space<hbm>>
      %dma_wait3A_843 = arith.constant 0 : i32
      %dma_wait3A_844 = tpu.memref_slice %arg3[%dma_wait3A_843, %multiple_of3A_362] : memref<64x1000000xf32, #tpu.memory_space<hbm>> -> memref<64x128xf32, #tpu.memory_space<hbm>>
      tpu.wait_dma2 semaphore(%arg18 : memref<!tpu.dma_semaphore, #tpu.memory_space<semaphore_mem>>) src(%dma_wait3A_844 : memref<64x128xf32, #tpu.memory_space<hbm>>) dst(%arg8 : memref<64x128xf32, #tpu.memory_space<vmem>>)
      %slice3A_845 = vector.extract_strided_slice %get3A_85 {offsets = [12], sizes = [1], strides = [1]} : vector<16xi32> to vector<1xi32>
      %squeeze3A_846 = vector.extract %slice3A_845[0] : i32 from vector<1xi32>
      %and3A_847 = arith.constant 127 : i32
      %and3A_848 = arith.andi %squeeze3A_846, %and3A_847 : i32
      %broadcast_in_dim3A_849 = vector.broadcast %and3A_848 : i32 to vector<16xi32>
      %iota3A_850 = tpu.iota {dimensions = array<i32: 0>} : vector<16xi32>
      %add3A_851 = arith.constant 0 : i32
      %add3A_852 = vector.broadcast %add3A_851 : i32 to vector<16xi32>
      %add3A_853 = arith.addi %iota3A_850, %add3A_852 : vector<16xi32>
      %gather3A_854 = tpu.vector_load_idx %arg8[%add3A_853, %broadcast_in_dim3A_849] : memref<64x128xf32, #tpu.memory_space<vmem>>[vector<16xi32>, vector<16xi32>], vector<16xf32>,
      %add3A_855 = arith.constant 12 : i32
      %add3A_856 = arith.addi %mul3A_82, %add3A_855 : i32
      %swap3A_857 = arith.index_cast %add3A_856 : i32 to index
      %swap3A_858 = arith.constant 0 : index
      %swap3A_859 = tpu.vector_load %arg16[%swap3A_857, %swap3A_858] {strides = array<i32>} : memref<128x64xf32, #tpu.memory_space<vmem>>, vector<16xf32>,
      tpu.vector_store %arg16[%swap3A_857, %swap3A_858], %gather3A_854 {strides = array<i32>} : memref<128x64xf32, #tpu.memory_space<vmem>>, vector<16xf32>,
      %iota3A_860 = tpu.iota {dimensions = array<i32: 0>} : vector<16xi32>
      %add3A_861 = arith.constant 16 : i32
      %add3A_862 = vector.broadcast %add3A_861 : i32 to vector<16xi32>
      %add3A_863 = arith.addi %iota3A_860, %add3A_862 : vector<16xi32>
      %gather3A_864 = tpu.vector_load_idx %arg8[%add3A_863, %broadcast_in_dim3A_849] : memref<64x128xf32, #tpu.memory_space<vmem>>[vector<16xi32>, vector<16xi32>], vector<16xf32>,
      %add3A_865 = arith.constant 12 : i32
      %add3A_866 = arith.addi %mul3A_82, %add3A_865 : i32
      %swap3A_867 = arith.index_cast %add3A_866 : i32 to index
      %swap3A_868 = arith.constant 16 : index
      %swap3A_869 = tpu.vector_load %arg16[%swap3A_867, %swap3A_868] {strides = array<i32>} : memref<128x64xf32, #tpu.memory_space<vmem>>, vector<16xf32>,
      tpu.vector_store %arg16[%swap3A_867, %swap3A_868], %gather3A_864 {strides = array<i32>} : memref<128x64xf32, #tpu.memory_space<vmem>>, vector<16xf32>,
      %iota3A_870 = tpu.iota {dimensions = array<i32: 0>} : vector<16xi32>
      %add3A_871 = arith.constant 32 : i32
      %add3A_872 = vector.broadcast %add3A_871 : i32 to vector<16xi32>
      %add3A_873 = arith.addi %iota3A_870, %add3A_872 : vector<16xi32>
      %gather3A_874 = tpu.vector_load_idx %arg8[%add3A_873, %broadcast_in_dim3A_849] : memref<64x128xf32, #tpu.memory_space<vmem>>[vector<16xi32>, vector<16xi32>], vector<16xf32>,
      %add3A_875 = arith.constant 12 : i32
      %add3A_876 = arith.addi %mul3A_82, %add3A_875 : i32
      %swap3A_877 = arith.index_cast %add3A_876 : i32 to index
      %swap3A_878 = arith.constant 32 : index
      %swap3A_879 = tpu.vector_load %arg16[%swap3A_877, %swap3A_878] {strides = array<i32>} : memref<128x64xf32, #tpu.memory_space<vmem>>, vector<16xf32>,
      tpu.vector_store %arg16[%swap3A_877, %swap3A_878], %gather3A_874 {strides = array<i32>} : memref<128x64xf32, #tpu.memory_space<vmem>>, vector<16xf32>,
      %iota3A_880 = tpu.iota {dimensions = array<i32: 0>} : vector<16xi32>
      %add3A_881 = arith.constant 48 : i32
      %add3A_882 = vector.broadcast %add3A_881 : i32 to vector<16xi32>
      %add3A_883 = arith.addi %iota3A_880, %add3A_882 : vector<16xi32>
      %gather3A_884 = tpu.vector_load_idx %arg8[%add3A_883, %broadcast_in_dim3A_849] : memref<64x128xf32, #tpu.memory_space<vmem>>[vector<16xi32>, vector<16xi32>], vector<16xf32>,
      %add3A_885 = arith.constant 12 : i32
      %add3A_886 = arith.addi %mul3A_82, %add3A_885 : i32
      %swap3A_887 = arith.index_cast %add3A_886 : i32 to index
      %swap3A_888 = arith.constant 48 : index
      %swap3A_889 = tpu.vector_load %arg16[%swap3A_887, %swap3A_888] {strides = array<i32>} : memref<128x64xf32, #tpu.memory_space<vmem>>, vector<16xf32>,
      tpu.vector_store %arg16[%swap3A_887, %swap3A_888], %gather3A_884 {strides = array<i32>} : memref<128x64xf32, #tpu.memory_space<vmem>>, vector<16xf32>,
      %dma_wait3A_890 = arith.constant 0 : i32
      %dma_wait3A_891 = tpu.memref_slice %arg3[%dma_wait3A_890, %multiple_of3A_422] : memref<64x1000000xf32, #tpu.memory_space<hbm>> -> memref<64x128xf32, #tpu.memory_space<hbm>>
      %dma_wait3A_892 = arith.constant 0 : i32
      %dma_wait3A_893 = tpu.memref_slice %arg3[%dma_wait3A_892, %multiple_of3A_422] : memref<64x1000000xf32, #tpu.memory_space<hbm>> -> memref<64x128xf32, #tpu.memory_space<hbm>>
      tpu.wait_dma2 semaphore(%arg18 : memref<!tpu.dma_semaphore, #tpu.memory_space<semaphore_mem>>) src(%dma_wait3A_893 : memref<64x128xf32, #tpu.memory_space<hbm>>) dst(%arg9 : memref<64x128xf32, #tpu.memory_space<vmem>>)
      %slice3A_894 = vector.extract_strided_slice %get3A_85 {offsets = [13], sizes = [1], strides = [1]} : vector<16xi32> to vector<1xi32>
      %squeeze3A_895 = vector.extract %slice3A_894[0] : i32 from vector<1xi32>
      %and3A_896 = arith.constant 127 : i32
      %and3A_897 = arith.andi %squeeze3A_895, %and3A_896 : i32
      %broadcast_in_dim3A_898 = vector.broadcast %and3A_897 : i32 to vector<16xi32>
      %iota3A_899 = tpu.iota {dimensions = array<i32: 0>} : vector<16xi32>
      %add3A_900 = arith.constant 0 : i32
      %add3A_901 = vector.broadcast %add3A_900 : i32 to vector<16xi32>
      %add3A_902 = arith.addi %iota3A_899, %add3A_901 : vector<16xi32>
      %gather3A_903 = tpu.vector_load_idx %arg9[%add3A_902, %broadcast_in_dim3A_898] : memref<64x128xf32, #tpu.memory_space<vmem>>[vector<16xi32>, vector<16xi32>], vector<16xf32>,
      %add3A_904 = arith.constant 13 : i32
      %add3A_905 = arith.addi %mul3A_82, %add3A_904 : i32
      %swap3A_906 = arith.index_cast %add3A_905 : i32 to index
      %swap3A_907 = arith.constant 0 : index
      %swap3A_908 = tpu.vector_load %arg16[%swap3A_906, %swap3A_907] {strides = array<i32>} : memref<128x64xf32, #tpu.memory_space<vmem>>, vector<16xf32>,
      tpu.vector_store %arg16[%swap3A_906, %swap3A_907], %gather3A_903 {strides = array<i32>} : memref<128x64xf32, #tpu.memory_space<vmem>>, vector<16xf32>,
      %iota3A_909 = tpu.iota {dimensions = array<i32: 0>} : vector<16xi32>
      %add3A_910 = arith.constant 16 : i32
      %add3A_911 = vector.broadcast %add3A_910 : i32 to vector<16xi32>
      %add3A_912 = arith.addi %iota3A_909, %add3A_911 : vector<16xi32>
      %gather3A_913 = tpu.vector_load_idx %arg9[%add3A_912, %broadcast_in_dim3A_898] : memref<64x128xf32, #tpu.memory_space<vmem>>[vector<16xi32>, vector<16xi32>], vector<16xf32>,
      %add3A_914 = arith.constant 13 : i32
      %add3A_915 = arith.addi %mul3A_82, %add3A_914 : i32
      %swap3A_916 = arith.index_cast %add3A_915 : i32 to index
      %swap3A_917 = arith.constant 16 : index
      %swap3A_918 = tpu.vector_load %arg16[%swap3A_916, %swap3A_917] {strides = array<i32>} : memref<128x64xf32, #tpu.memory_space<vmem>>, vector<16xf32>,
      tpu.vector_store %arg16[%swap3A_916, %swap3A_917], %gather3A_913 {strides = array<i32>} : memref<128x64xf32, #tpu.memory_space<vmem>>, vector<16xf32>,
      %iota3A_919 = tpu.iota {dimensions = array<i32: 0>} : vector<16xi32>
      %add3A_920 = arith.constant 32 : i32
      %add3A_921 = vector.broadcast %add3A_920 : i32 to vector<16xi32>
      %add3A_922 = arith.addi %iota3A_919, %add3A_921 : vector<16xi32>
      %gather3A_923 = tpu.vector_load_idx %arg9[%add3A_922, %broadcast_in_dim3A_898] : memref<64x128xf32, #tpu.memory_space<vmem>>[vector<16xi32>, vector<16xi32>], vector<16xf32>,
      %add3A_924 = arith.constant 13 : i32
      %add3A_925 = arith.addi %mul3A_82, %add3A_924 : i32
      %swap3A_926 = arith.index_cast %add3A_925 : i32 to index
      %swap3A_927 = arith.constant 32 : index
      %swap3A_928 = tpu.vector_load %arg16[%swap3A_926, %swap3A_927] {strides = array<i32>} : memref<128x64xf32, #tpu.memory_space<vmem>>, vector<16xf32>,
      tpu.vector_store %arg16[%swap3A_926, %swap3A_927], %gather3A_923 {strides = array<i32>} : memref<128x64xf32, #tpu.memory_space<vmem>>, vector<16xf32>,
      %iota3A_929 = tpu.iota {dimensions = array<i32: 0>} : vector<16xi32>
      %add3A_930 = arith.constant 48 : i32
      %add3A_931 = vector.broadcast %add3A_930 : i32 to vector<16xi32>
      %add3A_932 = arith.addi %iota3A_929, %add3A_931 : vector<16xi32>
      %gather3A_933 = tpu.vector_load_idx %arg9[%add3A_932, %broadcast_in_dim3A_898] : memref<64x128xf32, #tpu.memory_space<vmem>>[vector<16xi32>, vector<16xi32>], vector<16xf32>,
      %add3A_934 = arith.constant 13 : i32
      %add3A_935 = arith.addi %mul3A_82, %add3A_934 : i32
      %swap3A_936 = arith.index_cast %add3A_935 : i32 to index
      %swap3A_937 = arith.constant 48 : index
      %swap3A_938 = tpu.vector_load %arg16[%swap3A_936, %swap3A_937] {strides = array<i32>} : memref<128x64xf32, #tpu.memory_space<vmem>>, vector<16xf32>,
      tpu.vector_store %arg16[%swap3A_936, %swap3A_937], %gather3A_933 {strides = array<i32>} : memref<128x64xf32, #tpu.memory_space<vmem>>, vector<16xf32>,
      %dma_wait3A_939 = arith.constant 0 : i32
      %dma_wait3A_940 = tpu.memref_slice %arg3[%dma_wait3A_939, %multiple_of3A_482] : memref<64x1000000xf32, #tpu.memory_space<hbm>> -> memref<64x128xf32, #tpu.memory_space<hbm>>
      %dma_wait3A_941 = arith.constant 0 : i32
      %dma_wait3A_942 = tpu.memref_slice %arg3[%dma_wait3A_941, %multiple_of3A_482] : memref<64x1000000xf32, #tpu.memory_space<hbm>> -> memref<64x128xf32, #tpu.memory_space<hbm>>
      tpu.wait_dma2 semaphore(%arg18 : memref<!tpu.dma_semaphore, #tpu.memory_space<semaphore_mem>>) src(%dma_wait3A_942 : memref<64x128xf32, #tpu.memory_space<hbm>>) dst(%arg10 : memref<64x128xf32, #tpu.memory_space<vmem>>)
      %slice3A_943 = vector.extract_strided_slice %get3A_85 {offsets = [14], sizes = [1], strides = [1]} : vector<16xi32> to vector<1xi32>
      %squeeze3A_944 = vector.extract %slice3A_943[0] : i32 from vector<1xi32>
      %and3A_945 = arith.constant 127 : i32
      %and3A_946 = arith.andi %squeeze3A_944, %and3A_945 : i32
      %broadcast_in_dim3A_947 = vector.broadcast %and3A_946 : i32 to vector<16xi32>
      %iota3A_948 = tpu.iota {dimensions = array<i32: 0>} : vector<16xi32>
      %add3A_949 = arith.constant 0 : i32
      %add3A_950 = vector.broadcast %add3A_949 : i32 to vector<16xi32>
      %add3A_951 = arith.addi %iota3A_948, %add3A_950 : vector<16xi32>
      %gather3A_952 = tpu.vector_load_idx %arg10[%add3A_951, %broadcast_in_dim3A_947] : memref<64x128xf32, #tpu.memory_space<vmem>>[vector<16xi32>, vector<16xi32>], vector<16xf32>,
      %add3A_953 = arith.constant 14 : i32
      %add3A_954 = arith.addi %mul3A_82, %add3A_953 : i32
      %swap3A_955 = arith.index_cast %add3A_954 : i32 to index
      %swap3A_956 = arith.constant 0 : index
      %swap3A_957 = tpu.vector_load %arg16[%swap3A_955, %swap3A_956] {strides = array<i32>} : memref<128x64xf32, #tpu.memory_space<vmem>>, vector<16xf32>,
      tpu.vector_store %arg16[%swap3A_955, %swap3A_956], %gather3A_952 {strides = array<i32>} : memref<128x64xf32, #tpu.memory_space<vmem>>, vector<16xf32>,
      %iota3A_958 = tpu.iota {dimensions = array<i32: 0>} : vector<16xi32>
      %add3A_959 = arith.constant 16 : i32
      %add3A_960 = vector.broadcast %add3A_959 : i32 to vector<16xi32>
      %add3A_961 = arith.addi %iota3A_958, %add3A_960 : vector<16xi32>
      %gather3A_962 = tpu.vector_load_idx %arg10[%add3A_961, %broadcast_in_dim3A_947] : memref<64x128xf32, #tpu.memory_space<vmem>>[vector<16xi32>, vector<16xi32>], vector<16xf32>,
      %add3A_963 = arith.constant 14 : i32
      %add3A_964 = arith.addi %mul3A_82, %add3A_963 : i32
      %swap3A_965 = arith.index_cast %add3A_964 : i32 to index
      %swap3A_966 = arith.constant 16 : index
      %swap3A_967 = tpu.vector_load %arg16[%swap3A_965, %swap3A_966] {strides = array<i32>} : memref<128x64xf32, #tpu.memory_space<vmem>>, vector<16xf32>,
      tpu.vector_store %arg16[%swap3A_965, %swap3A_966], %gather3A_962 {strides = array<i32>} : memref<128x64xf32, #tpu.memory_space<vmem>>, vector<16xf32>,
      %iota3A_968 = tpu.iota {dimensions = array<i32: 0>} : vector<16xi32>
      %add3A_969 = arith.constant 32 : i32
      %add3A_970 = vector.broadcast %add3A_969 : i32 to vector<16xi32>
      %add3A_971 = arith.addi %iota3A_968, %add3A_970 : vector<16xi32>
      %gather3A_972 = tpu.vector_load_idx %arg10[%add3A_971, %broadcast_in_dim3A_947] : memref<64x128xf32, #tpu.memory_space<vmem>>[vector<16xi32>, vector<16xi32>], vector<16xf32>,
      %add3A_973 = arith.constant 14 : i32
      %add3A_974 = arith.addi %mul3A_82, %add3A_973 : i32
      %swap3A_975 = arith.index_cast %add3A_974 : i32 to index
      %swap3A_976 = arith.constant 32 : index
      %swap3A_977 = tpu.vector_load %arg16[%swap3A_975, %swap3A_976] {strides = array<i32>} : memref<128x64xf32, #tpu.memory_space<vmem>>, vector<16xf32>,
      tpu.vector_store %arg16[%swap3A_975, %swap3A_976], %gather3A_972 {strides = array<i32>} : memref<128x64xf32, #tpu.memory_space<vmem>>, vector<16xf32>,
      %iota3A_978 = tpu.iota {dimensions = array<i32: 0>} : vector<16xi32>
      %add3A_979 = arith.constant 48 : i32
      %add3A_980 = vector.broadcast %add3A_979 : i32 to vector<16xi32>
      %add3A_981 = arith.addi %iota3A_978, %add3A_980 : vector<16xi32>
      %gather3A_982 = tpu.vector_load_idx %arg10[%add3A_981, %broadcast_in_dim3A_947] : memref<64x128xf32, #tpu.memory_space<vmem>>[vector<16xi32>, vector<16xi32>], vector<16xf32>,
      %add3A_983 = arith.constant 14 : i32
      %add3A_984 = arith.addi %mul3A_82, %add3A_983 : i32
      %swap3A_985 = arith.index_cast %add3A_984 : i32 to index
      %swap3A_986 = arith.constant 48 : index
      %swap3A_987 = tpu.vector_load %arg16[%swap3A_985, %swap3A_986] {strides = array<i32>} : memref<128x64xf32, #tpu.memory_space<vmem>>, vector<16xf32>,
      tpu.vector_store %arg16[%swap3A_985, %swap3A_986], %gather3A_982 {strides = array<i32>} : memref<128x64xf32, #tpu.memory_space<vmem>>, vector<16xf32>,
      %dma_wait3A_988 = arith.constant 0 : i32
      %dma_wait3A_989 = tpu.memref_slice %arg3[%dma_wait3A_988, %multiple_of3A_542] : memref<64x1000000xf32, #tpu.memory_space<hbm>> -> memref<64x128xf32, #tpu.memory_space<hbm>>
      %dma_wait3A_990 = arith.constant 0 : i32
      %dma_wait3A_991 = tpu.memref_slice %arg3[%dma_wait3A_990, %multiple_of3A_542] : memref<64x1000000xf32, #tpu.memory_space<hbm>> -> memref<64x128xf32, #tpu.memory_space<hbm>>
      tpu.wait_dma2 semaphore(%arg18 : memref<!tpu.dma_semaphore, #tpu.memory_space<semaphore_mem>>) src(%dma_wait3A_991 : memref<64x128xf32, #tpu.memory_space<hbm>>) dst(%arg11 : memref<64x128xf32, #tpu.memory_space<vmem>>)
      %slice3A_992 = vector.extract_strided_slice %get3A_85 {offsets = [15], sizes = [1], strides = [1]} : vector<16xi32> to vector<1xi32>
      %squeeze3A_993 = vector.extract %slice3A_992[0] : i32 from vector<1xi32>
      %and3A_994 = arith.constant 127 : i32
      %and3A_995 = arith.andi %squeeze3A_993, %and3A_994 : i32
      %broadcast_in_dim3A_996 = vector.broadcast %and3A_995 : i32 to vector<16xi32>
      %iota3A_997 = tpu.iota {dimensions = array<i32: 0>} : vector<16xi32>
      %add3A_998 = arith.constant 0 : i32
      %add3A_999 = vector.broadcast %add3A_998 : i32 to vector<16xi32>
      %add3A_1000 = arith.addi %iota3A_997, %add3A_999 : vector<16xi32>
      %gather3A_1001 = tpu.vector_load_idx %arg11[%add3A_1000, %broadcast_in_dim3A_996] : memref<64x128xf32, #tpu.memory_space<vmem>>[vector<16xi32>, vector<16xi32>], vector<16xf32>,
      %add3A_1002 = arith.constant 15 : i32
      %add3A_1003 = arith.addi %mul3A_82, %add3A_1002 : i32
      %swap3A_1004 = arith.index_cast %add3A_1003 : i32 to index
      %swap3A_1005 = arith.constant 0 : index
      %swap3A_1006 = tpu.vector_load %arg16[%swap3A_1004, %swap3A_1005] {strides = array<i32>} : memref<128x64xf32, #tpu.memory_space<vmem>>, vector<16xf32>,
      tpu.vector_store %arg16[%swap3A_1004, %swap3A_1005], %gather3A_1001 {strides = array<i32>} : memref<128x64xf32, #tpu.memory_space<vmem>>, vector<16xf32>,
      %iota3A_1007 = tpu.iota {dimensions = array<i32: 0>} : vector<16xi32>
      %add3A_1008 = arith.constant 16 : i32
      %add3A_1009 = vector.broadcast %add3A_1008 : i32 to vector<16xi32>
      %add3A_1010 = arith.addi %iota3A_1007, %add3A_1009 : vector<16xi32>
      %gather3A_1011 = tpu.vector_load_idx %arg11[%add3A_1010, %broadcast_in_dim3A_996] : memref<64x128xf32, #tpu.memory_space<vmem>>[vector<16xi32>, vector<16xi32>], vector<16xf32>,
      %add3A_1012 = arith.constant 15 : i32
      %add3A_1013 = arith.addi %mul3A_82, %add3A_1012 : i32
      %swap3A_1014 = arith.index_cast %add3A_1013 : i32 to index
      %swap3A_1015 = arith.constant 16 : index
      %swap3A_1016 = tpu.vector_load %arg16[%swap3A_1014, %swap3A_1015] {strides = array<i32>} : memref<128x64xf32, #tpu.memory_space<vmem>>, vector<16xf32>,
      tpu.vector_store %arg16[%swap3A_1014, %swap3A_1015], %gather3A_1011 {strides = array<i32>} : memref<128x64xf32, #tpu.memory_space<vmem>>, vector<16xf32>,
      %iota3A_1017 = tpu.iota {dimensions = array<i32: 0>} : vector<16xi32>
      %add3A_1018 = arith.constant 32 : i32
      %add3A_1019 = vector.broadcast %add3A_1018 : i32 to vector<16xi32>
      %add3A_1020 = arith.addi %iota3A_1017, %add3A_1019 : vector<16xi32>
      %gather3A_1021 = tpu.vector_load_idx %arg11[%add3A_1020, %broadcast_in_dim3A_996] : memref<64x128xf32, #tpu.memory_space<vmem>>[vector<16xi32>, vector<16xi32>], vector<16xf32>,
      %add3A_1022 = arith.constant 15 : i32
      %add3A_1023 = arith.addi %mul3A_82, %add3A_1022 : i32
      %swap3A_1024 = arith.index_cast %add3A_1023 : i32 to index
      %swap3A_1025 = arith.constant 32 : index
      %swap3A_1026 = tpu.vector_load %arg16[%swap3A_1024, %swap3A_1025] {strides = array<i32>} : memref<128x64xf32, #tpu.memory_space<vmem>>, vector<16xf32>,
      tpu.vector_store %arg16[%swap3A_1024, %swap3A_1025], %gather3A_1021 {strides = array<i32>} : memref<128x64xf32, #tpu.memory_space<vmem>>, vector<16xf32>,
      %iota3A_1027 = tpu.iota {dimensions = array<i32: 0>} : vector<16xi32>
      %add3A_1028 = arith.constant 48 : i32
      %add3A_1029 = vector.broadcast %add3A_1028 : i32 to vector<16xi32>
      %add3A_1030 = arith.addi %iota3A_1027, %add3A_1029 : vector<16xi32>
      %gather3A_1031 = tpu.vector_load_idx %arg11[%add3A_1030, %broadcast_in_dim3A_996] : memref<64x128xf32, #tpu.memory_space<vmem>>[vector<16xi32>, vector<16xi32>], vector<16xf32>,
      %add3A_1032 = arith.constant 15 : i32
      %add3A_1033 = arith.addi %mul3A_82, %add3A_1032 : i32
      %swap3A_1034 = arith.index_cast %add3A_1033 : i32 to index
      %swap3A_1035 = arith.constant 48 : index
      %swap3A_1036 = tpu.vector_load %arg16[%swap3A_1034, %swap3A_1035] {strides = array<i32>} : memref<128x64xf32, #tpu.memory_space<vmem>>, vector<16xf32>,
      tpu.vector_store %arg16[%swap3A_1034, %swap3A_1035], %gather3A_1031 {strides = array<i32>} : memref<128x64xf32, #tpu.memory_space<vmem>>, vector<16xf32>,
    }
    %scan3A_50 = arith.constant 8 : i32
    %add3A_51 = arith.constant 256 : i32
    %add3A_52 = arith.addi %mul3A_2, %add3A_51 : i32
    %dma_start3A_53 = arith.constant 0 : i32
    %dma_start3A_54 = tpu.memref_slice %arg4[%add3A_52, %dma_start3A_53] : memref<16384x64xf32, #tpu.memory_space<hbm>> -> memref<128x64xf32, #tpu.memory_space<hbm>>
    %dma_start3A_55 = arith.constant 0 : i32
    %dma_start3A_56 = tpu.memref_slice %arg4[%add3A_52, %dma_start3A_55] : memref<16384x64xf32, #tpu.memory_space<hbm>> -> memref<128x64xf32, #tpu.memory_space<hbm>>
    tpu.enqueue_dma source(%arg16 : memref<128x64xf32, #tpu.memory_space<vmem>>) target(%dma_start3A_56 : memref<128x64xf32, #tpu.memory_space<hbm>>) target_semaphore(%arg17 : memref<!tpu.dma_semaphore, #tpu.memory_space<semaphore_mem>>)
    %dma_wait3A_57 = arith.constant 0 : i32
    %dma_wait3A_58 = tpu.memref_slice %arg4[%add3A_52, %dma_wait3A_57] : memref<16384x64xf32, #tpu.memory_space<hbm>> -> memref<128x64xf32, #tpu.memory_space<hbm>>
    %dma_wait3A_59 = arith.constant 0 : i32
    %dma_wait3A_60 = tpu.memref_slice %arg4[%add3A_52, %dma_wait3A_59] : memref<16384x64xf32, #tpu.memory_space<hbm>> -> memref<128x64xf32, #tpu.memory_space<hbm>>
    tpu.wait_dma2 semaphore(%arg17 : memref<!tpu.dma_semaphore, #tpu.memory_space<semaphore_mem>>) src(%arg16 : memref<128x64xf32, #tpu.memory_space<vmem>>) dst(%dma_wait3A_60 : memref<128x64xf32, #tpu.memory_space<hbm>>)
    %scan3A_61 = arith.constant 0 : i32
    %scan3A_62 = arith.constant 8 : i32
    %scan3A_63 = arith.addi %scan3A_61, %scan3A_62 : i32
    %scan3A_64 = arith.constant 1 : i32
    scf.for %scan3A_76 = %scan3A_61 to %scan3A_63 step %scan3A_64  : i32 {
      %mul3A_77 = arith.constant 1 : i32
      %mul3A_78 = arith.muli %scan3A_76, %mul3A_77 : i32
      %add3A_79 = arith.constant 0 : i32
      %add3A_80 = arith.addi %add3A_79, %mul3A_78 : i32
      %mul3A_81 = arith.constant 16 : i32
      %mul3A_82 = arith.muli %add3A_80, %mul3A_81 : i32
      %get3A = arith.constant 3 : i32
      %get3A_83 = arith.index_cast %get3A : i32 to index
      %get3A_84 = arith.index_cast %mul3A_82 : i32 to index
      %get3A_85 = tpu.vector_load %arg5[%get3A_83, %get3A_84] {strides = array<i32>} : memref<4x128xi32, #tpu.memory_space<vmem>>, vector<16xi32>,
      %slice3A = vector.extract_strided_slice %get3A_85 {offsets = [0], sizes = [1], strides = [1]} : vector<16xi32> to vector<1xi32>
      %squeeze3A = vector.extract %slice3A[0] : i32 from vector<1xi32>
      %shift_right_arithmetic3A = arith.constant 7 : i32
      %shift_right_arithmetic3A_86 = arith.shrsi %squeeze3A, %shift_right_arithmetic3A : i32
      %mul3A_87 = arith.constant 128 : i32
      %mul3A_88 = arith.muli %shift_right_arithmetic3A_86, %mul3A_87 : i32
      %multiple_of3A = tpu.assume_multiple %mul3A_88, 128 : i32
      %dma_start3A_89 = arith.constant 0 : i32
      %dma_start3A_90 = tpu.memref_slice %arg3[%dma_start3A_89, %multiple_of3A] : memref<64x1000000xf32, #tpu.memory_space<hbm>> -> memref<64x128xf32, #tpu.memory_space<hbm>>
      %dma_start3A_91 = arith.constant 0 : i32
      %dma_start3A_92 = tpu.memref_slice %arg3[%dma_start3A_91, %multiple_of3A] : memref<64x1000000xf32, #tpu.memory_space<hbm>> -> memref<64x128xf32, #tpu.memory_space<hbm>>
      tpu.enqueue_dma source(%dma_start3A_92 : memref<64x128xf32, #tpu.memory_space<hbm>>) target(%arg6 : memref<64x128xf32, #tpu.memory_space<vmem>>) target_semaphore(%arg18 : memref<!tpu.dma_semaphore, #tpu.memory_space<semaphore_mem>>)
      %slice3A_93 = vector.extract_strided_slice %get3A_85 {offsets = [1], sizes = [1], strides = [1]} : vector<16xi32> to vector<1xi32>
      %squeeze3A_94 = vector.extract %slice3A_93[0] : i32 from vector<1xi32>
      %shift_right_arithmetic3A_95 = arith.constant 7 : i32
      %shift_right_arithmetic3A_96 = arith.shrsi %squeeze3A_94, %shift_right_arithmetic3A_95 : i32
      %mul3A_97 = arith.constant 128 : i32
      %mul3A_98 = arith.muli %shift_right_arithmetic3A_96, %mul3A_97 : i32
      %multiple_of3A_99 = tpu.assume_multiple %mul3A_98, 128 : i32
      %dma_start3A_100 = arith.constant 0 : i32
      %dma_start3A_101 = tpu.memref_slice %arg3[%dma_start3A_100, %multiple_of3A_99] : memref<64x1000000xf32, #tpu.memory_space<hbm>> -> memref<64x128xf32, #tpu.memory_space<hbm>>
      %dma_start3A_102 = arith.constant 0 : i32
      %dma_start3A_103 = tpu.memref_slice %arg3[%dma_start3A_102, %multiple_of3A_99] : memref<64x1000000xf32, #tpu.memory_space<hbm>> -> memref<64x128xf32, #tpu.memory_space<hbm>>
      tpu.enqueue_dma source(%dma_start3A_103 : memref<64x128xf32, #tpu.memory_space<hbm>>) target(%arg7 : memref<64x128xf32, #tpu.memory_space<vmem>>) target_semaphore(%arg18 : memref<!tpu.dma_semaphore, #tpu.memory_space<semaphore_mem>>)
      %slice3A_104 = vector.extract_strided_slice %get3A_85 {offsets = [2], sizes = [1], strides = [1]} : vector<16xi32> to vector<1xi32>
      %squeeze3A_105 = vector.extract %slice3A_104[0] : i32 from vector<1xi32>
      %shift_right_arithmetic3A_106 = arith.constant 7 : i32
      %shift_right_arithmetic3A_107 = arith.shrsi %squeeze3A_105, %shift_right_arithmetic3A_106 : i32
      %mul3A_108 = arith.constant 128 : i32
      %mul3A_109 = arith.muli %shift_right_arithmetic3A_107, %mul3A_108 : i32
      %multiple_of3A_110 = tpu.assume_multiple %mul3A_109, 128 : i32
      %dma_start3A_111 = arith.constant 0 : i32
      %dma_start3A_112 = tpu.memref_slice %arg3[%dma_start3A_111, %multiple_of3A_110] : memref<64x1000000xf32, #tpu.memory_space<hbm>> -> memref<64x128xf32, #tpu.memory_space<hbm>>
      %dma_start3A_113 = arith.constant 0 : i32
      %dma_start3A_114 = tpu.memref_slice %arg3[%dma_start3A_113, %multiple_of3A_110] : memref<64x1000000xf32, #tpu.memory_space<hbm>> -> memref<64x128xf32, #tpu.memory_space<hbm>>
      tpu.enqueue_dma source(%dma_start3A_114 : memref<64x128xf32, #tpu.memory_space<hbm>>) target(%arg8 : memref<64x128xf32, #tpu.memory_space<vmem>>) target_semaphore(%arg18 : memref<!tpu.dma_semaphore, #tpu.memory_space<semaphore_mem>>)
      %slice3A_115 = vector.extract_strided_slice %get3A_85 {offsets = [3], sizes = [1], strides = [1]} : vector<16xi32> to vector<1xi32>
      %squeeze3A_116 = vector.extract %slice3A_115[0] : i32 from vector<1xi32>
      %shift_right_arithmetic3A_117 = arith.constant 7 : i32
      %shift_right_arithmetic3A_118 = arith.shrsi %squeeze3A_116, %shift_right_arithmetic3A_117 : i32
      %mul3A_119 = arith.constant 128 : i32
      %mul3A_120 = arith.muli %shift_right_arithmetic3A_118, %mul3A_119 : i32
      %multiple_of3A_121 = tpu.assume_multiple %mul3A_120, 128 : i32
      %dma_start3A_122 = arith.constant 0 : i32
      %dma_start3A_123 = tpu.memref_slice %arg3[%dma_start3A_122, %multiple_of3A_121] : memref<64x1000000xf32, #tpu.memory_space<hbm>> -> memref<64x128xf32, #tpu.memory_space<hbm>>
      %dma_start3A_124 = arith.constant 0 : i32
      %dma_start3A_125 = tpu.memref_slice %arg3[%dma_start3A_124, %multiple_of3A_121] : memref<64x1000000xf32, #tpu.memory_space<hbm>> -> memref<64x128xf32, #tpu.memory_space<hbm>>
      tpu.enqueue_dma source(%dma_start3A_125 : memref<64x128xf32, #tpu.memory_space<hbm>>) target(%arg9 : memref<64x128xf32, #tpu.memory_space<vmem>>) target_semaphore(%arg18 : memref<!tpu.dma_semaphore, #tpu.memory_space<semaphore_mem>>)
      %slice3A_126 = vector.extract_strided_slice %get3A_85 {offsets = [4], sizes = [1], strides = [1]} : vector<16xi32> to vector<1xi32>
      %squeeze3A_127 = vector.extract %slice3A_126[0] : i32 from vector<1xi32>
      %shift_right_arithmetic3A_128 = arith.constant 7 : i32
      %shift_right_arithmetic3A_129 = arith.shrsi %squeeze3A_127, %shift_right_arithmetic3A_128 : i32
      %mul3A_130 = arith.constant 128 : i32
      %mul3A_131 = arith.muli %shift_right_arithmetic3A_129, %mul3A_130 : i32
      %multiple_of3A_132 = tpu.assume_multiple %mul3A_131, 128 : i32
      %dma_start3A_133 = arith.constant 0 : i32
      %dma_start3A_134 = tpu.memref_slice %arg3[%dma_start3A_133, %multiple_of3A_132] : memref<64x1000000xf32, #tpu.memory_space<hbm>> -> memref<64x128xf32, #tpu.memory_space<hbm>>
      %dma_start3A_135 = arith.constant 0 : i32
      %dma_start3A_136 = tpu.memref_slice %arg3[%dma_start3A_135, %multiple_of3A_132] : memref<64x1000000xf32, #tpu.memory_space<hbm>> -> memref<64x128xf32, #tpu.memory_space<hbm>>
      tpu.enqueue_dma source(%dma_start3A_136 : memref<64x128xf32, #tpu.memory_space<hbm>>) target(%arg10 : memref<64x128xf32, #tpu.memory_space<vmem>>) target_semaphore(%arg18 : memref<!tpu.dma_semaphore, #tpu.memory_space<semaphore_mem>>)
      %slice3A_137 = vector.extract_strided_slice %get3A_85 {offsets = [5], sizes = [1], strides = [1]} : vector<16xi32> to vector<1xi32>
      %squeeze3A_138 = vector.extract %slice3A_137[0] : i32 from vector<1xi32>
      %shift_right_arithmetic3A_139 = arith.constant 7 : i32
      %shift_right_arithmetic3A_140 = arith.shrsi %squeeze3A_138, %shift_right_arithmetic3A_139 : i32
      %mul3A_141 = arith.constant 128 : i32
      %mul3A_142 = arith.muli %shift_right_arithmetic3A_140, %mul3A_141 : i32
      %multiple_of3A_143 = tpu.assume_multiple %mul3A_142, 128 : i32
      %dma_start3A_144 = arith.constant 0 : i32
      %dma_start3A_145 = tpu.memref_slice %arg3[%dma_start3A_144, %multiple_of3A_143] : memref<64x1000000xf32, #tpu.memory_space<hbm>> -> memref<64x128xf32, #tpu.memory_space<hbm>>
      %dma_start3A_146 = arith.constant 0 : i32
      %dma_start3A_147 = tpu.memref_slice %arg3[%dma_start3A_146, %multiple_of3A_143] : memref<64x1000000xf32, #tpu.memory_space<hbm>> -> memref<64x128xf32, #tpu.memory_space<hbm>>
      tpu.enqueue_dma source(%dma_start3A_147 : memref<64x128xf32, #tpu.memory_space<hbm>>) target(%arg11 : memref<64x128xf32, #tpu.memory_space<vmem>>) target_semaphore(%arg18 : memref<!tpu.dma_semaphore, #tpu.memory_space<semaphore_mem>>)
      %slice3A_148 = vector.extract_strided_slice %get3A_85 {offsets = [6], sizes = [1], strides = [1]} : vector<16xi32> to vector<1xi32>
      %squeeze3A_149 = vector.extract %slice3A_148[0] : i32 from vector<1xi32>
      %shift_right_arithmetic3A_150 = arith.constant 7 : i32
      %shift_right_arithmetic3A_151 = arith.shrsi %squeeze3A_149, %shift_right_arithmetic3A_150 : i32
      %mul3A_152 = arith.constant 128 : i32
      %mul3A_153 = arith.muli %shift_right_arithmetic3A_151, %mul3A_152 : i32
      %multiple_of3A_154 = tpu.assume_multiple %mul3A_153, 128 : i32
      %dma_start3A_155 = arith.constant 0 : i32
      %dma_start3A_156 = tpu.memref_slice %arg3[%dma_start3A_155, %multiple_of3A_154] : memref<64x1000000xf32, #tpu.memory_space<hbm>> -> memref<64x128xf32, #tpu.memory_space<hbm>>
      %dma_start3A_157 = arith.constant 0 : i32
      %dma_start3A_158 = tpu.memref_slice %arg3[%dma_start3A_157, %multiple_of3A_154] : memref<64x1000000xf32, #tpu.memory_space<hbm>> -> memref<64x128xf32, #tpu.memory_space<hbm>>
      tpu.enqueue_dma source(%dma_start3A_158 : memref<64x128xf32, #tpu.memory_space<hbm>>) target(%arg12 : memref<64x128xf32, #tpu.memory_space<vmem>>) target_semaphore(%arg18 : memref<!tpu.dma_semaphore, #tpu.memory_space<semaphore_mem>>)
      %slice3A_159 = vector.extract_strided_slice %get3A_85 {offsets = [7], sizes = [1], strides = [1]} : vector<16xi32> to vector<1xi32>
      %squeeze3A_160 = vector.extract %slice3A_159[0] : i32 from vector<1xi32>
      %shift_right_arithmetic3A_161 = arith.constant 7 : i32
      %shift_right_arithmetic3A_162 = arith.shrsi %squeeze3A_160, %shift_right_arithmetic3A_161 : i32
      %mul3A_163 = arith.constant 128 : i32
      %mul3A_164 = arith.muli %shift_right_arithmetic3A_162, %mul3A_163 : i32
      %multiple_of3A_165 = tpu.assume_multiple %mul3A_164, 128 : i32
      %dma_start3A_166 = arith.constant 0 : i32
      %dma_start3A_167 = tpu.memref_slice %arg3[%dma_start3A_166, %multiple_of3A_165] : memref<64x1000000xf32, #tpu.memory_space<hbm>> -> memref<64x128xf32, #tpu.memory_space<hbm>>
      %dma_start3A_168 = arith.constant 0 : i32
      %dma_start3A_169 = tpu.memref_slice %arg3[%dma_start3A_168, %multiple_of3A_165] : memref<64x1000000xf32, #tpu.memory_space<hbm>> -> memref<64x128xf32, #tpu.memory_space<hbm>>
      tpu.enqueue_dma source(%dma_start3A_169 : memref<64x128xf32, #tpu.memory_space<hbm>>) target(%arg13 : memref<64x128xf32, #tpu.memory_space<vmem>>) target_semaphore(%arg18 : memref<!tpu.dma_semaphore, #tpu.memory_space<semaphore_mem>>)
      %slice3A_170 = vector.extract_strided_slice %get3A_85 {offsets = [8], sizes = [1], strides = [1]} : vector<16xi32> to vector<1xi32>
      %squeeze3A_171 = vector.extract %slice3A_170[0] : i32 from vector<1xi32>
      %shift_right_arithmetic3A_172 = arith.constant 7 : i32
      %shift_right_arithmetic3A_173 = arith.shrsi %squeeze3A_171, %shift_right_arithmetic3A_172 : i32
      %mul3A_174 = arith.constant 128 : i32
      %mul3A_175 = arith.muli %shift_right_arithmetic3A_173, %mul3A_174 : i32
      %multiple_of3A_176 = tpu.assume_multiple %mul3A_175, 128 : i32
      %dma_start3A_177 = arith.constant 0 : i32
      %dma_start3A_178 = tpu.memref_slice %arg3[%dma_start3A_177, %multiple_of3A_176] : memref<64x1000000xf32, #tpu.memory_space<hbm>> -> memref<64x128xf32, #tpu.memory_space<hbm>>
      %dma_start3A_179 = arith.constant 0 : i32
      %dma_start3A_180 = tpu.memref_slice %arg3[%dma_start3A_179, %multiple_of3A_176] : memref<64x1000000xf32, #tpu.memory_space<hbm>> -> memref<64x128xf32, #tpu.memory_space<hbm>>
      tpu.enqueue_dma source(%dma_start3A_180 : memref<64x128xf32, #tpu.memory_space<hbm>>) target(%arg14 : memref<64x128xf32, #tpu.memory_space<vmem>>) target_semaphore(%arg18 : memref<!tpu.dma_semaphore, #tpu.memory_space<semaphore_mem>>)
      %slice3A_181 = vector.extract_strided_slice %get3A_85 {offsets = [9], sizes = [1], strides = [1]} : vector<16xi32> to vector<1xi32>
      %squeeze3A_182 = vector.extract %slice3A_181[0] : i32 from vector<1xi32>
      %shift_right_arithmetic3A_183 = arith.constant 7 : i32
      %shift_right_arithmetic3A_184 = arith.shrsi %squeeze3A_182, %shift_right_arithmetic3A_183 : i32
      %mul3A_185 = arith.constant 128 : i32
      %mul3A_186 = arith.muli %shift_right_arithmetic3A_184, %mul3A_185 : i32
      %multiple_of3A_187 = tpu.assume_multiple %mul3A_186, 128 : i32
      %dma_start3A_188 = arith.constant 0 : i32
      %dma_start3A_189 = tpu.memref_slice %arg3[%dma_start3A_188, %multiple_of3A_187] : memref<64x1000000xf32, #tpu.memory_space<hbm>> -> memref<64x128xf32, #tpu.memory_space<hbm>>
      %dma_start3A_190 = arith.constant 0 : i32
      %dma_start3A_191 = tpu.memref_slice %arg3[%dma_start3A_190, %multiple_of3A_187] : memref<64x1000000xf32, #tpu.memory_space<hbm>> -> memref<64x128xf32, #tpu.memory_space<hbm>>
      tpu.enqueue_dma source(%dma_start3A_191 : memref<64x128xf32, #tpu.memory_space<hbm>>) target(%arg15 : memref<64x128xf32, #tpu.memory_space<vmem>>) target_semaphore(%arg18 : memref<!tpu.dma_semaphore, #tpu.memory_space<semaphore_mem>>)
      %dma_wait3A_192 = arith.constant 0 : i32
      %dma_wait3A_193 = tpu.memref_slice %arg3[%dma_wait3A_192, %multiple_of3A] : memref<64x1000000xf32, #tpu.memory_space<hbm>> -> memref<64x128xf32, #tpu.memory_space<hbm>>
      %dma_wait3A_194 = arith.constant 0 : i32
      %dma_wait3A_195 = tpu.memref_slice %arg3[%dma_wait3A_194, %multiple_of3A] : memref<64x1000000xf32, #tpu.memory_space<hbm>> -> memref<64x128xf32, #tpu.memory_space<hbm>>
      tpu.wait_dma2 semaphore(%arg18 : memref<!tpu.dma_semaphore, #tpu.memory_space<semaphore_mem>>) src(%dma_wait3A_195 : memref<64x128xf32, #tpu.memory_space<hbm>>) dst(%arg6 : memref<64x128xf32, #tpu.memory_space<vmem>>)
      %slice3A_196 = vector.extract_strided_slice %get3A_85 {offsets = [0], sizes = [1], strides = [1]} : vector<16xi32> to vector<1xi32>
      %squeeze3A_197 = vector.extract %slice3A_196[0] : i32 from vector<1xi32>
      %and3A = arith.constant 127 : i32
      %and3A_198 = arith.andi %squeeze3A_197, %and3A : i32
      %broadcast_in_dim3A = vector.broadcast %and3A_198 : i32 to vector<16xi32>
      %iota3A = tpu.iota {dimensions = array<i32: 0>} : vector<16xi32>
      %add3A_199 = arith.constant 0 : i32
      %add3A_200 = vector.broadcast %add3A_199 : i32 to vector<16xi32>
      %add3A_201 = arith.addi %iota3A, %add3A_200 : vector<16xi32>
      %gather3A = tpu.vector_load_idx %arg6[%add3A_201, %broadcast_in_dim3A] : memref<64x128xf32, #tpu.memory_space<vmem>>[vector<16xi32>, vector<16xi32>], vector<16xf32>,
      %add3A_202 = arith.constant 0 : i32
      %add3A_203 = arith.addi %mul3A_82, %add3A_202 : i32
      %swap3A = arith.index_cast %add3A_203 : i32 to index
      %swap3A_204 = arith.constant 0 : index
      %swap3A_205 = tpu.vector_load %arg16[%swap3A, %swap3A_204] {strides = array<i32>} : memref<128x64xf32, #tpu.memory_space<vmem>>, vector<16xf32>,
      tpu.vector_store %arg16[%swap3A, %swap3A_204], %gather3A {strides = array<i32>} : memref<128x64xf32, #tpu.memory_space<vmem>>, vector<16xf32>,
      %iota3A_206 = tpu.iota {dimensions = array<i32: 0>} : vector<16xi32>
      %add3A_207 = arith.constant 16 : i32
      %add3A_208 = vector.broadcast %add3A_207 : i32 to vector<16xi32>
      %add3A_209 = arith.addi %iota3A_206, %add3A_208 : vector<16xi32>
      %gather3A_210 = tpu.vector_load_idx %arg6[%add3A_209, %broadcast_in_dim3A] : memref<64x128xf32, #tpu.memory_space<vmem>>[vector<16xi32>, vector<16xi32>], vector<16xf32>,
      %add3A_211 = arith.constant 0 : i32
      %add3A_212 = arith.addi %mul3A_82, %add3A_211 : i32
      %swap3A_213 = arith.index_cast %add3A_212 : i32 to index
      %swap3A_214 = arith.constant 16 : index
      %swap3A_215 = tpu.vector_load %arg16[%swap3A_213, %swap3A_214] {strides = array<i32>} : memref<128x64xf32, #tpu.memory_space<vmem>>, vector<16xf32>,
      tpu.vector_store %arg16[%swap3A_213, %swap3A_214], %gather3A_210 {strides = array<i32>} : memref<128x64xf32, #tpu.memory_space<vmem>>, vector<16xf32>,
      %iota3A_216 = tpu.iota {dimensions = array<i32: 0>} : vector<16xi32>
      %add3A_217 = arith.constant 32 : i32
      %add3A_218 = vector.broadcast %add3A_217 : i32 to vector<16xi32>
      %add3A_219 = arith.addi %iota3A_216, %add3A_218 : vector<16xi32>
      %gather3A_220 = tpu.vector_load_idx %arg6[%add3A_219, %broadcast_in_dim3A] : memref<64x128xf32, #tpu.memory_space<vmem>>[vector<16xi32>, vector<16xi32>], vector<16xf32>,
      %add3A_221 = arith.constant 0 : i32
      %add3A_222 = arith.addi %mul3A_82, %add3A_221 : i32
      %swap3A_223 = arith.index_cast %add3A_222 : i32 to index
      %swap3A_224 = arith.constant 32 : index
      %swap3A_225 = tpu.vector_load %arg16[%swap3A_223, %swap3A_224] {strides = array<i32>} : memref<128x64xf32, #tpu.memory_space<vmem>>, vector<16xf32>,
      tpu.vector_store %arg16[%swap3A_223, %swap3A_224], %gather3A_220 {strides = array<i32>} : memref<128x64xf32, #tpu.memory_space<vmem>>, vector<16xf32>,
      %iota3A_226 = tpu.iota {dimensions = array<i32: 0>} : vector<16xi32>
      %add3A_227 = arith.constant 48 : i32
      %add3A_228 = vector.broadcast %add3A_227 : i32 to vector<16xi32>
      %add3A_229 = arith.addi %iota3A_226, %add3A_228 : vector<16xi32>
      %gather3A_230 = tpu.vector_load_idx %arg6[%add3A_229, %broadcast_in_dim3A] : memref<64x128xf32, #tpu.memory_space<vmem>>[vector<16xi32>, vector<16xi32>], vector<16xf32>,
      %add3A_231 = arith.constant 0 : i32
      %add3A_232 = arith.addi %mul3A_82, %add3A_231 : i32
      %swap3A_233 = arith.index_cast %add3A_232 : i32 to index
      %swap3A_234 = arith.constant 48 : index
      %swap3A_235 = tpu.vector_load %arg16[%swap3A_233, %swap3A_234] {strides = array<i32>} : memref<128x64xf32, #tpu.memory_space<vmem>>, vector<16xf32>,
      tpu.vector_store %arg16[%swap3A_233, %swap3A_234], %gather3A_230 {strides = array<i32>} : memref<128x64xf32, #tpu.memory_space<vmem>>, vector<16xf32>,
      %slice3A_236 = vector.extract_strided_slice %get3A_85 {offsets = [10], sizes = [1], strides = [1]} : vector<16xi32> to vector<1xi32>
      %squeeze3A_237 = vector.extract %slice3A_236[0] : i32 from vector<1xi32>
      %shift_right_arithmetic3A_238 = arith.constant 7 : i32
      %shift_right_arithmetic3A_239 = arith.shrsi %squeeze3A_237, %shift_right_arithmetic3A_238 : i32
      %mul3A_240 = arith.constant 128 : i32
      %mul3A_241 = arith.muli %shift_right_arithmetic3A_239, %mul3A_240 : i32
      %multiple_of3A_242 = tpu.assume_multiple %mul3A_241, 128 : i32
      %dma_start3A_243 = arith.constant 0 : i32
      %dma_start3A_244 = tpu.memref_slice %arg3[%dma_start3A_243, %multiple_of3A_242] : memref<64x1000000xf32, #tpu.memory_space<hbm>> -> memref<64x128xf32, #tpu.memory_space<hbm>>
      %dma_start3A_245 = arith.constant 0 : i32
      %dma_start3A_246 = tpu.memref_slice %arg3[%dma_start3A_245, %multiple_of3A_242] : memref<64x1000000xf32, #tpu.memory_space<hbm>> -> memref<64x128xf32, #tpu.memory_space<hbm>>
      tpu.enqueue_dma source(%dma_start3A_246 : memref<64x128xf32, #tpu.memory_space<hbm>>) target(%arg6 : memref<64x128xf32, #tpu.memory_space<vmem>>) target_semaphore(%arg18 : memref<!tpu.dma_semaphore, #tpu.memory_space<semaphore_mem>>)
      %dma_wait3A_247 = arith.constant 0 : i32
      %dma_wait3A_248 = tpu.memref_slice %arg3[%dma_wait3A_247, %multiple_of3A_99] : memref<64x1000000xf32, #tpu.memory_space<hbm>> -> memref<64x128xf32, #tpu.memory_space<hbm>>
      %dma_wait3A_249 = arith.constant 0 : i32
      %dma_wait3A_250 = tpu.memref_slice %arg3[%dma_wait3A_249, %multiple_of3A_99] : memref<64x1000000xf32, #tpu.memory_space<hbm>> -> memref<64x128xf32, #tpu.memory_space<hbm>>
      tpu.wait_dma2 semaphore(%arg18 : memref<!tpu.dma_semaphore, #tpu.memory_space<semaphore_mem>>) src(%dma_wait3A_250 : memref<64x128xf32, #tpu.memory_space<hbm>>) dst(%arg7 : memref<64x128xf32, #tpu.memory_space<vmem>>)
      %slice3A_251 = vector.extract_strided_slice %get3A_85 {offsets = [1], sizes = [1], strides = [1]} : vector<16xi32> to vector<1xi32>
      %squeeze3A_252 = vector.extract %slice3A_251[0] : i32 from vector<1xi32>
      %and3A_253 = arith.constant 127 : i32
      %and3A_254 = arith.andi %squeeze3A_252, %and3A_253 : i32
      %broadcast_in_dim3A_255 = vector.broadcast %and3A_254 : i32 to vector<16xi32>
      %iota3A_256 = tpu.iota {dimensions = array<i32: 0>} : vector<16xi32>
      %add3A_257 = arith.constant 0 : i32
      %add3A_258 = vector.broadcast %add3A_257 : i32 to vector<16xi32>
      %add3A_259 = arith.addi %iota3A_256, %add3A_258 : vector<16xi32>
      %gather3A_260 = tpu.vector_load_idx %arg7[%add3A_259, %broadcast_in_dim3A_255] : memref<64x128xf32, #tpu.memory_space<vmem>>[vector<16xi32>, vector<16xi32>], vector<16xf32>,
      %add3A_261 = arith.constant 1 : i32
      %add3A_262 = arith.addi %mul3A_82, %add3A_261 : i32
      %swap3A_263 = arith.index_cast %add3A_262 : i32 to index
      %swap3A_264 = arith.constant 0 : index
      %swap3A_265 = tpu.vector_load %arg16[%swap3A_263, %swap3A_264] {strides = array<i32>} : memref<128x64xf32, #tpu.memory_space<vmem>>, vector<16xf32>,
      tpu.vector_store %arg16[%swap3A_263, %swap3A_264], %gather3A_260 {strides = array<i32>} : memref<128x64xf32, #tpu.memory_space<vmem>>, vector<16xf32>,
      %iota3A_266 = tpu.iota {dimensions = array<i32: 0>} : vector<16xi32>
      %add3A_267 = arith.constant 16 : i32
      %add3A_268 = vector.broadcast %add3A_267 : i32 to vector<16xi32>
      %add3A_269 = arith.addi %iota3A_266, %add3A_268 : vector<16xi32>
      %gather3A_270 = tpu.vector_load_idx %arg7[%add3A_269, %broadcast_in_dim3A_255] : memref<64x128xf32, #tpu.memory_space<vmem>>[vector<16xi32>, vector<16xi32>], vector<16xf32>,
      %add3A_271 = arith.constant 1 : i32
      %add3A_272 = arith.addi %mul3A_82, %add3A_271 : i32
      %swap3A_273 = arith.index_cast %add3A_272 : i32 to index
      %swap3A_274 = arith.constant 16 : index
      %swap3A_275 = tpu.vector_load %arg16[%swap3A_273, %swap3A_274] {strides = array<i32>} : memref<128x64xf32, #tpu.memory_space<vmem>>, vector<16xf32>,
      tpu.vector_store %arg16[%swap3A_273, %swap3A_274], %gather3A_270 {strides = array<i32>} : memref<128x64xf32, #tpu.memory_space<vmem>>, vector<16xf32>,
      %iota3A_276 = tpu.iota {dimensions = array<i32: 0>} : vector<16xi32>
      %add3A_277 = arith.constant 32 : i32
      %add3A_278 = vector.broadcast %add3A_277 : i32 to vector<16xi32>
      %add3A_279 = arith.addi %iota3A_276, %add3A_278 : vector<16xi32>
      %gather3A_280 = tpu.vector_load_idx %arg7[%add3A_279, %broadcast_in_dim3A_255] : memref<64x128xf32, #tpu.memory_space<vmem>>[vector<16xi32>, vector<16xi32>], vector<16xf32>,
      %add3A_281 = arith.constant 1 : i32
      %add3A_282 = arith.addi %mul3A_82, %add3A_281 : i32
      %swap3A_283 = arith.index_cast %add3A_282 : i32 to index
      %swap3A_284 = arith.constant 32 : index
      %swap3A_285 = tpu.vector_load %arg16[%swap3A_283, %swap3A_284] {strides = array<i32>} : memref<128x64xf32, #tpu.memory_space<vmem>>, vector<16xf32>,
      tpu.vector_store %arg16[%swap3A_283, %swap3A_284], %gather3A_280 {strides = array<i32>} : memref<128x64xf32, #tpu.memory_space<vmem>>, vector<16xf32>,
      %iota3A_286 = tpu.iota {dimensions = array<i32: 0>} : vector<16xi32>
      %add3A_287 = arith.constant 48 : i32
      %add3A_288 = vector.broadcast %add3A_287 : i32 to vector<16xi32>
      %add3A_289 = arith.addi %iota3A_286, %add3A_288 : vector<16xi32>
      %gather3A_290 = tpu.vector_load_idx %arg7[%add3A_289, %broadcast_in_dim3A_255] : memref<64x128xf32, #tpu.memory_space<vmem>>[vector<16xi32>, vector<16xi32>], vector<16xf32>,
      %add3A_291 = arith.constant 1 : i32
      %add3A_292 = arith.addi %mul3A_82, %add3A_291 : i32
      %swap3A_293 = arith.index_cast %add3A_292 : i32 to index
      %swap3A_294 = arith.constant 48 : index
      %swap3A_295 = tpu.vector_load %arg16[%swap3A_293, %swap3A_294] {strides = array<i32>} : memref<128x64xf32, #tpu.memory_space<vmem>>, vector<16xf32>,
      tpu.vector_store %arg16[%swap3A_293, %swap3A_294], %gather3A_290 {strides = array<i32>} : memref<128x64xf32, #tpu.memory_space<vmem>>, vector<16xf32>,
      %slice3A_296 = vector.extract_strided_slice %get3A_85 {offsets = [11], sizes = [1], strides = [1]} : vector<16xi32> to vector<1xi32>
      %squeeze3A_297 = vector.extract %slice3A_296[0] : i32 from vector<1xi32>
      %shift_right_arithmetic3A_298 = arith.constant 7 : i32
      %shift_right_arithmetic3A_299 = arith.shrsi %squeeze3A_297, %shift_right_arithmetic3A_298 : i32
      %mul3A_300 = arith.constant 128 : i32
      %mul3A_301 = arith.muli %shift_right_arithmetic3A_299, %mul3A_300 : i32
      %multiple_of3A_302 = tpu.assume_multiple %mul3A_301, 128 : i32
      %dma_start3A_303 = arith.constant 0 : i32
      %dma_start3A_304 = tpu.memref_slice %arg3[%dma_start3A_303, %multiple_of3A_302] : memref<64x1000000xf32, #tpu.memory_space<hbm>> -> memref<64x128xf32, #tpu.memory_space<hbm>>
      %dma_start3A_305 = arith.constant 0 : i32
      %dma_start3A_306 = tpu.memref_slice %arg3[%dma_start3A_305, %multiple_of3A_302] : memref<64x1000000xf32, #tpu.memory_space<hbm>> -> memref<64x128xf32, #tpu.memory_space<hbm>>
      tpu.enqueue_dma source(%dma_start3A_306 : memref<64x128xf32, #tpu.memory_space<hbm>>) target(%arg7 : memref<64x128xf32, #tpu.memory_space<vmem>>) target_semaphore(%arg18 : memref<!tpu.dma_semaphore, #tpu.memory_space<semaphore_mem>>)
      %dma_wait3A_307 = arith.constant 0 : i32
      %dma_wait3A_308 = tpu.memref_slice %arg3[%dma_wait3A_307, %multiple_of3A_110] : memref<64x1000000xf32, #tpu.memory_space<hbm>> -> memref<64x128xf32, #tpu.memory_space<hbm>>
      %dma_wait3A_309 = arith.constant 0 : i32
      %dma_wait3A_310 = tpu.memref_slice %arg3[%dma_wait3A_309, %multiple_of3A_110] : memref<64x1000000xf32, #tpu.memory_space<hbm>> -> memref<64x128xf32, #tpu.memory_space<hbm>>
      tpu.wait_dma2 semaphore(%arg18 : memref<!tpu.dma_semaphore, #tpu.memory_space<semaphore_mem>>) src(%dma_wait3A_310 : memref<64x128xf32, #tpu.memory_space<hbm>>) dst(%arg8 : memref<64x128xf32, #tpu.memory_space<vmem>>)
      %slice3A_311 = vector.extract_strided_slice %get3A_85 {offsets = [2], sizes = [1], strides = [1]} : vector<16xi32> to vector<1xi32>
      %squeeze3A_312 = vector.extract %slice3A_311[0] : i32 from vector<1xi32>
      %and3A_313 = arith.constant 127 : i32
      %and3A_314 = arith.andi %squeeze3A_312, %and3A_313 : i32
      %broadcast_in_dim3A_315 = vector.broadcast %and3A_314 : i32 to vector<16xi32>
      %iota3A_316 = tpu.iota {dimensions = array<i32: 0>} : vector<16xi32>
      %add3A_317 = arith.constant 0 : i32
      %add3A_318 = vector.broadcast %add3A_317 : i32 to vector<16xi32>
      %add3A_319 = arith.addi %iota3A_316, %add3A_318 : vector<16xi32>
      %gather3A_320 = tpu.vector_load_idx %arg8[%add3A_319, %broadcast_in_dim3A_315] : memref<64x128xf32, #tpu.memory_space<vmem>>[vector<16xi32>, vector<16xi32>], vector<16xf32>,
      %add3A_321 = arith.constant 2 : i32
      %add3A_322 = arith.addi %mul3A_82, %add3A_321 : i32
      %swap3A_323 = arith.index_cast %add3A_322 : i32 to index
      %swap3A_324 = arith.constant 0 : index
      %swap3A_325 = tpu.vector_load %arg16[%swap3A_323, %swap3A_324] {strides = array<i32>} : memref<128x64xf32, #tpu.memory_space<vmem>>, vector<16xf32>,
      tpu.vector_store %arg16[%swap3A_323, %swap3A_324], %gather3A_320 {strides = array<i32>} : memref<128x64xf32, #tpu.memory_space<vmem>>, vector<16xf32>,
      %iota3A_326 = tpu.iota {dimensions = array<i32: 0>} : vector<16xi32>
      %add3A_327 = arith.constant 16 : i32
      %add3A_328 = vector.broadcast %add3A_327 : i32 to vector<16xi32>
      %add3A_329 = arith.addi %iota3A_326, %add3A_328 : vector<16xi32>
      %gather3A_330 = tpu.vector_load_idx %arg8[%add3A_329, %broadcast_in_dim3A_315] : memref<64x128xf32, #tpu.memory_space<vmem>>[vector<16xi32>, vector<16xi32>], vector<16xf32>,
      %add3A_331 = arith.constant 2 : i32
      %add3A_332 = arith.addi %mul3A_82, %add3A_331 : i32
      %swap3A_333 = arith.index_cast %add3A_332 : i32 to index
      %swap3A_334 = arith.constant 16 : index
      %swap3A_335 = tpu.vector_load %arg16[%swap3A_333, %swap3A_334] {strides = array<i32>} : memref<128x64xf32, #tpu.memory_space<vmem>>, vector<16xf32>,
      tpu.vector_store %arg16[%swap3A_333, %swap3A_334], %gather3A_330 {strides = array<i32>} : memref<128x64xf32, #tpu.memory_space<vmem>>, vector<16xf32>,
      %iota3A_336 = tpu.iota {dimensions = array<i32: 0>} : vector<16xi32>
      %add3A_337 = arith.constant 32 : i32
      %add3A_338 = vector.broadcast %add3A_337 : i32 to vector<16xi32>
      %add3A_339 = arith.addi %iota3A_336, %add3A_338 : vector<16xi32>
      %gather3A_340 = tpu.vector_load_idx %arg8[%add3A_339, %broadcast_in_dim3A_315] : memref<64x128xf32, #tpu.memory_space<vmem>>[vector<16xi32>, vector<16xi32>], vector<16xf32>,
      %add3A_341 = arith.constant 2 : i32
      %add3A_342 = arith.addi %mul3A_82, %add3A_341 : i32
      %swap3A_343 = arith.index_cast %add3A_342 : i32 to index
      %swap3A_344 = arith.constant 32 : index
      %swap3A_345 = tpu.vector_load %arg16[%swap3A_343, %swap3A_344] {strides = array<i32>} : memref<128x64xf32, #tpu.memory_space<vmem>>, vector<16xf32>,
      tpu.vector_store %arg16[%swap3A_343, %swap3A_344], %gather3A_340 {strides = array<i32>} : memref<128x64xf32, #tpu.memory_space<vmem>>, vector<16xf32>,
      %iota3A_346 = tpu.iota {dimensions = array<i32: 0>} : vector<16xi32>
      %add3A_347 = arith.constant 48 : i32
      %add3A_348 = vector.broadcast %add3A_347 : i32 to vector<16xi32>
      %add3A_349 = arith.addi %iota3A_346, %add3A_348 : vector<16xi32>
      %gather3A_350 = tpu.vector_load_idx %arg8[%add3A_349, %broadcast_in_dim3A_315] : memref<64x128xf32, #tpu.memory_space<vmem>>[vector<16xi32>, vector<16xi32>], vector<16xf32>,
      %add3A_351 = arith.constant 2 : i32
      %add3A_352 = arith.addi %mul3A_82, %add3A_351 : i32
      %swap3A_353 = arith.index_cast %add3A_352 : i32 to index
      %swap3A_354 = arith.constant 48 : index
      %swap3A_355 = tpu.vector_load %arg16[%swap3A_353, %swap3A_354] {strides = array<i32>} : memref<128x64xf32, #tpu.memory_space<vmem>>, vector<16xf32>,
      tpu.vector_store %arg16[%swap3A_353, %swap3A_354], %gather3A_350 {strides = array<i32>} : memref<128x64xf32, #tpu.memory_space<vmem>>, vector<16xf32>,
      %slice3A_356 = vector.extract_strided_slice %get3A_85 {offsets = [12], sizes = [1], strides = [1]} : vector<16xi32> to vector<1xi32>
      %squeeze3A_357 = vector.extract %slice3A_356[0] : i32 from vector<1xi32>
      %shift_right_arithmetic3A_358 = arith.constant 7 : i32
      %shift_right_arithmetic3A_359 = arith.shrsi %squeeze3A_357, %shift_right_arithmetic3A_358 : i32
      %mul3A_360 = arith.constant 128 : i32
      %mul3A_361 = arith.muli %shift_right_arithmetic3A_359, %mul3A_360 : i32
      %multiple_of3A_362 = tpu.assume_multiple %mul3A_361, 128 : i32
      %dma_start3A_363 = arith.constant 0 : i32
      %dma_start3A_364 = tpu.memref_slice %arg3[%dma_start3A_363, %multiple_of3A_362] : memref<64x1000000xf32, #tpu.memory_space<hbm>> -> memref<64x128xf32, #tpu.memory_space<hbm>>
      %dma_start3A_365 = arith.constant 0 : i32
      %dma_start3A_366 = tpu.memref_slice %arg3[%dma_start3A_365, %multiple_of3A_362] : memref<64x1000000xf32, #tpu.memory_space<hbm>> -> memref<64x128xf32, #tpu.memory_space<hbm>>
      tpu.enqueue_dma source(%dma_start3A_366 : memref<64x128xf32, #tpu.memory_space<hbm>>) target(%arg8 : memref<64x128xf32, #tpu.memory_space<vmem>>) target_semaphore(%arg18 : memref<!tpu.dma_semaphore, #tpu.memory_space<semaphore_mem>>)
      %dma_wait3A_367 = arith.constant 0 : i32
      %dma_wait3A_368 = tpu.memref_slice %arg3[%dma_wait3A_367, %multiple_of3A_121] : memref<64x1000000xf32, #tpu.memory_space<hbm>> -> memref<64x128xf32, #tpu.memory_space<hbm>>
      %dma_wait3A_369 = arith.constant 0 : i32
      %dma_wait3A_370 = tpu.memref_slice %arg3[%dma_wait3A_369, %multiple_of3A_121] : memref<64x1000000xf32, #tpu.memory_space<hbm>> -> memref<64x128xf32, #tpu.memory_space<hbm>>
      tpu.wait_dma2 semaphore(%arg18 : memref<!tpu.dma_semaphore, #tpu.memory_space<semaphore_mem>>) src(%dma_wait3A_370 : memref<64x128xf32, #tpu.memory_space<hbm>>) dst(%arg9 : memref<64x128xf32, #tpu.memory_space<vmem>>)
      %slice3A_371 = vector.extract_strided_slice %get3A_85 {offsets = [3], sizes = [1], strides = [1]} : vector<16xi32> to vector<1xi32>
      %squeeze3A_372 = vector.extract %slice3A_371[0] : i32 from vector<1xi32>
      %and3A_373 = arith.constant 127 : i32
      %and3A_374 = arith.andi %squeeze3A_372, %and3A_373 : i32
      %broadcast_in_dim3A_375 = vector.broadcast %and3A_374 : i32 to vector<16xi32>
      %iota3A_376 = tpu.iota {dimensions = array<i32: 0>} : vector<16xi32>
      %add3A_377 = arith.constant 0 : i32
      %add3A_378 = vector.broadcast %add3A_377 : i32 to vector<16xi32>
      %add3A_379 = arith.addi %iota3A_376, %add3A_378 : vector<16xi32>
      %gather3A_380 = tpu.vector_load_idx %arg9[%add3A_379, %broadcast_in_dim3A_375] : memref<64x128xf32, #tpu.memory_space<vmem>>[vector<16xi32>, vector<16xi32>], vector<16xf32>,
      %add3A_381 = arith.constant 3 : i32
      %add3A_382 = arith.addi %mul3A_82, %add3A_381 : i32
      %swap3A_383 = arith.index_cast %add3A_382 : i32 to index
      %swap3A_384 = arith.constant 0 : index
      %swap3A_385 = tpu.vector_load %arg16[%swap3A_383, %swap3A_384] {strides = array<i32>} : memref<128x64xf32, #tpu.memory_space<vmem>>, vector<16xf32>,
      tpu.vector_store %arg16[%swap3A_383, %swap3A_384], %gather3A_380 {strides = array<i32>} : memref<128x64xf32, #tpu.memory_space<vmem>>, vector<16xf32>,
      %iota3A_386 = tpu.iota {dimensions = array<i32: 0>} : vector<16xi32>
      %add3A_387 = arith.constant 16 : i32
      %add3A_388 = vector.broadcast %add3A_387 : i32 to vector<16xi32>
      %add3A_389 = arith.addi %iota3A_386, %add3A_388 : vector<16xi32>
      %gather3A_390 = tpu.vector_load_idx %arg9[%add3A_389, %broadcast_in_dim3A_375] : memref<64x128xf32, #tpu.memory_space<vmem>>[vector<16xi32>, vector<16xi32>], vector<16xf32>,
      %add3A_391 = arith.constant 3 : i32
      %add3A_392 = arith.addi %mul3A_82, %add3A_391 : i32
      %swap3A_393 = arith.index_cast %add3A_392 : i32 to index
      %swap3A_394 = arith.constant 16 : index
      %swap3A_395 = tpu.vector_load %arg16[%swap3A_393, %swap3A_394] {strides = array<i32>} : memref<128x64xf32, #tpu.memory_space<vmem>>, vector<16xf32>,
      tpu.vector_store %arg16[%swap3A_393, %swap3A_394], %gather3A_390 {strides = array<i32>} : memref<128x64xf32, #tpu.memory_space<vmem>>, vector<16xf32>,
      %iota3A_396 = tpu.iota {dimensions = array<i32: 0>} : vector<16xi32>
      %add3A_397 = arith.constant 32 : i32
      %add3A_398 = vector.broadcast %add3A_397 : i32 to vector<16xi32>
      %add3A_399 = arith.addi %iota3A_396, %add3A_398 : vector<16xi32>
      %gather3A_400 = tpu.vector_load_idx %arg9[%add3A_399, %broadcast_in_dim3A_375] : memref<64x128xf32, #tpu.memory_space<vmem>>[vector<16xi32>, vector<16xi32>], vector<16xf32>,
      %add3A_401 = arith.constant 3 : i32
      %add3A_402 = arith.addi %mul3A_82, %add3A_401 : i32
      %swap3A_403 = arith.index_cast %add3A_402 : i32 to index
      %swap3A_404 = arith.constant 32 : index
      %swap3A_405 = tpu.vector_load %arg16[%swap3A_403, %swap3A_404] {strides = array<i32>} : memref<128x64xf32, #tpu.memory_space<vmem>>, vector<16xf32>,
      tpu.vector_store %arg16[%swap3A_403, %swap3A_404], %gather3A_400 {strides = array<i32>} : memref<128x64xf32, #tpu.memory_space<vmem>>, vector<16xf32>,
      %iota3A_406 = tpu.iota {dimensions = array<i32: 0>} : vector<16xi32>
      %add3A_407 = arith.constant 48 : i32
      %add3A_408 = vector.broadcast %add3A_407 : i32 to vector<16xi32>
      %add3A_409 = arith.addi %iota3A_406, %add3A_408 : vector<16xi32>
      %gather3A_410 = tpu.vector_load_idx %arg9[%add3A_409, %broadcast_in_dim3A_375] : memref<64x128xf32, #tpu.memory_space<vmem>>[vector<16xi32>, vector<16xi32>], vector<16xf32>,
      %add3A_411 = arith.constant 3 : i32
      %add3A_412 = arith.addi %mul3A_82, %add3A_411 : i32
      %swap3A_413 = arith.index_cast %add3A_412 : i32 to index
      %swap3A_414 = arith.constant 48 : index
      %swap3A_415 = tpu.vector_load %arg16[%swap3A_413, %swap3A_414] {strides = array<i32>} : memref<128x64xf32, #tpu.memory_space<vmem>>, vector<16xf32>,
      tpu.vector_store %arg16[%swap3A_413, %swap3A_414], %gather3A_410 {strides = array<i32>} : memref<128x64xf32, #tpu.memory_space<vmem>>, vector<16xf32>,
      %slice3A_416 = vector.extract_strided_slice %get3A_85 {offsets = [13], sizes = [1], strides = [1]} : vector<16xi32> to vector<1xi32>
      %squeeze3A_417 = vector.extract %slice3A_416[0] : i32 from vector<1xi32>
      %shift_right_arithmetic3A_418 = arith.constant 7 : i32
      %shift_right_arithmetic3A_419 = arith.shrsi %squeeze3A_417, %shift_right_arithmetic3A_418 : i32
      %mul3A_420 = arith.constant 128 : i32
      %mul3A_421 = arith.muli %shift_right_arithmetic3A_419, %mul3A_420 : i32
      %multiple_of3A_422 = tpu.assume_multiple %mul3A_421, 128 : i32
      %dma_start3A_423 = arith.constant 0 : i32
      %dma_start3A_424 = tpu.memref_slice %arg3[%dma_start3A_423, %multiple_of3A_422] : memref<64x1000000xf32, #tpu.memory_space<hbm>> -> memref<64x128xf32, #tpu.memory_space<hbm>>
      %dma_start3A_425 = arith.constant 0 : i32
      %dma_start3A_426 = tpu.memref_slice %arg3[%dma_start3A_425, %multiple_of3A_422] : memref<64x1000000xf32, #tpu.memory_space<hbm>> -> memref<64x128xf32, #tpu.memory_space<hbm>>
      tpu.enqueue_dma source(%dma_start3A_426 : memref<64x128xf32, #tpu.memory_space<hbm>>) target(%arg9 : memref<64x128xf32, #tpu.memory_space<vmem>>) target_semaphore(%arg18 : memref<!tpu.dma_semaphore, #tpu.memory_space<semaphore_mem>>)
      %dma_wait3A_427 = arith.constant 0 : i32
      %dma_wait3A_428 = tpu.memref_slice %arg3[%dma_wait3A_427, %multiple_of3A_132] : memref<64x1000000xf32, #tpu.memory_space<hbm>> -> memref<64x128xf32, #tpu.memory_space<hbm>>
      %dma_wait3A_429 = arith.constant 0 : i32
      %dma_wait3A_430 = tpu.memref_slice %arg3[%dma_wait3A_429, %multiple_of3A_132] : memref<64x1000000xf32, #tpu.memory_space<hbm>> -> memref<64x128xf32, #tpu.memory_space<hbm>>
      tpu.wait_dma2 semaphore(%arg18 : memref<!tpu.dma_semaphore, #tpu.memory_space<semaphore_mem>>) src(%dma_wait3A_430 : memref<64x128xf32, #tpu.memory_space<hbm>>) dst(%arg10 : memref<64x128xf32, #tpu.memory_space<vmem>>)
      %slice3A_431 = vector.extract_strided_slice %get3A_85 {offsets = [4], sizes = [1], strides = [1]} : vector<16xi32> to vector<1xi32>
      %squeeze3A_432 = vector.extract %slice3A_431[0] : i32 from vector<1xi32>
      %and3A_433 = arith.constant 127 : i32
      %and3A_434 = arith.andi %squeeze3A_432, %and3A_433 : i32
      %broadcast_in_dim3A_435 = vector.broadcast %and3A_434 : i32 to vector<16xi32>
      %iota3A_436 = tpu.iota {dimensions = array<i32: 0>} : vector<16xi32>
      %add3A_437 = arith.constant 0 : i32
      %add3A_438 = vector.broadcast %add3A_437 : i32 to vector<16xi32>
      %add3A_439 = arith.addi %iota3A_436, %add3A_438 : vector<16xi32>
      %gather3A_440 = tpu.vector_load_idx %arg10[%add3A_439, %broadcast_in_dim3A_435] : memref<64x128xf32, #tpu.memory_space<vmem>>[vector<16xi32>, vector<16xi32>], vector<16xf32>,
      %add3A_441 = arith.constant 4 : i32
      %add3A_442 = arith.addi %mul3A_82, %add3A_441 : i32
      %swap3A_443 = arith.index_cast %add3A_442 : i32 to index
      %swap3A_444 = arith.constant 0 : index
      %swap3A_445 = tpu.vector_load %arg16[%swap3A_443, %swap3A_444] {strides = array<i32>} : memref<128x64xf32, #tpu.memory_space<vmem>>, vector<16xf32>,
      tpu.vector_store %arg16[%swap3A_443, %swap3A_444], %gather3A_440 {strides = array<i32>} : memref<128x64xf32, #tpu.memory_space<vmem>>, vector<16xf32>,
      %iota3A_446 = tpu.iota {dimensions = array<i32: 0>} : vector<16xi32>
      %add3A_447 = arith.constant 16 : i32
      %add3A_448 = vector.broadcast %add3A_447 : i32 to vector<16xi32>
      %add3A_449 = arith.addi %iota3A_446, %add3A_448 : vector<16xi32>
      %gather3A_450 = tpu.vector_load_idx %arg10[%add3A_449, %broadcast_in_dim3A_435] : memref<64x128xf32, #tpu.memory_space<vmem>>[vector<16xi32>, vector<16xi32>], vector<16xf32>,
      %add3A_451 = arith.constant 4 : i32
      %add3A_452 = arith.addi %mul3A_82, %add3A_451 : i32
      %swap3A_453 = arith.index_cast %add3A_452 : i32 to index
      %swap3A_454 = arith.constant 16 : index
      %swap3A_455 = tpu.vector_load %arg16[%swap3A_453, %swap3A_454] {strides = array<i32>} : memref<128x64xf32, #tpu.memory_space<vmem>>, vector<16xf32>,
      tpu.vector_store %arg16[%swap3A_453, %swap3A_454], %gather3A_450 {strides = array<i32>} : memref<128x64xf32, #tpu.memory_space<vmem>>, vector<16xf32>,
      %iota3A_456 = tpu.iota {dimensions = array<i32: 0>} : vector<16xi32>
      %add3A_457 = arith.constant 32 : i32
      %add3A_458 = vector.broadcast %add3A_457 : i32 to vector<16xi32>
      %add3A_459 = arith.addi %iota3A_456, %add3A_458 : vector<16xi32>
      %gather3A_460 = tpu.vector_load_idx %arg10[%add3A_459, %broadcast_in_dim3A_435] : memref<64x128xf32, #tpu.memory_space<vmem>>[vector<16xi32>, vector<16xi32>], vector<16xf32>,
      %add3A_461 = arith.constant 4 : i32
      %add3A_462 = arith.addi %mul3A_82, %add3A_461 : i32
      %swap3A_463 = arith.index_cast %add3A_462 : i32 to index
      %swap3A_464 = arith.constant 32 : index
      %swap3A_465 = tpu.vector_load %arg16[%swap3A_463, %swap3A_464] {strides = array<i32>} : memref<128x64xf32, #tpu.memory_space<vmem>>, vector<16xf32>,
      tpu.vector_store %arg16[%swap3A_463, %swap3A_464], %gather3A_460 {strides = array<i32>} : memref<128x64xf32, #tpu.memory_space<vmem>>, vector<16xf32>,
      %iota3A_466 = tpu.iota {dimensions = array<i32: 0>} : vector<16xi32>
      %add3A_467 = arith.constant 48 : i32
      %add3A_468 = vector.broadcast %add3A_467 : i32 to vector<16xi32>
      %add3A_469 = arith.addi %iota3A_466, %add3A_468 : vector<16xi32>
      %gather3A_470 = tpu.vector_load_idx %arg10[%add3A_469, %broadcast_in_dim3A_435] : memref<64x128xf32, #tpu.memory_space<vmem>>[vector<16xi32>, vector<16xi32>], vector<16xf32>,
      %add3A_471 = arith.constant 4 : i32
      %add3A_472 = arith.addi %mul3A_82, %add3A_471 : i32
      %swap3A_473 = arith.index_cast %add3A_472 : i32 to index
      %swap3A_474 = arith.constant 48 : index
      %swap3A_475 = tpu.vector_load %arg16[%swap3A_473, %swap3A_474] {strides = array<i32>} : memref<128x64xf32, #tpu.memory_space<vmem>>, vector<16xf32>,
      tpu.vector_store %arg16[%swap3A_473, %swap3A_474], %gather3A_470 {strides = array<i32>} : memref<128x64xf32, #tpu.memory_space<vmem>>, vector<16xf32>,
      %slice3A_476 = vector.extract_strided_slice %get3A_85 {offsets = [14], sizes = [1], strides = [1]} : vector<16xi32> to vector<1xi32>
      %squeeze3A_477 = vector.extract %slice3A_476[0] : i32 from vector<1xi32>
      %shift_right_arithmetic3A_478 = arith.constant 7 : i32
      %shift_right_arithmetic3A_479 = arith.shrsi %squeeze3A_477, %shift_right_arithmetic3A_478 : i32
      %mul3A_480 = arith.constant 128 : i32
      %mul3A_481 = arith.muli %shift_right_arithmetic3A_479, %mul3A_480 : i32
      %multiple_of3A_482 = tpu.assume_multiple %mul3A_481, 128 : i32
      %dma_start3A_483 = arith.constant 0 : i32
      %dma_start3A_484 = tpu.memref_slice %arg3[%dma_start3A_483, %multiple_of3A_482] : memref<64x1000000xf32, #tpu.memory_space<hbm>> -> memref<64x128xf32, #tpu.memory_space<hbm>>
      %dma_start3A_485 = arith.constant 0 : i32
      %dma_start3A_486 = tpu.memref_slice %arg3[%dma_start3A_485, %multiple_of3A_482] : memref<64x1000000xf32, #tpu.memory_space<hbm>> -> memref<64x128xf32, #tpu.memory_space<hbm>>
      tpu.enqueue_dma source(%dma_start3A_486 : memref<64x128xf32, #tpu.memory_space<hbm>>) target(%arg10 : memref<64x128xf32, #tpu.memory_space<vmem>>) target_semaphore(%arg18 : memref<!tpu.dma_semaphore, #tpu.memory_space<semaphore_mem>>)
      %dma_wait3A_487 = arith.constant 0 : i32
      %dma_wait3A_488 = tpu.memref_slice %arg3[%dma_wait3A_487, %multiple_of3A_143] : memref<64x1000000xf32, #tpu.memory_space<hbm>> -> memref<64x128xf32, #tpu.memory_space<hbm>>
      %dma_wait3A_489 = arith.constant 0 : i32
      %dma_wait3A_490 = tpu.memref_slice %arg3[%dma_wait3A_489, %multiple_of3A_143] : memref<64x1000000xf32, #tpu.memory_space<hbm>> -> memref<64x128xf32, #tpu.memory_space<hbm>>
      tpu.wait_dma2 semaphore(%arg18 : memref<!tpu.dma_semaphore, #tpu.memory_space<semaphore_mem>>) src(%dma_wait3A_490 : memref<64x128xf32, #tpu.memory_space<hbm>>) dst(%arg11 : memref<64x128xf32, #tpu.memory_space<vmem>>)
      %slice3A_491 = vector.extract_strided_slice %get3A_85 {offsets = [5], sizes = [1], strides = [1]} : vector<16xi32> to vector<1xi32>
      %squeeze3A_492 = vector.extract %slice3A_491[0] : i32 from vector<1xi32>
      %and3A_493 = arith.constant 127 : i32
      %and3A_494 = arith.andi %squeeze3A_492, %and3A_493 : i32
      %broadcast_in_dim3A_495 = vector.broadcast %and3A_494 : i32 to vector<16xi32>
      %iota3A_496 = tpu.iota {dimensions = array<i32: 0>} : vector<16xi32>
      %add3A_497 = arith.constant 0 : i32
      %add3A_498 = vector.broadcast %add3A_497 : i32 to vector<16xi32>
      %add3A_499 = arith.addi %iota3A_496, %add3A_498 : vector<16xi32>
      %gather3A_500 = tpu.vector_load_idx %arg11[%add3A_499, %broadcast_in_dim3A_495] : memref<64x128xf32, #tpu.memory_space<vmem>>[vector<16xi32>, vector<16xi32>], vector<16xf32>,
      %add3A_501 = arith.constant 5 : i32
      %add3A_502 = arith.addi %mul3A_82, %add3A_501 : i32
      %swap3A_503 = arith.index_cast %add3A_502 : i32 to index
      %swap3A_504 = arith.constant 0 : index
      %swap3A_505 = tpu.vector_load %arg16[%swap3A_503, %swap3A_504] {strides = array<i32>} : memref<128x64xf32, #tpu.memory_space<vmem>>, vector<16xf32>,
      tpu.vector_store %arg16[%swap3A_503, %swap3A_504], %gather3A_500 {strides = array<i32>} : memref<128x64xf32, #tpu.memory_space<vmem>>, vector<16xf32>,
      %iota3A_506 = tpu.iota {dimensions = array<i32: 0>} : vector<16xi32>
      %add3A_507 = arith.constant 16 : i32
      %add3A_508 = vector.broadcast %add3A_507 : i32 to vector<16xi32>
      %add3A_509 = arith.addi %iota3A_506, %add3A_508 : vector<16xi32>
      %gather3A_510 = tpu.vector_load_idx %arg11[%add3A_509, %broadcast_in_dim3A_495] : memref<64x128xf32, #tpu.memory_space<vmem>>[vector<16xi32>, vector<16xi32>], vector<16xf32>,
      %add3A_511 = arith.constant 5 : i32
      %add3A_512 = arith.addi %mul3A_82, %add3A_511 : i32
      %swap3A_513 = arith.index_cast %add3A_512 : i32 to index
      %swap3A_514 = arith.constant 16 : index
      %swap3A_515 = tpu.vector_load %arg16[%swap3A_513, %swap3A_514] {strides = array<i32>} : memref<128x64xf32, #tpu.memory_space<vmem>>, vector<16xf32>,
      tpu.vector_store %arg16[%swap3A_513, %swap3A_514], %gather3A_510 {strides = array<i32>} : memref<128x64xf32, #tpu.memory_space<vmem>>, vector<16xf32>,
      %iota3A_516 = tpu.iota {dimensions = array<i32: 0>} : vector<16xi32>
      %add3A_517 = arith.constant 32 : i32
      %add3A_518 = vector.broadcast %add3A_517 : i32 to vector<16xi32>
      %add3A_519 = arith.addi %iota3A_516, %add3A_518 : vector<16xi32>
      %gather3A_520 = tpu.vector_load_idx %arg11[%add3A_519, %broadcast_in_dim3A_495] : memref<64x128xf32, #tpu.memory_space<vmem>>[vector<16xi32>, vector<16xi32>], vector<16xf32>,
      %add3A_521 = arith.constant 5 : i32
      %add3A_522 = arith.addi %mul3A_82, %add3A_521 : i32
      %swap3A_523 = arith.index_cast %add3A_522 : i32 to index
      %swap3A_524 = arith.constant 32 : index
      %swap3A_525 = tpu.vector_load %arg16[%swap3A_523, %swap3A_524] {strides = array<i32>} : memref<128x64xf32, #tpu.memory_space<vmem>>, vector<16xf32>,
      tpu.vector_store %arg16[%swap3A_523, %swap3A_524], %gather3A_520 {strides = array<i32>} : memref<128x64xf32, #tpu.memory_space<vmem>>, vector<16xf32>,
      %iota3A_526 = tpu.iota {dimensions = array<i32: 0>} : vector<16xi32>
      %add3A_527 = arith.constant 48 : i32
      %add3A_528 = vector.broadcast %add3A_527 : i32 to vector<16xi32>
      %add3A_529 = arith.addi %iota3A_526, %add3A_528 : vector<16xi32>
      %gather3A_530 = tpu.vector_load_idx %arg11[%add3A_529, %broadcast_in_dim3A_495] : memref<64x128xf32, #tpu.memory_space<vmem>>[vector<16xi32>, vector<16xi32>], vector<16xf32>,
      %add3A_531 = arith.constant 5 : i32
      %add3A_532 = arith.addi %mul3A_82, %add3A_531 : i32
      %swap3A_533 = arith.index_cast %add3A_532 : i32 to index
      %swap3A_534 = arith.constant 48 : index
      %swap3A_535 = tpu.vector_load %arg16[%swap3A_533, %swap3A_534] {strides = array<i32>} : memref<128x64xf32, #tpu.memory_space<vmem>>, vector<16xf32>,
      tpu.vector_store %arg16[%swap3A_533, %swap3A_534], %gather3A_530 {strides = array<i32>} : memref<128x64xf32, #tpu.memory_space<vmem>>, vector<16xf32>,
      %slice3A_536 = vector.extract_strided_slice %get3A_85 {offsets = [15], sizes = [1], strides = [1]} : vector<16xi32> to vector<1xi32>
      %squeeze3A_537 = vector.extract %slice3A_536[0] : i32 from vector<1xi32>
      %shift_right_arithmetic3A_538 = arith.constant 7 : i32
      %shift_right_arithmetic3A_539 = arith.shrsi %squeeze3A_537, %shift_right_arithmetic3A_538 : i32
      %mul3A_540 = arith.constant 128 : i32
      %mul3A_541 = arith.muli %shift_right_arithmetic3A_539, %mul3A_540 : i32
      %multiple_of3A_542 = tpu.assume_multiple %mul3A_541, 128 : i32
      %dma_start3A_543 = arith.constant 0 : i32
      %dma_start3A_544 = tpu.memref_slice %arg3[%dma_start3A_543, %multiple_of3A_542] : memref<64x1000000xf32, #tpu.memory_space<hbm>> -> memref<64x128xf32, #tpu.memory_space<hbm>>
      %dma_start3A_545 = arith.constant 0 : i32
      %dma_start3A_546 = tpu.memref_slice %arg3[%dma_start3A_545, %multiple_of3A_542] : memref<64x1000000xf32, #tpu.memory_space<hbm>> -> memref<64x128xf32, #tpu.memory_space<hbm>>
      tpu.enqueue_dma source(%dma_start3A_546 : memref<64x128xf32, #tpu.memory_space<hbm>>) target(%arg11 : memref<64x128xf32, #tpu.memory_space<vmem>>) target_semaphore(%arg18 : memref<!tpu.dma_semaphore, #tpu.memory_space<semaphore_mem>>)
      %dma_wait3A_547 = arith.constant 0 : i32
      %dma_wait3A_548 = tpu.memref_slice %arg3[%dma_wait3A_547, %multiple_of3A_154] : memref<64x1000000xf32, #tpu.memory_space<hbm>> -> memref<64x128xf32, #tpu.memory_space<hbm>>
      %dma_wait3A_549 = arith.constant 0 : i32
      %dma_wait3A_550 = tpu.memref_slice %arg3[%dma_wait3A_549, %multiple_of3A_154] : memref<64x1000000xf32, #tpu.memory_space<hbm>> -> memref<64x128xf32, #tpu.memory_space<hbm>>
      tpu.wait_dma2 semaphore(%arg18 : memref<!tpu.dma_semaphore, #tpu.memory_space<semaphore_mem>>) src(%dma_wait3A_550 : memref<64x128xf32, #tpu.memory_space<hbm>>) dst(%arg12 : memref<64x128xf32, #tpu.memory_space<vmem>>)
      %slice3A_551 = vector.extract_strided_slice %get3A_85 {offsets = [6], sizes = [1], strides = [1]} : vector<16xi32> to vector<1xi32>
      %squeeze3A_552 = vector.extract %slice3A_551[0] : i32 from vector<1xi32>
      %and3A_553 = arith.constant 127 : i32
      %and3A_554 = arith.andi %squeeze3A_552, %and3A_553 : i32
      %broadcast_in_dim3A_555 = vector.broadcast %and3A_554 : i32 to vector<16xi32>
      %iota3A_556 = tpu.iota {dimensions = array<i32: 0>} : vector<16xi32>
      %add3A_557 = arith.constant 0 : i32
      %add3A_558 = vector.broadcast %add3A_557 : i32 to vector<16xi32>
      %add3A_559 = arith.addi %iota3A_556, %add3A_558 : vector<16xi32>
      %gather3A_560 = tpu.vector_load_idx %arg12[%add3A_559, %broadcast_in_dim3A_555] : memref<64x128xf32, #tpu.memory_space<vmem>>[vector<16xi32>, vector<16xi32>], vector<16xf32>,
      %add3A_561 = arith.constant 6 : i32
      %add3A_562 = arith.addi %mul3A_82, %add3A_561 : i32
      %swap3A_563 = arith.index_cast %add3A_562 : i32 to index
      %swap3A_564 = arith.constant 0 : index
      %swap3A_565 = tpu.vector_load %arg16[%swap3A_563, %swap3A_564] {strides = array<i32>} : memref<128x64xf32, #tpu.memory_space<vmem>>, vector<16xf32>,
      tpu.vector_store %arg16[%swap3A_563, %swap3A_564], %gather3A_560 {strides = array<i32>} : memref<128x64xf32, #tpu.memory_space<vmem>>, vector<16xf32>,
      %iota3A_566 = tpu.iota {dimensions = array<i32: 0>} : vector<16xi32>
      %add3A_567 = arith.constant 16 : i32
      %add3A_568 = vector.broadcast %add3A_567 : i32 to vector<16xi32>
      %add3A_569 = arith.addi %iota3A_566, %add3A_568 : vector<16xi32>
      %gather3A_570 = tpu.vector_load_idx %arg12[%add3A_569, %broadcast_in_dim3A_555] : memref<64x128xf32, #tpu.memory_space<vmem>>[vector<16xi32>, vector<16xi32>], vector<16xf32>,
      %add3A_571 = arith.constant 6 : i32
      %add3A_572 = arith.addi %mul3A_82, %add3A_571 : i32
      %swap3A_573 = arith.index_cast %add3A_572 : i32 to index
      %swap3A_574 = arith.constant 16 : index
      %swap3A_575 = tpu.vector_load %arg16[%swap3A_573, %swap3A_574] {strides = array<i32>} : memref<128x64xf32, #tpu.memory_space<vmem>>, vector<16xf32>,
      tpu.vector_store %arg16[%swap3A_573, %swap3A_574], %gather3A_570 {strides = array<i32>} : memref<128x64xf32, #tpu.memory_space<vmem>>, vector<16xf32>,
      %iota3A_576 = tpu.iota {dimensions = array<i32: 0>} : vector<16xi32>
      %add3A_577 = arith.constant 32 : i32
      %add3A_578 = vector.broadcast %add3A_577 : i32 to vector<16xi32>
      %add3A_579 = arith.addi %iota3A_576, %add3A_578 : vector<16xi32>
      %gather3A_580 = tpu.vector_load_idx %arg12[%add3A_579, %broadcast_in_dim3A_555] : memref<64x128xf32, #tpu.memory_space<vmem>>[vector<16xi32>, vector<16xi32>], vector<16xf32>,
      %add3A_581 = arith.constant 6 : i32
      %add3A_582 = arith.addi %mul3A_82, %add3A_581 : i32
      %swap3A_583 = arith.index_cast %add3A_582 : i32 to index
      %swap3A_584 = arith.constant 32 : index
      %swap3A_585 = tpu.vector_load %arg16[%swap3A_583, %swap3A_584] {strides = array<i32>} : memref<128x64xf32, #tpu.memory_space<vmem>>, vector<16xf32>,
      tpu.vector_store %arg16[%swap3A_583, %swap3A_584], %gather3A_580 {strides = array<i32>} : memref<128x64xf32, #tpu.memory_space<vmem>>, vector<16xf32>,
      %iota3A_586 = tpu.iota {dimensions = array<i32: 0>} : vector<16xi32>
      %add3A_587 = arith.constant 48 : i32
      %add3A_588 = vector.broadcast %add3A_587 : i32 to vector<16xi32>
      %add3A_589 = arith.addi %iota3A_586, %add3A_588 : vector<16xi32>
      %gather3A_590 = tpu.vector_load_idx %arg12[%add3A_589, %broadcast_in_dim3A_555] : memref<64x128xf32, #tpu.memory_space<vmem>>[vector<16xi32>, vector<16xi32>], vector<16xf32>,
      %add3A_591 = arith.constant 6 : i32
      %add3A_592 = arith.addi %mul3A_82, %add3A_591 : i32
      %swap3A_593 = arith.index_cast %add3A_592 : i32 to index
      %swap3A_594 = arith.constant 48 : index
      %swap3A_595 = tpu.vector_load %arg16[%swap3A_593, %swap3A_594] {strides = array<i32>} : memref<128x64xf32, #tpu.memory_space<vmem>>, vector<16xf32>,
      tpu.vector_store %arg16[%swap3A_593, %swap3A_594], %gather3A_590 {strides = array<i32>} : memref<128x64xf32, #tpu.memory_space<vmem>>, vector<16xf32>,
      %dma_wait3A_596 = arith.constant 0 : i32
      %dma_wait3A_597 = tpu.memref_slice %arg3[%dma_wait3A_596, %multiple_of3A_165] : memref<64x1000000xf32, #tpu.memory_space<hbm>> -> memref<64x128xf32, #tpu.memory_space<hbm>>
      %dma_wait3A_598 = arith.constant 0 : i32
      %dma_wait3A_599 = tpu.memref_slice %arg3[%dma_wait3A_598, %multiple_of3A_165] : memref<64x1000000xf32, #tpu.memory_space<hbm>> -> memref<64x128xf32, #tpu.memory_space<hbm>>
      tpu.wait_dma2 semaphore(%arg18 : memref<!tpu.dma_semaphore, #tpu.memory_space<semaphore_mem>>) src(%dma_wait3A_599 : memref<64x128xf32, #tpu.memory_space<hbm>>) dst(%arg13 : memref<64x128xf32, #tpu.memory_space<vmem>>)
      %slice3A_600 = vector.extract_strided_slice %get3A_85 {offsets = [7], sizes = [1], strides = [1]} : vector<16xi32> to vector<1xi32>
      %squeeze3A_601 = vector.extract %slice3A_600[0] : i32 from vector<1xi32>
      %and3A_602 = arith.constant 127 : i32
      %and3A_603 = arith.andi %squeeze3A_601, %and3A_602 : i32
      %broadcast_in_dim3A_604 = vector.broadcast %and3A_603 : i32 to vector<16xi32>
      %iota3A_605 = tpu.iota {dimensions = array<i32: 0>} : vector<16xi32>
      %add3A_606 = arith.constant 0 : i32
      %add3A_607 = vector.broadcast %add3A_606 : i32 to vector<16xi32>
      %add3A_608 = arith.addi %iota3A_605, %add3A_607 : vector<16xi32>
      %gather3A_609 = tpu.vector_load_idx %arg13[%add3A_608, %broadcast_in_dim3A_604] : memref<64x128xf32, #tpu.memory_space<vmem>>[vector<16xi32>, vector<16xi32>], vector<16xf32>,
      %add3A_610 = arith.constant 7 : i32
      %add3A_611 = arith.addi %mul3A_82, %add3A_610 : i32
      %swap3A_612 = arith.index_cast %add3A_611 : i32 to index
      %swap3A_613 = arith.constant 0 : index
      %swap3A_614 = tpu.vector_load %arg16[%swap3A_612, %swap3A_613] {strides = array<i32>} : memref<128x64xf32, #tpu.memory_space<vmem>>, vector<16xf32>,
      tpu.vector_store %arg16[%swap3A_612, %swap3A_613], %gather3A_609 {strides = array<i32>} : memref<128x64xf32, #tpu.memory_space<vmem>>, vector<16xf32>,
      %iota3A_615 = tpu.iota {dimensions = array<i32: 0>} : vector<16xi32>
      %add3A_616 = arith.constant 16 : i32
      %add3A_617 = vector.broadcast %add3A_616 : i32 to vector<16xi32>
      %add3A_618 = arith.addi %iota3A_615, %add3A_617 : vector<16xi32>
      %gather3A_619 = tpu.vector_load_idx %arg13[%add3A_618, %broadcast_in_dim3A_604] : memref<64x128xf32, #tpu.memory_space<vmem>>[vector<16xi32>, vector<16xi32>], vector<16xf32>,
      %add3A_620 = arith.constant 7 : i32
      %add3A_621 = arith.addi %mul3A_82, %add3A_620 : i32
      %swap3A_622 = arith.index_cast %add3A_621 : i32 to index
      %swap3A_623 = arith.constant 16 : index
      %swap3A_624 = tpu.vector_load %arg16[%swap3A_622, %swap3A_623] {strides = array<i32>} : memref<128x64xf32, #tpu.memory_space<vmem>>, vector<16xf32>,
      tpu.vector_store %arg16[%swap3A_622, %swap3A_623], %gather3A_619 {strides = array<i32>} : memref<128x64xf32, #tpu.memory_space<vmem>>, vector<16xf32>,
      %iota3A_625 = tpu.iota {dimensions = array<i32: 0>} : vector<16xi32>
      %add3A_626 = arith.constant 32 : i32
      %add3A_627 = vector.broadcast %add3A_626 : i32 to vector<16xi32>
      %add3A_628 = arith.addi %iota3A_625, %add3A_627 : vector<16xi32>
      %gather3A_629 = tpu.vector_load_idx %arg13[%add3A_628, %broadcast_in_dim3A_604] : memref<64x128xf32, #tpu.memory_space<vmem>>[vector<16xi32>, vector<16xi32>], vector<16xf32>,
      %add3A_630 = arith.constant 7 : i32
      %add3A_631 = arith.addi %mul3A_82, %add3A_630 : i32
      %swap3A_632 = arith.index_cast %add3A_631 : i32 to index
      %swap3A_633 = arith.constant 32 : index
      %swap3A_634 = tpu.vector_load %arg16[%swap3A_632, %swap3A_633] {strides = array<i32>} : memref<128x64xf32, #tpu.memory_space<vmem>>, vector<16xf32>,
      tpu.vector_store %arg16[%swap3A_632, %swap3A_633], %gather3A_629 {strides = array<i32>} : memref<128x64xf32, #tpu.memory_space<vmem>>, vector<16xf32>,
      %iota3A_635 = tpu.iota {dimensions = array<i32: 0>} : vector<16xi32>
      %add3A_636 = arith.constant 48 : i32
      %add3A_637 = vector.broadcast %add3A_636 : i32 to vector<16xi32>
      %add3A_638 = arith.addi %iota3A_635, %add3A_637 : vector<16xi32>
      %gather3A_639 = tpu.vector_load_idx %arg13[%add3A_638, %broadcast_in_dim3A_604] : memref<64x128xf32, #tpu.memory_space<vmem>>[vector<16xi32>, vector<16xi32>], vector<16xf32>,
      %add3A_640 = arith.constant 7 : i32
      %add3A_641 = arith.addi %mul3A_82, %add3A_640 : i32
      %swap3A_642 = arith.index_cast %add3A_641 : i32 to index
      %swap3A_643 = arith.constant 48 : index
      %swap3A_644 = tpu.vector_load %arg16[%swap3A_642, %swap3A_643] {strides = array<i32>} : memref<128x64xf32, #tpu.memory_space<vmem>>, vector<16xf32>,
      tpu.vector_store %arg16[%swap3A_642, %swap3A_643], %gather3A_639 {strides = array<i32>} : memref<128x64xf32, #tpu.memory_space<vmem>>, vector<16xf32>,
      %dma_wait3A_645 = arith.constant 0 : i32
      %dma_wait3A_646 = tpu.memref_slice %arg3[%dma_wait3A_645, %multiple_of3A_176] : memref<64x1000000xf32, #tpu.memory_space<hbm>> -> memref<64x128xf32, #tpu.memory_space<hbm>>
      %dma_wait3A_647 = arith.constant 0 : i32
      %dma_wait3A_648 = tpu.memref_slice %arg3[%dma_wait3A_647, %multiple_of3A_176] : memref<64x1000000xf32, #tpu.memory_space<hbm>> -> memref<64x128xf32, #tpu.memory_space<hbm>>
      tpu.wait_dma2 semaphore(%arg18 : memref<!tpu.dma_semaphore, #tpu.memory_space<semaphore_mem>>) src(%dma_wait3A_648 : memref<64x128xf32, #tpu.memory_space<hbm>>) dst(%arg14 : memref<64x128xf32, #tpu.memory_space<vmem>>)
      %slice3A_649 = vector.extract_strided_slice %get3A_85 {offsets = [8], sizes = [1], strides = [1]} : vector<16xi32> to vector<1xi32>
      %squeeze3A_650 = vector.extract %slice3A_649[0] : i32 from vector<1xi32>
      %and3A_651 = arith.constant 127 : i32
      %and3A_652 = arith.andi %squeeze3A_650, %and3A_651 : i32
      %broadcast_in_dim3A_653 = vector.broadcast %and3A_652 : i32 to vector<16xi32>
      %iota3A_654 = tpu.iota {dimensions = array<i32: 0>} : vector<16xi32>
      %add3A_655 = arith.constant 0 : i32
      %add3A_656 = vector.broadcast %add3A_655 : i32 to vector<16xi32>
      %add3A_657 = arith.addi %iota3A_654, %add3A_656 : vector<16xi32>
      %gather3A_658 = tpu.vector_load_idx %arg14[%add3A_657, %broadcast_in_dim3A_653] : memref<64x128xf32, #tpu.memory_space<vmem>>[vector<16xi32>, vector<16xi32>], vector<16xf32>,
      %add3A_659 = arith.constant 8 : i32
      %add3A_660 = arith.addi %mul3A_82, %add3A_659 : i32
      %swap3A_661 = arith.index_cast %add3A_660 : i32 to index
      %swap3A_662 = arith.constant 0 : index
      %swap3A_663 = tpu.vector_load %arg16[%swap3A_661, %swap3A_662] {strides = array<i32>} : memref<128x64xf32, #tpu.memory_space<vmem>>, vector<16xf32>,
      tpu.vector_store %arg16[%swap3A_661, %swap3A_662], %gather3A_658 {strides = array<i32>} : memref<128x64xf32, #tpu.memory_space<vmem>>, vector<16xf32>,
      %iota3A_664 = tpu.iota {dimensions = array<i32: 0>} : vector<16xi32>
      %add3A_665 = arith.constant 16 : i32
      %add3A_666 = vector.broadcast %add3A_665 : i32 to vector<16xi32>
      %add3A_667 = arith.addi %iota3A_664, %add3A_666 : vector<16xi32>
      %gather3A_668 = tpu.vector_load_idx %arg14[%add3A_667, %broadcast_in_dim3A_653] : memref<64x128xf32, #tpu.memory_space<vmem>>[vector<16xi32>, vector<16xi32>], vector<16xf32>,
      %add3A_669 = arith.constant 8 : i32
      %add3A_670 = arith.addi %mul3A_82, %add3A_669 : i32
      %swap3A_671 = arith.index_cast %add3A_670 : i32 to index
      %swap3A_672 = arith.constant 16 : index
      %swap3A_673 = tpu.vector_load %arg16[%swap3A_671, %swap3A_672] {strides = array<i32>} : memref<128x64xf32, #tpu.memory_space<vmem>>, vector<16xf32>,
      tpu.vector_store %arg16[%swap3A_671, %swap3A_672], %gather3A_668 {strides = array<i32>} : memref<128x64xf32, #tpu.memory_space<vmem>>, vector<16xf32>,
      %iota3A_674 = tpu.iota {dimensions = array<i32: 0>} : vector<16xi32>
      %add3A_675 = arith.constant 32 : i32
      %add3A_676 = vector.broadcast %add3A_675 : i32 to vector<16xi32>
      %add3A_677 = arith.addi %iota3A_674, %add3A_676 : vector<16xi32>
      %gather3A_678 = tpu.vector_load_idx %arg14[%add3A_677, %broadcast_in_dim3A_653] : memref<64x128xf32, #tpu.memory_space<vmem>>[vector<16xi32>, vector<16xi32>], vector<16xf32>,
      %add3A_679 = arith.constant 8 : i32
      %add3A_680 = arith.addi %mul3A_82, %add3A_679 : i32
      %swap3A_681 = arith.index_cast %add3A_680 : i32 to index
      %swap3A_682 = arith.constant 32 : index
      %swap3A_683 = tpu.vector_load %arg16[%swap3A_681, %swap3A_682] {strides = array<i32>} : memref<128x64xf32, #tpu.memory_space<vmem>>, vector<16xf32>,
      tpu.vector_store %arg16[%swap3A_681, %swap3A_682], %gather3A_678 {strides = array<i32>} : memref<128x64xf32, #tpu.memory_space<vmem>>, vector<16xf32>,
      %iota3A_684 = tpu.iota {dimensions = array<i32: 0>} : vector<16xi32>
      %add3A_685 = arith.constant 48 : i32
      %add3A_686 = vector.broadcast %add3A_685 : i32 to vector<16xi32>
      %add3A_687 = arith.addi %iota3A_684, %add3A_686 : vector<16xi32>
      %gather3A_688 = tpu.vector_load_idx %arg14[%add3A_687, %broadcast_in_dim3A_653] : memref<64x128xf32, #tpu.memory_space<vmem>>[vector<16xi32>, vector<16xi32>], vector<16xf32>,
      %add3A_689 = arith.constant 8 : i32
      %add3A_690 = arith.addi %mul3A_82, %add3A_689 : i32
      %swap3A_691 = arith.index_cast %add3A_690 : i32 to index
      %swap3A_692 = arith.constant 48 : index
      %swap3A_693 = tpu.vector_load %arg16[%swap3A_691, %swap3A_692] {strides = array<i32>} : memref<128x64xf32, #tpu.memory_space<vmem>>, vector<16xf32>,
      tpu.vector_store %arg16[%swap3A_691, %swap3A_692], %gather3A_688 {strides = array<i32>} : memref<128x64xf32, #tpu.memory_space<vmem>>, vector<16xf32>,
      %dma_wait3A_694 = arith.constant 0 : i32
      %dma_wait3A_695 = tpu.memref_slice %arg3[%dma_wait3A_694, %multiple_of3A_187] : memref<64x1000000xf32, #tpu.memory_space<hbm>> -> memref<64x128xf32, #tpu.memory_space<hbm>>
      %dma_wait3A_696 = arith.constant 0 : i32
      %dma_wait3A_697 = tpu.memref_slice %arg3[%dma_wait3A_696, %multiple_of3A_187] : memref<64x1000000xf32, #tpu.memory_space<hbm>> -> memref<64x128xf32, #tpu.memory_space<hbm>>
      tpu.wait_dma2 semaphore(%arg18 : memref<!tpu.dma_semaphore, #tpu.memory_space<semaphore_mem>>) src(%dma_wait3A_697 : memref<64x128xf32, #tpu.memory_space<hbm>>) dst(%arg15 : memref<64x128xf32, #tpu.memory_space<vmem>>)
      %slice3A_698 = vector.extract_strided_slice %get3A_85 {offsets = [9], sizes = [1], strides = [1]} : vector<16xi32> to vector<1xi32>
      %squeeze3A_699 = vector.extract %slice3A_698[0] : i32 from vector<1xi32>
      %and3A_700 = arith.constant 127 : i32
      %and3A_701 = arith.andi %squeeze3A_699, %and3A_700 : i32
      %broadcast_in_dim3A_702 = vector.broadcast %and3A_701 : i32 to vector<16xi32>
      %iota3A_703 = tpu.iota {dimensions = array<i32: 0>} : vector<16xi32>
      %add3A_704 = arith.constant 0 : i32
      %add3A_705 = vector.broadcast %add3A_704 : i32 to vector<16xi32>
      %add3A_706 = arith.addi %iota3A_703, %add3A_705 : vector<16xi32>
      %gather3A_707 = tpu.vector_load_idx %arg15[%add3A_706, %broadcast_in_dim3A_702] : memref<64x128xf32, #tpu.memory_space<vmem>>[vector<16xi32>, vector<16xi32>], vector<16xf32>,
      %add3A_708 = arith.constant 9 : i32
      %add3A_709 = arith.addi %mul3A_82, %add3A_708 : i32
      %swap3A_710 = arith.index_cast %add3A_709 : i32 to index
      %swap3A_711 = arith.constant 0 : index
      %swap3A_712 = tpu.vector_load %arg16[%swap3A_710, %swap3A_711] {strides = array<i32>} : memref<128x64xf32, #tpu.memory_space<vmem>>, vector<16xf32>,
      tpu.vector_store %arg16[%swap3A_710, %swap3A_711], %gather3A_707 {strides = array<i32>} : memref<128x64xf32, #tpu.memory_space<vmem>>, vector<16xf32>,
      %iota3A_713 = tpu.iota {dimensions = array<i32: 0>} : vector<16xi32>
      %add3A_714 = arith.constant 16 : i32
      %add3A_715 = vector.broadcast %add3A_714 : i32 to vector<16xi32>
      %add3A_716 = arith.addi %iota3A_713, %add3A_715 : vector<16xi32>
      %gather3A_717 = tpu.vector_load_idx %arg15[%add3A_716, %broadcast_in_dim3A_702] : memref<64x128xf32, #tpu.memory_space<vmem>>[vector<16xi32>, vector<16xi32>], vector<16xf32>,
      %add3A_718 = arith.constant 9 : i32
      %add3A_719 = arith.addi %mul3A_82, %add3A_718 : i32
      %swap3A_720 = arith.index_cast %add3A_719 : i32 to index
      %swap3A_721 = arith.constant 16 : index
      %swap3A_722 = tpu.vector_load %arg16[%swap3A_720, %swap3A_721] {strides = array<i32>} : memref<128x64xf32, #tpu.memory_space<vmem>>, vector<16xf32>,
      tpu.vector_store %arg16[%swap3A_720, %swap3A_721], %gather3A_717 {strides = array<i32>} : memref<128x64xf32, #tpu.memory_space<vmem>>, vector<16xf32>,
      %iota3A_723 = tpu.iota {dimensions = array<i32: 0>} : vector<16xi32>
      %add3A_724 = arith.constant 32 : i32
      %add3A_725 = vector.broadcast %add3A_724 : i32 to vector<16xi32>
      %add3A_726 = arith.addi %iota3A_723, %add3A_725 : vector<16xi32>
      %gather3A_727 = tpu.vector_load_idx %arg15[%add3A_726, %broadcast_in_dim3A_702] : memref<64x128xf32, #tpu.memory_space<vmem>>[vector<16xi32>, vector<16xi32>], vector<16xf32>,
      %add3A_728 = arith.constant 9 : i32
      %add3A_729 = arith.addi %mul3A_82, %add3A_728 : i32
      %swap3A_730 = arith.index_cast %add3A_729 : i32 to index
      %swap3A_731 = arith.constant 32 : index
      %swap3A_732 = tpu.vector_load %arg16[%swap3A_730, %swap3A_731] {strides = array<i32>} : memref<128x64xf32, #tpu.memory_space<vmem>>, vector<16xf32>,
      tpu.vector_store %arg16[%swap3A_730, %swap3A_731], %gather3A_727 {strides = array<i32>} : memref<128x64xf32, #tpu.memory_space<vmem>>, vector<16xf32>,
      %iota3A_733 = tpu.iota {dimensions = array<i32: 0>} : vector<16xi32>
      %add3A_734 = arith.constant 48 : i32
      %add3A_735 = vector.broadcast %add3A_734 : i32 to vector<16xi32>
      %add3A_736 = arith.addi %iota3A_733, %add3A_735 : vector<16xi32>
      %gather3A_737 = tpu.vector_load_idx %arg15[%add3A_736, %broadcast_in_dim3A_702] : memref<64x128xf32, #tpu.memory_space<vmem>>[vector<16xi32>, vector<16xi32>], vector<16xf32>,
      %add3A_738 = arith.constant 9 : i32
      %add3A_739 = arith.addi %mul3A_82, %add3A_738 : i32
      %swap3A_740 = arith.index_cast %add3A_739 : i32 to index
      %swap3A_741 = arith.constant 48 : index
      %swap3A_742 = tpu.vector_load %arg16[%swap3A_740, %swap3A_741] {strides = array<i32>} : memref<128x64xf32, #tpu.memory_space<vmem>>, vector<16xf32>,
      tpu.vector_store %arg16[%swap3A_740, %swap3A_741], %gather3A_737 {strides = array<i32>} : memref<128x64xf32, #tpu.memory_space<vmem>>, vector<16xf32>,
      %dma_wait3A_743 = arith.constant 0 : i32
      %dma_wait3A_744 = tpu.memref_slice %arg3[%dma_wait3A_743, %multiple_of3A_242] : memref<64x1000000xf32, #tpu.memory_space<hbm>> -> memref<64x128xf32, #tpu.memory_space<hbm>>
      %dma_wait3A_745 = arith.constant 0 : i32
      %dma_wait3A_746 = tpu.memref_slice %arg3[%dma_wait3A_745, %multiple_of3A_242] : memref<64x1000000xf32, #tpu.memory_space<hbm>> -> memref<64x128xf32, #tpu.memory_space<hbm>>
      tpu.wait_dma2 semaphore(%arg18 : memref<!tpu.dma_semaphore, #tpu.memory_space<semaphore_mem>>) src(%dma_wait3A_746 : memref<64x128xf32, #tpu.memory_space<hbm>>) dst(%arg6 : memref<64x128xf32, #tpu.memory_space<vmem>>)
      %slice3A_747 = vector.extract_strided_slice %get3A_85 {offsets = [10], sizes = [1], strides = [1]} : vector<16xi32> to vector<1xi32>
      %squeeze3A_748 = vector.extract %slice3A_747[0] : i32 from vector<1xi32>
      %and3A_749 = arith.constant 127 : i32
      %and3A_750 = arith.andi %squeeze3A_748, %and3A_749 : i32
      %broadcast_in_dim3A_751 = vector.broadcast %and3A_750 : i32 to vector<16xi32>
      %iota3A_752 = tpu.iota {dimensions = array<i32: 0>} : vector<16xi32>
      %add3A_753 = arith.constant 0 : i32
      %add3A_754 = vector.broadcast %add3A_753 : i32 to vector<16xi32>
      %add3A_755 = arith.addi %iota3A_752, %add3A_754 : vector<16xi32>
      %gather3A_756 = tpu.vector_load_idx %arg6[%add3A_755, %broadcast_in_dim3A_751] : memref<64x128xf32, #tpu.memory_space<vmem>>[vector<16xi32>, vector<16xi32>], vector<16xf32>,
      %add3A_757 = arith.constant 10 : i32
      %add3A_758 = arith.addi %mul3A_82, %add3A_757 : i32
      %swap3A_759 = arith.index_cast %add3A_758 : i32 to index
      %swap3A_760 = arith.constant 0 : index
      %swap3A_761 = tpu.vector_load %arg16[%swap3A_759, %swap3A_760] {strides = array<i32>} : memref<128x64xf32, #tpu.memory_space<vmem>>, vector<16xf32>,
      tpu.vector_store %arg16[%swap3A_759, %swap3A_760], %gather3A_756 {strides = array<i32>} : memref<128x64xf32, #tpu.memory_space<vmem>>, vector<16xf32>,
      %iota3A_762 = tpu.iota {dimensions = array<i32: 0>} : vector<16xi32>
      %add3A_763 = arith.constant 16 : i32
      %add3A_764 = vector.broadcast %add3A_763 : i32 to vector<16xi32>
      %add3A_765 = arith.addi %iota3A_762, %add3A_764 : vector<16xi32>
      %gather3A_766 = tpu.vector_load_idx %arg6[%add3A_765, %broadcast_in_dim3A_751] : memref<64x128xf32, #tpu.memory_space<vmem>>[vector<16xi32>, vector<16xi32>], vector<16xf32>,
      %add3A_767 = arith.constant 10 : i32
      %add3A_768 = arith.addi %mul3A_82, %add3A_767 : i32
      %swap3A_769 = arith.index_cast %add3A_768 : i32 to index
      %swap3A_770 = arith.constant 16 : index
      %swap3A_771 = tpu.vector_load %arg16[%swap3A_769, %swap3A_770] {strides = array<i32>} : memref<128x64xf32, #tpu.memory_space<vmem>>, vector<16xf32>,
      tpu.vector_store %arg16[%swap3A_769, %swap3A_770], %gather3A_766 {strides = array<i32>} : memref<128x64xf32, #tpu.memory_space<vmem>>, vector<16xf32>,
      %iota3A_772 = tpu.iota {dimensions = array<i32: 0>} : vector<16xi32>
      %add3A_773 = arith.constant 32 : i32
      %add3A_774 = vector.broadcast %add3A_773 : i32 to vector<16xi32>
      %add3A_775 = arith.addi %iota3A_772, %add3A_774 : vector<16xi32>
      %gather3A_776 = tpu.vector_load_idx %arg6[%add3A_775, %broadcast_in_dim3A_751] : memref<64x128xf32, #tpu.memory_space<vmem>>[vector<16xi32>, vector<16xi32>], vector<16xf32>,
      %add3A_777 = arith.constant 10 : i32
      %add3A_778 = arith.addi %mul3A_82, %add3A_777 : i32
      %swap3A_779 = arith.index_cast %add3A_778 : i32 to index
      %swap3A_780 = arith.constant 32 : index
      %swap3A_781 = tpu.vector_load %arg16[%swap3A_779, %swap3A_780] {strides = array<i32>} : memref<128x64xf32, #tpu.memory_space<vmem>>, vector<16xf32>,
      tpu.vector_store %arg16[%swap3A_779, %swap3A_780], %gather3A_776 {strides = array<i32>} : memref<128x64xf32, #tpu.memory_space<vmem>>, vector<16xf32>,
      %iota3A_782 = tpu.iota {dimensions = array<i32: 0>} : vector<16xi32>
      %add3A_783 = arith.constant 48 : i32
      %add3A_784 = vector.broadcast %add3A_783 : i32 to vector<16xi32>
      %add3A_785 = arith.addi %iota3A_782, %add3A_784 : vector<16xi32>
      %gather3A_786 = tpu.vector_load_idx %arg6[%add3A_785, %broadcast_in_dim3A_751] : memref<64x128xf32, #tpu.memory_space<vmem>>[vector<16xi32>, vector<16xi32>], vector<16xf32>,
      %add3A_787 = arith.constant 10 : i32
      %add3A_788 = arith.addi %mul3A_82, %add3A_787 : i32
      %swap3A_789 = arith.index_cast %add3A_788 : i32 to index
      %swap3A_790 = arith.constant 48 : index
      %swap3A_791 = tpu.vector_load %arg16[%swap3A_789, %swap3A_790] {strides = array<i32>} : memref<128x64xf32, #tpu.memory_space<vmem>>, vector<16xf32>,
      tpu.vector_store %arg16[%swap3A_789, %swap3A_790], %gather3A_786 {strides = array<i32>} : memref<128x64xf32, #tpu.memory_space<vmem>>, vector<16xf32>,
      %dma_wait3A_792 = arith.constant 0 : i32
      %dma_wait3A_793 = tpu.memref_slice %arg3[%dma_wait3A_792, %multiple_of3A_302] : memref<64x1000000xf32, #tpu.memory_space<hbm>> -> memref<64x128xf32, #tpu.memory_space<hbm>>
      %dma_wait3A_794 = arith.constant 0 : i32
      %dma_wait3A_795 = tpu.memref_slice %arg3[%dma_wait3A_794, %multiple_of3A_302] : memref<64x1000000xf32, #tpu.memory_space<hbm>> -> memref<64x128xf32, #tpu.memory_space<hbm>>
      tpu.wait_dma2 semaphore(%arg18 : memref<!tpu.dma_semaphore, #tpu.memory_space<semaphore_mem>>) src(%dma_wait3A_795 : memref<64x128xf32, #tpu.memory_space<hbm>>) dst(%arg7 : memref<64x128xf32, #tpu.memory_space<vmem>>)
      %slice3A_796 = vector.extract_strided_slice %get3A_85 {offsets = [11], sizes = [1], strides = [1]} : vector<16xi32> to vector<1xi32>
      %squeeze3A_797 = vector.extract %slice3A_796[0] : i32 from vector<1xi32>
      %and3A_798 = arith.constant 127 : i32
      %and3A_799 = arith.andi %squeeze3A_797, %and3A_798 : i32
      %broadcast_in_dim3A_800 = vector.broadcast %and3A_799 : i32 to vector<16xi32>
      %iota3A_801 = tpu.iota {dimensions = array<i32: 0>} : vector<16xi32>
      %add3A_802 = arith.constant 0 : i32
      %add3A_803 = vector.broadcast %add3A_802 : i32 to vector<16xi32>
      %add3A_804 = arith.addi %iota3A_801, %add3A_803 : vector<16xi32>
      %gather3A_805 = tpu.vector_load_idx %arg7[%add3A_804, %broadcast_in_dim3A_800] : memref<64x128xf32, #tpu.memory_space<vmem>>[vector<16xi32>, vector<16xi32>], vector<16xf32>,
      %add3A_806 = arith.constant 11 : i32
      %add3A_807 = arith.addi %mul3A_82, %add3A_806 : i32
      %swap3A_808 = arith.index_cast %add3A_807 : i32 to index
      %swap3A_809 = arith.constant 0 : index
      %swap3A_810 = tpu.vector_load %arg16[%swap3A_808, %swap3A_809] {strides = array<i32>} : memref<128x64xf32, #tpu.memory_space<vmem>>, vector<16xf32>,
      tpu.vector_store %arg16[%swap3A_808, %swap3A_809], %gather3A_805 {strides = array<i32>} : memref<128x64xf32, #tpu.memory_space<vmem>>, vector<16xf32>,
      %iota3A_811 = tpu.iota {dimensions = array<i32: 0>} : vector<16xi32>
      %add3A_812 = arith.constant 16 : i32
      %add3A_813 = vector.broadcast %add3A_812 : i32 to vector<16xi32>
      %add3A_814 = arith.addi %iota3A_811, %add3A_813 : vector<16xi32>
      %gather3A_815 = tpu.vector_load_idx %arg7[%add3A_814, %broadcast_in_dim3A_800] : memref<64x128xf32, #tpu.memory_space<vmem>>[vector<16xi32>, vector<16xi32>], vector<16xf32>,
      %add3A_816 = arith.constant 11 : i32
      %add3A_817 = arith.addi %mul3A_82, %add3A_816 : i32
      %swap3A_818 = arith.index_cast %add3A_817 : i32 to index
      %swap3A_819 = arith.constant 16 : index
      %swap3A_820 = tpu.vector_load %arg16[%swap3A_818, %swap3A_819] {strides = array<i32>} : memref<128x64xf32, #tpu.memory_space<vmem>>, vector<16xf32>,
      tpu.vector_store %arg16[%swap3A_818, %swap3A_819], %gather3A_815 {strides = array<i32>} : memref<128x64xf32, #tpu.memory_space<vmem>>, vector<16xf32>,
      %iota3A_821 = tpu.iota {dimensions = array<i32: 0>} : vector<16xi32>
      %add3A_822 = arith.constant 32 : i32
      %add3A_823 = vector.broadcast %add3A_822 : i32 to vector<16xi32>
      %add3A_824 = arith.addi %iota3A_821, %add3A_823 : vector<16xi32>
      %gather3A_825 = tpu.vector_load_idx %arg7[%add3A_824, %broadcast_in_dim3A_800] : memref<64x128xf32, #tpu.memory_space<vmem>>[vector<16xi32>, vector<16xi32>], vector<16xf32>,
      %add3A_826 = arith.constant 11 : i32
      %add3A_827 = arith.addi %mul3A_82, %add3A_826 : i32
      %swap3A_828 = arith.index_cast %add3A_827 : i32 to index
      %swap3A_829 = arith.constant 32 : index
      %swap3A_830 = tpu.vector_load %arg16[%swap3A_828, %swap3A_829] {strides = array<i32>} : memref<128x64xf32, #tpu.memory_space<vmem>>, vector<16xf32>,
      tpu.vector_store %arg16[%swap3A_828, %swap3A_829], %gather3A_825 {strides = array<i32>} : memref<128x64xf32, #tpu.memory_space<vmem>>, vector<16xf32>,
      %iota3A_831 = tpu.iota {dimensions = array<i32: 0>} : vector<16xi32>
      %add3A_832 = arith.constant 48 : i32
      %add3A_833 = vector.broadcast %add3A_832 : i32 to vector<16xi32>
      %add3A_834 = arith.addi %iota3A_831, %add3A_833 : vector<16xi32>
      %gather3A_835 = tpu.vector_load_idx %arg7[%add3A_834, %broadcast_in_dim3A_800] : memref<64x128xf32, #tpu.memory_space<vmem>>[vector<16xi32>, vector<16xi32>], vector<16xf32>,
      %add3A_836 = arith.constant 11 : i32
      %add3A_837 = arith.addi %mul3A_82, %add3A_836 : i32
      %swap3A_838 = arith.index_cast %add3A_837 : i32 to index
      %swap3A_839 = arith.constant 48 : index
      %swap3A_840 = tpu.vector_load %arg16[%swap3A_838, %swap3A_839] {strides = array<i32>} : memref<128x64xf32, #tpu.memory_space<vmem>>, vector<16xf32>,
      tpu.vector_store %arg16[%swap3A_838, %swap3A_839], %gather3A_835 {strides = array<i32>} : memref<128x64xf32, #tpu.memory_space<vmem>>, vector<16xf32>,
      %dma_wait3A_841 = arith.constant 0 : i32
      %dma_wait3A_842 = tpu.memref_slice %arg3[%dma_wait3A_841, %multiple_of3A_362] : memref<64x1000000xf32, #tpu.memory_space<hbm>> -> memref<64x128xf32, #tpu.memory_space<hbm>>
      %dma_wait3A_843 = arith.constant 0 : i32
      %dma_wait3A_844 = tpu.memref_slice %arg3[%dma_wait3A_843, %multiple_of3A_362] : memref<64x1000000xf32, #tpu.memory_space<hbm>> -> memref<64x128xf32, #tpu.memory_space<hbm>>
      tpu.wait_dma2 semaphore(%arg18 : memref<!tpu.dma_semaphore, #tpu.memory_space<semaphore_mem>>) src(%dma_wait3A_844 : memref<64x128xf32, #tpu.memory_space<hbm>>) dst(%arg8 : memref<64x128xf32, #tpu.memory_space<vmem>>)
      %slice3A_845 = vector.extract_strided_slice %get3A_85 {offsets = [12], sizes = [1], strides = [1]} : vector<16xi32> to vector<1xi32>
      %squeeze3A_846 = vector.extract %slice3A_845[0] : i32 from vector<1xi32>
      %and3A_847 = arith.constant 127 : i32
      %and3A_848 = arith.andi %squeeze3A_846, %and3A_847 : i32
      %broadcast_in_dim3A_849 = vector.broadcast %and3A_848 : i32 to vector<16xi32>
      %iota3A_850 = tpu.iota {dimensions = array<i32: 0>} : vector<16xi32>
      %add3A_851 = arith.constant 0 : i32
      %add3A_852 = vector.broadcast %add3A_851 : i32 to vector<16xi32>
      %add3A_853 = arith.addi %iota3A_850, %add3A_852 : vector<16xi32>
      %gather3A_854 = tpu.vector_load_idx %arg8[%add3A_853, %broadcast_in_dim3A_849] : memref<64x128xf32, #tpu.memory_space<vmem>>[vector<16xi32>, vector<16xi32>], vector<16xf32>,
      %add3A_855 = arith.constant 12 : i32
      %add3A_856 = arith.addi %mul3A_82, %add3A_855 : i32
      %swap3A_857 = arith.index_cast %add3A_856 : i32 to index
      %swap3A_858 = arith.constant 0 : index
      %swap3A_859 = tpu.vector_load %arg16[%swap3A_857, %swap3A_858] {strides = array<i32>} : memref<128x64xf32, #tpu.memory_space<vmem>>, vector<16xf32>,
      tpu.vector_store %arg16[%swap3A_857, %swap3A_858], %gather3A_854 {strides = array<i32>} : memref<128x64xf32, #tpu.memory_space<vmem>>, vector<16xf32>,
      %iota3A_860 = tpu.iota {dimensions = array<i32: 0>} : vector<16xi32>
      %add3A_861 = arith.constant 16 : i32
      %add3A_862 = vector.broadcast %add3A_861 : i32 to vector<16xi32>
      %add3A_863 = arith.addi %iota3A_860, %add3A_862 : vector<16xi32>
      %gather3A_864 = tpu.vector_load_idx %arg8[%add3A_863, %broadcast_in_dim3A_849] : memref<64x128xf32, #tpu.memory_space<vmem>>[vector<16xi32>, vector<16xi32>], vector<16xf32>,
      %add3A_865 = arith.constant 12 : i32
      %add3A_866 = arith.addi %mul3A_82, %add3A_865 : i32
      %swap3A_867 = arith.index_cast %add3A_866 : i32 to index
      %swap3A_868 = arith.constant 16 : index
      %swap3A_869 = tpu.vector_load %arg16[%swap3A_867, %swap3A_868] {strides = array<i32>} : memref<128x64xf32, #tpu.memory_space<vmem>>, vector<16xf32>,
      tpu.vector_store %arg16[%swap3A_867, %swap3A_868], %gather3A_864 {strides = array<i32>} : memref<128x64xf32, #tpu.memory_space<vmem>>, vector<16xf32>,
      %iota3A_870 = tpu.iota {dimensions = array<i32: 0>} : vector<16xi32>
      %add3A_871 = arith.constant 32 : i32
      %add3A_872 = vector.broadcast %add3A_871 : i32 to vector<16xi32>
      %add3A_873 = arith.addi %iota3A_870, %add3A_872 : vector<16xi32>
      %gather3A_874 = tpu.vector_load_idx %arg8[%add3A_873, %broadcast_in_dim3A_849] : memref<64x128xf32, #tpu.memory_space<vmem>>[vector<16xi32>, vector<16xi32>], vector<16xf32>,
      %add3A_875 = arith.constant 12 : i32
      %add3A_876 = arith.addi %mul3A_82, %add3A_875 : i32
      %swap3A_877 = arith.index_cast %add3A_876 : i32 to index
      %swap3A_878 = arith.constant 32 : index
      %swap3A_879 = tpu.vector_load %arg16[%swap3A_877, %swap3A_878] {strides = array<i32>} : memref<128x64xf32, #tpu.memory_space<vmem>>, vector<16xf32>,
      tpu.vector_store %arg16[%swap3A_877, %swap3A_878], %gather3A_874 {strides = array<i32>} : memref<128x64xf32, #tpu.memory_space<vmem>>, vector<16xf32>,
      %iota3A_880 = tpu.iota {dimensions = array<i32: 0>} : vector<16xi32>
      %add3A_881 = arith.constant 48 : i32
      %add3A_882 = vector.broadcast %add3A_881 : i32 to vector<16xi32>
      %add3A_883 = arith.addi %iota3A_880, %add3A_882 : vector<16xi32>
      %gather3A_884 = tpu.vector_load_idx %arg8[%add3A_883, %broadcast_in_dim3A_849] : memref<64x128xf32, #tpu.memory_space<vmem>>[vector<16xi32>, vector<16xi32>], vector<16xf32>,
      %add3A_885 = arith.constant 12 : i32
      %add3A_886 = arith.addi %mul3A_82, %add3A_885 : i32
      %swap3A_887 = arith.index_cast %add3A_886 : i32 to index
      %swap3A_888 = arith.constant 48 : index
      %swap3A_889 = tpu.vector_load %arg16[%swap3A_887, %swap3A_888] {strides = array<i32>} : memref<128x64xf32, #tpu.memory_space<vmem>>, vector<16xf32>,
      tpu.vector_store %arg16[%swap3A_887, %swap3A_888], %gather3A_884 {strides = array<i32>} : memref<128x64xf32, #tpu.memory_space<vmem>>, vector<16xf32>,
      %dma_wait3A_890 = arith.constant 0 : i32
      %dma_wait3A_891 = tpu.memref_slice %arg3[%dma_wait3A_890, %multiple_of3A_422] : memref<64x1000000xf32, #tpu.memory_space<hbm>> -> memref<64x128xf32, #tpu.memory_space<hbm>>
      %dma_wait3A_892 = arith.constant 0 : i32
      %dma_wait3A_893 = tpu.memref_slice %arg3[%dma_wait3A_892, %multiple_of3A_422] : memref<64x1000000xf32, #tpu.memory_space<hbm>> -> memref<64x128xf32, #tpu.memory_space<hbm>>
      tpu.wait_dma2 semaphore(%arg18 : memref<!tpu.dma_semaphore, #tpu.memory_space<semaphore_mem>>) src(%dma_wait3A_893 : memref<64x128xf32, #tpu.memory_space<hbm>>) dst(%arg9 : memref<64x128xf32, #tpu.memory_space<vmem>>)
      %slice3A_894 = vector.extract_strided_slice %get3A_85 {offsets = [13], sizes = [1], strides = [1]} : vector<16xi32> to vector<1xi32>
      %squeeze3A_895 = vector.extract %slice3A_894[0] : i32 from vector<1xi32>
      %and3A_896 = arith.constant 127 : i32
      %and3A_897 = arith.andi %squeeze3A_895, %and3A_896 : i32
      %broadcast_in_dim3A_898 = vector.broadcast %and3A_897 : i32 to vector<16xi32>
      %iota3A_899 = tpu.iota {dimensions = array<i32: 0>} : vector<16xi32>
      %add3A_900 = arith.constant 0 : i32
      %add3A_901 = vector.broadcast %add3A_900 : i32 to vector<16xi32>
      %add3A_902 = arith.addi %iota3A_899, %add3A_901 : vector<16xi32>
      %gather3A_903 = tpu.vector_load_idx %arg9[%add3A_902, %broadcast_in_dim3A_898] : memref<64x128xf32, #tpu.memory_space<vmem>>[vector<16xi32>, vector<16xi32>], vector<16xf32>,
      %add3A_904 = arith.constant 13 : i32
      %add3A_905 = arith.addi %mul3A_82, %add3A_904 : i32
      %swap3A_906 = arith.index_cast %add3A_905 : i32 to index
      %swap3A_907 = arith.constant 0 : index
      %swap3A_908 = tpu.vector_load %arg16[%swap3A_906, %swap3A_907] {strides = array<i32>} : memref<128x64xf32, #tpu.memory_space<vmem>>, vector<16xf32>,
      tpu.vector_store %arg16[%swap3A_906, %swap3A_907], %gather3A_903 {strides = array<i32>} : memref<128x64xf32, #tpu.memory_space<vmem>>, vector<16xf32>,
      %iota3A_909 = tpu.iota {dimensions = array<i32: 0>} : vector<16xi32>
      %add3A_910 = arith.constant 16 : i32
      %add3A_911 = vector.broadcast %add3A_910 : i32 to vector<16xi32>
      %add3A_912 = arith.addi %iota3A_909, %add3A_911 : vector<16xi32>
      %gather3A_913 = tpu.vector_load_idx %arg9[%add3A_912, %broadcast_in_dim3A_898] : memref<64x128xf32, #tpu.memory_space<vmem>>[vector<16xi32>, vector<16xi32>], vector<16xf32>,
      %add3A_914 = arith.constant 13 : i32
      %add3A_915 = arith.addi %mul3A_82, %add3A_914 : i32
      %swap3A_916 = arith.index_cast %add3A_915 : i32 to index
      %swap3A_917 = arith.constant 16 : index
      %swap3A_918 = tpu.vector_load %arg16[%swap3A_916, %swap3A_917] {strides = array<i32>} : memref<128x64xf32, #tpu.memory_space<vmem>>, vector<16xf32>,
      tpu.vector_store %arg16[%swap3A_916, %swap3A_917], %gather3A_913 {strides = array<i32>} : memref<128x64xf32, #tpu.memory_space<vmem>>, vector<16xf32>,
      %iota3A_919 = tpu.iota {dimensions = array<i32: 0>} : vector<16xi32>
      %add3A_920 = arith.constant 32 : i32
      %add3A_921 = vector.broadcast %add3A_920 : i32 to vector<16xi32>
      %add3A_922 = arith.addi %iota3A_919, %add3A_921 : vector<16xi32>
      %gather3A_923 = tpu.vector_load_idx %arg9[%add3A_922, %broadcast_in_dim3A_898] : memref<64x128xf32, #tpu.memory_space<vmem>>[vector<16xi32>, vector<16xi32>], vector<16xf32>,
      %add3A_924 = arith.constant 13 : i32
      %add3A_925 = arith.addi %mul3A_82, %add3A_924 : i32
      %swap3A_926 = arith.index_cast %add3A_925 : i32 to index
      %swap3A_927 = arith.constant 32 : index
      %swap3A_928 = tpu.vector_load %arg16[%swap3A_926, %swap3A_927] {strides = array<i32>} : memref<128x64xf32, #tpu.memory_space<vmem>>, vector<16xf32>,
      tpu.vector_store %arg16[%swap3A_926, %swap3A_927], %gather3A_923 {strides = array<i32>} : memref<128x64xf32, #tpu.memory_space<vmem>>, vector<16xf32>,
      %iota3A_929 = tpu.iota {dimensions = array<i32: 0>} : vector<16xi32>
      %add3A_930 = arith.constant 48 : i32
      %add3A_931 = vector.broadcast %add3A_930 : i32 to vector<16xi32>
      %add3A_932 = arith.addi %iota3A_929, %add3A_931 : vector<16xi32>
      %gather3A_933 = tpu.vector_load_idx %arg9[%add3A_932, %broadcast_in_dim3A_898] : memref<64x128xf32, #tpu.memory_space<vmem>>[vector<16xi32>, vector<16xi32>], vector<16xf32>,
      %add3A_934 = arith.constant 13 : i32
      %add3A_935 = arith.addi %mul3A_82, %add3A_934 : i32
      %swap3A_936 = arith.index_cast %add3A_935 : i32 to index
      %swap3A_937 = arith.constant 48 : index
      %swap3A_938 = tpu.vector_load %arg16[%swap3A_936, %swap3A_937] {strides = array<i32>} : memref<128x64xf32, #tpu.memory_space<vmem>>, vector<16xf32>,
      tpu.vector_store %arg16[%swap3A_936, %swap3A_937], %gather3A_933 {strides = array<i32>} : memref<128x64xf32, #tpu.memory_space<vmem>>, vector<16xf32>,
      %dma_wait3A_939 = arith.constant 0 : i32
      %dma_wait3A_940 = tpu.memref_slice %arg3[%dma_wait3A_939, %multiple_of3A_482] : memref<64x1000000xf32, #tpu.memory_space<hbm>> -> memref<64x128xf32, #tpu.memory_space<hbm>>
      %dma_wait3A_941 = arith.constant 0 : i32
      %dma_wait3A_942 = tpu.memref_slice %arg3[%dma_wait3A_941, %multiple_of3A_482] : memref<64x1000000xf32, #tpu.memory_space<hbm>> -> memref<64x128xf32, #tpu.memory_space<hbm>>
      tpu.wait_dma2 semaphore(%arg18 : memref<!tpu.dma_semaphore, #tpu.memory_space<semaphore_mem>>) src(%dma_wait3A_942 : memref<64x128xf32, #tpu.memory_space<hbm>>) dst(%arg10 : memref<64x128xf32, #tpu.memory_space<vmem>>)
      %slice3A_943 = vector.extract_strided_slice %get3A_85 {offsets = [14], sizes = [1], strides = [1]} : vector<16xi32> to vector<1xi32>
      %squeeze3A_944 = vector.extract %slice3A_943[0] : i32 from vector<1xi32>
      %and3A_945 = arith.constant 127 : i32
      %and3A_946 = arith.andi %squeeze3A_944, %and3A_945 : i32
      %broadcast_in_dim3A_947 = vector.broadcast %and3A_946 : i32 to vector<16xi32>
      %iota3A_948 = tpu.iota {dimensions = array<i32: 0>} : vector<16xi32>
      %add3A_949 = arith.constant 0 : i32
      %add3A_950 = vector.broadcast %add3A_949 : i32 to vector<16xi32>
      %add3A_951 = arith.addi %iota3A_948, %add3A_950 : vector<16xi32>
      %gather3A_952 = tpu.vector_load_idx %arg10[%add3A_951, %broadcast_in_dim3A_947] : memref<64x128xf32, #tpu.memory_space<vmem>>[vector<16xi32>, vector<16xi32>], vector<16xf32>,
      %add3A_953 = arith.constant 14 : i32
      %add3A_954 = arith.addi %mul3A_82, %add3A_953 : i32
      %swap3A_955 = arith.index_cast %add3A_954 : i32 to index
      %swap3A_956 = arith.constant 0 : index
      %swap3A_957 = tpu.vector_load %arg16[%swap3A_955, %swap3A_956] {strides = array<i32>} : memref<128x64xf32, #tpu.memory_space<vmem>>, vector<16xf32>,
      tpu.vector_store %arg16[%swap3A_955, %swap3A_956], %gather3A_952 {strides = array<i32>} : memref<128x64xf32, #tpu.memory_space<vmem>>, vector<16xf32>,
      %iota3A_958 = tpu.iota {dimensions = array<i32: 0>} : vector<16xi32>
      %add3A_959 = arith.constant 16 : i32
      %add3A_960 = vector.broadcast %add3A_959 : i32 to vector<16xi32>
      %add3A_961 = arith.addi %iota3A_958, %add3A_960 : vector<16xi32>
      %gather3A_962 = tpu.vector_load_idx %arg10[%add3A_961, %broadcast_in_dim3A_947] : memref<64x128xf32, #tpu.memory_space<vmem>>[vector<16xi32>, vector<16xi32>], vector<16xf32>,
      %add3A_963 = arith.constant 14 : i32
      %add3A_964 = arith.addi %mul3A_82, %add3A_963 : i32
      %swap3A_965 = arith.index_cast %add3A_964 : i32 to index
      %swap3A_966 = arith.constant 16 : index
      %swap3A_967 = tpu.vector_load %arg16[%swap3A_965, %swap3A_966] {strides = array<i32>} : memref<128x64xf32, #tpu.memory_space<vmem>>, vector<16xf32>,
      tpu.vector_store %arg16[%swap3A_965, %swap3A_966], %gather3A_962 {strides = array<i32>} : memref<128x64xf32, #tpu.memory_space<vmem>>, vector<16xf32>,
      %iota3A_968 = tpu.iota {dimensions = array<i32: 0>} : vector<16xi32>
      %add3A_969 = arith.constant 32 : i32
      %add3A_970 = vector.broadcast %add3A_969 : i32 to vector<16xi32>
      %add3A_971 = arith.addi %iota3A_968, %add3A_970 : vector<16xi32>
      %gather3A_972 = tpu.vector_load_idx %arg10[%add3A_971, %broadcast_in_dim3A_947] : memref<64x128xf32, #tpu.memory_space<vmem>>[vector<16xi32>, vector<16xi32>], vector<16xf32>,
      %add3A_973 = arith.constant 14 : i32
      %add3A_974 = arith.addi %mul3A_82, %add3A_973 : i32
      %swap3A_975 = arith.index_cast %add3A_974 : i32 to index
      %swap3A_976 = arith.constant 32 : index
      %swap3A_977 = tpu.vector_load %arg16[%swap3A_975, %swap3A_976] {strides = array<i32>} : memref<128x64xf32, #tpu.memory_space<vmem>>, vector<16xf32>,
      tpu.vector_store %arg16[%swap3A_975, %swap3A_976], %gather3A_972 {strides = array<i32>} : memref<128x64xf32, #tpu.memory_space<vmem>>, vector<16xf32>,
      %iota3A_978 = tpu.iota {dimensions = array<i32: 0>} : vector<16xi32>
      %add3A_979 = arith.constant 48 : i32
      %add3A_980 = vector.broadcast %add3A_979 : i32 to vector<16xi32>
      %add3A_981 = arith.addi %iota3A_978, %add3A_980 : vector<16xi32>
      %gather3A_982 = tpu.vector_load_idx %arg10[%add3A_981, %broadcast_in_dim3A_947] : memref<64x128xf32, #tpu.memory_space<vmem>>[vector<16xi32>, vector<16xi32>], vector<16xf32>,
      %add3A_983 = arith.constant 14 : i32
      %add3A_984 = arith.addi %mul3A_82, %add3A_983 : i32
      %swap3A_985 = arith.index_cast %add3A_984 : i32 to index
      %swap3A_986 = arith.constant 48 : index
      %swap3A_987 = tpu.vector_load %arg16[%swap3A_985, %swap3A_986] {strides = array<i32>} : memref<128x64xf32, #tpu.memory_space<vmem>>, vector<16xf32>,
      tpu.vector_store %arg16[%swap3A_985, %swap3A_986], %gather3A_982 {strides = array<i32>} : memref<128x64xf32, #tpu.memory_space<vmem>>, vector<16xf32>,
      %dma_wait3A_988 = arith.constant 0 : i32
      %dma_wait3A_989 = tpu.memref_slice %arg3[%dma_wait3A_988, %multiple_of3A_542] : memref<64x1000000xf32, #tpu.memory_space<hbm>> -> memref<64x128xf32, #tpu.memory_space<hbm>>
      %dma_wait3A_990 = arith.constant 0 : i32
      %dma_wait3A_991 = tpu.memref_slice %arg3[%dma_wait3A_990, %multiple_of3A_542] : memref<64x1000000xf32, #tpu.memory_space<hbm>> -> memref<64x128xf32, #tpu.memory_space<hbm>>
      tpu.wait_dma2 semaphore(%arg18 : memref<!tpu.dma_semaphore, #tpu.memory_space<semaphore_mem>>) src(%dma_wait3A_991 : memref<64x128xf32, #tpu.memory_space<hbm>>) dst(%arg11 : memref<64x128xf32, #tpu.memory_space<vmem>>)
      %slice3A_992 = vector.extract_strided_slice %get3A_85 {offsets = [15], sizes = [1], strides = [1]} : vector<16xi32> to vector<1xi32>
      %squeeze3A_993 = vector.extract %slice3A_992[0] : i32 from vector<1xi32>
      %and3A_994 = arith.constant 127 : i32
      %and3A_995 = arith.andi %squeeze3A_993, %and3A_994 : i32
      %broadcast_in_dim3A_996 = vector.broadcast %and3A_995 : i32 to vector<16xi32>
      %iota3A_997 = tpu.iota {dimensions = array<i32: 0>} : vector<16xi32>
      %add3A_998 = arith.constant 0 : i32
      %add3A_999 = vector.broadcast %add3A_998 : i32 to vector<16xi32>
      %add3A_1000 = arith.addi %iota3A_997, %add3A_999 : vector<16xi32>
      %gather3A_1001 = tpu.vector_load_idx %arg11[%add3A_1000, %broadcast_in_dim3A_996] : memref<64x128xf32, #tpu.memory_space<vmem>>[vector<16xi32>, vector<16xi32>], vector<16xf32>,
      %add3A_1002 = arith.constant 15 : i32
      %add3A_1003 = arith.addi %mul3A_82, %add3A_1002 : i32
      %swap3A_1004 = arith.index_cast %add3A_1003 : i32 to index
      %swap3A_1005 = arith.constant 0 : index
      %swap3A_1006 = tpu.vector_load %arg16[%swap3A_1004, %swap3A_1005] {strides = array<i32>} : memref<128x64xf32, #tpu.memory_space<vmem>>, vector<16xf32>,
      tpu.vector_store %arg16[%swap3A_1004, %swap3A_1005], %gather3A_1001 {strides = array<i32>} : memref<128x64xf32, #tpu.memory_space<vmem>>, vector<16xf32>,
      %iota3A_1007 = tpu.iota {dimensions = array<i32: 0>} : vector<16xi32>
      %add3A_1008 = arith.constant 16 : i32
      %add3A_1009 = vector.broadcast %add3A_1008 : i32 to vector<16xi32>
      %add3A_1010 = arith.addi %iota3A_1007, %add3A_1009 : vector<16xi32>
      %gather3A_1011 = tpu.vector_load_idx %arg11[%add3A_1010, %broadcast_in_dim3A_996] : memref<64x128xf32, #tpu.memory_space<vmem>>[vector<16xi32>, vector<16xi32>], vector<16xf32>,
      %add3A_1012 = arith.constant 15 : i32
      %add3A_1013 = arith.addi %mul3A_82, %add3A_1012 : i32
      %swap3A_1014 = arith.index_cast %add3A_1013 : i32 to index
      %swap3A_1015 = arith.constant 16 : index
      %swap3A_1016 = tpu.vector_load %arg16[%swap3A_1014, %swap3A_1015] {strides = array<i32>} : memref<128x64xf32, #tpu.memory_space<vmem>>, vector<16xf32>,
      tpu.vector_store %arg16[%swap3A_1014, %swap3A_1015], %gather3A_1011 {strides = array<i32>} : memref<128x64xf32, #tpu.memory_space<vmem>>, vector<16xf32>,
      %iota3A_1017 = tpu.iota {dimensions = array<i32: 0>} : vector<16xi32>
      %add3A_1018 = arith.constant 32 : i32
      %add3A_1019 = vector.broadcast %add3A_1018 : i32 to vector<16xi32>
      %add3A_1020 = arith.addi %iota3A_1017, %add3A_1019 : vector<16xi32>
      %gather3A_1021 = tpu.vector_load_idx %arg11[%add3A_1020, %broadcast_in_dim3A_996] : memref<64x128xf32, #tpu.memory_space<vmem>>[vector<16xi32>, vector<16xi32>], vector<16xf32>,
      %add3A_1022 = arith.constant 15 : i32
      %add3A_1023 = arith.addi %mul3A_82, %add3A_1022 : i32
      %swap3A_1024 = arith.index_cast %add3A_1023 : i32 to index
      %swap3A_1025 = arith.constant 32 : index
      %swap3A_1026 = tpu.vector_load %arg16[%swap3A_1024, %swap3A_1025] {strides = array<i32>} : memref<128x64xf32, #tpu.memory_space<vmem>>, vector<16xf32>,
      tpu.vector_store %arg16[%swap3A_1024, %swap3A_1025], %gather3A_1021 {strides = array<i32>} : memref<128x64xf32, #tpu.memory_space<vmem>>, vector<16xf32>,
      %iota3A_1027 = tpu.iota {dimensions = array<i32: 0>} : vector<16xi32>
      %add3A_1028 = arith.constant 48 : i32
      %add3A_1029 = vector.broadcast %add3A_1028 : i32 to vector<16xi32>
      %add3A_1030 = arith.addi %iota3A_1027, %add3A_1029 : vector<16xi32>
      %gather3A_1031 = tpu.vector_load_idx %arg11[%add3A_1030, %broadcast_in_dim3A_996] : memref<64x128xf32, #tpu.memory_space<vmem>>[vector<16xi32>, vector<16xi32>], vector<16xf32>,
      %add3A_1032 = arith.constant 15 : i32
      %add3A_1033 = arith.addi %mul3A_82, %add3A_1032 : i32
      %swap3A_1034 = arith.index_cast %add3A_1033 : i32 to index
      %swap3A_1035 = arith.constant 48 : index
      %swap3A_1036 = tpu.vector_load %arg16[%swap3A_1034, %swap3A_1035] {strides = array<i32>} : memref<128x64xf32, #tpu.memory_space<vmem>>, vector<16xf32>,
      tpu.vector_store %arg16[%swap3A_1034, %swap3A_1035], %gather3A_1031 {strides = array<i32>} : memref<128x64xf32, #tpu.memory_space<vmem>>, vector<16xf32>,
    }
    %scan3A_65 = arith.constant 8 : i32
    %add3A_66 = arith.constant 384 : i32
    %add3A_67 = arith.addi %mul3A_2, %add3A_66 : i32
    %dma_start3A_68 = arith.constant 0 : i32
    %dma_start3A_69 = tpu.memref_slice %arg4[%add3A_67, %dma_start3A_68] : memref<16384x64xf32, #tpu.memory_space<hbm>> -> memref<128x64xf32, #tpu.memory_space<hbm>>
    %dma_start3A_70 = arith.constant 0 : i32
    %dma_start3A_71 = tpu.memref_slice %arg4[%add3A_67, %dma_start3A_70] : memref<16384x64xf32, #tpu.memory_space<hbm>> -> memref<128x64xf32, #tpu.memory_space<hbm>>
    tpu.enqueue_dma source(%arg16 : memref<128x64xf32, #tpu.memory_space<vmem>>) target(%dma_start3A_71 : memref<128x64xf32, #tpu.memory_space<hbm>>) target_semaphore(%arg17 : memref<!tpu.dma_semaphore, #tpu.memory_space<semaphore_mem>>)
    %dma_wait3A_72 = arith.constant 0 : i32
    %dma_wait3A_73 = tpu.memref_slice %arg4[%add3A_67, %dma_wait3A_72] : memref<16384x64xf32, #tpu.memory_space<hbm>> -> memref<128x64xf32, #tpu.memory_space<hbm>>
    %dma_wait3A_74 = arith.constant 0 : i32
    %dma_wait3A_75 = tpu.memref_slice %arg4[%add3A_67, %dma_wait3A_74] : memref<16384x64xf32, #tpu.memory_space<hbm>> -> memref<128x64xf32, #tpu.memory_space<hbm>>
    tpu.wait_dma2 semaphore(%arg17 : memref<!tpu.dma_semaphore, #tpu.memory_space<semaphore_mem>>) src(%arg16 : memref<128x64xf32, #tpu.memory_space<vmem>>) dst(%dma_wait3A_75 : memref<128x64xf32, #tpu.memory_space<hbm>>)
    return
  }
}

</mosaic_0001>

<sc_bundles>
// kernel: kernel.3.cloned.1.call-start
scs
__scs_entry_jumppad:
0x0: {  	(pc) =	sbr.rel $0x88, $3  }
0x1: {  	(tag) =	ssettag $0x0;
	lr =	simm.s32 $0x1  }
0x2: {  	[smem:$0x3F9F] =	sst lr;
	_ =	strace $0xD0000000  }
0x3: {  	_ = 	snop  }
0x4: {  	_ = 	snop  }
0x5: {  	_ = 	snop  }
0x6: {  	_ = 	snop  }
0x7: {  	_ = 	snop  }
__scs_overlays_trampoline_lowered:
0x8: {  	[smem:$0x3FAE] =	sst s0  }
0x9: {  	[smem:$0x3FAF] =	sst s1  }
0xa: {  	[smem:$0x3FB0] =	sst s2  }
0xb: {  	[smem:$0x3FB1] =	sst s3  }
0xc: {  	[smem:$0x3FB2] =	sst s4  }
0xd: {  	[smem:$0x3FB3] =	sst s5  }
0xe: {  	[smem:$0x3FB4] =	sst s6  }
0xf: {  	[smem:$0x3FB5] =	sst s7  }
0x10: {  	[smem:$0x3FB6] =	sst s8  }
0x11: {  	[smem:$0x3FB7] =	sst s9;
	s0 =	simm.s32 @!p0 $0x0  }
0x12: {  	s1 =	sld [smem:$0x3F9D];
	s0 =	simm.s32 @p0 $0x1  }
0x13: {  	[smem:$0x3FB8] =	sst s0;
	s0 =	simm.s32 @!p1 $0x0  }
0x14: {  	s2 =	sld [smem:$0x3F9C];
	s0 =	simm.s32 @p1 $0x1  }
0x15: {  	[smem:$0x3FB9] =	sst s0;
	s0 =	simm.s32 @!p2 $0x0  }
0x16: {  	s3 =	sld [smem:$0x3FDB];
	s0 =	simm.s32 @p2 $0x1  }
0x17: {  	s4 =	simm.s32 $0x1BF5;
	[smem:$0x3FBB] =	sst s0  }
0x18: {  	s0 =	sld [smem:$0x3F9E];
	_ =	swait.ge [sflag:s4], $0x0  }
0x19: {  	s7 =	sld [smem:$0x3F9F]  }
0x1a: {  	s8 =	sadd.s32 $0xFFFFE003, lr  }
0x1b: {  	s9 =	sadd.s32 $0xFFFFFEF7, lr;
	s5 =	simm.s32 $0xFFFFFFFF;
	p2 =	slt.u32 s8, $0xFFFFF086  }
0x1c: {  	p1 =	slt.u32 s9, $0xF7A;
	s5 =	simm.s32 @!p2 $0x0  }
0x1d: {  	s5 =	simm.s32 @p1 $0x1;
	p0 =	seq.s32 s7, s2  }
0x1e: {  	s7 =	smul.u32 @!p0 $0xF7A, s2;
	p2 =	seq.s32 @!p0 s5, $0x0  }
0x1f: {  	s9 =	smul.u32 $0xF7A, s1;
	s8 =	simm.s32 @!p0 $0x1BF5;
	p2 =	por !p2, p0  }
0x20: {  	[sflag:s8] =	ssyncset.s32 @!p0 $0xFFFFF086;
	s6 =	sadd.s32 @!p0 s3, s7;
	s7 =	simm.s32 @!p0 $0x108  }
0x21: {  	s3 =	sadd.s32 s3, s9;
	s6 =	sadd.s32 @!p0 $0x88, s6;
	s7 =	simm.s32 @p2 $0x1082  }
0x22: {  	[simem:s7], [sflag:s8] =	dma.local @!p0 [hbm:s6], $0xF7A  }
0x23: {  	s9 =	sor.u32 $0xD0000000, s2;
	s6 =	simm.s32 $0x108;
	_ =	swait.ge @!p0 [sflag:s8], $0x0  }
0x24: {  	s3 =	sadd.s32 $0x88, s3;
	s6 =	simm.s32 @!p1 $0x1082;
	[sflag:s4] =	ssyncset.s32 $0xFFFFF086  }
0x25: {  	[simem:s6], [sflag:s4] =	dma.local [hbm:s3], $0xF7A  }
0x26: {  	[smem:$0x3F9F] =	sst s1;
	(tag) =	ssettag s2;
	_ =	strace s9  }
0x27: {  	s1 =	sld [smem:$0x3FAF]  }
0x28: {  	s2 =	sld [smem:$0x3FB0]  }
0x29: {  	s4 =	sld [smem:$0x3FB2]  }
0x2a: {  	p0 =	seq.s32 s5, $0x0;
	s5 =	sld [smem:$0x3FB3]  }
0x2b: {  	s6 =	sld [smem:$0x3FB4]  }
0x2c: {  	s7 =	sld [smem:$0x3FB5]  }
0x2d: {  	s3 =	simm.s32 $0x108;
	s8 =	sld [smem:$0x3FB6]  }
0x2e: {  	s3 =	simm.s32 @!p0 $0x1082;
	s9 =	sld [smem:$0x3FB7]  }
0x2f: {  	lr =	sadd.s32 s0, s3;
	s0 =	sld [smem:$0x3FAE]  }
0x30: {  	s3 =	sld [smem:$0x3FB1]  }
0x31: {  	[smem:$0x3FBA] =	sst s10  }
0x32: {  	s10 =	sld [smem:$0x3FB8];
	_ =	sdelay $0x3  }
0x33: {  	p0 =	seq.s32 s10, $0x1;
	s10 =	sld [smem:$0x3FBA];
	_ =	sdelay $0x3  }
0x34: {  	[smem:$0x3FBA] =	sst s10  }
0x35: {  	s10 =	sld [smem:$0x3FB9];
	_ =	sdelay $0x3  }
0x36: {  	p1 =	seq.s32 s10, $0x1;
	s10 =	sld [smem:$0x3FBA];
	_ =	sdelay $0x3  }
0x37: {  	[smem:$0x3FBA] =	sst s10  }
0x38: {  	s10 =	sld [smem:$0x3FBB]  }
0x39: {  	_ = 	snop;
	(pc) =	sbr.ind lr, $3  }
0x3a: {  	_ = 	snop  }
0x3b: {  	_ = 	snop  }
0x3c: {  	p2 =	seq.s32 s10, $0x1;
	s10 =	sld [smem:$0x3FBA]  }
0x3d: {  	_ =	shalt  }
0x3e: {  	_ =	shalt  }
0x3f: {  	_ =	shalt  }
0x40: {  	_ =	shalt  }
0x41: {  	_ =	shalt  }
0x42: {  	_ =	shalt  }
0x43: {  	_ =	shalt  }
0x44: {  	_ =	shalt  }
0x45: {  	_ =	shalt  }
0x46: {  	_ =	shalt  }
0x47: {  	_ =	shalt  }
0x48: {  	_ =	shalt  }
0x49: {  	_ =	shalt  }
0x4a: {  	_ =	shalt  }
0x4b: {  	_ =	shalt  }
0x4c: {  	_ =	shalt  }
0x4d: {  	_ =	shalt  }
0x4e: {  	_ =	shalt  }
0x4f: {  	_ =	shalt  }
0x50: {  	_ =	shalt  }
0x51: {  	_ =	shalt  }
0x52: {  	_ =	shalt  }
0x53: {  	_ =	shalt  }
0x54: {  	_ =	shalt  }
0x55: {  	_ =	shalt  }
0x56: {  	_ =	shalt  }
0x57: {  	_ =	shalt  }
0x58: {  	_ =	shalt  }
0x59: {  	_ =	shalt  }
0x5a: {  	_ =	shalt  }
0x5b: {  	_ =	shalt  }
0x5c: {  	_ =	shalt  }
0x5d: {  	_ =	shalt  }
0x5e: {  	_ =	shalt  }
0x5f: {  	_ =	shalt  }
0x60: {  	_ =	shalt  }
0x61: {  	_ =	shalt  }
0x62: {  	_ =	shalt  }
0x63: {  	_ =	shalt  }
0x64: {  	_ =	shalt  }
0x65: {  	_ =	shalt  }
0x66: {  	_ =	shalt  }
0x67: {  	_ =	shalt  }
0x68: {  	_ =	shalt  }
0x69: {  	_ =	shalt  }
0x6a: {  	_ =	shalt  }
0x6b: {  	_ =	shalt  }
0x6c: {  	_ =	shalt  }
0x6d: {  	_ =	shalt  }
0x6e: {  	_ =	shalt  }
0x6f: {  	_ =	shalt  }
0x70: {  	_ =	shalt  }
0x71: {  	_ =	shalt  }
0x72: {  	_ =	shalt  }
0x73: {  	_ =	shalt  }
0x74: {  	_ =	shalt  }
0x75: {  	_ =	shalt  }
0x76: {  	_ =	shalt  }
0x77: {  	_ =	shalt  }
0x78: {  	_ =	shalt  }
0x79: {  	_ =	shalt  }
0x7a: {  	_ =	shalt  }
0x7b: {  	_ =	shalt  }
0x7c: {  	_ =	shalt  }
0x7d: {  	_ =	shalt  }
0x7e: {  	_ =	shalt  }
0x7f: {  	_ =	shalt  }
0x80: {  	_ =	shalt  }
0x81: {  	_ =	shalt  }
0x82: {  	_ =	shalt  }
0x83: {  	_ =	shalt  }
0x84: {  	_ =	shalt  }
0x85: {  	_ =	shalt  }
0x86: {  	_ =	shalt  }
0x87: {  	_ =	shalt  }
.Lfunc_end0:
.L_simem_size_0:
called_computation_lowered:
.L_overlay_start_0:
0x88: {  	s2 =	sld [smem:$0x3FD9]  }
0x89: {  	s3 =	sld [smem:$0x3FFE];
	_ =	sdelay $0x1  }
0x8a: {  	s1 =	srdreg.scid  }
0x8b: {  	s0 =	sand.u32 $0x1, s1  }
0x8c: {  	s17 =	sshll.u32 s0, $0xA;
	s2 =	sadd.s32 s3, s2  }
0x8d: {  	s2 =	sadd.s32 s2, s17  }
0x8e: {  	[smem:$0x3FC6] =	sst s2  }
0x8f: {  	_ = 	snop  }
0x90: {  	s2 =	sld [smem:$0x3FC9]  }
0x91: {  	s18 =	sld [smem:$0x3FC8];
	(tm) =	ssettm $0x1  }
0x92: {  	s4 =	sld [smem:$0x3FFB];
	_ =	sdelay $0x3  }
0x93: {  	_ =	strace s4  }
0x94: {  	s4 =	sld [smem:$0x3FFC];
	_ =	sdelay $0x3  }
0x95: {  	_ =	strace s4  }
0x96: {  	s4 =	sld [smem:$0x3FFD];
	_ =	sdelay $0x3  }
0x97: {  	_ =	strace s4  }
0x98: {  	_ =	strace $0x8FFFFFFF  }
0x99: {  	s19 =	sld [smem:$0x3FDB];
	_ =	sdelay $0x1  }
0x9a: {  	s5 =	simm.s32 $_scs_section_size  }
0x9b: {  	s6 =	simm.s32 $_size__tile_overlayer_lowered;
	s7 =	simm.s32 $_tile_overlayer_lowered  }
0x9c: {  	s22 =	simm.s32 $0x1BFF;
	s21 =	sshll.u32 s7, $0x1;
	s4 =	sadd.s32 s5, s19  }
0x9d: {  	s8 =	simm.s32 $0x0;
	s20 =	sshll.u32 s6, $0x1;
	s6 =	sadd.s32 s21, s4  }
0x9e: {  	[timem:s8], [sflag:s22] =	dma.local [hbm:s6], s20  }
0x9f: {  	_ =	swait.ge [sflag:s22], s20  }
0xa0: {  	s5 =	ssub.s32 $0x0, s20;
	[sflag:s22] =	ssyncset.done $0x0  }
0xa1: {  	[sflag:s22] =	ssyncadd.s32 s5;
	_ =	sdelay $0x1  }
0xa2: {  	s23 =	simm.s32 $0x1B8B  }
0xa3: {  	_ =	swait.ge [sflag:s23], $0x1  }
0xa4: {  	[sflag:s23] =	ssyncset.done $0x0  }
0xa5: {  	s25 =	simm.s32 $0x1B8E;
	s24 =	sld [smem:$0x3FFE];
	[sflag:s23] =	ssyncadd.s32 $0xFFFFFFFF  }
0xa6: {  	s26 =	simm.s32 $execute0_lowered;
	[smem:$0x3FD2] =	sst s25  }
0xa7: {  	s6 =	sshll.u32 s26, $0x1;
	_ =	strace $0x80000046;
	[dreg:$0x1] =	wrdreg $0xFFFFFFFF  }
0xa8: {  	s28 =	simm.s32 $_size_execute0_lowered;
	s4 =	sadd.s32 s4, s6;
	[dreg:$0x0] =	wrdreg $0x0  }
0xa9: {  	s6 =	sshll.u32 s28, $0x1;
	[dreg:$0x2] =	wrdreg s4  }
0xaa: {  	[dreg:$0x3] =	wrdreg s6  }
0xab: {  	[dreg:$0x4] =	wrdreg $0xC0  }
0xac: {  	_ =	task [dreg:s8], $0x5FFFF  }
0xad: {  	[dreg:$0x1] =	wrdreg $0xFFFFFFFF  }
0xae: {  	[dreg:$0x0] =	wrdreg $0x60  }
0xaf: {  	[dreg:$0x2] =	wrdreg s2  }
0xb0: {  	[dreg:$0x3] =	wrdreg s18  }
0xb1: {  	[dreg:$0x4] =	wrdreg s24  }
0xb2: {  	[dreg:$0x5] =	wrdreg $0x9  }
0xb3: {  	_ =	task.clear_ibuf [dreg:s8], $0x6FFFF;
	_ =	strace $0x90000046  }
0xb4: {  	s29 =	simm.s32 $0x9;
	_ =	strace $0x80000048  }
0xb5: {  	_ =	swait.ge [sflag:s29], $0x1  }
0xb6: {  	[sflag:s29] =	ssyncadd.s32 $0xFFFFFFFF  }
0xb7: {  	_ =	strace $0x90000048  }
0xb8: {  	_ =	sfence  }
0xb9: {  	s30 =	sld [smem:$0x0];
	_ =	sdelay $0x2  }
0xba: {  	s31 =	sshll.u32 s1, $0xD;
	s1 =	sshrl.u32 s1, $0x2  }
0xbb: {  	s3 =	sand.u32 $0x4000, s31;
	s1 =	sadd.s32 s1, s30  }
0xbc: {  	s0 =	sor.u32 s3, s0;
	s1 =	sshll.u32 s1, $0x11  }
0xbd: {  	s0 =	sor.u32 s1, s0  }
0xbe: {  	s0 =	sadd.s32 $0x8F2B, s0  }
0xbf: {  	[sflag:s0] =	ssyncadd.remote.s32 $0x1  }
0xc0: {  	_ =	sfence.sel $0xFFFF  }
0xc1: {  	[dreg:$0x0] =	wrdreg $0xFFFFFFFF;
	(pc) =	sbr.abs _section_cstart, $3  }
0xc2: {  	[dreg:$0x1] =	wrdreg $0xFFFFFFFF  }
0xc3: {  	_ =	task.clear_ibuf [dreg:s8], $0x2FFFF;
	_ =	strace $0x9FFFFFFF  }
0xc4: {  	(tm) =	ssettm $0x7FFFFFFF  }
0xc5: {  	_ =	shalt  }
tec
execute0_lowered:
.L_overlay_start_1:
0x0: {  	(tag) =	ssettag $0x1  }
0x1: {  	s0 =	rddreg [dreg:$0x0]  }
0x2: {  	s1 =	rddreg [dreg:$0x1]  }
0x3: {  	s2 =	rddreg [dreg:$0x2]  }
0x4: {  	s3 =	srdreg.scid;
	s7 =	simm.s32 $0x0;
	s4 =	stileid.u32  }
0x5: {  	s10 =	simm.s32 $0x1;
	s11 =	simm.s32 $0x400;
	s12 =	simm.s32 $0x7A1400  }
0x6: {  	s13 =	simm.s32 $0x200;
	s14 =	simm.s32 $0x2200;
	s15 =	simm.s32 $0x4200  }
0x7: {  	s16 =	simm.s32 $0x6200;
	s17 =	simm.s32 $0x8200;
	s18 =	simm.s32 $0xA200  }
0x8: {  	s19 =	simm.s32 $0xC200;
	s20 =	simm.s32 $0xE200;
	s3 =	sand.u32 $0x1, s3  }
0x9: {  	s21 =	simm.s32 $0x10200;
	s4 =	sshll.u32 s4, $0xA;
	s5 =	sshll.u32 s3, $0x9  }
0xa: {  	s22 =	simm.s32 $0x12200;
	s23 =	simm.s32 $0x2;
	s4 =	sor.u32 s5, s4  }
0xb: {  	s24 =	simm.s32 $0x14200;
	s5 =	sshll.u32 s4, $0x4;
	s4 =	sshrl.u32 s4, $0x3  }
0xc: {  	[smem:$0x7FF] =	sst s7;
	s2 =	sadd.s32 s5, s2;
	s0 =	sadd.s32 s0, s4  }
0xd: {  	_ =	strace $0x80000047;
	[dreg:$0x4] =	wrdreg s0;
	s28 =	sadd.s32 $0x400, s2  }
0xe: {  	v0 =	vlaneseq.u32;
	s3 =	ssub.s32 $0x2, s3;
	s29 =	sadd.s32 $0xC00, s2;
	[dreg:$0x5] =	wrdreg s28  }
0xf: {  	v0 =	vmul.u32 $0x80, v0;
	s6 =	sshrl.u32 s3, $0x1;
	s30 =	sadd.s32 $0x1400, s2;
	[dreg:$0x6] =	wrdreg s29  }
0x10: {  	s3 =	ssub.s32 s3, s6;
	s31 =	sadd.s32 $0x1C00, s2;
	[dreg:$0x7] =	wrdreg s30  }
0x11: {  	s25 =	simm.s32 $0x0;
	v1 =	vor.u32 $0x800, v0;
	v2 =	vor.u32 $0x1000, v0;
	v3 =	vor.u32 $0x1800, v0;
	s9 =	smax.u32 s3, $0x1;
	[dreg:$0x8] =	wrdreg s31  }
.LBB2_1:
0x12: {  	s0 =	rddreg [dreg:$0x4]  }
0x13: {  	[tilespmem:s7], [sflag:$0x1] =	stream.linear.gather [hbm4b:s0+s7], $0x200, $0x38;
	[tilespmem:$0x18200] =	vst v63  }
0x14: {  	_ =	swait.ge [sflag:s10], $0x200  }
0x15: {  	[sflag:s10] =	ssyncset.done $0x0  }
0x16: {  	s26 =	simm.s32 $0x14600;
	s28 =	simm.s32 $0x0;
	[sflag:s10] =	ssyncadd.s32 $0xFFFFFE00  }
.LBB2_2:
0x17: {  	s0 =	sshra.s32 s28, $0x2  }
0x18: {  	v4 =	vld [tilespmem:s0+$0x0];
	_ =	sdelay $0x4  }
0x19: {  	(v2sf) =	vpush v4, $0x0;
	_ =	sdelay $0x3  }
0x1a: {  	(v2sf) =	vpush v4, $0x1;
	_ =	sdelay $0x3  }
0x1b: {  	(v2sf) =	vpush v4, $0x2;
	_ =	sdelay $0x1  }
0x1c: {  	(v2sf) =	vpush v4, $0x3;
	_ =	sdelay $0x4  }
0x1d: {  	s30 =	spop (v2sf);
	(v2sf) =	vpush v4, $0x4;
	_ =	sdelay $0x2  }
0x1e: {  	(v2sf) =	vpush v4, $0x5  }
0x1f: {  	s31 =	spop (v2sf);
	(v2sf) =	vpush v4, $0x6;
	_ =	sdelay $0x2  }
0x20: {  	s3 =	sand.u32 $0xFFFFF80, s30  }
0x21: {  	s0 =	sadd.s32 s1, s3;
	s2 =	spop (v2sf);
	(v2sf) =	vpush v4, $0x7  }
0x22: {  	[tilespmem:s13], [sflag:$0x2] =	stream.strided.gather [hbm4b:s0+s11], $0x2000, s12, s11, $0x38;
	[tilespmem:$0x18200] =	vst v63  }
0x23: {  	s4 =	sand.u32 $0xFFFFF80, s31;
	s3 =	spop (v2sf);
	(v2sf) =	vpush v4, $0x8  }
0x24: {  	s0 =	sadd.s32 s1, s4;
	s5 =	sand.u32 $0xFFFFF80, s2  }
0x25: {  	[tilespmem:s14], [sflag:$0x2] =	stream.strided.gather [hbm4b:s0+s11], $0x2000, s12, s11, $0x38;
	[tilespmem:$0x18200] =	vst v63  }
0x26: {  	s0 =	sadd.s32 s1, s5  }
0x27: {  	[tilespmem:s15], [sflag:$0x2] =	stream.strided.gather [hbm4b:s0+s11], $0x2000, s12, s11, $0x38;
	[tilespmem:$0x18200] =	vst v63  }
0x28: {  	s6 =	sand.u32 $0xFFFFF80, s3;
	s5 =	spop (v2sf);
	(v2sf) =	vpush v4, $0x9  }
0x29: {  	s0 =	sadd.s32 s1, s6  }
0x2a: {  	[tilespmem:s16], [sflag:$0x2] =	stream.strided.gather [hbm4b:s0+s11], $0x2000, s12, s11, $0x38;
	[tilespmem:$0x18200] =	vst v63  }
0x2b: {  	s7 =	sand.u32 $0xFFFFF80, s5;
	s6 =	spop (v2sf)  }
0x2c: {  	s0 =	sadd.s32 s1, s7;
	s8 =	sand.u32 $0xFFFFF80, s6;
	s7 =	spop (v2sf)  }
0x2d: {  	[tilespmem:s17], [sflag:$0x2] =	stream.strided.gather [hbm4b:s0+s11], $0x2000, s12, s11, $0x38;
	[tilespmem:$0x18200] =	vst v63  }
0x2e: {  	s0 =	sadd.s32 s1, s8;
	s29 =	sand.u32 $0xFFFFF80, s7  }
0x2f: {  	[tilespmem:s18], [sflag:$0x2] =	stream.strided.gather [hbm4b:s0+s11], $0x2000, s12, s11, $0x38;
	[tilespmem:$0x18200] =	vst v63  }
0x30: {  	s4 =	spop (v2sf);
	s0 =	sadd.s32 s1, s29  }
0x31: {  	[tilespmem:s19], [sflag:$0x2] =	stream.strided.gather [hbm4b:s0+s11], $0x2000, s12, s11, $0x38;
	[tilespmem:$0x18200] =	vst v63  }
0x32: {  	s29 =	sand.u32 $0xFFFFF80, s4;
	s0 =	spop (v2sf)  }
0x33: {  	s29 =	sadd.s32 s1, s29;
	s8 =	sand.u32 $0xFFFFF80, s0  }
0x34: {  	[tilespmem:s20], [sflag:$0x2] =	stream.strided.gather [hbm4b:s29+s11], $0x2000, s12, s11, $0x38;
	[tilespmem:$0x18200] =	vst v63  }
0x35: {  	s29 =	sadd.s32 s1, s8  }
0x36: {  	[tilespmem:s21], [sflag:$0x2] =	stream.strided.gather [hbm4b:s29+s11], $0x2000, s12, s11, $0x38;
	[tilespmem:$0x18200] =	vst v63  }
0x37: {  	s29 =	spop (v2sf)  }
0x38: {  	s30 =	sand.u32 $0x7F, s30;
	s8 =	sand.u32 $0xFFFFF80, s29  }
0x39: {  	v5 =	vor.u32 s30, v0;
	s8 =	sadd.s32 s1, s8  }
0x3a: {  	[tilespmem:s22], [sflag:$0x2] =	stream.strided.gather [hbm4b:s8+s11], $0x2000, s12, s11, $0x38;
	[tilespmem:$0x18200] =	vst v63  }
0x3b: {  	_ =	swait.ge [sflag:s23], $0x2000  }
0x3c: {  	[sflag:s23] =	ssyncset.done $0x0  }
0x3d: {  	[sflag:s23] =	ssyncadd.s32 $0xFFFFE000  }
0x3e: {  	v5 =	vld.idx.msk [tilespmem:v5+s13+$0x0], $0xffff  }
0x3f: {  	v6 =	vor.u32 s30, v1;
	_ =	sdelay $0x3  }
0x40: {  	[tilespmem:s26+$0xFFFFFC00] =	vst v5  }
0x41: {  	(v2sf) =	vpush v4, $0xA;
	v5 =	vld.idx.msk [tilespmem:v6+s13+$0x0], $0xffff  }
0x42: {  	v49 =	vor.u32 s30, v2;
	_ =	sdelay $0x3  }
0x43: {  	[tilespmem:s26+$0xFFFFFC10] =	vst v5  }
0x44: {  	v5 =	vld.idx.msk [tilespmem:v49+s13+$0x0], $0xffff  }
0x45: {  	v50 =	vor.u32 s30, v3;
	_ =	sdelay $0x3  }
0x46: {  	[tilespmem:s26+$0xFFFFFC20] =	vst v5  }
0x47: {  	v5 =	vld.idx.msk [tilespmem:v50+s13+$0x0], $0xffff;
	_ =	sdelay $0x2  }
0x48: {  	s30 =	spop (v2sf)  }
0x49: {  	s31 =	sand.u32 $0x7F, s31;
	s8 =	sand.u32 $0xFFFFF80, s30  }
0x4a: {  	s8 =	sadd.s32 s1, s8;
	[tilespmem:s26+$0xFFFFFC30] =	vst v5;
	v5 =	vor.u32 s31, v0  }
0x4b: {  	[tilespmem:s13], [sflag:$0x2] =	stream.strided.gather [hbm4b:s8+s11], $0x2000, s12, s11, $0x38;
	[tilespmem:$0x18200] =	vst v63  }
0x4c: {  	_ =	swait.ge [sflag:s23], $0x2000  }
0x4d: {  	[sflag:s23] =	ssyncset.done $0x0  }
0x4e: {  	[sflag:s23] =	ssyncadd.s32 $0xFFFFE000  }
0x4f: {  	v5 =	vld.idx.msk [tilespmem:v5+s14+$0x0], $0xffff  }
0x50: {  	v51 =	vor.u32 s31, v1;
	_ =	sdelay $0x3  }
0x51: {  	[tilespmem:s26+$0xFFFFFC80] =	vst v5  }
0x52: {  	(v2sf) =	vpush v4, $0xB;
	v5 =	vld.idx.msk [tilespmem:v51+s14+$0x0], $0xffff  }
0x53: {  	v52 =	vor.u32 s31, v2;
	_ =	sdelay $0x3  }
0x54: {  	[tilespmem:s26+$0xFFFFFC90] =	vst v5  }
0x55: {  	v5 =	vld.idx.msk [tilespmem:v52+s14+$0x0], $0xffff  }
0x56: {  	v53 =	vor.u32 s31, v3;
	_ =	sdelay $0x3  }
0x57: {  	[tilespmem:s26+$0xFFFFFCA0] =	vst v5  }
0x58: {  	v5 =	vld.idx.msk [tilespmem:v53+s14+$0x0], $0xffff;
	_ =	sdelay $0x2  }
0x59: {  	s31 =	spop (v2sf)  }
0x5a: {  	s2 =	sand.u32 $0x7F, s2;
	s8 =	sand.u32 $0xFFFFF80, s31  }
0x5b: {  	s8 =	sadd.s32 s1, s8;
	[tilespmem:s26+$0xFFFFFCB0] =	vst v5;
	v5 =	vor.u32 s2, v0  }
0x5c: {  	[tilespmem:s14], [sflag:$0x2] =	stream.strided.gather [hbm4b:s8+s11], $0x2000, s12, s11, $0x38;
	[tilespmem:$0x18200] =	vst v63  }
0x5d: {  	_ =	swait.ge [sflag:s23], $0x2000  }
0x5e: {  	[sflag:s23] =	ssyncset.done $0x0  }
0x5f: {  	[sflag:s23] =	ssyncadd.s32 $0xFFFFE000  }
0x60: {  	v5 =	vld.idx.msk [tilespmem:v5+s15+$0x0], $0xffff  }
0x61: {  	v54 =	vor.u32 s2, v1;
	_ =	sdelay $0x3  }
0x62: {  	[tilespmem:s26+$0xFFFFFD00] =	vst v5  }
0x63: {  	(v2sf) =	vpush v4, $0xC;
	v5 =	vld.idx.msk [tilespmem:v54+s15+$0x0], $0xffff  }
0x64: {  	v55 =	vor.u32 s2, v2;
	_ =	sdelay $0x3  }
0x65: {  	[tilespmem:s26+$0xFFFFFD10] =	vst v5  }
0x66: {  	v5 =	vld.idx.msk [tilespmem:v55+s15+$0x0], $0xffff  }
0x67: {  	v56 =	vor.u32 s2, v3;
	_ =	sdelay $0x3  }
0x68: {  	[tilespmem:s26+$0xFFFFFD20] =	vst v5  }
0x69: {  	v5 =	vld.idx.msk [tilespmem:v56+s15+$0x0], $0xffff;
	_ =	sdelay $0x2  }
0x6a: {  	s2 =	spop (v2sf)  }
0x6b: {  	s3 =	sand.u32 $0x7F, s3;
	s8 =	sand.u32 $0xFFFFF80, s2  }
0x6c: {  	s8 =	sadd.s32 s1, s8;
	[tilespmem:s26+$0xFFFFFD30] =	vst v5;
	v5 =	vor.u32 s3, v0  }
0x6d: {  	[tilespmem:s15], [sflag:$0x2] =	stream.strided.gather [hbm4b:s8+s11], $0x2000, s12, s11, $0x38;
	[tilespmem:$0x18200] =	vst v63  }
0x6e: {  	_ =	swait.ge [sflag:s23], $0x2000  }
0x6f: {  	[sflag:s23] =	ssyncset.done $0x0  }
0x70: {  	[sflag:s23] =	ssyncadd.s32 $0xFFFFE000  }
0x71: {  	v5 =	vld.idx.msk [tilespmem:v5+s16+$0x0], $0xffff  }
0x72: {  	v57 =	vor.u32 s3, v1;
	_ =	sdelay $0x3  }
0x73: {  	[tilespmem:s26+$0xFFFFFD80] =	vst v5  }
0x74: {  	(v2sf) =	vpush v4, $0xD;
	v5 =	vld.idx.msk [tilespmem:v57+s16+$0x0], $0xffff  }
0x75: {  	v58 =	vor.u32 s3, v2;
	_ =	sdelay $0x3  }
0x76: {  	[tilespmem:s26+$0xFFFFFD90] =	vst v5  }
0x77: {  	v5 =	vld.idx.msk [tilespmem:v58+s16+$0x0], $0xffff  }
0x78: {  	v59 =	vor.u32 s3, v3;
	_ =	sdelay $0x3  }
0x79: {  	[tilespmem:s26+$0xFFFFFDA0] =	vst v5  }
0x7a: {  	v5 =	vld.idx.msk [tilespmem:v59+s16+$0x0], $0xffff;
	_ =	sdelay $0x2  }
0x7b: {  	s3 =	spop (v2sf)  }
0x7c: {  	s5 =	sand.u32 $0x7F, s5;
	s8 =	sand.u32 $0xFFFFF80, s3  }
0x7d: {  	s8 =	sadd.s32 s1, s8;
	[tilespmem:s26+$0xFFFFFDB0] =	vst v5;
	v5 =	vor.u32 s5, v0  }
0x7e: {  	[tilespmem:s16], [sflag:$0x2] =	stream.strided.gather [hbm4b:s8+s11], $0x2000, s12, s11, $0x38;
	[tilespmem:$0x18200] =	vst v63  }
0x7f: {  	_ =	swait.ge [sflag:s23], $0x2000  }
0x80: {  	[sflag:s23] =	ssyncset.done $0x0  }
0x81: {  	[sflag:s23] =	ssyncadd.s32 $0xFFFFE000  }
0x82: {  	v5 =	vld.idx.msk [tilespmem:v5+s17+$0x0], $0xffff  }
0x83: {  	v60 =	vor.u32 s5, v1;
	_ =	sdelay $0x3  }
0x84: {  	[tilespmem:s26+$0xFFFFFE00] =	vst v5  }
0x85: {  	(v2sf) =	vpush v4, $0xE;
	v5 =	vld.idx.msk [tilespmem:v60+s17+$0x0], $0xffff  }
0x86: {  	v61 =	vor.u32 s5, v2;
	_ =	sdelay $0x3  }
0x87: {  	[tilespmem:s26+$0xFFFFFE10] =	vst v5  }
0x88: {  	v5 =	vld.idx.msk [tilespmem:v61+s17+$0x0], $0xffff  }
0x89: {  	v62 =	vor.u32 s5, v3;
	_ =	sdelay $0x3  }
0x8a: {  	[tilespmem:s26+$0xFFFFFE20] =	vst v5  }
0x8b: {  	v5 =	vld.idx.msk [tilespmem:v62+s17+$0x0], $0xffff;
	_ =	sdelay $0x2  }
0x8c: {  	s5 =	spop (v2sf)  }
0x8d: {  	s6 =	sand.u32 $0x7F, s6;
	s8 =	sand.u32 $0xFFFFF80, s5  }
0x8e: {  	s8 =	sadd.s32 s1, s8;
	[tilespmem:s26+$0xFFFFFE30] =	vst v5;
	v5 =	vor.u32 s6, v0  }
0x8f: {  	[tilespmem:s17], [sflag:$0x2] =	stream.strided.gather [hbm4b:s8+s11], $0x2000, s12, s11, $0x38;
	[tilespmem:$0x18200] =	vst v63  }
0x90: {  	_ =	swait.ge [sflag:s23], $0x2000  }
0x91: {  	[sflag:s23] =	ssyncset.done $0x0  }
0x92: {  	[sflag:s23] =	ssyncadd.s32 $0xFFFFE000  }
0x93: {  	v5 =	vld.idx.msk [tilespmem:v5+s18+$0x0], $0xffff  }
0x94: {  	v63 =	vor.u32 s6, v1;
	_ =	sdelay $0x3  }
0x95: {  	[tilespmem:s26+$0xFFFFFE80] =	vst v5  }
0x96: {  	(v2sf) =	vpush v4, $0xF;
	v5 =	vld.idx.msk [tilespmem:v63+s18+$0x0], $0xffff  }
0x97: {  	v4 =	vor.u32 s6, v2;
	_ =	sdelay $0x3  }
0x98: {  	[tilespmem:s26+$0xFFFFFE90] =	vst v5  }
0x99: {  	v4 =	vld.idx.msk [tilespmem:v4+s18+$0x0], $0xffff  }
0x9a: {  	v5 =	vor.u32 s6, v3;
	_ =	sdelay $0x3  }
0x9b: {  	[tilespmem:s26+$0xFFFFFEA0] =	vst v4  }
0x9c: {  	v4 =	vld.idx.msk [tilespmem:v5+s18+$0x0], $0xffff;
	_ =	sdelay $0x2  }
0x9d: {  	s6 =	spop (v2sf)  }
0x9e: {  	s7 =	sand.u32 $0x7F, s7;
	s8 =	sand.u32 $0xFFFFF80, s6  }
0x9f: {  	s8 =	sadd.s32 s1, s8;
	[tilespmem:s26+$0xFFFFFEB0] =	vst v4;
	v4 =	vor.u32 s7, v0  }
0xa0: {  	[tilespmem:s18], [sflag:$0x2] =	stream.strided.gather [hbm4b:s8+s11], $0x2000, s12, s11, $0x38;
	[tilespmem:$0x18200] =	vst v63  }
0xa1: {  	_ =	swait.ge [sflag:s23], $0x2000  }
0xa2: {  	[sflag:s23] =	ssyncset.done $0x0  }
0xa3: {  	[sflag:s23] =	ssyncadd.s32 $0xFFFFE000  }
0xa4: {  	v4 =	vld.idx.msk [tilespmem:v4+s19+$0x0], $0xffff  }
0xa5: {  	v5 =	vor.u32 s7, v1;
	_ =	sdelay $0x3  }
0xa6: {  	[tilespmem:s26+$0xFFFFFF00] =	vst v4  }
0xa7: {  	v4 =	vld.idx.msk [tilespmem:v5+s19+$0x0], $0xffff  }
0xa8: {  	v5 =	vor.u32 s7, v2;
	_ =	sdelay $0x3  }
0xa9: {  	[tilespmem:s26+$0xFFFFFF10] =	vst v4  }
0xaa: {  	v4 =	vld.idx.msk [tilespmem:v5+s19+$0x0], $0xffff  }
0xab: {  	v5 =	vor.u32 s7, v3;
	_ =	sdelay $0x3  }
0xac: {  	[tilespmem:s26+$0xFFFFFF20] =	vst v4  }
0xad: {  	v4 =	vld.idx.msk [tilespmem:v5+s19+$0x0], $0xffff;
	_ =	sdelay $0x2  }
0xae: {  	s4 =	sand.u32 $0x7F, s4  }
0xaf: {  	v5 =	vor.u32 s4, v0  }
0xb0: {  	[tilespmem:s26+$0xFFFFFF30] =	vst v4  }
0xb1: {  	_ =	swait.ge [sflag:s23], $0x2000  }
0xb2: {  	[sflag:s23] =	ssyncset.done $0x0  }
0xb3: {  	[sflag:s23] =	ssyncadd.s32 $0xFFFFE000  }
0xb4: {  	v4 =	vld.idx.msk [tilespmem:v5+s20+$0x0], $0xffff  }
0xb5: {  	v5 =	vor.u32 s4, v1;
	_ =	sdelay $0x3  }
0xb6: {  	[tilespmem:s26+$0xFFFFFF80] =	vst v4  }
0xb7: {  	v4 =	vld.idx.msk [tilespmem:v5+s20+$0x0], $0xffff  }
0xb8: {  	v5 =	vor.u32 s4, v2;
	_ =	sdelay $0x3  }
0xb9: {  	[tilespmem:s26+$0xFFFFFF90] =	vst v4  }
0xba: {  	v4 =	vld.idx.msk [tilespmem:v5+s20+$0x0], $0xffff  }
0xbb: {  	v5 =	vor.u32 s4, v3;
	_ =	sdelay $0x3  }
0xbc: {  	[tilespmem:s26+$0xFFFFFFA0] =	vst v4  }
0xbd: {  	v4 =	vld.idx.msk [tilespmem:v5+s20+$0x0], $0xffff;
	_ =	sdelay $0x2  }
0xbe: {  	s0 =	sand.u32 $0x7F, s0  }
0xbf: {  	v5 =	vor.u32 s0, v0  }
0xc0: {  	[tilespmem:s26+$0xFFFFFFB0] =	vst v4  }
0xc1: {  	_ =	swait.ge [sflag:s23], $0x2000  }
0xc2: {  	[sflag:s23] =	ssyncset.done $0x0  }
0xc3: {  	[sflag:s23] =	ssyncadd.s32 $0xFFFFE000  }
0xc4: {  	v4 =	vld.idx.msk [tilespmem:v5+s21+$0x0], $0xffff  }
0xc5: {  	v5 =	vor.u32 s0, v1;
	_ =	sdelay $0x3  }
0xc6: {  	[tilespmem:s26+$0x0] =	vst v4  }
0xc7: {  	v4 =	vld.idx.msk [tilespmem:v5+s21+$0x0], $0xffff  }
0xc8: {  	v5 =	vor.u32 s0, v2;
	_ =	sdelay $0x3  }
0xc9: {  	[tilespmem:s26+$0x10] =	vst v4  }
0xca: {  	v4 =	vld.idx.msk [tilespmem:v5+s21+$0x0], $0xffff  }
0xcb: {  	v5 =	vor.u32 s0, v3;
	_ =	sdelay $0x3  }
0xcc: {  	[tilespmem:s26+$0x20] =	vst v4  }
0xcd: {  	v4 =	vld.idx.msk [tilespmem:v5+s21+$0x0], $0xffff;
	_ =	sdelay $0x2  }
0xce: {  	s29 =	sand.u32 $0x7F, s29  }
0xcf: {  	v5 =	vor.u32 s29, v0  }
0xd0: {  	[tilespmem:s26+$0x30] =	vst v4  }
0xd1: {  	_ =	swait.ge [sflag:s23], $0x2000  }
0xd2: {  	[sflag:s23] =	ssyncset.done $0x0  }
0xd3: {  	[sflag:s23] =	ssyncadd.s32 $0xFFFFE000  }
0xd4: {  	v4 =	vld.idx.msk [tilespmem:v5+s22+$0x0], $0xffff  }
0xd5: {  	v5 =	vor.u32 s29, v1;
	_ =	sdelay $0x3  }
0xd6: {  	[tilespmem:s26+$0x80] =	vst v4  }
0xd7: {  	v4 =	vld.idx.msk [tilespmem:v5+s22+$0x0], $0xffff  }
0xd8: {  	v5 =	vor.u32 s29, v2;
	_ =	sdelay $0x3  }
0xd9: {  	[tilespmem:s26+$0x90] =	vst v4  }
0xda: {  	v4 =	vld.idx.msk [tilespmem:v5+s22+$0x0], $0xffff  }
0xdb: {  	v5 =	vor.u32 s29, v3;
	_ =	sdelay $0x3  }
0xdc: {  	[tilespmem:s26+$0xA0] =	vst v4  }
0xdd: {  	v4 =	vld.idx.msk [tilespmem:v5+s22+$0x0], $0xffff;
	_ =	sdelay $0x2  }
0xde: {  	s4 =	sand.u32 $0x7F, s30  }
0xdf: {  	v5 =	vor.u32 s4, v0  }
0xe0: {  	[tilespmem:s26+$0xB0] =	vst v4  }
0xe1: {  	_ =	swait.ge [sflag:s23], $0x2000  }
0xe2: {  	[sflag:s23] =	ssyncset.done $0x0  }
0xe3: {  	[sflag:s23] =	ssyncadd.s32 $0xFFFFE000  }
0xe4: {  	v4 =	vld.idx.msk [tilespmem:v5+s13+$0x0], $0xffff  }
0xe5: {  	v5 =	vor.u32 s4, v1;
	_ =	sdelay $0x3  }
0xe6: {  	[tilespmem:s26+$0x100] =	vst v4  }
0xe7: {  	v4 =	vld.idx.msk [tilespmem:v5+s13+$0x0], $0xffff  }
0xe8: {  	v5 =	vor.u32 s4, v2;
	_ =	sdelay $0x3  }
0xe9: {  	[tilespmem:s26+$0x110] =	vst v4  }
0xea: {  	v4 =	vld.idx.msk [tilespmem:v5+s13+$0x0], $0xffff  }
0xeb: {  	v5 =	vor.u32 s4, v3;
	_ =	sdelay $0x3  }
0xec: {  	[tilespmem:s26+$0x120] =	vst v4  }
0xed: {  	v4 =	vld.idx.msk [tilespmem:v5+s13+$0x0], $0xffff;
	_ =	sdelay $0x2  }
0xee: {  	s7 =	sand.u32 $0x7F, s31  }
0xef: {  	v5 =	vor.u32 s7, v0  }
0xf0: {  	[tilespmem:s26+$0x130] =	vst v4  }
0xf1: {  	_ =	swait.ge [sflag:s23], $0x2000  }
0xf2: {  	[sflag:s23] =	ssyncset.done $0x0  }
0xf3: {  	[sflag:s23] =	ssyncadd.s32 $0xFFFFE000  }
0xf4: {  	v4 =	vld.idx.msk [tilespmem:v5+s14+$0x0], $0xffff  }
0xf5: {  	v5 =	vor.u32 s7, v1;
	_ =	sdelay $0x3  }
0xf6: {  	[tilespmem:s26+$0x180] =	vst v4  }
0xf7: {  	v4 =	vld.idx.msk [tilespmem:v5+s14+$0x0], $0xffff  }
0xf8: {  	v5 =	vor.u32 s7, v2;
	_ =	sdelay $0x3  }
0xf9: {  	[tilespmem:s26+$0x190] =	vst v4  }
0xfa: {  	v4 =	vld.idx.msk [tilespmem:v5+s14+$0x0], $0xffff  }
0xfb: {  	v5 =	vor.u32 s7, v3;
	_ =	sdelay $0x3  }
0xfc: {  	[tilespmem:s26+$0x1A0] =	vst v4  }
0xfd: {  	v4 =	vld.idx.msk [tilespmem:v5+s14+$0x0], $0xffff;
	_ =	sdelay $0x2  }
0xfe: {  	s8 =	sand.u32 $0x7F, s2  }
0xff: {  	v5 =	vor.u32 s8, v0  }
0x100: {  	[tilespmem:s26+$0x1B0] =	vst v4  }
0x101: {  	_ =	swait.ge [sflag:s23], $0x2000  }
0x102: {  	[sflag:s23] =	ssyncset.done $0x0  }
0x103: {  	[sflag:s23] =	ssyncadd.s32 $0xFFFFE000  }
0x104: {  	v4 =	vld.idx.msk [tilespmem:v5+s15+$0x0], $0xffff  }
0x105: {  	v5 =	vor.u32 s8, v1;
	_ =	sdelay $0x3  }
0x106: {  	[tilespmem:s26+$0x200] =	vst v4  }
0x107: {  	v4 =	vld.idx.msk [tilespmem:v5+s15+$0x0], $0xffff  }
0x108: {  	v5 =	vor.u32 s8, v2;
	_ =	sdelay $0x3  }
0x109: {  	[tilespmem:s26+$0x210] =	vst v4  }
0x10a: {  	v4 =	vld.idx.msk [tilespmem:v5+s15+$0x0], $0xffff  }
0x10b: {  	v5 =	vor.u32 s8, v3;
	_ =	sdelay $0x3  }
0x10c: {  	[tilespmem:s26+$0x220] =	vst v4  }
0x10d: {  	v4 =	vld.idx.msk [tilespmem:v5+s15+$0x0], $0xffff;
	_ =	sdelay $0x2  }
0x10e: {  	s29 =	sand.u32 $0x7F, s3  }
0x10f: {  	v5 =	vor.u32 s29, v0  }
0x110: {  	[tilespmem:s26+$0x230] =	vst v4  }
0x111: {  	_ =	swait.ge [sflag:s23], $0x2000  }
0x112: {  	[sflag:s23] =	ssyncset.done $0x0  }
0x113: {  	[sflag:s23] =	ssyncadd.s32 $0xFFFFE000  }
0x114: {  	v4 =	vld.idx.msk [tilespmem:v5+s16+$0x0], $0xffff  }
0x115: {  	v5 =	vor.u32 s29, v1;
	_ =	sdelay $0x3  }
0x116: {  	[tilespmem:s26+$0x280] =	vst v4  }
0x117: {  	v4 =	vld.idx.msk [tilespmem:v5+s16+$0x0], $0xffff  }
0x118: {  	v5 =	vor.u32 s29, v2;
	_ =	sdelay $0x3  }
0x119: {  	[tilespmem:s26+$0x290] =	vst v4  }
0x11a: {  	v4 =	vld.idx.msk [tilespmem:v5+s16+$0x0], $0xffff  }
0x11b: {  	v5 =	vor.u32 s29, v3;
	_ =	sdelay $0x3  }
0x11c: {  	[tilespmem:s26+$0x2A0] =	vst v4  }
0x11d: {  	v4 =	vld.idx.msk [tilespmem:v5+s16+$0x0], $0xffff;
	_ =	sdelay $0x2  }
0x11e: {  	s30 =	sand.u32 $0x7F, s5  }
0x11f: {  	v5 =	vor.u32 s30, v0  }
0x120: {  	[tilespmem:s26+$0x2B0] =	vst v4  }
0x121: {  	_ =	swait.ge [sflag:s23], $0x2000  }
0x122: {  	[sflag:s23] =	ssyncset.done $0x0  }
0x123: {  	[sflag:s23] =	ssyncadd.s32 $0xFFFFE000  }
0x124: {  	v4 =	vld.idx.msk [tilespmem:v5+s17+$0x0], $0xffff  }
0x125: {  	v5 =	vor.u32 s30, v1;
	_ =	sdelay $0x3  }
0x126: {  	[tilespmem:s26+$0x300] =	vst v4  }
0x127: {  	v4 =	vld.idx.msk [tilespmem:v5+s17+$0x0], $0xffff  }
0x128: {  	v5 =	vor.u32 s30, v2;
	_ =	sdelay $0x3  }
0x129: {  	[tilespmem:s26+$0x310] =	vst v4  }
0x12a: {  	v4 =	vld.idx.msk [tilespmem:v5+s17+$0x0], $0xffff  }
0x12b: {  	v5 =	vor.u32 s30, v3;
	_ =	sdelay $0x3  }
0x12c: {  	[tilespmem:s26+$0x320] =	vst v4  }
0x12d: {  	v4 =	vld.idx.msk [tilespmem:v5+s17+$0x0], $0xffff;
	_ =	sdelay $0x2  }
0x12e: {  	s31 =	sand.u32 $0x7F, s6  }
0x12f: {  	v5 =	vor.u32 s31, v0  }
0x130: {  	[tilespmem:s26+$0x330] =	vst v4  }
0x131: {  	_ =	swait.ge [sflag:s23], $0x2000  }
0x132: {  	[sflag:s23] =	ssyncset.done $0x0  }
0x133: {  	[sflag:s23] =	ssyncadd.s32 $0xFFFFE000  }
0x134: {  	v4 =	vld.idx.msk [tilespmem:v5+s18+$0x0], $0xffff  }
0x135: {  	v5 =	vor.u32 s31, v1;
	_ =	sdelay $0x3  }
0x136: {  	[tilespmem:s26+$0x380] =	vst v4  }
0x137: {  	v4 =	vld.idx.msk [tilespmem:v5+s18+$0x0], $0xffff  }
0x138: {  	v5 =	vor.u32 s31, v2;
	_ =	sdelay $0x3  }
0x139: {  	[tilespmem:s26+$0x390] =	vst v4  }
0x13a: {  	v4 =	vld.idx.msk [tilespmem:v5+s18+$0x0], $0xffff  }
0x13b: {  	v5 =	vor.u32 s31, v3;
	_ =	sdelay $0x3  }
0x13c: {  	[tilespmem:s26+$0x3A0] =	vst v4  }
0x13d: {  	p0 =	sne.s32 s28, $0x1C0;
	v4 =	vld.idx.msk [tilespmem:v5+s18+$0x0], $0xffff  }
.Ltmp0:
0x13e: {  	_ = 	snop;
	(pc) =	sbr.rel @p0 .LBB2_2-.Ltmp0, $2  }
0x13f: {  	_ =	sdelay $0x2  }
0x140: {  	s28 =	sadd.s32 $0x40, s28;
	[tilespmem:s26+$0x3B0] =	vst v4;
	s26 =	sadd.s32 $0x800, s26  }
0x141: {  	s26 =	simm.s32 $0x0;
	s0 =	rddreg [dreg:$0x5]  }
0x142: {  	[hbm4b:s0+s26] =	stream.linear.scatter [tilespmem:s24], [sflag:$0x1], $0x4000, $0x38;
	[tilespmem:$0x18200] =	vst v63  }
0x143: {  	_ =	swait.ge [sflag:s10], $0x4000  }
0x144: {  	[sflag:s10] =	ssyncset.done $0x0  }
0x145: {  	s28 =	simm.s32 $0x14600;
	[sflag:s10] =	ssyncadd.s32 $0xFFFFC000  }
.LBB2_4:
0x146: {  	s0 =	sshra.s32 s26, $0x2  }
0x147: {  	v4 =	vld [tilespmem:s0+$0x80];
	_ =	sdelay $0x4  }
0x148: {  	(v2sf) =	vpush v4, $0x0;
	_ =	sdelay $0x3  }
0x149: {  	(v2sf) =	vpush v4, $0x1;
	_ =	sdelay $0x3  }
0x14a: {  	(v2sf) =	vpush v4, $0x2;
	_ =	sdelay $0x1  }
0x14b: {  	(v2sf) =	vpush v4, $0x3;
	_ =	sdelay $0x4  }
0x14c: {  	s8 =	spop (v2sf);
	(v2sf) =	vpush v4, $0x4;
	_ =	sdelay $0x2  }
0x14d: {  	(v2sf) =	vpush v4, $0x5  }
0x14e: {  	s31 =	spop (v2sf);
	(v2sf) =	vpush v4, $0x6;
	_ =	sdelay $0x2  }
0x14f: {  	s5 =	sand.u32 $0xFFFFF80, s8  }
0x150: {  	s0 =	sadd.s32 s1, s5;
	s2 =	spop (v2sf);
	(v2sf) =	vpush v4, $0x7  }
0x151: {  	[tilespmem:s13], [sflag:$0x2] =	stream.strided.gather [hbm4b:s0+s11], $0x2000, s12, s11, $0x38;
	[tilespmem:$0x18200] =	vst v63  }
0x152: {  	s6 =	sand.u32 $0xFFFFF80, s31;
	s3 =	spop (v2sf);
	(v2sf) =	vpush v4, $0x8  }
0x153: {  	s0 =	sadd.s32 s1, s6;
	s7 =	sand.u32 $0xFFFFF80, s2  }
0x154: {  	[tilespmem:s14], [sflag:$0x2] =	stream.strided.gather [hbm4b:s0+s11], $0x2000, s12, s11, $0x38;
	[tilespmem:$0x18200] =	vst v63  }
0x155: {  	s0 =	sadd.s32 s1, s7  }
0x156: {  	[tilespmem:s15], [sflag:$0x2] =	stream.strided.gather [hbm4b:s0+s11], $0x2000, s12, s11, $0x38;
	[tilespmem:$0x18200] =	vst v63  }
0x157: {  	s29 =	sand.u32 $0xFFFFF80, s3;
	s5 =	spop (v2sf);
	(v2sf) =	vpush v4, $0x9  }
0x158: {  	s0 =	sadd.s32 s1, s29  }
0x159: {  	[tilespmem:s16], [sflag:$0x2] =	stream.strided.gather [hbm4b:s0+s11], $0x2000, s12, s11, $0x38;
	[tilespmem:$0x18200] =	vst v63  }
0x15a: {  	s30 =	sand.u32 $0xFFFFF80, s5;
	s6 =	spop (v2sf)  }
0x15b: {  	s0 =	sadd.s32 s1, s30;
	s4 =	sand.u32 $0xFFFFF80, s6;
	s7 =	spop (v2sf)  }
0x15c: {  	[tilespmem:s17], [sflag:$0x2] =	stream.strided.gather [hbm4b:s0+s11], $0x2000, s12, s11, $0x38;
	[tilespmem:$0x18200] =	vst v63  }
0x15d: {  	s0 =	sadd.s32 s1, s4;
	s29 =	sand.u32 $0xFFFFF80, s7  }
0x15e: {  	[tilespmem:s18], [sflag:$0x2] =	stream.strided.gather [hbm4b:s0+s11], $0x2000, s12, s11, $0x38;
	[tilespmem:$0x18200] =	vst v63  }
0x15f: {  	s4 =	spop (v2sf);
	s0 =	sadd.s32 s1, s29  }
0x160: {  	[tilespmem:s19], [sflag:$0x2] =	stream.strided.gather [hbm4b:s0+s11], $0x2000, s12, s11, $0x38;
	[tilespmem:$0x18200] =	vst v63  }
0x161: {  	s29 =	sand.u32 $0xFFFFF80, s4;
	s0 =	spop (v2sf)  }
0x162: {  	s29 =	sadd.s32 s1, s29;
	s30 =	sand.u32 $0xFFFFF80, s0  }
0x163: {  	[tilespmem:s20], [sflag:$0x2] =	stream.strided.gather [hbm4b:s29+s11], $0x2000, s12, s11, $0x38;
	[tilespmem:$0x18200] =	vst v63  }
0x164: {  	s29 =	sadd.s32 s1, s30  }
0x165: {  	[tilespmem:s21], [sflag:$0x2] =	stream.strided.gather [hbm4b:s29+s11], $0x2000, s12, s11, $0x38;
	[tilespmem:$0x18200] =	vst v63  }
0x166: {  	s29 =	spop (v2sf)  }
0x167: {  	s8 =	sand.u32 $0x7F, s8;
	s30 =	sand.u32 $0xFFFFF80, s29  }
0x168: {  	v5 =	vor.u32 s8, v0;
	s30 =	sadd.s32 s1, s30  }
0x169: {  	[tilespmem:s22], [sflag:$0x2] =	stream.strided.gather [hbm4b:s30+s11], $0x2000, s12, s11, $0x38;
	[tilespmem:$0x18200] =	vst v63  }
0x16a: {  	_ =	swait.ge [sflag:s23], $0x2000  }
0x16b: {  	[sflag:s23] =	ssyncset.done $0x0  }
0x16c: {  	[sflag:s23] =	ssyncadd.s32 $0xFFFFE000  }
0x16d: {  	v5 =	vld.idx.msk [tilespmem:v5+s13+$0x0], $0xffff  }
0x16e: {  	v6 =	vor.u32 s8, v1;
	_ =	sdelay $0x3  }
0x16f: {  	[tilespmem:s28+$0xFFFFFC00] =	vst v5  }
0x170: {  	(v2sf) =	vpush v4, $0xA;
	v5 =	vld.idx.msk [tilespmem:v6+s13+$0x0], $0xffff  }
0x171: {  	v49 =	vor.u32 s8, v2;
	_ =	sdelay $0x3  }
0x172: {  	[tilespmem:s28+$0xFFFFFC10] =	vst v5  }
0x173: {  	v5 =	vld.idx.msk [tilespmem:v49+s13+$0x0], $0xffff  }
0x174: {  	v50 =	vor.u32 s8, v3;
	_ =	sdelay $0x3  }
0x175: {  	[tilespmem:s28+$0xFFFFFC20] =	vst v5  }
0x176: {  	v5 =	vld.idx.msk [tilespmem:v50+s13+$0x0], $0xffff;
	_ =	sdelay $0x2  }
0x177: {  	s30 =	spop (v2sf)  }
0x178: {  	s31 =	sand.u32 $0x7F, s31;
	s8 =	sand.u32 $0xFFFFF80, s30  }
0x179: {  	s8 =	sadd.s32 s1, s8;
	[tilespmem:s28+$0xFFFFFC30] =	vst v5;
	v5 =	vor.u32 s31, v0  }
0x17a: {  	[tilespmem:s13], [sflag:$0x2] =	stream.strided.gather [hbm4b:s8+s11], $0x2000, s12, s11, $0x38;
	[tilespmem:$0x18200] =	vst v63  }
0x17b: {  	_ =	swait.ge [sflag:s23], $0x2000  }
0x17c: {  	[sflag:s23] =	ssyncset.done $0x0  }
0x17d: {  	[sflag:s23] =	ssyncadd.s32 $0xFFFFE000  }
0x17e: {  	v5 =	vld.idx.msk [tilespmem:v5+s14+$0x0], $0xffff  }
0x17f: {  	v51 =	vor.u32 s31, v1;
	_ =	sdelay $0x3  }
0x180: {  	[tilespmem:s28+$0xFFFFFC80] =	vst v5  }
0x181: {  	(v2sf) =	vpush v4, $0xB;
	v5 =	vld.idx.msk [tilespmem:v51+s14+$0x0], $0xffff  }
0x182: {  	v52 =	vor.u32 s31, v2;
	_ =	sdelay $0x3  }
0x183: {  	[tilespmem:s28+$0xFFFFFC90] =	vst v5  }
0x184: {  	v5 =	vld.idx.msk [tilespmem:v52+s14+$0x0], $0xffff  }
0x185: {  	v53 =	vor.u32 s31, v3;
	_ =	sdelay $0x3  }
0x186: {  	[tilespmem:s28+$0xFFFFFCA0] =	vst v5  }
0x187: {  	v5 =	vld.idx.msk [tilespmem:v53+s14+$0x0], $0xffff;
	_ =	sdelay $0x2  }
0x188: {  	s31 =	spop (v2sf)  }
0x189: {  	s2 =	sand.u32 $0x7F, s2;
	s8 =	sand.u32 $0xFFFFF80, s31  }
0x18a: {  	s8 =	sadd.s32 s1, s8;
	[tilespmem:s28+$0xFFFFFCB0] =	vst v5;
	v5 =	vor.u32 s2, v0  }
0x18b: {  	[tilespmem:s14], [sflag:$0x2] =	stream.strided.gather [hbm4b:s8+s11], $0x2000, s12, s11, $0x38;
	[tilespmem:$0x18200] =	vst v63  }
0x18c: {  	_ =	swait.ge [sflag:s23], $0x2000  }
0x18d: {  	[sflag:s23] =	ssyncset.done $0x0  }
0x18e: {  	[sflag:s23] =	ssyncadd.s32 $0xFFFFE000  }
0x18f: {  	v5 =	vld.idx.msk [tilespmem:v5+s15+$0x0], $0xffff  }
0x190: {  	v54 =	vor.u32 s2, v1;
	_ =	sdelay $0x3  }
0x191: {  	[tilespmem:s28+$0xFFFFFD00] =	vst v5  }
0x192: {  	(v2sf) =	vpush v4, $0xC;
	v5 =	vld.idx.msk [tilespmem:v54+s15+$0x0], $0xffff  }
0x193: {  	v55 =	vor.u32 s2, v2;
	_ =	sdelay $0x3  }
0x194: {  	[tilespmem:s28+$0xFFFFFD10] =	vst v5  }
0x195: {  	v5 =	vld.idx.msk [tilespmem:v55+s15+$0x0], $0xffff  }
0x196: {  	v56 =	vor.u32 s2, v3;
	_ =	sdelay $0x3  }
0x197: {  	[tilespmem:s28+$0xFFFFFD20] =	vst v5  }
0x198: {  	v5 =	vld.idx.msk [tilespmem:v56+s15+$0x0], $0xffff;
	_ =	sdelay $0x2  }
0x199: {  	s2 =	spop (v2sf)  }
0x19a: {  	s3 =	sand.u32 $0x7F, s3;
	s8 =	sand.u32 $0xFFFFF80, s2  }
0x19b: {  	s8 =	sadd.s32 s1, s8;
	[tilespmem:s28+$0xFFFFFD30] =	vst v5;
	v5 =	vor.u32 s3, v0  }
0x19c: {  	[tilespmem:s15], [sflag:$0x2] =	stream.strided.gather [hbm4b:s8+s11], $0x2000, s12, s11, $0x38;
	[tilespmem:$0x18200] =	vst v63  }
0x19d: {  	_ =	swait.ge [sflag:s23], $0x2000  }
0x19e: {  	[sflag:s23] =	ssyncset.done $0x0  }
0x19f: {  	[sflag:s23] =	ssyncadd.s32 $0xFFFFE000  }
0x1a0: {  	v5 =	vld.idx.msk [tilespmem:v5+s16+$0x0], $0xffff  }
0x1a1: {  	v57 =	vor.u32 s3, v1;
	_ =	sdelay $0x3  }
0x1a2: {  	[tilespmem:s28+$0xFFFFFD80] =	vst v5  }
0x1a3: {  	(v2sf) =	vpush v4, $0xD;
	v5 =	vld.idx.msk [tilespmem:v57+s16+$0x0], $0xffff  }
0x1a4: {  	v58 =	vor.u32 s3, v2;
	_ =	sdelay $0x3  }
0x1a5: {  	[tilespmem:s28+$0xFFFFFD90] =	vst v5  }
0x1a6: {  	v5 =	vld.idx.msk [tilespmem:v58+s16+$0x0], $0xffff  }
0x1a7: {  	v59 =	vor.u32 s3, v3;
	_ =	sdelay $0x3  }
0x1a8: {  	[tilespmem:s28+$0xFFFFFDA0] =	vst v5  }
0x1a9: {  	v5 =	vld.idx.msk [tilespmem:v59+s16+$0x0], $0xffff;
	_ =	sdelay $0x2  }
0x1aa: {  	s3 =	spop (v2sf)  }
0x1ab: {  	s5 =	sand.u32 $0x7F, s5;
	s8 =	sand.u32 $0xFFFFF80, s3  }
0x1ac: {  	s8 =	sadd.s32 s1, s8;
	[tilespmem:s28+$0xFFFFFDB0] =	vst v5;
	v5 =	vor.u32 s5, v0  }
0x1ad: {  	[tilespmem:s16], [sflag:$0x2] =	stream.strided.gather [hbm4b:s8+s11], $0x2000, s12, s11, $0x38;
	[tilespmem:$0x18200] =	vst v63  }
0x1ae: {  	_ =	swait.ge [sflag:s23], $0x2000  }
0x1af: {  	[sflag:s23] =	ssyncset.done $0x0  }
0x1b0: {  	[sflag:s23] =	ssyncadd.s32 $0xFFFFE000  }
0x1b1: {  	v5 =	vld.idx.msk [tilespmem:v5+s17+$0x0], $0xffff  }
0x1b2: {  	v60 =	vor.u32 s5, v1;
	_ =	sdelay $0x3  }
0x1b3: {  	[tilespmem:s28+$0xFFFFFE00] =	vst v5  }
0x1b4: {  	(v2sf) =	vpush v4, $0xE;
	v5 =	vld.idx.msk [tilespmem:v60+s17+$0x0], $0xffff  }
0x1b5: {  	v61 =	vor.u32 s5, v2;
	_ =	sdelay $0x3  }
0x1b6: {  	[tilespmem:s28+$0xFFFFFE10] =	vst v5  }
0x1b7: {  	v5 =	vld.idx.msk [tilespmem:v61+s17+$0x0], $0xffff  }
0x1b8: {  	v62 =	vor.u32 s5, v3;
	_ =	sdelay $0x3  }
0x1b9: {  	[tilespmem:s28+$0xFFFFFE20] =	vst v5  }
0x1ba: {  	v5 =	vld.idx.msk [tilespmem:v62+s17+$0x0], $0xffff;
	_ =	sdelay $0x2  }
0x1bb: {  	s5 =	spop (v2sf)  }
0x1bc: {  	s6 =	sand.u32 $0x7F, s6;
	s8 =	sand.u32 $0xFFFFF80, s5  }
0x1bd: {  	s8 =	sadd.s32 s1, s8;
	[tilespmem:s28+$0xFFFFFE30] =	vst v5;
	v5 =	vor.u32 s6, v0  }
0x1be: {  	[tilespmem:s17], [sflag:$0x2] =	stream.strided.gather [hbm4b:s8+s11], $0x2000, s12, s11, $0x38;
	[tilespmem:$0x18200] =	vst v63  }
0x1bf: {  	_ =	swait.ge [sflag:s23], $0x2000  }
0x1c0: {  	[sflag:s23] =	ssyncset.done $0x0  }
0x1c1: {  	[sflag:s23] =	ssyncadd.s32 $0xFFFFE000  }
0x1c2: {  	v5 =	vld.idx.msk [tilespmem:v5+s18+$0x0], $0xffff  }
0x1c3: {  	v63 =	vor.u32 s6, v1;
	_ =	sdelay $0x3  }
0x1c4: {  	[tilespmem:s28+$0xFFFFFE80] =	vst v5  }
0x1c5: {  	(v2sf) =	vpush v4, $0xF;
	v5 =	vld.idx.msk [tilespmem:v63+s18+$0x0], $0xffff  }
0x1c6: {  	v4 =	vor.u32 s6, v2;
	_ =	sdelay $0x3  }
0x1c7: {  	[tilespmem:s28+$0xFFFFFE90] =	vst v5  }
0x1c8: {  	v4 =	vld.idx.msk [tilespmem:v4+s18+$0x0], $0xffff  }
0x1c9: {  	v5 =	vor.u32 s6, v3;
	_ =	sdelay $0x3  }
0x1ca: {  	[tilespmem:s28+$0xFFFFFEA0] =	vst v4  }
0x1cb: {  	v4 =	vld.idx.msk [tilespmem:v5+s18+$0x0], $0xffff;
	_ =	sdelay $0x2  }
0x1cc: {  	s6 =	spop (v2sf)  }
0x1cd: {  	s7 =	sand.u32 $0x7F, s7;
	s8 =	sand.u32 $0xFFFFF80, s6  }
0x1ce: {  	s8 =	sadd.s32 s1, s8;
	[tilespmem:s28+$0xFFFFFEB0] =	vst v4;
	v4 =	vor.u32 s7, v0  }
0x1cf: {  	[tilespmem:s18], [sflag:$0x2] =	stream.strided.gather [hbm4b:s8+s11], $0x2000, s12, s11, $0x38;
	[tilespmem:$0x18200] =	vst v63  }
0x1d0: {  	_ =	swait.ge [sflag:s23], $0x2000  }
0x1d1: {  	[sflag:s23] =	ssyncset.done $0x0  }
0x1d2: {  	[sflag:s23] =	ssyncadd.s32 $0xFFFFE000  }
0x1d3: {  	v4 =	vld.idx.msk [tilespmem:v4+s19+$0x0], $0xffff  }
0x1d4: {  	v5 =	vor.u32 s7, v1;
	_ =	sdelay $0x3  }
0x1d5: {  	[tilespmem:s28+$0xFFFFFF00] =	vst v4  }
0x1d6: {  	v4 =	vld.idx.msk [tilespmem:v5+s19+$0x0], $0xffff  }
0x1d7: {  	v5 =	vor.u32 s7, v2;
	_ =	sdelay $0x3  }
0x1d8: {  	[tilespmem:s28+$0xFFFFFF10] =	vst v4  }
0x1d9: {  	v4 =	vld.idx.msk [tilespmem:v5+s19+$0x0], $0xffff  }
0x1da: {  	v5 =	vor.u32 s7, v3;
	_ =	sdelay $0x3  }
0x1db: {  	[tilespmem:s28+$0xFFFFFF20] =	vst v4  }
0x1dc: {  	v4 =	vld.idx.msk [tilespmem:v5+s19+$0x0], $0xffff;
	_ =	sdelay $0x2  }
0x1dd: {  	s4 =	sand.u32 $0x7F, s4  }
0x1de: {  	v5 =	vor.u32 s4, v0  }
0x1df: {  	[tilespmem:s28+$0xFFFFFF30] =	vst v4  }
0x1e0: {  	_ =	swait.ge [sflag:s23], $0x2000  }
0x1e1: {  	[sflag:s23] =	ssyncset.done $0x0  }
0x1e2: {  	[sflag:s23] =	ssyncadd.s32 $0xFFFFE000  }
0x1e3: {  	v4 =	vld.idx.msk [tilespmem:v5+s20+$0x0], $0xffff  }
0x1e4: {  	v5 =	vor.u32 s4, v1;
	_ =	sdelay $0x3  }
0x1e5: {  	[tilespmem:s28+$0xFFFFFF80] =	vst v4  }
0x1e6: {  	v4 =	vld.idx.msk [tilespmem:v5+s20+$0x0], $0xffff  }
0x1e7: {  	v5 =	vor.u32 s4, v2;
	_ =	sdelay $0x3  }
0x1e8: {  	[tilespmem:s28+$0xFFFFFF90] =	vst v4  }
0x1e9: {  	v4 =	vld.idx.msk [tilespmem:v5+s20+$0x0], $0xffff  }
0x1ea: {  	v5 =	vor.u32 s4, v3;
	_ =	sdelay $0x3  }
0x1eb: {  	[tilespmem:s28+$0xFFFFFFA0] =	vst v4  }
0x1ec: {  	v4 =	vld.idx.msk [tilespmem:v5+s20+$0x0], $0xffff;
	_ =	sdelay $0x2  }
0x1ed: {  	s0 =	sand.u32 $0x7F, s0  }
0x1ee: {  	v5 =	vor.u32 s0, v0  }
0x1ef: {  	[tilespmem:s28+$0xFFFFFFB0] =	vst v4  }
0x1f0: {  	_ =	swait.ge [sflag:s23], $0x2000  }
0x1f1: {  	[sflag:s23] =	ssyncset.done $0x0  }
0x1f2: {  	[sflag:s23] =	ssyncadd.s32 $0xFFFFE000  }
0x1f3: {  	v4 =	vld.idx.msk [tilespmem:v5+s21+$0x0], $0xffff  }
0x1f4: {  	v5 =	vor.u32 s0, v1;
	_ =	sdelay $0x3  }
0x1f5: {  	[tilespmem:s28+$0x0] =	vst v4  }
0x1f6: {  	v4 =	vld.idx.msk [tilespmem:v5+s21+$0x0], $0xffff  }
0x1f7: {  	v5 =	vor.u32 s0, v2;
	_ =	sdelay $0x3  }
0x1f8: {  	[tilespmem:s28+$0x10] =	vst v4  }
0x1f9: {  	v4 =	vld.idx.msk [tilespmem:v5+s21+$0x0], $0xffff  }
0x1fa: {  	v5 =	vor.u32 s0, v3;
	_ =	sdelay $0x3  }
0x1fb: {  	[tilespmem:s28+$0x20] =	vst v4  }
0x1fc: {  	v4 =	vld.idx.msk [tilespmem:v5+s21+$0x0], $0xffff;
	_ =	sdelay $0x2  }
0x1fd: {  	s29 =	sand.u32 $0x7F, s29  }
0x1fe: {  	v5 =	vor.u32 s29, v0  }
0x1ff: {  	[tilespmem:s28+$0x30] =	vst v4  }
0x200: {  	_ =	swait.ge [sflag:s23], $0x2000  }
0x201: {  	[sflag:s23] =	ssyncset.done $0x0  }
0x202: {  	[sflag:s23] =	ssyncadd.s32 $0xFFFFE000  }
0x203: {  	v4 =	vld.idx.msk [tilespmem:v5+s22+$0x0], $0xffff  }
0x204: {  	v5 =	vor.u32 s29, v1;
	_ =	sdelay $0x3  }
0x205: {  	[tilespmem:s28+$0x80] =	vst v4  }
0x206: {  	v4 =	vld.idx.msk [tilespmem:v5+s22+$0x0], $0xffff  }
0x207: {  	v5 =	vor.u32 s29, v2;
	_ =	sdelay $0x3  }
0x208: {  	[tilespmem:s28+$0x90] =	vst v4  }
0x209: {  	v4 =	vld.idx.msk [tilespmem:v5+s22+$0x0], $0xffff  }
0x20a: {  	v5 =	vor.u32 s29, v3;
	_ =	sdelay $0x3  }
0x20b: {  	[tilespmem:s28+$0xA0] =	vst v4  }
0x20c: {  	v4 =	vld.idx.msk [tilespmem:v5+s22+$0x0], $0xffff;
	_ =	sdelay $0x2  }
0x20d: {  	s4 =	sand.u32 $0x7F, s30  }
0x20e: {  	v5 =	vor.u32 s4, v0  }
0x20f: {  	[tilespmem:s28+$0xB0] =	vst v4  }
0x210: {  	_ =	swait.ge [sflag:s23], $0x2000  }
0x211: {  	[sflag:s23] =	ssyncset.done $0x0  }
0x212: {  	[sflag:s23] =	ssyncadd.s32 $0xFFFFE000  }
0x213: {  	v4 =	vld.idx.msk [tilespmem:v5+s13+$0x0], $0xffff  }
0x214: {  	v5 =	vor.u32 s4, v1;
	_ =	sdelay $0x3  }
0x215: {  	[tilespmem:s28+$0x100] =	vst v4  }
0x216: {  	v4 =	vld.idx.msk [tilespmem:v5+s13+$0x0], $0xffff  }
0x217: {  	v5 =	vor.u32 s4, v2;
	_ =	sdelay $0x3  }
0x218: {  	[tilespmem:s28+$0x110] =	vst v4  }
0x219: {  	v4 =	vld.idx.msk [tilespmem:v5+s13+$0x0], $0xffff  }
0x21a: {  	v5 =	vor.u32 s4, v3;
	_ =	sdelay $0x3  }
0x21b: {  	[tilespmem:s28+$0x120] =	vst v4  }
0x21c: {  	v4 =	vld.idx.msk [tilespmem:v5+s13+$0x0], $0xffff;
	_ =	sdelay $0x2  }
0x21d: {  	s7 =	sand.u32 $0x7F, s31  }
0x21e: {  	v5 =	vor.u32 s7, v0  }
0x21f: {  	[tilespmem:s28+$0x130] =	vst v4  }
0x220: {  	_ =	swait.ge [sflag:s23], $0x2000  }
0x221: {  	[sflag:s23] =	ssyncset.done $0x0  }
0x222: {  	[sflag:s23] =	ssyncadd.s32 $0xFFFFE000  }
0x223: {  	v4 =	vld.idx.msk [tilespmem:v5+s14+$0x0], $0xffff  }
0x224: {  	v5 =	vor.u32 s7, v1;
	_ =	sdelay $0x3  }
0x225: {  	[tilespmem:s28+$0x180] =	vst v4  }
0x226: {  	v4 =	vld.idx.msk [tilespmem:v5+s14+$0x0], $0xffff  }
0x227: {  	v5 =	vor.u32 s7, v2;
	_ =	sdelay $0x3  }
0x228: {  	[tilespmem:s28+$0x190] =	vst v4  }
0x229: {  	v4 =	vld.idx.msk [tilespmem:v5+s14+$0x0], $0xffff  }
0x22a: {  	v5 =	vor.u32 s7, v3;
	_ =	sdelay $0x3  }
0x22b: {  	[tilespmem:s28+$0x1A0] =	vst v4  }
0x22c: {  	v4 =	vld.idx.msk [tilespmem:v5+s14+$0x0], $0xffff;
	_ =	sdelay $0x2  }
0x22d: {  	s8 =	sand.u32 $0x7F, s2  }
0x22e: {  	v5 =	vor.u32 s8, v0  }
0x22f: {  	[tilespmem:s28+$0x1B0] =	vst v4  }
0x230: {  	_ =	swait.ge [sflag:s23], $0x2000  }
0x231: {  	[sflag:s23] =	ssyncset.done $0x0  }
0x232: {  	[sflag:s23] =	ssyncadd.s32 $0xFFFFE000  }
0x233: {  	v4 =	vld.idx.msk [tilespmem:v5+s15+$0x0], $0xffff  }
0x234: {  	v5 =	vor.u32 s8, v1;
	_ =	sdelay $0x3  }
0x235: {  	[tilespmem:s28+$0x200] =	vst v4  }
0x236: {  	v4 =	vld.idx.msk [tilespmem:v5+s15+$0x0], $0xffff  }
0x237: {  	v5 =	vor.u32 s8, v2;
	_ =	sdelay $0x3  }
0x238: {  	[tilespmem:s28+$0x210] =	vst v4  }
0x239: {  	v4 =	vld.idx.msk [tilespmem:v5+s15+$0x0], $0xffff  }
0x23a: {  	v5 =	vor.u32 s8, v3;
	_ =	sdelay $0x3  }
0x23b: {  	[tilespmem:s28+$0x220] =	vst v4  }
0x23c: {  	v4 =	vld.idx.msk [tilespmem:v5+s15+$0x0], $0xffff;
	_ =	sdelay $0x2  }
0x23d: {  	s29 =	sand.u32 $0x7F, s3  }
0x23e: {  	v5 =	vor.u32 s29, v0  }
0x23f: {  	[tilespmem:s28+$0x230] =	vst v4  }
0x240: {  	_ =	swait.ge [sflag:s23], $0x2000  }
0x241: {  	[sflag:s23] =	ssyncset.done $0x0  }
0x242: {  	[sflag:s23] =	ssyncadd.s32 $0xFFFFE000  }
0x243: {  	v4 =	vld.idx.msk [tilespmem:v5+s16+$0x0], $0xffff  }
0x244: {  	v5 =	vor.u32 s29, v1;
	_ =	sdelay $0x3  }
0x245: {  	[tilespmem:s28+$0x280] =	vst v4  }
0x246: {  	v4 =	vld.idx.msk [tilespmem:v5+s16+$0x0], $0xffff  }
0x247: {  	v5 =	vor.u32 s29, v2;
	_ =	sdelay $0x3  }
0x248: {  	[tilespmem:s28+$0x290] =	vst v4  }
0x249: {  	v4 =	vld.idx.msk [tilespmem:v5+s16+$0x0], $0xffff  }
0x24a: {  	v5 =	vor.u32 s29, v3;
	_ =	sdelay $0x3  }
0x24b: {  	[tilespmem:s28+$0x2A0] =	vst v4  }
0x24c: {  	v4 =	vld.idx.msk [tilespmem:v5+s16+$0x0], $0xffff;
	_ =	sdelay $0x2  }
0x24d: {  	s30 =	sand.u32 $0x7F, s5  }
0x24e: {  	v5 =	vor.u32 s30, v0  }
0x24f: {  	[tilespmem:s28+$0x2B0] =	vst v4  }
0x250: {  	_ =	swait.ge [sflag:s23], $0x2000  }
0x251: {  	[sflag:s23] =	ssyncset.done $0x0  }
0x252: {  	[sflag:s23] =	ssyncadd.s32 $0xFFFFE000  }
0x253: {  	v4 =	vld.idx.msk [tilespmem:v5+s17+$0x0], $0xffff  }
0x254: {  	v5 =	vor.u32 s30, v1;
	_ =	sdelay $0x3  }
0x255: {  	[tilespmem:s28+$0x300] =	vst v4  }
0x256: {  	v4 =	vld.idx.msk [tilespmem:v5+s17+$0x0], $0xffff  }
0x257: {  	v5 =	vor.u32 s30, v2;
	_ =	sdelay $0x3  }
0x258: {  	[tilespmem:s28+$0x310] =	vst v4  }
0x259: {  	v4 =	vld.idx.msk [tilespmem:v5+s17+$0x0], $0xffff  }
0x25a: {  	v5 =	vor.u32 s30, v3;
	_ =	sdelay $0x3  }
0x25b: {  	[tilespmem:s28+$0x320] =	vst v4  }
0x25c: {  	v4 =	vld.idx.msk [tilespmem:v5+s17+$0x0], $0xffff;
	_ =	sdelay $0x2  }
0x25d: {  	s31 =	sand.u32 $0x7F, s6  }
0x25e: {  	v5 =	vor.u32 s31, v0  }
0x25f: {  	[tilespmem:s28+$0x330] =	vst v4  }
0x260: {  	_ =	swait.ge [sflag:s23], $0x2000  }
0x261: {  	[sflag:s23] =	ssyncset.done $0x0  }
0x262: {  	[sflag:s23] =	ssyncadd.s32 $0xFFFFE000  }
0x263: {  	v4 =	vld.idx.msk [tilespmem:v5+s18+$0x0], $0xffff  }
0x264: {  	v5 =	vor.u32 s31, v1;
	_ =	sdelay $0x3  }
0x265: {  	[tilespmem:s28+$0x380] =	vst v4  }
0x266: {  	v4 =	vld.idx.msk [tilespmem:v5+s18+$0x0], $0xffff  }
0x267: {  	v5 =	vor.u32 s31, v2;
	_ =	sdelay $0x3  }
0x268: {  	[tilespmem:s28+$0x390] =	vst v4  }
0x269: {  	v4 =	vld.idx.msk [tilespmem:v5+s18+$0x0], $0xffff  }
0x26a: {  	v5 =	vor.u32 s31, v3;
	_ =	sdelay $0x3  }
0x26b: {  	[tilespmem:s28+$0x3A0] =	vst v4  }
0x26c: {  	p0 =	sne.s32 s26, $0x1C0;
	v4 =	vld.idx.msk [tilespmem:v5+s18+$0x0], $0xffff  }
.Ltmp1:
0x26d: {  	_ = 	snop;
	(pc) =	sbr.rel @p0 .LBB2_4-.Ltmp1, $2  }
0x26e: {  	_ =	sdelay $0x2  }
0x26f: {  	s26 =	sadd.s32 $0x40, s26;
	[tilespmem:s28+$0x3B0] =	vst v4;
	s28 =	sadd.s32 $0x800, s28  }
0x270: {  	s26 =	simm.s32 $0x0;
	s0 =	rddreg [dreg:$0x6]  }
0x271: {  	[hbm4b:s0+s26] =	stream.linear.scatter [tilespmem:s24], [sflag:$0x1], $0x4000, $0x38;
	[tilespmem:$0x18200] =	vst v63  }
0x272: {  	_ =	swait.ge [sflag:s10], $0x4000  }
0x273: {  	[sflag:s10] =	ssyncset.done $0x0  }
0x274: {  	s28 =	simm.s32 $0x14600;
	[sflag:s10] =	ssyncadd.s32 $0xFFFFC000  }
.LBB2_6:
0x275: {  	s0 =	sshra.s32 s26, $0x2  }
0x276: {  	v4 =	vld [tilespmem:s0+$0x100];
	_ =	sdelay $0x4  }
0x277: {  	(v2sf) =	vpush v4, $0x0;
	_ =	sdelay $0x3  }
0x278: {  	(v2sf) =	vpush v4, $0x1;
	_ =	sdelay $0x3  }
0x279: {  	(v2sf) =	vpush v4, $0x2;
	_ =	sdelay $0x1  }
0x27a: {  	(v2sf) =	vpush v4, $0x3;
	_ =	sdelay $0x4  }
0x27b: {  	s8 =	spop (v2sf);
	(v2sf) =	vpush v4, $0x4;
	_ =	sdelay $0x2  }
0x27c: {  	(v2sf) =	vpush v4, $0x5  }
0x27d: {  	s31 =	spop (v2sf);
	(v2sf) =	vpush v4, $0x6;
	_ =	sdelay $0x2  }
0x27e: {  	s5 =	sand.u32 $0xFFFFF80, s8  }
0x27f: {  	s0 =	sadd.s32 s1, s5;
	s2 =	spop (v2sf);
	(v2sf) =	vpush v4, $0x7  }
0x280: {  	[tilespmem:s13], [sflag:$0x2] =	stream.strided.gather [hbm4b:s0+s11], $0x2000, s12, s11, $0x38;
	[tilespmem:$0x18200] =	vst v63  }
0x281: {  	s6 =	sand.u32 $0xFFFFF80, s31;
	s3 =	spop (v2sf);
	(v2sf) =	vpush v4, $0x8  }
0x282: {  	s0 =	sadd.s32 s1, s6;
	s7 =	sand.u32 $0xFFFFF80, s2  }
0x283: {  	[tilespmem:s14], [sflag:$0x2] =	stream.strided.gather [hbm4b:s0+s11], $0x2000, s12, s11, $0x38;
	[tilespmem:$0x18200] =	vst v63  }
0x284: {  	s0 =	sadd.s32 s1, s7  }
0x285: {  	[tilespmem:s15], [sflag:$0x2] =	stream.strided.gather [hbm4b:s0+s11], $0x2000, s12, s11, $0x38;
	[tilespmem:$0x18200] =	vst v63  }
0x286: {  	s29 =	sand.u32 $0xFFFFF80, s3;
	s5 =	spop (v2sf);
	(v2sf) =	vpush v4, $0x9  }
0x287: {  	s0 =	sadd.s32 s1, s29  }
0x288: {  	[tilespmem:s16], [sflag:$0x2] =	stream.strided.gather [hbm4b:s0+s11], $0x2000, s12, s11, $0x38;
	[tilespmem:$0x18200] =	vst v63  }
0x289: {  	s30 =	sand.u32 $0xFFFFF80, s5;
	s6 =	spop (v2sf)  }
0x28a: {  	s0 =	sadd.s32 s1, s30;
	s4 =	sand.u32 $0xFFFFF80, s6;
	s7 =	spop (v2sf)  }
0x28b: {  	[tilespmem:s17], [sflag:$0x2] =	stream.strided.gather [hbm4b:s0+s11], $0x2000, s12, s11, $0x38;
	[tilespmem:$0x18200] =	vst v63  }
0x28c: {  	s0 =	sadd.s32 s1, s4;
	s29 =	sand.u32 $0xFFFFF80, s7  }
0x28d: {  	[tilespmem:s18], [sflag:$0x2] =	stream.strided.gather [hbm4b:s0+s11], $0x2000, s12, s11, $0x38;
	[tilespmem:$0x18200] =	vst v63  }
0x28e: {  	s4 =	spop (v2sf);
	s0 =	sadd.s32 s1, s29  }
0x28f: {  	[tilespmem:s19], [sflag:$0x2] =	stream.strided.gather [hbm4b:s0+s11], $0x2000, s12, s11, $0x38;
	[tilespmem:$0x18200] =	vst v63  }
0x290: {  	s29 =	sand.u32 $0xFFFFF80, s4;
	s0 =	spop (v2sf)  }
0x291: {  	s29 =	sadd.s32 s1, s29;
	s30 =	sand.u32 $0xFFFFF80, s0  }
0x292: {  	[tilespmem:s20], [sflag:$0x2] =	stream.strided.gather [hbm4b:s29+s11], $0x2000, s12, s11, $0x38;
	[tilespmem:$0x18200] =	vst v63  }
0x293: {  	s29 =	sadd.s32 s1, s30  }
0x294: {  	[tilespmem:s21], [sflag:$0x2] =	stream.strided.gather [hbm4b:s29+s11], $0x2000, s12, s11, $0x38;
	[tilespmem:$0x18200] =	vst v63  }
0x295: {  	s29 =	spop (v2sf)  }
0x296: {  	s8 =	sand.u32 $0x7F, s8;
	s30 =	sand.u32 $0xFFFFF80, s29  }
0x297: {  	v5 =	vor.u32 s8, v0;
	s30 =	sadd.s32 s1, s30  }
0x298: {  	[tilespmem:s22], [sflag:$0x2] =	stream.strided.gather [hbm4b:s30+s11], $0x2000, s12, s11, $0x38;
	[tilespmem:$0x18200] =	vst v63  }
0x299: {  	_ =	swait.ge [sflag:s23], $0x2000  }
0x29a: {  	[sflag:s23] =	ssyncset.done $0x0  }
0x29b: {  	[sflag:s23] =	ssyncadd.s32 $0xFFFFE000  }
0x29c: {  	v5 =	vld.idx.msk [tilespmem:v5+s13+$0x0], $0xffff  }
0x29d: {  	v6 =	vor.u32 s8, v1;
	_ =	sdelay $0x3  }
0x29e: {  	[tilespmem:s28+$0xFFFFFC00] =	vst v5  }
0x29f: {  	(v2sf) =	vpush v4, $0xA;
	v5 =	vld.idx.msk [tilespmem:v6+s13+$0x0], $0xffff  }
0x2a0: {  	v49 =	vor.u32 s8, v2;
	_ =	sdelay $0x3  }
0x2a1: {  	[tilespmem:s28+$0xFFFFFC10] =	vst v5  }
0x2a2: {  	v5 =	vld.idx.msk [tilespmem:v49+s13+$0x0], $0xffff  }
0x2a3: {  	v50 =	vor.u32 s8, v3;
	_ =	sdelay $0x3  }
0x2a4: {  	[tilespmem:s28+$0xFFFFFC20] =	vst v5  }
0x2a5: {  	v5 =	vld.idx.msk [tilespmem:v50+s13+$0x0], $0xffff;
	_ =	sdelay $0x2  }
0x2a6: {  	s30 =	spop (v2sf)  }
0x2a7: {  	s31 =	sand.u32 $0x7F, s31;
	s8 =	sand.u32 $0xFFFFF80, s30  }
0x2a8: {  	s8 =	sadd.s32 s1, s8;
	[tilespmem:s28+$0xFFFFFC30] =	vst v5;
	v5 =	vor.u32 s31, v0  }
0x2a9: {  	[tilespmem:s13], [sflag:$0x2] =	stream.strided.gather [hbm4b:s8+s11], $0x2000, s12, s11, $0x38;
	[tilespmem:$0x18200] =	vst v63  }
0x2aa: {  	_ =	swait.ge [sflag:s23], $0x2000  }
0x2ab: {  	[sflag:s23] =	ssyncset.done $0x0  }
0x2ac: {  	[sflag:s23] =	ssyncadd.s32 $0xFFFFE000  }
0x2ad: {  	v5 =	vld.idx.msk [tilespmem:v5+s14+$0x0], $0xffff  }
0x2ae: {  	v51 =	vor.u32 s31, v1;
	_ =	sdelay $0x3  }
0x2af: {  	[tilespmem:s28+$0xFFFFFC80] =	vst v5  }
0x2b0: {  	(v2sf) =	vpush v4, $0xB;
	v5 =	vld.idx.msk [tilespmem:v51+s14+$0x0], $0xffff  }
0x2b1: {  	v52 =	vor.u32 s31, v2;
	_ =	sdelay $0x3  }
0x2b2: {  	[tilespmem:s28+$0xFFFFFC90] =	vst v5  }
0x2b3: {  	v5 =	vld.idx.msk [tilespmem:v52+s14+$0x0], $0xffff  }
0x2b4: {  	v53 =	vor.u32 s31, v3;
	_ =	sdelay $0x3  }
0x2b5: {  	[tilespmem:s28+$0xFFFFFCA0] =	vst v5  }
0x2b6: {  	v5 =	vld.idx.msk [tilespmem:v53+s14+$0x0], $0xffff;
	_ =	sdelay $0x2  }
0x2b7: {  	s31 =	spop (v2sf)  }
0x2b8: {  	s2 =	sand.u32 $0x7F, s2;
	s8 =	sand.u32 $0xFFFFF80, s31  }
0x2b9: {  	s8 =	sadd.s32 s1, s8;
	[tilespmem:s28+$0xFFFFFCB0] =	vst v5;
	v5 =	vor.u32 s2, v0  }
0x2ba: {  	[tilespmem:s14], [sflag:$0x2] =	stream.strided.gather [hbm4b:s8+s11], $0x2000, s12, s11, $0x38;
	[tilespmem:$0x18200] =	vst v63  }
0x2bb: {  	_ =	swait.ge [sflag:s23], $0x2000  }
0x2bc: {  	[sflag:s23] =	ssyncset.done $0x0  }
0x2bd: {  	[sflag:s23] =	ssyncadd.s32 $0xFFFFE000  }
0x2be: {  	v5 =	vld.idx.msk [tilespmem:v5+s15+$0x0], $0xffff  }
0x2bf: {  	v54 =	vor.u32 s2, v1;
	_ =	sdelay $0x3  }
0x2c0: {  	[tilespmem:s28+$0xFFFFFD00] =	vst v5  }
0x2c1: {  	(v2sf) =	vpush v4, $0xC;
	v5 =	vld.idx.msk [tilespmem:v54+s15+$0x0], $0xffff  }
0x2c2: {  	v55 =	vor.u32 s2, v2;
	_ =	sdelay $0x3  }
0x2c3: {  	[tilespmem:s28+$0xFFFFFD10] =	vst v5  }
0x2c4: {  	v5 =	vld.idx.msk [tilespmem:v55+s15+$0x0], $0xffff  }
0x2c5: {  	v56 =	vor.u32 s2, v3;
	_ =	sdelay $0x3  }
0x2c6: {  	[tilespmem:s28+$0xFFFFFD20] =	vst v5  }
0x2c7: {  	v5 =	vld.idx.msk [tilespmem:v56+s15+$0x0], $0xffff;
	_ =	sdelay $0x2  }
0x2c8: {  	s2 =	spop (v2sf)  }
0x2c9: {  	s3 =	sand.u32 $0x7F, s3;
	s8 =	sand.u32 $0xFFFFF80, s2  }
0x2ca: {  	s8 =	sadd.s32 s1, s8;
	[tilespmem:s28+$0xFFFFFD30] =	vst v5;
	v5 =	vor.u32 s3, v0  }
0x2cb: {  	[tilespmem:s15], [sflag:$0x2] =	stream.strided.gather [hbm4b:s8+s11], $0x2000, s12, s11, $0x38;
	[tilespmem:$0x18200] =	vst v63  }
0x2cc: {  	_ =	swait.ge [sflag:s23], $0x2000  }
0x2cd: {  	[sflag:s23] =	ssyncset.done $0x0  }
0x2ce: {  	[sflag:s23] =	ssyncadd.s32 $0xFFFFE000  }
0x2cf: {  	v5 =	vld.idx.msk [tilespmem:v5+s16+$0x0], $0xffff  }
0x2d0: {  	v57 =	vor.u32 s3, v1;
	_ =	sdelay $0x3  }
0x2d1: {  	[tilespmem:s28+$0xFFFFFD80] =	vst v5  }
0x2d2: {  	(v2sf) =	vpush v4, $0xD;
	v5 =	vld.idx.msk [tilespmem:v57+s16+$0x0], $0xffff  }
0x2d3: {  	v58 =	vor.u32 s3, v2;
	_ =	sdelay $0x3  }
0x2d4: {  	[tilespmem:s28+$0xFFFFFD90] =	vst v5  }
0x2d5: {  	v5 =	vld.idx.msk [tilespmem:v58+s16+$0x0], $0xffff  }
0x2d6: {  	v59 =	vor.u32 s3, v3;
	_ =	sdelay $0x3  }
0x2d7: {  	[tilespmem:s28+$0xFFFFFDA0] =	vst v5  }
0x2d8: {  	v5 =	vld.idx.msk [tilespmem:v59+s16+$0x0], $0xffff;
	_ =	sdelay $0x2  }
0x2d9: {  	s3 =	spop (v2sf)  }
0x2da: {  	s5 =	sand.u32 $0x7F, s5;
	s8 =	sand.u32 $0xFFFFF80, s3  }
0x2db: {  	s8 =	sadd.s32 s1, s8;
	[tilespmem:s28+$0xFFFFFDB0] =	vst v5;
	v5 =	vor.u32 s5, v0  }
0x2dc: {  	[tilespmem:s16], [sflag:$0x2] =	stream.strided.gather [hbm4b:s8+s11], $0x2000, s12, s11, $0x38;
	[tilespmem:$0x18200] =	vst v63  }
0x2dd: {  	_ =	swait.ge [sflag:s23], $0x2000  }
0x2de: {  	[sflag:s23] =	ssyncset.done $0x0  }
0x2df: {  	[sflag:s23] =	ssyncadd.s32 $0xFFFFE000  }
0x2e0: {  	v5 =	vld.idx.msk [tilespmem:v5+s17+$0x0], $0xffff  }
0x2e1: {  	v60 =	vor.u32 s5, v1;
	_ =	sdelay $0x3  }
0x2e2: {  	[tilespmem:s28+$0xFFFFFE00] =	vst v5  }
0x2e3: {  	(v2sf) =	vpush v4, $0xE;
	v5 =	vld.idx.msk [tilespmem:v60+s17+$0x0], $0xffff  }
0x2e4: {  	v61 =	vor.u32 s5, v2;
	_ =	sdelay $0x3  }
0x2e5: {  	[tilespmem:s28+$0xFFFFFE10] =	vst v5  }
0x2e6: {  	v5 =	vld.idx.msk [tilespmem:v61+s17+$0x0], $0xffff  }
0x2e7: {  	v62 =	vor.u32 s5, v3;
	_ =	sdelay $0x3  }
0x2e8: {  	[tilespmem:s28+$0xFFFFFE20] =	vst v5  }
0x2e9: {  	v5 =	vld.idx.msk [tilespmem:v62+s17+$0x0], $0xffff;
	_ =	sdelay $0x2  }
0x2ea: {  	s5 =	spop (v2sf)  }
0x2eb: {  	s6 =	sand.u32 $0x7F, s6;
	s8 =	sand.u32 $0xFFFFF80, s5  }
0x2ec: {  	s8 =	sadd.s32 s1, s8;
	[tilespmem:s28+$0xFFFFFE30] =	vst v5;
	v5 =	vor.u32 s6, v0  }
0x2ed: {  	[tilespmem:s17], [sflag:$0x2] =	stream.strided.gather [hbm4b:s8+s11], $0x2000, s12, s11, $0x38;
	[tilespmem:$0x18200] =	vst v63  }
0x2ee: {  	_ =	swait.ge [sflag:s23], $0x2000  }
0x2ef: {  	[sflag:s23] =	ssyncset.done $0x0  }
0x2f0: {  	[sflag:s23] =	ssyncadd.s32 $0xFFFFE000  }
0x2f1: {  	v5 =	vld.idx.msk [tilespmem:v5+s18+$0x0], $0xffff  }
0x2f2: {  	v63 =	vor.u32 s6, v1;
	_ =	sdelay $0x3  }
0x2f3: {  	[tilespmem:s28+$0xFFFFFE80] =	vst v5  }
0x2f4: {  	(v2sf) =	vpush v4, $0xF;
	v5 =	vld.idx.msk [tilespmem:v63+s18+$0x0], $0xffff  }
0x2f5: {  	v4 =	vor.u32 s6, v2;
	_ =	sdelay $0x3  }
0x2f6: {  	[tilespmem:s28+$0xFFFFFE90] =	vst v5  }
0x2f7: {  	v4 =	vld.idx.msk [tilespmem:v4+s18+$0x0], $0xffff  }
0x2f8: {  	v5 =	vor.u32 s6, v3;
	_ =	sdelay $0x3  }
0x2f9: {  	[tilespmem:s28+$0xFFFFFEA0] =	vst v4  }
0x2fa: {  	v4 =	vld.idx.msk [tilespmem:v5+s18+$0x0], $0xffff;
	_ =	sdelay $0x2  }
0x2fb: {  	s6 =	spop (v2sf)  }
0x2fc: {  	s7 =	sand.u32 $0x7F, s7;
	s8 =	sand.u32 $0xFFFFF80, s6  }
0x2fd: {  	s8 =	sadd.s32 s1, s8;
	[tilespmem:s28+$0xFFFFFEB0] =	vst v4;
	v4 =	vor.u32 s7, v0  }
0x2fe: {  	[tilespmem:s18], [sflag:$0x2] =	stream.strided.gather [hbm4b:s8+s11], $0x2000, s12, s11, $0x38;
	[tilespmem:$0x18200] =	vst v63  }
0x2ff: {  	_ =	swait.ge [sflag:s23], $0x2000  }
0x300: {  	[sflag:s23] =	ssyncset.done $0x0  }
0x301: {  	[sflag:s23] =	ssyncadd.s32 $0xFFFFE000  }
0x302: {  	v4 =	vld.idx.msk [tilespmem:v4+s19+$0x0], $0xffff  }
0x303: {  	v5 =	vor.u32 s7, v1;
	_ =	sdelay $0x3  }
0x304: {  	[tilespmem:s28+$0xFFFFFF00] =	vst v4  }
0x305: {  	v4 =	vld.idx.msk [tilespmem:v5+s19+$0x0], $0xffff  }
0x306: {  	v5 =	vor.u32 s7, v2;
	_ =	sdelay $0x3  }
0x307: {  	[tilespmem:s28+$0xFFFFFF10] =	vst v4  }
0x308: {  	v4 =	vld.idx.msk [tilespmem:v5+s19+$0x0], $0xffff  }
0x309: {  	v5 =	vor.u32 s7, v3;
	_ =	sdelay $0x3  }
0x30a: {  	[tilespmem:s28+$0xFFFFFF20] =	vst v4  }
0x30b: {  	v4 =	vld.idx.msk [tilespmem:v5+s19+$0x0], $0xffff;
	_ =	sdelay $0x2  }
0x30c: {  	s4 =	sand.u32 $0x7F, s4  }
0x30d: {  	v5 =	vor.u32 s4, v0  }
0x30e: {  	[tilespmem:s28+$0xFFFFFF30] =	vst v4  }
0x30f: {  	_ =	swait.ge [sflag:s23], $0x2000  }
0x310: {  	[sflag:s23] =	ssyncset.done $0x0  }
0x311: {  	[sflag:s23] =	ssyncadd.s32 $0xFFFFE000  }
0x312: {  	v4 =	vld.idx.msk [tilespmem:v5+s20+$0x0], $0xffff  }
0x313: {  	v5 =	vor.u32 s4, v1;
	_ =	sdelay $0x3  }
0x314: {  	[tilespmem:s28+$0xFFFFFF80] =	vst v4  }
0x315: {  	v4 =	vld.idx.msk [tilespmem:v5+s20+$0x0], $0xffff  }
0x316: {  	v5 =	vor.u32 s4, v2;
	_ =	sdelay $0x3  }
0x317: {  	[tilespmem:s28+$0xFFFFFF90] =	vst v4  }
0x318: {  	v4 =	vld.idx.msk [tilespmem:v5+s20+$0x0], $0xffff  }
0x319: {  	v5 =	vor.u32 s4, v3;
	_ =	sdelay $0x3  }
0x31a: {  	[tilespmem:s28+$0xFFFFFFA0] =	vst v4  }
0x31b: {  	v4 =	vld.idx.msk [tilespmem:v5+s20+$0x0], $0xffff;
	_ =	sdelay $0x2  }
0x31c: {  	s0 =	sand.u32 $0x7F, s0  }
0x31d: {  	v5 =	vor.u32 s0, v0  }
0x31e: {  	[tilespmem:s28+$0xFFFFFFB0] =	vst v4  }
0x31f: {  	_ =	swait.ge [sflag:s23], $0x2000  }
0x320: {  	[sflag:s23] =	ssyncset.done $0x0  }
0x321: {  	[sflag:s23] =	ssyncadd.s32 $0xFFFFE000  }
0x322: {  	v4 =	vld.idx.msk [tilespmem:v5+s21+$0x0], $0xffff  }
0x323: {  	v5 =	vor.u32 s0, v1;
	_ =	sdelay $0x3  }
0x324: {  	[tilespmem:s28+$0x0] =	vst v4  }
0x325: {  	v4 =	vld.idx.msk [tilespmem:v5+s21+$0x0], $0xffff  }
0x326: {  	v5 =	vor.u32 s0, v2;
	_ =	sdelay $0x3  }
0x327: {  	[tilespmem:s28+$0x10] =	vst v4  }
0x328: {  	v4 =	vld.idx.msk [tilespmem:v5+s21+$0x0], $0xffff  }
0x329: {  	v5 =	vor.u32 s0, v3;
	_ =	sdelay $0x3  }
0x32a: {  	[tilespmem:s28+$0x20] =	vst v4  }
0x32b: {  	v4 =	vld.idx.msk [tilespmem:v5+s21+$0x0], $0xffff;
	_ =	sdelay $0x2  }
0x32c: {  	s29 =	sand.u32 $0x7F, s29  }
0x32d: {  	v5 =	vor.u32 s29, v0  }
0x32e: {  	[tilespmem:s28+$0x30] =	vst v4  }
0x32f: {  	_ =	swait.ge [sflag:s23], $0x2000  }
0x330: {  	[sflag:s23] =	ssyncset.done $0x0  }
0x331: {  	[sflag:s23] =	ssyncadd.s32 $0xFFFFE000  }
0x332: {  	v4 =	vld.idx.msk [tilespmem:v5+s22+$0x0], $0xffff  }
0x333: {  	v5 =	vor.u32 s29, v1;
	_ =	sdelay $0x3  }
0x334: {  	[tilespmem:s28+$0x80] =	vst v4  }
0x335: {  	v4 =	vld.idx.msk [tilespmem:v5+s22+$0x0], $0xffff  }
0x336: {  	v5 =	vor.u32 s29, v2;
	_ =	sdelay $0x3  }
0x337: {  	[tilespmem:s28+$0x90] =	vst v4  }
0x338: {  	v4 =	vld.idx.msk [tilespmem:v5+s22+$0x0], $0xffff  }
0x339: {  	v5 =	vor.u32 s29, v3;
	_ =	sdelay $0x3  }
0x33a: {  	[tilespmem:s28+$0xA0] =	vst v4  }
0x33b: {  	v4 =	vld.idx.msk [tilespmem:v5+s22+$0x0], $0xffff;
	_ =	sdelay $0x2  }
0x33c: {  	s4 =	sand.u32 $0x7F, s30  }
0x33d: {  	v5 =	vor.u32 s4, v0  }
0x33e: {  	[tilespmem:s28+$0xB0] =	vst v4  }
0x33f: {  	_ =	swait.ge [sflag:s23], $0x2000  }
0x340: {  	[sflag:s23] =	ssyncset.done $0x0  }
0x341: {  	[sflag:s23] =	ssyncadd.s32 $0xFFFFE000  }
0x342: {  	v4 =	vld.idx.msk [tilespmem:v5+s13+$0x0], $0xffff  }
0x343: {  	v5 =	vor.u32 s4, v1;
	_ =	sdelay $0x3  }
0x344: {  	[tilespmem:s28+$0x100] =	vst v4  }
0x345: {  	v4 =	vld.idx.msk [tilespmem:v5+s13+$0x0], $0xffff  }
0x346: {  	v5 =	vor.u32 s4, v2;
	_ =	sdelay $0x3  }
0x347: {  	[tilespmem:s28+$0x110] =	vst v4  }
0x348: {  	v4 =	vld.idx.msk [tilespmem:v5+s13+$0x0], $0xffff  }
0x349: {  	v5 =	vor.u32 s4, v3;
	_ =	sdelay $0x3  }
0x34a: {  	[tilespmem:s28+$0x120] =	vst v4  }
0x34b: {  	v4 =	vld.idx.msk [tilespmem:v5+s13+$0x0], $0xffff;
	_ =	sdelay $0x2  }
0x34c: {  	s7 =	sand.u32 $0x7F, s31  }
0x34d: {  	v5 =	vor.u32 s7, v0  }
0x34e: {  	[tilespmem:s28+$0x130] =	vst v4  }
0x34f: {  	_ =	swait.ge [sflag:s23], $0x2000  }
0x350: {  	[sflag:s23] =	ssyncset.done $0x0  }
0x351: {  	[sflag:s23] =	ssyncadd.s32 $0xFFFFE000  }
0x352: {  	v4 =	vld.idx.msk [tilespmem:v5+s14+$0x0], $0xffff  }
0x353: {  	v5 =	vor.u32 s7, v1;
	_ =	sdelay $0x3  }
0x354: {  	[tilespmem:s28+$0x180] =	vst v4  }
0x355: {  	v4 =	vld.idx.msk [tilespmem:v5+s14+$0x0], $0xffff  }
0x356: {  	v5 =	vor.u32 s7, v2;
	_ =	sdelay $0x3  }
0x357: {  	[tilespmem:s28+$0x190] =	vst v4  }
0x358: {  	v4 =	vld.idx.msk [tilespmem:v5+s14+$0x0], $0xffff  }
0x359: {  	v5 =	vor.u32 s7, v3;
	_ =	sdelay $0x3  }
0x35a: {  	[tilespmem:s28+$0x1A0] =	vst v4  }
0x35b: {  	v4 =	vld.idx.msk [tilespmem:v5+s14+$0x0], $0xffff;
	_ =	sdelay $0x2  }
0x35c: {  	s8 =	sand.u32 $0x7F, s2  }
0x35d: {  	v5 =	vor.u32 s8, v0  }
0x35e: {  	[tilespmem:s28+$0x1B0] =	vst v4  }
0x35f: {  	_ =	swait.ge [sflag:s23], $0x2000  }
0x360: {  	[sflag:s23] =	ssyncset.done $0x0  }
0x361: {  	[sflag:s23] =	ssyncadd.s32 $0xFFFFE000  }
0x362: {  	v4 =	vld.idx.msk [tilespmem:v5+s15+$0x0], $0xffff  }
0x363: {  	v5 =	vor.u32 s8, v1;
	_ =	sdelay $0x3  }
0x364: {  	[tilespmem:s28+$0x200] =	vst v4  }
0x365: {  	v4 =	vld.idx.msk [tilespmem:v5+s15+$0x0], $0xffff  }
0x366: {  	v5 =	vor.u32 s8, v2;
	_ =	sdelay $0x3  }
0x367: {  	[tilespmem:s28+$0x210] =	vst v4  }
0x368: {  	v4 =	vld.idx.msk [tilespmem:v5+s15+$0x0], $0xffff  }
0x369: {  	v5 =	vor.u32 s8, v3;
	_ =	sdelay $0x3  }
0x36a: {  	[tilespmem:s28+$0x220] =	vst v4  }
0x36b: {  	v4 =	vld.idx.msk [tilespmem:v5+s15+$0x0], $0xffff;
	_ =	sdelay $0x2  }
0x36c: {  	s29 =	sand.u32 $0x7F, s3  }
0x36d: {  	v5 =	vor.u32 s29, v0  }
0x36e: {  	[tilespmem:s28+$0x230] =	vst v4  }
0x36f: {  	_ =	swait.ge [sflag:s23], $0x2000  }
0x370: {  	[sflag:s23] =	ssyncset.done $0x0  }
0x371: {  	[sflag:s23] =	ssyncadd.s32 $0xFFFFE000  }
0x372: {  	v4 =	vld.idx.msk [tilespmem:v5+s16+$0x0], $0xffff  }
0x373: {  	v5 =	vor.u32 s29, v1;
	_ =	sdelay $0x3  }
0x374: {  	[tilespmem:s28+$0x280] =	vst v4  }
0x375: {  	v4 =	vld.idx.msk [tilespmem:v5+s16+$0x0], $0xffff  }
0x376: {  	v5 =	vor.u32 s29, v2;
	_ =	sdelay $0x3  }
0x377: {  	[tilespmem:s28+$0x290] =	vst v4  }
0x378: {  	v4 =	vld.idx.msk [tilespmem:v5+s16+$0x0], $0xffff  }
0x379: {  	v5 =	vor.u32 s29, v3;
	_ =	sdelay $0x3  }
0x37a: {  	[tilespmem:s28+$0x2A0] =	vst v4  }
0x37b: {  	v4 =	vld.idx.msk [tilespmem:v5+s16+$0x0], $0xffff;
	_ =	sdelay $0x2  }
0x37c: {  	s30 =	sand.u32 $0x7F, s5  }
0x37d: {  	v5 =	vor.u32 s30, v0  }
0x37e: {  	[tilespmem:s28+$0x2B0] =	vst v4  }
0x37f: {  	_ =	swait.ge [sflag:s23], $0x2000  }
0x380: {  	[sflag:s23] =	ssyncset.done $0x0  }
0x381: {  	[sflag:s23] =	ssyncadd.s32 $0xFFFFE000  }
0x382: {  	v4 =	vld.idx.msk [tilespmem:v5+s17+$0x0], $0xffff  }
0x383: {  	v5 =	vor.u32 s30, v1;
	_ =	sdelay $0x3  }
0x384: {  	[tilespmem:s28+$0x300] =	vst v4  }
0x385: {  	v4 =	vld.idx.msk [tilespmem:v5+s17+$0x0], $0xffff  }
0x386: {  	v5 =	vor.u32 s30, v2;
	_ =	sdelay $0x3  }
0x387: {  	[tilespmem:s28+$0x310] =	vst v4  }
0x388: {  	v4 =	vld.idx.msk [tilespmem:v5+s17+$0x0], $0xffff  }
0x389: {  	v5 =	vor.u32 s30, v3;
	_ =	sdelay $0x3  }
0x38a: {  	[tilespmem:s28+$0x320] =	vst v4  }
0x38b: {  	v4 =	vld.idx.msk [tilespmem:v5+s17+$0x0], $0xffff;
	_ =	sdelay $0x2  }
0x38c: {  	s31 =	sand.u32 $0x7F, s6  }
0x38d: {  	v5 =	vor.u32 s31, v0  }
0x38e: {  	[tilespmem:s28+$0x330] =	vst v4  }
0x38f: {  	_ =	swait.ge [sflag:s23], $0x2000  }
0x390: {  	[sflag:s23] =	ssyncset.done $0x0  }
0x391: {  	[sflag:s23] =	ssyncadd.s32 $0xFFFFE000  }
0x392: {  	v4 =	vld.idx.msk [tilespmem:v5+s18+$0x0], $0xffff  }
0x393: {  	v5 =	vor.u32 s31, v1;
	_ =	sdelay $0x3  }
0x394: {  	[tilespmem:s28+$0x380] =	vst v4  }
0x395: {  	v4 =	vld.idx.msk [tilespmem:v5+s18+$0x0], $0xffff  }
0x396: {  	v5 =	vor.u32 s31, v2;
	_ =	sdelay $0x3  }
0x397: {  	[tilespmem:s28+$0x390] =	vst v4  }
0x398: {  	v4 =	vld.idx.msk [tilespmem:v5+s18+$0x0], $0xffff  }
0x399: {  	v5 =	vor.u32 s31, v3;
	_ =	sdelay $0x3  }
0x39a: {  	[tilespmem:s28+$0x3A0] =	vst v4  }
0x39b: {  	p0 =	sne.s32 s26, $0x1C0;
	v4 =	vld.idx.msk [tilespmem:v5+s18+$0x0], $0xffff  }
.Ltmp2:
0x39c: {  	_ = 	snop;
	(pc) =	sbr.rel @p0 .LBB2_6-.Ltmp2, $2  }
0x39d: {  	_ =	sdelay $0x2  }
0x39e: {  	s26 =	sadd.s32 $0x40, s26;
	[tilespmem:s28+$0x3B0] =	vst v4;
	s28 =	sadd.s32 $0x800, s28  }
0x39f: {  	s26 =	simm.s32 $0x0;
	s0 =	rddreg [dreg:$0x7]  }
0x3a0: {  	[hbm4b:s0+s26] =	stream.linear.scatter [tilespmem:s24], [sflag:$0x1], $0x4000, $0x38;
	[tilespmem:$0x18200] =	vst v63  }
0x3a1: {  	_ =	swait.ge [sflag:s10], $0x4000  }
0x3a2: {  	[sflag:s10] =	ssyncset.done $0x0  }
0x3a3: {  	s28 =	simm.s32 $0x14600;
	[sflag:s10] =	ssyncadd.s32 $0xFFFFC000  }
.LBB2_8:
0x3a4: {  	s0 =	sshra.s32 s26, $0x2  }
0x3a5: {  	v4 =	vld [tilespmem:s0+$0x180];
	_ =	sdelay $0x4  }
0x3a6: {  	(v2sf) =	vpush v4, $0x0;
	_ =	sdelay $0x3  }
0x3a7: {  	(v2sf) =	vpush v4, $0x1;
	_ =	sdelay $0x3  }
0x3a8: {  	(v2sf) =	vpush v4, $0x2;
	_ =	sdelay $0x1  }
0x3a9: {  	(v2sf) =	vpush v4, $0x3;
	_ =	sdelay $0x4  }
0x3aa: {  	s8 =	spop (v2sf);
	(v2sf) =	vpush v4, $0x4;
	_ =	sdelay $0x2  }
0x3ab: {  	(v2sf) =	vpush v4, $0x5  }
0x3ac: {  	s31 =	spop (v2sf);
	(v2sf) =	vpush v4, $0x6;
	_ =	sdelay $0x2  }
0x3ad: {  	s5 =	sand.u32 $0xFFFFF80, s8  }
0x3ae: {  	s0 =	sadd.s32 s1, s5;
	s2 =	spop (v2sf);
	(v2sf) =	vpush v4, $0x7  }
0x3af: {  	[tilespmem:s13], [sflag:$0x2] =	stream.strided.gather [hbm4b:s0+s11], $0x2000, s12, s11, $0x38;
	[tilespmem:$0x18200] =	vst v63  }
0x3b0: {  	s6 =	sand.u32 $0xFFFFF80, s31;
	s3 =	spop (v2sf);
	(v2sf) =	vpush v4, $0x8  }
0x3b1: {  	s0 =	sadd.s32 s1, s6;
	s7 =	sand.u32 $0xFFFFF80, s2  }
0x3b2: {  	[tilespmem:s14], [sflag:$0x2] =	stream.strided.gather [hbm4b:s0+s11], $0x2000, s12, s11, $0x38;
	[tilespmem:$0x18200] =	vst v63  }
0x3b3: {  	s0 =	sadd.s32 s1, s7  }
0x3b4: {  	[tilespmem:s15], [sflag:$0x2] =	stream.strided.gather [hbm4b:s0+s11], $0x2000, s12, s11, $0x38;
	[tilespmem:$0x18200] =	vst v63  }
0x3b5: {  	s29 =	sand.u32 $0xFFFFF80, s3;
	s5 =	spop (v2sf);
	(v2sf) =	vpush v4, $0x9  }
0x3b6: {  	s0 =	sadd.s32 s1, s29  }
0x3b7: {  	[tilespmem:s16], [sflag:$0x2] =	stream.strided.gather [hbm4b:s0+s11], $0x2000, s12, s11, $0x38;
	[tilespmem:$0x18200] =	vst v63  }
0x3b8: {  	s30 =	sand.u32 $0xFFFFF80, s5;
	s6 =	spop (v2sf)  }
0x3b9: {  	s0 =	sadd.s32 s1, s30;
	s4 =	sand.u32 $0xFFFFF80, s6;
	s7 =	spop (v2sf)  }
0x3ba: {  	[tilespmem:s17], [sflag:$0x2] =	stream.strided.gather [hbm4b:s0+s11], $0x2000, s12, s11, $0x38;
	[tilespmem:$0x18200] =	vst v63  }
0x3bb: {  	s0 =	sadd.s32 s1, s4;
	s29 =	sand.u32 $0xFFFFF80, s7  }
0x3bc: {  	[tilespmem:s18], [sflag:$0x2] =	stream.strided.gather [hbm4b:s0+s11], $0x2000, s12, s11, $0x38;
	[tilespmem:$0x18200] =	vst v63  }
0x3bd: {  	s4 =	spop (v2sf);
	s0 =	sadd.s32 s1, s29  }
0x3be: {  	[tilespmem:s19], [sflag:$0x2] =	stream.strided.gather [hbm4b:s0+s11], $0x2000, s12, s11, $0x38;
	[tilespmem:$0x18200] =	vst v63  }
0x3bf: {  	s29 =	sand.u32 $0xFFFFF80, s4;
	s0 =	spop (v2sf)  }
0x3c0: {  	s29 =	sadd.s32 s1, s29;
	s30 =	sand.u32 $0xFFFFF80, s0  }
0x3c1: {  	[tilespmem:s20], [sflag:$0x2] =	stream.strided.gather [hbm4b:s29+s11], $0x2000, s12, s11, $0x38;
	[tilespmem:$0x18200] =	vst v63  }
0x3c2: {  	s29 =	sadd.s32 s1, s30  }
0x3c3: {  	[tilespmem:s21], [sflag:$0x2] =	stream.strided.gather [hbm4b:s29+s11], $0x2000, s12, s11, $0x38;
	[tilespmem:$0x18200] =	vst v63  }
0x3c4: {  	s29 =	spop (v2sf)  }
0x3c5: {  	s8 =	sand.u32 $0x7F, s8;
	s30 =	sand.u32 $0xFFFFF80, s29  }
0x3c6: {  	v5 =	vor.u32 s8, v0;
	s30 =	sadd.s32 s1, s30  }
0x3c7: {  	[tilespmem:s22], [sflag:$0x2] =	stream.strided.gather [hbm4b:s30+s11], $0x2000, s12, s11, $0x38;
	[tilespmem:$0x18200] =	vst v63  }
0x3c8: {  	_ =	swait.ge [sflag:s23], $0x2000  }
0x3c9: {  	[sflag:s23] =	ssyncset.done $0x0  }
0x3ca: {  	[sflag:s23] =	ssyncadd.s32 $0xFFFFE000  }
0x3cb: {  	v5 =	vld.idx.msk [tilespmem:v5+s13+$0x0], $0xffff  }
0x3cc: {  	v6 =	vor.u32 s8, v1;
	_ =	sdelay $0x3  }
0x3cd: {  	[tilespmem:s28+$0xFFFFFC00] =	vst v5  }
0x3ce: {  	(v2sf) =	vpush v4, $0xA;
	v5 =	vld.idx.msk [tilespmem:v6+s13+$0x0], $0xffff  }
0x3cf: {  	v49 =	vor.u32 s8, v2;
	_ =	sdelay $0x3  }
0x3d0: {  	[tilespmem:s28+$0xFFFFFC10] =	vst v5  }
0x3d1: {  	v5 =	vld.idx.msk [tilespmem:v49+s13+$0x0], $0xffff  }
0x3d2: {  	v50 =	vor.u32 s8, v3;
	_ =	sdelay $0x3  }
0x3d3: {  	[tilespmem:s28+$0xFFFFFC20] =	vst v5  }
0x3d4: {  	v5 =	vld.idx.msk [tilespmem:v50+s13+$0x0], $0xffff;
	_ =	sdelay $0x2  }
0x3d5: {  	s30 =	spop (v2sf)  }
0x3d6: {  	s31 =	sand.u32 $0x7F, s31;
	s8 =	sand.u32 $0xFFFFF80, s30  }
0x3d7: {  	s8 =	sadd.s32 s1, s8;
	[tilespmem:s28+$0xFFFFFC30] =	vst v5;
	v5 =	vor.u32 s31, v0  }
0x3d8: {  	[tilespmem:s13], [sflag:$0x2] =	stream.strided.gather [hbm4b:s8+s11], $0x2000, s12, s11, $0x38;
	[tilespmem:$0x18200] =	vst v63  }
0x3d9: {  	_ =	swait.ge [sflag:s23], $0x2000  }
0x3da: {  	[sflag:s23] =	ssyncset.done $0x0  }
0x3db: {  	[sflag:s23] =	ssyncadd.s32 $0xFFFFE000  }
0x3dc: {  	v5 =	vld.idx.msk [tilespmem:v5+s14+$0x0], $0xffff  }
0x3dd: {  	v51 =	vor.u32 s31, v1;
	_ =	sdelay $0x3  }
0x3de: {  	[tilespmem:s28+$0xFFFFFC80] =	vst v5  }
0x3df: {  	(v2sf) =	vpush v4, $0xB;
	v5 =	vld.idx.msk [tilespmem:v51+s14+$0x0], $0xffff  }
0x3e0: {  	v52 =	vor.u32 s31, v2;
	_ =	sdelay $0x3  }
0x3e1: {  	[tilespmem:s28+$0xFFFFFC90] =	vst v5  }
0x3e2: {  	v5 =	vld.idx.msk [tilespmem:v52+s14+$0x0], $0xffff  }
0x3e3: {  	v53 =	vor.u32 s31, v3;
	_ =	sdelay $0x3  }
0x3e4: {  	[tilespmem:s28+$0xFFFFFCA0] =	vst v5  }
0x3e5: {  	v5 =	vld.idx.msk [tilespmem:v53+s14+$0x0], $0xffff;
	_ =	sdelay $0x2  }
0x3e6: {  	s31 =	spop (v2sf)  }
0x3e7: {  	s2 =	sand.u32 $0x7F, s2;
	s8 =	sand.u32 $0xFFFFF80, s31  }
0x3e8: {  	s8 =	sadd.s32 s1, s8;
	[tilespmem:s28+$0xFFFFFCB0] =	vst v5;
	v5 =	vor.u32 s2, v0  }
0x3e9: {  	[tilespmem:s14], [sflag:$0x2] =	stream.strided.gather [hbm4b:s8+s11], $0x2000, s12, s11, $0x38;
	[tilespmem:$0x18200] =	vst v63  }
0x3ea: {  	_ =	swait.ge [sflag:s23], $0x2000  }
0x3eb: {  	[sflag:s23] =	ssyncset.done $0x0  }
0x3ec: {  	[sflag:s23] =	ssyncadd.s32 $0xFFFFE000  }
0x3ed: {  	v5 =	vld.idx.msk [tilespmem:v5+s15+$0x0], $0xffff  }
0x3ee: {  	v54 =	vor.u32 s2, v1;
	_ =	sdelay $0x3  }
0x3ef: {  	[tilespmem:s28+$0xFFFFFD00] =	vst v5  }
0x3f0: {  	(v2sf) =	vpush v4, $0xC;
	v5 =	vld.idx.msk [tilespmem:v54+s15+$0x0], $0xffff  }
0x3f1: {  	v55 =	vor.u32 s2, v2;
	_ =	sdelay $0x3  }
0x3f2: {  	[tilespmem:s28+$0xFFFFFD10] =	vst v5  }
0x3f3: {  	v5 =	vld.idx.msk [tilespmem:v55+s15+$0x0], $0xffff  }
0x3f4: {  	v56 =	vor.u32 s2, v3;
	_ =	sdelay $0x3  }
0x3f5: {  	[tilespmem:s28+$0xFFFFFD20] =	vst v5  }
0x3f6: {  	v5 =	vld.idx.msk [tilespmem:v56+s15+$0x0], $0xffff;
	_ =	sdelay $0x2  }
0x3f7: {  	s2 =	spop (v2sf)  }
0x3f8: {  	s3 =	sand.u32 $0x7F, s3;
	s8 =	sand.u32 $0xFFFFF80, s2  }
0x3f9: {  	s8 =	sadd.s32 s1, s8;
	[tilespmem:s28+$0xFFFFFD30] =	vst v5;
	v5 =	vor.u32 s3, v0  }
0x3fa: {  	[tilespmem:s15], [sflag:$0x2] =	stream.strided.gather [hbm4b:s8+s11], $0x2000, s12, s11, $0x38;
	[tilespmem:$0x18200] =	vst v63  }
0x3fb: {  	_ =	swait.ge [sflag:s23], $0x2000  }
0x3fc: {  	[sflag:s23] =	ssyncset.done $0x0  }
0x3fd: {  	[sflag:s23] =	ssyncadd.s32 $0xFFFFE000  }
0x3fe: {  	v5 =	vld.idx.msk [tilespmem:v5+s16+$0x0], $0xffff  }
0x3ff: {  	v57 =	vor.u32 s3, v1;
	_ =	sdelay $0x3  }
0x400: {  	[tilespmem:s28+$0xFFFFFD80] =	vst v5  }
0x401: {  	(v2sf) =	vpush v4, $0xD;
	v5 =	vld.idx.msk [tilespmem:v57+s16+$0x0], $0xffff  }
0x402: {  	v58 =	vor.u32 s3, v2;
	_ =	sdelay $0x3  }
0x403: {  	[tilespmem:s28+$0xFFFFFD90] =	vst v5  }
0x404: {  	v5 =	vld.idx.msk [tilespmem:v58+s16+$0x0], $0xffff  }
0x405: {  	v59 =	vor.u32 s3, v3;
	_ =	sdelay $0x3  }
0x406: {  	[tilespmem:s28+$0xFFFFFDA0] =	vst v5  }
0x407: {  	v5 =	vld.idx.msk [tilespmem:v59+s16+$0x0], $0xffff;
	_ =	sdelay $0x2  }
0x408: {  	s3 =	spop (v2sf)  }
0x409: {  	s5 =	sand.u32 $0x7F, s5;
	s8 =	sand.u32 $0xFFFFF80, s3  }
0x40a: {  	s8 =	sadd.s32 s1, s8;
	[tilespmem:s28+$0xFFFFFDB0] =	vst v5;
	v5 =	vor.u32 s5, v0  }
0x40b: {  	[tilespmem:s16], [sflag:$0x2] =	stream.strided.gather [hbm4b:s8+s11], $0x2000, s12, s11, $0x38;
	[tilespmem:$0x18200] =	vst v63  }
0x40c: {  	_ =	swait.ge [sflag:s23], $0x2000  }
0x40d: {  	[sflag:s23] =	ssyncset.done $0x0  }
0x40e: {  	[sflag:s23] =	ssyncadd.s32 $0xFFFFE000  }
0x40f: {  	v5 =	vld.idx.msk [tilespmem:v5+s17+$0x0], $0xffff  }
0x410: {  	v60 =	vor.u32 s5, v1;
	_ =	sdelay $0x3  }
0x411: {  	[tilespmem:s28+$0xFFFFFE00] =	vst v5  }
0x412: {  	(v2sf) =	vpush v4, $0xE;
	v5 =	vld.idx.msk [tilespmem:v60+s17+$0x0], $0xffff  }
0x413: {  	v61 =	vor.u32 s5, v2;
	_ =	sdelay $0x3  }
0x414: {  	[tilespmem:s28+$0xFFFFFE10] =	vst v5  }
0x415: {  	v5 =	vld.idx.msk [tilespmem:v61+s17+$0x0], $0xffff  }
0x416: {  	v62 =	vor.u32 s5, v3;
	_ =	sdelay $0x3  }
0x417: {  	[tilespmem:s28+$0xFFFFFE20] =	vst v5  }
0x418: {  	v5 =	vld.idx.msk [tilespmem:v62+s17+$0x0], $0xffff;
	_ =	sdelay $0x2  }
0x419: {  	s5 =	spop (v2sf)  }
0x41a: {  	s6 =	sand.u32 $0x7F, s6;
	s8 =	sand.u32 $0xFFFFF80, s5  }
0x41b: {  	s8 =	sadd.s32 s1, s8;
	[tilespmem:s28+$0xFFFFFE30] =	vst v5;
	v5 =	vor.u32 s6, v0  }
0x41c: {  	[tilespmem:s17], [sflag:$0x2] =	stream.strided.gather [hbm4b:s8+s11], $0x2000, s12, s11, $0x38;
	[tilespmem:$0x18200] =	vst v63  }
0x41d: {  	_ =	swait.ge [sflag:s23], $0x2000  }
0x41e: {  	[sflag:s23] =	ssyncset.done $0x0  }
0x41f: {  	[sflag:s23] =	ssyncadd.s32 $0xFFFFE000  }
0x420: {  	v5 =	vld.idx.msk [tilespmem:v5+s18+$0x0], $0xffff  }
0x421: {  	v63 =	vor.u32 s6, v1;
	_ =	sdelay $0x3  }
0x422: {  	[tilespmem:s28+$0xFFFFFE80] =	vst v5  }
0x423: {  	(v2sf) =	vpush v4, $0xF;
	v5 =	vld.idx.msk [tilespmem:v63+s18+$0x0], $0xffff  }
0x424: {  	v4 =	vor.u32 s6, v2;
	_ =	sdelay $0x3  }
0x425: {  	[tilespmem:s28+$0xFFFFFE90] =	vst v5  }
0x426: {  	v4 =	vld.idx.msk [tilespmem:v4+s18+$0x0], $0xffff  }
0x427: {  	v5 =	vor.u32 s6, v3;
	_ =	sdelay $0x3  }
0x428: {  	[tilespmem:s28+$0xFFFFFEA0] =	vst v4  }
0x429: {  	v4 =	vld.idx.msk [tilespmem:v5+s18+$0x0], $0xffff;
	_ =	sdelay $0x2  }
0x42a: {  	s6 =	spop (v2sf)  }
0x42b: {  	s7 =	sand.u32 $0x7F, s7;
	s8 =	sand.u32 $0xFFFFF80, s6  }
0x42c: {  	s8 =	sadd.s32 s1, s8;
	[tilespmem:s28+$0xFFFFFEB0] =	vst v4;
	v4 =	vor.u32 s7, v0  }
0x42d: {  	[tilespmem:s18], [sflag:$0x2] =	stream.strided.gather [hbm4b:s8+s11], $0x2000, s12, s11, $0x38;
	[tilespmem:$0x18200] =	vst v63  }
0x42e: {  	_ =	swait.ge [sflag:s23], $0x2000  }
0x42f: {  	[sflag:s23] =	ssyncset.done $0x0  }
0x430: {  	[sflag:s23] =	ssyncadd.s32 $0xFFFFE000  }
0x431: {  	v4 =	vld.idx.msk [tilespmem:v4+s19+$0x0], $0xffff  }
0x432: {  	v5 =	vor.u32 s7, v1;
	_ =	sdelay $0x3  }
0x433: {  	[tilespmem:s28+$0xFFFFFF00] =	vst v4  }
0x434: {  	v4 =	vld.idx.msk [tilespmem:v5+s19+$0x0], $0xffff  }
0x435: {  	v5 =	vor.u32 s7, v2;
	_ =	sdelay $0x3  }
0x436: {  	[tilespmem:s28+$0xFFFFFF10] =	vst v4  }
0x437: {  	v4 =	vld.idx.msk [tilespmem:v5+s19+$0x0], $0xffff  }
0x438: {  	v5 =	vor.u32 s7, v3;
	_ =	sdelay $0x3  }
0x439: {  	[tilespmem:s28+$0xFFFFFF20] =	vst v4  }
0x43a: {  	v4 =	vld.idx.msk [tilespmem:v5+s19+$0x0], $0xffff;
	_ =	sdelay $0x2  }
0x43b: {  	s4 =	sand.u32 $0x7F, s4  }
0x43c: {  	v5 =	vor.u32 s4, v0  }
0x43d: {  	[tilespmem:s28+$0xFFFFFF30] =	vst v4  }
0x43e: {  	_ =	swait.ge [sflag:s23], $0x2000  }
0x43f: {  	[sflag:s23] =	ssyncset.done $0x0  }
0x440: {  	[sflag:s23] =	ssyncadd.s32 $0xFFFFE000  }
0x441: {  	v4 =	vld.idx.msk [tilespmem:v5+s20+$0x0], $0xffff  }
0x442: {  	v5 =	vor.u32 s4, v1;
	_ =	sdelay $0x3  }
0x443: {  	[tilespmem:s28+$0xFFFFFF80] =	vst v4  }
0x444: {  	v4 =	vld.idx.msk [tilespmem:v5+s20+$0x0], $0xffff  }
0x445: {  	v5 =	vor.u32 s4, v2;
	_ =	sdelay $0x3  }
0x446: {  	[tilespmem:s28+$0xFFFFFF90] =	vst v4  }
0x447: {  	v4 =	vld.idx.msk [tilespmem:v5+s20+$0x0], $0xffff  }
0x448: {  	v5 =	vor.u32 s4, v3;
	_ =	sdelay $0x3  }
0x449: {  	[tilespmem:s28+$0xFFFFFFA0] =	vst v4  }
0x44a: {  	v4 =	vld.idx.msk [tilespmem:v5+s20+$0x0], $0xffff;
	_ =	sdelay $0x2  }
0x44b: {  	s0 =	sand.u32 $0x7F, s0  }
0x44c: {  	v5 =	vor.u32 s0, v0  }
0x44d: {  	[tilespmem:s28+$0xFFFFFFB0] =	vst v4  }
0x44e: {  	_ =	swait.ge [sflag:s23], $0x2000  }
0x44f: {  	[sflag:s23] =	ssyncset.done $0x0  }
0x450: {  	[sflag:s23] =	ssyncadd.s32 $0xFFFFE000  }
0x451: {  	v4 =	vld.idx.msk [tilespmem:v5+s21+$0x0], $0xffff  }
0x452: {  	v5 =	vor.u32 s0, v1;
	_ =	sdelay $0x3  }
0x453: {  	[tilespmem:s28+$0x0] =	vst v4  }
0x454: {  	v4 =	vld.idx.msk [tilespmem:v5+s21+$0x0], $0xffff  }
0x455: {  	v5 =	vor.u32 s0, v2;
	_ =	sdelay $0x3  }
0x456: {  	[tilespmem:s28+$0x10] =	vst v4  }
0x457: {  	v4 =	vld.idx.msk [tilespmem:v5+s21+$0x0], $0xffff  }
0x458: {  	v5 =	vor.u32 s0, v3;
	_ =	sdelay $0x3  }
0x459: {  	[tilespmem:s28+$0x20] =	vst v4  }
0x45a: {  	v4 =	vld.idx.msk [tilespmem:v5+s21+$0x0], $0xffff;
	_ =	sdelay $0x2  }
0x45b: {  	s29 =	sand.u32 $0x7F, s29  }
0x45c: {  	v5 =	vor.u32 s29, v0  }
0x45d: {  	[tilespmem:s28+$0x30] =	vst v4  }
0x45e: {  	_ =	swait.ge [sflag:s23], $0x2000  }
0x45f: {  	[sflag:s23] =	ssyncset.done $0x0  }
0x460: {  	[sflag:s23] =	ssyncadd.s32 $0xFFFFE000  }
0x461: {  	v4 =	vld.idx.msk [tilespmem:v5+s22+$0x0], $0xffff  }
0x462: {  	v5 =	vor.u32 s29, v1;
	_ =	sdelay $0x3  }
0x463: {  	[tilespmem:s28+$0x80] =	vst v4  }
0x464: {  	v4 =	vld.idx.msk [tilespmem:v5+s22+$0x0], $0xffff  }
0x465: {  	v5 =	vor.u32 s29, v2;
	_ =	sdelay $0x3  }
0x466: {  	[tilespmem:s28+$0x90] =	vst v4  }
0x467: {  	v4 =	vld.idx.msk [tilespmem:v5+s22+$0x0], $0xffff  }
0x468: {  	v5 =	vor.u32 s29, v3;
	_ =	sdelay $0x3  }
0x469: {  	[tilespmem:s28+$0xA0] =	vst v4  }
0x46a: {  	v4 =	vld.idx.msk [tilespmem:v5+s22+$0x0], $0xffff;
	_ =	sdelay $0x2  }
0x46b: {  	s4 =	sand.u32 $0x7F, s30  }
0x46c: {  	v5 =	vor.u32 s4, v0  }
0x46d: {  	[tilespmem:s28+$0xB0] =	vst v4  }
0x46e: {  	_ =	swait.ge [sflag:s23], $0x2000  }
0x46f: {  	[sflag:s23] =	ssyncset.done $0x0  }
0x470: {  	[sflag:s23] =	ssyncadd.s32 $0xFFFFE000  }
0x471: {  	v4 =	vld.idx.msk [tilespmem:v5+s13+$0x0], $0xffff  }
0x472: {  	v5 =	vor.u32 s4, v1;
	_ =	sdelay $0x3  }
0x473: {  	[tilespmem:s28+$0x100] =	vst v4  }
0x474: {  	v4 =	vld.idx.msk [tilespmem:v5+s13+$0x0], $0xffff  }
0x475: {  	v5 =	vor.u32 s4, v2;
	_ =	sdelay $0x3  }
0x476: {  	[tilespmem:s28+$0x110] =	vst v4  }
0x477: {  	v4 =	vld.idx.msk [tilespmem:v5+s13+$0x0], $0xffff  }
0x478: {  	v5 =	vor.u32 s4, v3;
	_ =	sdelay $0x3  }
0x479: {  	[tilespmem:s28+$0x120] =	vst v4  }
0x47a: {  	v4 =	vld.idx.msk [tilespmem:v5+s13+$0x0], $0xffff;
	_ =	sdelay $0x2  }
0x47b: {  	s7 =	sand.u32 $0x7F, s31  }
0x47c: {  	v5 =	vor.u32 s7, v0  }
0x47d: {  	[tilespmem:s28+$0x130] =	vst v4  }
0x47e: {  	_ =	swait.ge [sflag:s23], $0x2000  }
0x47f: {  	[sflag:s23] =	ssyncset.done $0x0  }
0x480: {  	[sflag:s23] =	ssyncadd.s32 $0xFFFFE000  }
0x481: {  	v4 =	vld.idx.msk [tilespmem:v5+s14+$0x0], $0xffff  }
0x482: {  	v5 =	vor.u32 s7, v1;
	_ =	sdelay $0x3  }
0x483: {  	[tilespmem:s28+$0x180] =	vst v4  }
0x484: {  	v4 =	vld.idx.msk [tilespmem:v5+s14+$0x0], $0xffff  }
0x485: {  	v5 =	vor.u32 s7, v2;
	_ =	sdelay $0x3  }
0x486: {  	[tilespmem:s28+$0x190] =	vst v4  }
0x487: {  	v4 =	vld.idx.msk [tilespmem:v5+s14+$0x0], $0xffff  }
0x488: {  	v5 =	vor.u32 s7, v3;
	_ =	sdelay $0x3  }
0x489: {  	[tilespmem:s28+$0x1A0] =	vst v4  }
0x48a: {  	v4 =	vld.idx.msk [tilespmem:v5+s14+$0x0], $0xffff;
	_ =	sdelay $0x2  }
0x48b: {  	s8 =	sand.u32 $0x7F, s2  }
0x48c: {  	v5 =	vor.u32 s8, v0  }
0x48d: {  	[tilespmem:s28+$0x1B0] =	vst v4  }
0x48e: {  	_ =	swait.ge [sflag:s23], $0x2000  }
0x48f: {  	[sflag:s23] =	ssyncset.done $0x0  }
0x490: {  	[sflag:s23] =	ssyncadd.s32 $0xFFFFE000  }
0x491: {  	v4 =	vld.idx.msk [tilespmem:v5+s15+$0x0], $0xffff  }
0x492: {  	v5 =	vor.u32 s8, v1;
	_ =	sdelay $0x3  }
0x493: {  	[tilespmem:s28+$0x200] =	vst v4  }
0x494: {  	v4 =	vld.idx.msk [tilespmem:v5+s15+$0x0], $0xffff  }
0x495: {  	v5 =	vor.u32 s8, v2;
	_ =	sdelay $0x3  }
0x496: {  	[tilespmem:s28+$0x210] =	vst v4  }
0x497: {  	v4 =	vld.idx.msk [tilespmem:v5+s15+$0x0], $0xffff  }
0x498: {  	v5 =	vor.u32 s8, v3;
	_ =	sdelay $0x3  }
0x499: {  	[tilespmem:s28+$0x220] =	vst v4  }
0x49a: {  	v4 =	vld.idx.msk [tilespmem:v5+s15+$0x0], $0xffff;
	_ =	sdelay $0x2  }
0x49b: {  	s29 =	sand.u32 $0x7F, s3  }
0x49c: {  	v5 =	vor.u32 s29, v0  }
0x49d: {  	[tilespmem:s28+$0x230] =	vst v4  }
0x49e: {  	_ =	swait.ge [sflag:s23], $0x2000  }
0x49f: {  	[sflag:s23] =	ssyncset.done $0x0  }
0x4a0: {  	[sflag:s23] =	ssyncadd.s32 $0xFFFFE000  }
0x4a1: {  	v4 =	vld.idx.msk [tilespmem:v5+s16+$0x0], $0xffff  }
0x4a2: {  	v5 =	vor.u32 s29, v1;
	_ =	sdelay $0x3  }
0x4a3: {  	[tilespmem:s28+$0x280] =	vst v4  }
0x4a4: {  	v4 =	vld.idx.msk [tilespmem:v5+s16+$0x0], $0xffff  }
0x4a5: {  	v5 =	vor.u32 s29, v2;
	_ =	sdelay $0x3  }
0x4a6: {  	[tilespmem:s28+$0x290] =	vst v4  }
0x4a7: {  	v4 =	vld.idx.msk [tilespmem:v5+s16+$0x0], $0xffff  }
0x4a8: {  	v5 =	vor.u32 s29, v3;
	_ =	sdelay $0x3  }
0x4a9: {  	[tilespmem:s28+$0x2A0] =	vst v4  }
0x4aa: {  	v4 =	vld.idx.msk [tilespmem:v5+s16+$0x0], $0xffff;
	_ =	sdelay $0x2  }
0x4ab: {  	s30 =	sand.u32 $0x7F, s5  }
0x4ac: {  	v5 =	vor.u32 s30, v0  }
0x4ad: {  	[tilespmem:s28+$0x2B0] =	vst v4  }
0x4ae: {  	_ =	swait.ge [sflag:s23], $0x2000  }
0x4af: {  	[sflag:s23] =	ssyncset.done $0x0  }
0x4b0: {  	[sflag:s23] =	ssyncadd.s32 $0xFFFFE000  }
0x4b1: {  	v4 =	vld.idx.msk [tilespmem:v5+s17+$0x0], $0xffff  }
0x4b2: {  	v5 =	vor.u32 s30, v1;
	_ =	sdelay $0x3  }
0x4b3: {  	[tilespmem:s28+$0x300] =	vst v4  }
0x4b4: {  	v4 =	vld.idx.msk [tilespmem:v5+s17+$0x0], $0xffff  }
0x4b5: {  	v5 =	vor.u32 s30, v2;
	_ =	sdelay $0x3  }
0x4b6: {  	[tilespmem:s28+$0x310] =	vst v4  }
0x4b7: {  	v4 =	vld.idx.msk [tilespmem:v5+s17+$0x0], $0xffff  }
0x4b8: {  	v5 =	vor.u32 s30, v3;
	_ =	sdelay $0x3  }
0x4b9: {  	[tilespmem:s28+$0x320] =	vst v4  }
0x4ba: {  	v4 =	vld.idx.msk [tilespmem:v5+s17+$0x0], $0xffff;
	_ =	sdelay $0x2  }
0x4bb: {  	s31 =	sand.u32 $0x7F, s6  }
0x4bc: {  	v5 =	vor.u32 s31, v0  }
0x4bd: {  	[tilespmem:s28+$0x330] =	vst v4  }
0x4be: {  	_ =	swait.ge [sflag:s23], $0x2000  }
0x4bf: {  	[sflag:s23] =	ssyncset.done $0x0  }
0x4c0: {  	[sflag:s23] =	ssyncadd.s32 $0xFFFFE000  }
0x4c1: {  	v4 =	vld.idx.msk [tilespmem:v5+s18+$0x0], $0xffff  }
0x4c2: {  	v5 =	vor.u32 s31, v1;
	_ =	sdelay $0x3  }
0x4c3: {  	[tilespmem:s28+$0x380] =	vst v4  }
0x4c4: {  	v4 =	vld.idx.msk [tilespmem:v5+s18+$0x0], $0xffff  }
0x4c5: {  	v5 =	vor.u32 s31, v2;
	_ =	sdelay $0x3  }
0x4c6: {  	[tilespmem:s28+$0x390] =	vst v4  }
0x4c7: {  	v4 =	vld.idx.msk [tilespmem:v5+s18+$0x0], $0xffff  }
0x4c8: {  	v5 =	vor.u32 s31, v3;
	_ =	sdelay $0x3  }
0x4c9: {  	[tilespmem:s28+$0x3A0] =	vst v4  }
0x4ca: {  	p0 =	sne.s32 s26, $0x1C0;
	v4 =	vld.idx.msk [tilespmem:v5+s18+$0x0], $0xffff  }
.Ltmp3:
0x4cb: {  	_ = 	snop;
	(pc) =	sbr.rel @p0 .LBB2_8-.Ltmp3, $2  }
0x4cc: {  	_ =	sdelay $0x2  }
0x4cd: {  	s26 =	sadd.s32 $0x40, s26;
	[tilespmem:s28+$0x3B0] =	vst v4;
	s28 =	sadd.s32 $0x800, s28  }
0x4ce: {  	s25 =	sadd.s32 $0x1, s25  }
0x4cf: {  	p0 =	sne.s32 s25, s9  }
.Ltmp4:
0x4d0: {  	s7 =	simm.s32 $0x0;
	s0 =	rddreg [dreg:$0x8];
	(pc) =	sbr.rel @p0 .LBB2_1-.Ltmp4, $4  }
0x4d1: {  	[hbm4b:s0+s7] =	stream.linear.scatter [tilespmem:s24], [sflag:$0x1], $0x4000, $0x38;
	[tilespmem:$0x18200] =	vst v63  }
0x4d2: {  	_ =	swait.ge [sflag:s10], $0x4000  }
0x4d3: {  	[sflag:s10] =	ssyncset.done $0x0  }
0x4d4: {  	[sflag:s10] =	ssyncadd.s32 $0xFFFFC000  }
0x4d5: {  	_ =	sfence.sel $0x180000  }
0x4d6: {  	[bflag:$0x0] =	sbarrier.arrive $0xFFFF  }
0x4d7: {  	_ =	strace $0x90000047  }
0x4d8: {  	s0 =	stileid.u32;
	[bflag:$0x2] =	sbarrier.arrive $0xFFFF  }
0x4d9: {  	p0 =	sne.s32 s0, $0x0;
	s0 =	rddreg [dreg:$0x3]  }
0x4da: {  	s0 =	sadd.s32 @!p0 $0x100000, s0  }
0x4db: {  	[sflag:s0] =	ssyncadd.tile.s32 @!p0 $0x1;
	_ =	shalt  }
.Lfunc_end2:
_tile_overlayer_lowered:
.L_overlay_start_2:
0x4dc: {  	(tag) =	ssettag $0x2  }
0x4dd: {  	s0 =	rddreg [dreg:$0x0];
	s2 =	stileid.u32  }
0x4de: {  	s1 =	rddreg [dreg:$0x1];
	p0 =	sne.s32 s2, $0x0  }
0x4df: {  	s3 =	rddreg [dreg:$0x2];
	[bflag:$0x3] =	sbarrier.arrive $0xFFFF;
	s2 =	simm.s32 @!p0 $0x1C03  }
0x4e0: {  	[timem:s3], [sflag:s2] =	dma.local @!p0 [hbm:s0], s1  }
0x4e1: {  	s0 =	simm.s32 @!p0 $0x3  }
0x4e2: {  	_ =	swait.ge @!p0 [sflag:s0], s1  }
0x4e3: {  	s1 =	ssub.s32 @!p0 $0x0, s1;
	[sflag:s0] =	ssyncset.done @!p0 $0x0  }
0x4e4: {  	[sflag:s0] =	ssyncadd.s32 @!p0 s1  }
0x4e5: {  	[bflag:$0x3] =	sbarrier.arrive $0xFFFF  }
0x4e6: {  	_ =	shalt  }

</sc_bundles>
